<compile_context>
chip_gen: v7x
topology: tpu7x:2x2x1
jax: 0.10.2.dev20260603
libtpu: 0.0.44.dev20260713+nightly
codegen_flags: <defaults>
</compile_context>

<pallas_src>
import dataclasses
import functools

import jax
import jax.numpy as jnp
from jax import lax
from jax.experimental import pallas as pl
from jax.experimental.pallas import tpu as pltpu
from jax.experimental.pallas import tpu_sc as plsc

IMG_TOKEN = 151655

NC = 2
NS = 16
NW = NC * NS
LANES = 16


def _sc_combine(ids_flat, table, image):
    n = ids_flat.shape[0]
    d = table.shape[1]
    n_img = image.shape[0]
    per_w = n // NW
    chunk = 16
    mesh = plsc.VectorSubcoreMesh(core_axis_name="c", subcore_axis_name="s")
    cp = pltpu.CompilerParams()
    if "needs_layout_passes" in pltpu.CompilerParams.__dataclass_fields__:
        cp = dataclasses.replace(cp, needs_layout_passes=False)

    @functools.partial(
        pl.kernel,
        out_type=jax.ShapeDtypeStruct((n, d), jnp.float32),
        mesh=mesh,
        compiler_params=cp,
        scratch_types=[
            pltpu.VMEM_SHARED((NS, chunk, d), jnp.float32),
            pltpu.VMEM((n,), jnp.int32),
            pltpu.VMEM((LANES,), jnp.int32),
            pltpu.VMEM((chunk, d), jnp.float32),
            pltpu.VMEM((chunk, d), jnp.float32),
            pltpu.SemaphoreType.DMA,
            pltpu.SemaphoreType.DMA,
            pltpu.SemaphoreType.DMA,
            pltpu.SemaphoreType.DMA,
            pltpu.SemaphoreType.DMA,
        ],
    )
    def k(ids_hbm, table_hbm, img_hbm, out_hbm,
          sh_v, ids_v, cnt_v, rows0, rows1,
          gsem0, gsem1, wsem0, wsem1, fsem):
        wid = lax.axis_index("s") * NC + lax.axis_index("c")
        base = wid * per_w
        pltpu.sync_copy(ids_hbm, ids_v)
        bufs = ((rows0, gsem0, wsem0), (rows1, gsem1, wsem1))

        def gather_start(c, buf, gs):
            idv = ids_v[pl.ds(base + c, chunk)]
            pltpu.async_copy(table_hbm.at[idv], buf, gs)

        def gather_wait(buf, gs):
            pltpu.make_async_copy(
                table_hbm.at[ids_v.at[pl.ds(0, chunk)]], buf, gs).wait()

        def write_wait(buf, ws):
            pltpu.make_async_copy(buf, out_hbm.at[pl.ds(0, chunk)], ws).wait()

        gather_start(0, rows0, gsem0)
        gather_start(chunk, rows1, gsem1)

        cnt_v[...] = jnp.zeros((LANES,), jnp.int32)

        @pl.loop(0, base, step=LANES)
        def _(g):
            mv = ids_v[pl.ds(g, LANES)] == IMG_TOKEN
            cnt_v[...] = cnt_v[...] + plsc.all_reduce_population_count(mv)

        def fixup(c, buf):
            mvec = ids_v[pl.ds(base + c, chunk)] == IMG_TOKEN
            cs = plsc.cumsum(mvec.astype(jnp.int32))
            tot = jnp.max(cs)
            cntv = cnt_v[...]
            fvec = jnp.where(
                mvec, jnp.clip(cntv + cs - 1, 0, n_img - 1), -1)
            cnt_v[...] = cntv + tot

            @pl.when(tot > 0)
            def _():
                lanes = lax.iota(jnp.int32, chunk)
                for j in range(chunk):
                    fj = jnp.max(jnp.where(lanes == j, fvec, -1))

                    @pl.when(fj >= 0)
                    def _(fj=fj, j=j):
                        pltpu.async_copy(
                            img_hbm.at[pl.ds(fj, 1)], buf.at[pl.ds(j, 1)],
                            fsem)
                for j in range(chunk):
                    fj = jnp.max(jnp.where(lanes == j, fvec, -1))

                    @pl.when(fj >= 0)
                    def _(j=j):
                        pltpu.make_async_copy(
                            img_hbm.at[pl.ds(0, 1)], buf.at[pl.ds(j, 1)],
                            fsem).wait()

        def step(c, r):
            buf, gs, ws = bufs[r]
            gather_wait(buf, gs)
            fixup(c, buf)
            pltpu.async_copy(buf, sh_v.at[lax.axis_index("s")], ws)
            nxt = c + 2 * chunk

            @pl.when(nxt < per_w)
            def _():
                write_wait(buf, ws)
                gather_start(nxt, buf, gs)

        @pl.loop(0, per_w, step=2 * chunk)
        def _(c0):
            for r in range(2):
                step(c0 + r * chunk, r)

        write_wait(rows0, wsem0)
        write_wait(rows1, wsem1)

    return k(ids_flat, table, image)


def kernel(input_ids, image_embeds, embed_weight):
    b, s = input_ids.shape
    d = embed_weight.shape[1]
    out = _sc_combine(input_ids.reshape(-1), embed_weight, image_embeds)
    return out.reshape(b, s, d)

# --- scband reference (transcript-rebuilt; emitter-appended) ---
"""Pipeline reference for scband-neuron-text-encoder-wrapper-2723009265830 (READ-ONLY COPY).

The authoritative reference and input builder live on the scoring server;
editing this copy changes nothing except your own understanding.
"""

import jax, jax.numpy as jnp
import numpy as np

VOCAB = 151936
D_MODEL = 2048
BATCH = 2
SEQ = 4096
IMAGE_TOKEN_ID = 151655
NUM_IMG_TOKENS = 256  # (448 // 14 // 2) ** 2


def setup_inputs(seed: int = 0) -> dict:
    key = jax.random.key(seed)
    k1, k2, k3 = jax.random.split(key, 3)
    input_ids = jax.random.randint(k1, (BATCH, SEQ), 0, VOCAB, dtype=jnp.int32)
    # Place one contiguous image-token span per sequence, mimicking the
    # multimodal prompt layout the wrapper expects.
    input_ids = input_ids.at[:, 100:100 + NUM_IMG_TOKENS].set(IMAGE_TOKEN_ID)
    image_embeds = jax.random.normal(k2, (BATCH * NUM_IMG_TOKENS, D_MODEL), dtype=jnp.float32)
    embed_weight = jax.random.normal(k3, (VOCAB, D_MODEL), dtype=jnp.float32) * 0.02
    return {"input_ids": input_ids, "image_embeds": image_embeds, "embed_weight": embed_weight}


def reference(input_ids, image_embeds, embed_weight):
    # Core embedding-combination logic of NeuronTextEncoderWrapper:
    # 1) token embedding lookup (gather from the copied embed_tokens table)
    inputs_embeds = jnp.take(embed_weight, input_ids, axis=0)  # [B, S, D]
    # 2) splice vision-encoder outputs into the positions of image placeholder tokens
    mask = input_ids == IMAGE_TOKEN_ID  # [B, S]
    flat_mask = mask.reshape(-1)
    img_idx = jnp.clip(jnp.cumsum(flat_mask.astype(jnp.int32)) - 1, 0, image_embeds.shape[0] - 1)
    img_idx = img_idx.reshape(input_ids.shape)  # [B, S]
    gathered_img = jnp.take(image_embeds, img_idx, axis=0)  # [B, S, D]
    combined = jnp.where(mask[..., None], gathered_img, inputs_embeds)
    return combined

if __name__ == "__main__":
    import jax
    _d = setup_inputs()
    print(jax.jit(kernel)(*tuple(_d.values())))

</pallas_src>

<mosaic_0001>
#map = affine_map<(d0, d1) -> (0)>
#map1 = affine_map<(d0, d1) -> (0, 0)>
module attributes {stable_mosaic.version = 14 : i64} {
  func.func @k(%arg0: i32, %arg1: i32, %arg2: memref<8192xi32, #tpu.memory_space<hbm>>, %arg3: memref<151936x2048xf32, #tpu.memory_space<hbm>>, %arg4: memref<512x2048xf32, #tpu.memory_space<hbm>>, %arg5: memref<8192x2048xf32, #tpu.memory_space<hbm>>, %arg6: memref<16x16x2048xf32, #tpu.memory_space<vmem_shared>>, %arg7: memref<8192xi32, #tpu.memory_space<vmem>>, %arg8: memref<16xi32, #tpu.memory_space<vmem>>, %arg9: memref<16x2048xf32, #tpu.memory_space<vmem>>, %arg10: memref<16x2048xf32, #tpu.memory_space<vmem>>, %arg11: memref<!tpu.dma_semaphore, #tpu.memory_space<semaphore_mem>>, %arg12: memref<!tpu.dma_semaphore, #tpu.memory_space<semaphore_mem>>, %arg13: memref<!tpu.dma_semaphore, #tpu.memory_space<semaphore_mem>>, %arg14: memref<!tpu.dma_semaphore, #tpu.memory_space<semaphore_mem>>, %arg15: memref<!tpu.dma_semaphore, #tpu.memory_space<semaphore_mem>>) attributes {dimension_semantics = [#tpu.dimension_semantics<core_parallel>, #tpu.dimension_semantics<subcore_parallel>], iteration_bounds = array<i64: 2, 16>, scalar_prefetch = 0 : i64, scratch_operands = 10 : i64, tpu.core_type = #tpu.core_type<sc_vector_subcore>, window_params = [{transform_indices = #map}, {transform_indices = #map1}, {transform_indices = #map1}, {transform_indices = #map1}]} {
    %mul3A = arith.constant 2 : i32
    %mul3A_0 = arith.muli %arg1, %mul3A : i32
    %add3A = arith.addi %mul3A_0, %arg0 : i32
    %mul3A_1 = arith.constant 256 : i32
    %mul3A_2 = arith.muli %add3A, %mul3A_1 : i32
    "tpu.region"() ({
      %run_scoped3A = tpu.sem_alloc : memref<!tpu.dma_semaphore, #tpu.memory_space<semaphore_mem>>
      tpu.enqueue_dma source(%arg2 : memref<8192xi32, #tpu.memory_space<hbm>>) target(%arg7 : memref<8192xi32, #tpu.memory_space<vmem>>) target_semaphore(%run_scoped3A : memref<!tpu.dma_semaphore, #tpu.memory_space<semaphore_mem>>)
      tpu.wait_dma2 semaphore(%run_scoped3A : memref<!tpu.dma_semaphore, #tpu.memory_space<semaphore_mem>>) src(%arg2 : memref<8192xi32, #tpu.memory_space<hbm>>) dst(%arg7 : memref<8192xi32, #tpu.memory_space<vmem>>)
      tpu.yield
    }) : () -> ()
    %add3A_3 = arith.constant 0 : i32
    %add3A_4 = arith.addi %mul3A_2, %add3A_3 : i32
    %get3A = arith.index_cast %add3A_4 : i32 to index
    %get3A_5 = tpu.vector_load %arg7[%get3A] {strides = array<i32>} : memref<8192xi32, #tpu.memory_space<vmem>>, vector<16xi32>,
    %dma_start3A = arith.constant 0 : i32
    %dma_start3A_6 = arith.constant 0 : i32
    %dma_start3A_7 = tpu.memref_slice %arg3[%dma_start3A, %dma_start3A_6] : memref<151936x2048xf32, #tpu.memory_space<hbm>> -> memref<151936x2048xf32, #tpu.memory_space<hbm>>
    tpu.enqueue_indirect_dma source(%dma_start3A_7 : memref<151936x2048xf32, #tpu.memory_space<hbm>>) target(%arg9 : memref<16x2048xf32, #tpu.memory_space<vmem>>) offsets(%get3A_5 : vector<16xi32>) semaphore(%arg11 : memref<!tpu.dma_semaphore, #tpu.memory_space<semaphore_mem>>)
    %add3A_8 = arith.constant 16 : i32
    %add3A_9 = arith.addi %mul3A_2, %add3A_8 : i32
    %get3A_10 = arith.index_cast %add3A_9 : i32 to index
    %get3A_11 = tpu.vector_load %arg7[%get3A_10] {strides = array<i32>} : memref<8192xi32, #tpu.memory_space<vmem>>, vector<16xi32>,
    %dma_start3A_12 = arith.constant 0 : i32
    %dma_start3A_13 = arith.constant 0 : i32
    %dma_start3A_14 = tpu.memref_slice %arg3[%dma_start3A_12, %dma_start3A_13] : memref<151936x2048xf32, #tpu.memory_space<hbm>> -> memref<151936x2048xf32, #tpu.memory_space<hbm>>
    tpu.enqueue_indirect_dma source(%dma_start3A_14 : memref<151936x2048xf32, #tpu.memory_space<hbm>>) target(%arg10 : memref<16x2048xf32, #tpu.memory_space<vmem>>) offsets(%get3A_11 : vector<16xi32>) semaphore(%arg12 : memref<!tpu.dma_semaphore, #tpu.memory_space<semaphore_mem>>)
    %broadcast_in_dim3A = arith.constant 0 : i32
    %broadcast_in_dim3A_15 = vector.broadcast %broadcast_in_dim3A : i32 to vector<16xi32>
    %swap3A = arith.constant 0 : index
    %swap3A_16 = tpu.vector_load %arg8[%swap3A] {strides = array<i32>} : memref<16xi32, #tpu.memory_space<vmem>>, vector<16xi32>,
    tpu.vector_store %arg8[%swap3A], %broadcast_in_dim3A_15 {strides = array<i32>} : memref<16xi32, #tpu.memory_space<vmem>>, vector<16xi32>,
    %sub3A = arith.constant 0 : i32
    %sub3A_17 = arith.subi %mul3A_2, %sub3A : i32
    %sub3A_18 = arith.constant 16 : i32
    %sub3A_19 = arith.constant 1 : i32
    %sub3A_20 = arith.subi %sub3A_18, %sub3A_19 : i32
    %add3A_21 = arith.addi %sub3A_17, %sub3A_20 : i32
    %div3A = arith.constant 16 : i32
    %div3A_22 = arith.divsi %add3A_21, %div3A : i32
    %while3A = arith.constant 16 : i32
    %while3A_23 = arith.constant 0 : i32
    %while3A_24 = arith.constant 0 : i32
    %while3A_25 = arith.subi %div3A_22, %while3A_24 : i32
    %while3A_26 = arith.addi %while3A_24, %while3A_25 : i32
    %while3A_27 = arith.constant 1 : i32
    %while3A_28 = arith.divsi %while3A_25, %while3A_27 : i32
    %while3A_29 = arith.muli %while3A_28, %while3A_27 : i32
    %while3A_30 = arith.addi %while3A_24, %while3A_29 : i32
    %while3A_31 = arith.constant 1 : i32
    scf.for %while3A_48 = %while3A_24 to %while3A_30 step %while3A_31  : i32 {
      %mul3A_49 = arith.muli %while3A_48, %while3A : i32
      %add3A_50 = arith.addi %while3A_23, %mul3A_49 : i32
      %get3A_51 = arith.index_cast %add3A_50 : i32 to index
      %get3A_52 = tpu.vector_load %arg7[%get3A_51] {strides = array<i32>} : memref<8192xi32, #tpu.memory_space<vmem>>, vector<16xi32>,
      %eq3A = arith.constant 151655 : i32
      %eq3A_53 = vector.broadcast %eq3A : i32 to vector<16xi32>
      %eq3A_54 = arith.cmpi eq, %get3A_52, %eq3A_53 : vector<16xi32>
      %get3A_55 = arith.constant 0 : index
      %get3A_56 = tpu.vector_load %arg8[%get3A_55] {strides = array<i32>} : memref<16xi32, #tpu.memory_space<vmem>>, vector<16xi32>,
      %all_reduce_population_count3A = tpu.all_reduce %eq3A_54 {dim = 0 : i64, kind = #tpu.reduction_kind<sum>} : vector<16xi1> -> vector<16xi32>
      %add3A_57 = arith.addi %get3A_56, %all_reduce_population_count3A : vector<16xi32>
      %swap3A_58 = arith.constant 0 : index
      %swap3A_59 = tpu.vector_load %arg8[%swap3A_58] {strides = array<i32>} : memref<16xi32, #tpu.memory_space<vmem>>, vector<16xi32>,
      tpu.vector_store %arg8[%swap3A_58], %add3A_57 {strides = array<i32>} : memref<16xi32, #tpu.memory_space<vmem>>, vector<16xi32>,
    }
    %while3A_32 = arith.constant 1 : i32
    scf.for %while3A_48 = %while3A_30 to %while3A_26 step %while3A_32  : i32 {
      %mul3A_49 = arith.muli %while3A_48, %while3A : i32
      %add3A_50 = arith.addi %while3A_23, %mul3A_49 : i32
      %get3A_51 = arith.index_cast %add3A_50 : i32 to index
      %get3A_52 = tpu.vector_load %arg7[%get3A_51] {strides = array<i32>} : memref<8192xi32, #tpu.memory_space<vmem>>, vector<16xi32>,
      %eq3A = arith.constant 151655 : i32
      %eq3A_53 = vector.broadcast %eq3A : i32 to vector<16xi32>
      %eq3A_54 = arith.cmpi eq, %get3A_52, %eq3A_53 : vector<16xi32>
      %get3A_55 = arith.constant 0 : index
      %get3A_56 = tpu.vector_load %arg8[%get3A_55] {strides = array<i32>} : memref<16xi32, #tpu.memory_space<vmem>>, vector<16xi32>,
      %all_reduce_population_count3A = tpu.all_reduce %eq3A_54 {dim = 0 : i64, kind = #tpu.reduction_kind<sum>} : vector<16xi1> -> vector<16xi32>
      %add3A_57 = arith.addi %get3A_56, %all_reduce_population_count3A : vector<16xi32>
      %swap3A_58 = arith.constant 0 : index
      %swap3A_59 = tpu.vector_load %arg8[%swap3A_58] {strides = array<i32>} : memref<16xi32, #tpu.memory_space<vmem>>, vector<16xi32>,
      tpu.vector_store %arg8[%swap3A_58], %add3A_57 {strides = array<i32>} : memref<16xi32, #tpu.memory_space<vmem>>, vector<16xi32>,
    }
    %scan3A = arith.constant 0 : i32
    %scan3A_33 = arith.constant 8 : i32
    %scan3A_34 = arith.addi %scan3A, %scan3A_33 : i32
    %scan3A_35 = arith.constant 1 : i32
    scf.for %scan3A_48 = %scan3A to %scan3A_34 step %scan3A_35  : i32 {
      %mul3A_49 = arith.constant 32 : i32
      %mul3A_50 = arith.muli %scan3A_48, %mul3A_49 : i32
      %add3A_51 = arith.constant 0 : i32
      %add3A_52 = arith.addi %add3A_51, %mul3A_50 : i32
      %add3A_53 = arith.constant 0 : i32
      %add3A_54 = arith.addi %add3A_52, %add3A_53 : i32
      %dma_wait3A_55 = arith.constant 0 : i32
      %dma_wait3A_56 = tpu.memref_slice %arg7[%dma_wait3A_55] : memref<8192xi32, #tpu.memory_space<vmem>> -> memref<16xi32, #tpu.memory_space<vmem>>
      %dma_wait3A_57 = arith.constant 0 : i32
      %dma_wait3A_58 = arith.constant 0 : i32
      %dma_wait3A_59 = tpu.memref_slice %arg3[%dma_wait3A_57, %dma_wait3A_58] : memref<151936x2048xf32, #tpu.memory_space<hbm>> -> memref<151936x2048xf32, #tpu.memory_space<hbm>>
      tpu.wait_indirect_dma semaphore(%arg11 : memref<!tpu.dma_semaphore, #tpu.memory_space<semaphore_mem>>) src(%dma_wait3A_59 : memref<151936x2048xf32, #tpu.memory_space<hbm>>) dst(%arg9 : memref<16x2048xf32, #tpu.memory_space<vmem>>)
      %add3A_60 = arith.addi %mul3A_2, %add3A_54 : i32
      %get3A_61 = arith.index_cast %add3A_60 : i32 to index
      %get3A_62 = tpu.vector_load %arg7[%get3A_61] {strides = array<i32>} : memref<8192xi32, #tpu.memory_space<vmem>>, vector<16xi32>,
      %eq3A = arith.constant 151655 : i32
      %eq3A_63 = vector.broadcast %eq3A : i32 to vector<16xi32>
      %eq3A_64 = arith.cmpi eq, %get3A_62, %eq3A_63 : vector<16xi32>
      %convert_element_type3A = arith.extui %eq3A_64 : vector<16xi1> to vector<16xi32>
      %broadcast_in_dim3A_65 = arith.constant true
      %broadcast_in_dim3A_66 = vector.broadcast %broadcast_in_dim3A_65 : i1 to vector<16xi1>
      %masked_cumsum3A = tpu.scan <sum>, %convert_element_type3A masked %broadcast_in_dim3A_66 : vector<16xi32>, vector<16xi1> -> vector<16xi32>
      %reduce_max3A = arith.constant true
      %reduce_max3A_67 = vector.broadcast %reduce_max3A : i1 to vector<16xi1>
      %reduce_max3A_68 = arith.constant -2147483648 : i32
      %reduce_max3A_69 = vector.broadcast %reduce_max3A_68 : i32 to vector<16xi32>
      %reduce_max3A_70 = arith.xori %masked_cumsum3A, %reduce_max3A_69 : vector<16xi32>
      %reduce_max3A_71 = tpu.scan <max>, %reduce_max3A_70 masked %reduce_max3A_67 : vector<16xi32>, vector<16xi1> -> vector<16xi32>
      %reduce_max3A_72 = arith.xori %reduce_max3A_71, %reduce_max3A_69 : vector<16xi32>
      %reduce_max3A_73 = vector.extract %reduce_max3A_72[15] : i32 from vector<16xi32>
      %get3A_74 = arith.constant 0 : index
      %get3A_75 = tpu.vector_load %arg8[%get3A_74] {strides = array<i32>} : memref<16xi32, #tpu.memory_space<vmem>>, vector<16xi32>,
      %add3A_76 = arith.addi %get3A_75, %masked_cumsum3A : vector<16xi32>
      %sub3A_77 = arith.constant 1 : i32
      %sub3A_78 = vector.broadcast %sub3A_77 : i32 to vector<16xi32>
      %sub3A_79 = arith.subi %add3A_76, %sub3A_78 : vector<16xi32>
      %jit3A = arith.constant 0 : i32
      %jit3A_80 = arith.constant 511 : i32
      %max3A = vector.broadcast %jit3A : i32 to vector<16xi32>
      %max3A_81 = arith.maxsi %max3A, %sub3A_79 : vector<16xi32>
      %min3A = vector.broadcast %jit3A_80 : i32 to vector<16xi32>
      %min3A_82 = arith.minsi %min3A, %max3A_81 : vector<16xi32>
      %jit3A_83 = arith.constant -1 : i32
      %broadcast_in_dim3A_84 = vector.broadcast %jit3A_83 : i32 to vector<16xi32>
      %select_n3A = arith.select %eq3A_64, %min3A_82, %broadcast_in_dim3A_84 : vector<16xi1>, vector<16xi32>
      %add3A_85 = vector.broadcast %reduce_max3A_73 : i32 to vector<16xi32>
      %add3A_86 = arith.addi %get3A_75, %add3A_85 : vector<16xi32>
      %swap3A_87 = arith.constant 0 : index
      %swap3A_88 = tpu.vector_load %arg8[%swap3A_87] {strides = array<i32>} : memref<16xi32, #tpu.memory_space<vmem>>, vector<16xi32>,
      tpu.vector_store %arg8[%swap3A_87], %add3A_86 {strides = array<i32>} : memref<16xi32, #tpu.memory_space<vmem>>, vector<16xi32>,
      %gt3A = arith.constant 0 : i32
      %gt3A_89 = arith.cmpi sgt, %reduce_max3A_73, %gt3A : i32
      %convert_element_type3A_90 = arith.extui %gt3A_89 : i1 to i32
      %cond3A = arith.constant 0 : i32
      %cond3A_91 = arith.cmpi ne, %convert_element_type3A_90, %cond3A : i32
      scf.if %cond3A_91 {
        %iota3A = tpu.iota {dimensions = array<i32: 0>} : vector<16xi32>
        %eq3A_170 = arith.constant 0 : i32
        %eq3A_171 = vector.broadcast %eq3A_170 : i32 to vector<16xi32>
        %eq3A_172 = arith.cmpi eq, %iota3A, %eq3A_171 : vector<16xi32>
        %jit3A_173 = arith.constant -1 : i32
        %broadcast_in_dim3A_174 = vector.broadcast %jit3A_173 : i32 to vector<16xi32>
        %select_n3A_175 = arith.select %eq3A_172, %select_n3A, %broadcast_in_dim3A_174 : vector<16xi1>, vector<16xi32>
        %reduce_max3A_176 = arith.constant true
        %reduce_max3A_177 = vector.broadcast %reduce_max3A_176 : i1 to vector<16xi1>
        %reduce_max3A_178 = arith.constant -2147483648 : i32
        %reduce_max3A_179 = vector.broadcast %reduce_max3A_178 : i32 to vector<16xi32>
        %reduce_max3A_180 = arith.xori %select_n3A_175, %reduce_max3A_179 : vector<16xi32>
        %reduce_max3A_181 = tpu.scan <max>, %reduce_max3A_180 masked %reduce_max3A_177 : vector<16xi32>, vector<16xi1> -> vector<16xi32>
        %reduce_max3A_182 = arith.xori %reduce_max3A_181, %reduce_max3A_179 : vector<16xi32>
        %reduce_max3A_183 = vector.extract %reduce_max3A_182[15] : i32 from vector<16xi32>
        %ge3A = arith.constant 0 : i32
        %ge3A_184 = arith.cmpi sge, %reduce_max3A_183, %ge3A : i32
        %convert_element_type3A_185 = arith.extui %ge3A_184 : i1 to i32
        %cond3A_186 = arith.constant 0 : i32
        %cond3A_187 = arith.cmpi ne, %convert_element_type3A_185, %cond3A_186 : i32
        scf.if %cond3A_187 {
          %dma_start3A_777 = arith.constant 0 : i32
          %dma_start3A_778 = arith.constant 0 : i32
          %dma_start3A_779 = tpu.memref_slice %arg9[%dma_start3A_777, %dma_start3A_778] : memref<16x2048xf32, #tpu.memory_space<vmem>> -> memref<1x2048xf32, #tpu.memory_space<vmem>>
          %dma_start3A_780 = arith.constant 0 : i32
          %dma_start3A_781 = tpu.memref_slice %arg4[%reduce_max3A_183, %dma_start3A_780] : memref<512x2048xf32, #tpu.memory_space<hbm>> -> memref<1x2048xf32, #tpu.memory_space<hbm>>
          %dma_start3A_782 = arith.constant 0 : i32
          %dma_start3A_783 = arith.constant 0 : i32
          %dma_start3A_784 = tpu.memref_slice %arg9[%dma_start3A_782, %dma_start3A_783] : memref<16x2048xf32, #tpu.memory_space<vmem>> -> memref<1x2048xf32, #tpu.memory_space<vmem>>
          %dma_start3A_785 = arith.constant 0 : i32
          %dma_start3A_786 = tpu.memref_slice %arg4[%reduce_max3A_183, %dma_start3A_785] : memref<512x2048xf32, #tpu.memory_space<hbm>> -> memref<1x2048xf32, #tpu.memory_space<hbm>>
          tpu.enqueue_dma source(%dma_start3A_786 : memref<1x2048xf32, #tpu.memory_space<hbm>>) target(%dma_start3A_784 : memref<1x2048xf32, #tpu.memory_space<vmem>>) target_semaphore(%arg15 : memref<!tpu.dma_semaphore, #tpu.memory_space<semaphore_mem>>)
        } else {
        }
        %eq3A_188 = arith.constant 1 : i32
        %eq3A_189 = vector.broadcast %eq3A_188 : i32 to vector<16xi32>
        %eq3A_190 = arith.cmpi eq, %iota3A, %eq3A_189 : vector<16xi32>
        %jit3A_191 = arith.constant -1 : i32
        %broadcast_in_dim3A_192 = vector.broadcast %jit3A_191 : i32 to vector<16xi32>
        %select_n3A_193 = arith.select %eq3A_190, %select_n3A, %broadcast_in_dim3A_192 : vector<16xi1>, vector<16xi32>
        %reduce_max3A_194 = arith.constant true
        %reduce_max3A_195 = vector.broadcast %reduce_max3A_194 : i1 to vector<16xi1>
        %reduce_max3A_196 = arith.constant -2147483648 : i32
        %reduce_max3A_197 = vector.broadcast %reduce_max3A_196 : i32 to vector<16xi32>
        %reduce_max3A_198 = arith.xori %select_n3A_193, %reduce_max3A_197 : vector<16xi32>
        %reduce_max3A_199 = tpu.scan <max>, %reduce_max3A_198 masked %reduce_max3A_195 : vector<16xi32>, vector<16xi1> -> vector<16xi32>
        %reduce_max3A_200 = arith.xori %reduce_max3A_199, %reduce_max3A_197 : vector<16xi32>
        %reduce_max3A_201 = vector.extract %reduce_max3A_200[15] : i32 from vector<16xi32>
        %ge3A_202 = arith.constant 0 : i32
        %ge3A_203 = arith.cmpi sge, %reduce_max3A_201, %ge3A_202 : i32
        %convert_element_type3A_204 = arith.extui %ge3A_203 : i1 to i32
        %cond3A_205 = arith.constant 0 : i32
        %cond3A_206 = arith.cmpi ne, %convert_element_type3A_204, %cond3A_205 : i32
        scf.if %cond3A_206 {
          %dma_start3A_777 = arith.constant 1 : i32
          %dma_start3A_778 = arith.constant 0 : i32
          %dma_start3A_779 = tpu.memref_slice %arg9[%dma_start3A_777, %dma_start3A_778] : memref<16x2048xf32, #tpu.memory_space<vmem>> -> memref<1x2048xf32, #tpu.memory_space<vmem>>
          %dma_start3A_780 = arith.constant 0 : i32
          %dma_start3A_781 = tpu.memref_slice %arg4[%reduce_max3A_201, %dma_start3A_780] : memref<512x2048xf32, #tpu.memory_space<hbm>> -> memref<1x2048xf32, #tpu.memory_space<hbm>>
          %dma_start3A_782 = arith.constant 1 : i32
          %dma_start3A_783 = arith.constant 0 : i32
          %dma_start3A_784 = tpu.memref_slice %arg9[%dma_start3A_782, %dma_start3A_783] : memref<16x2048xf32, #tpu.memory_space<vmem>> -> memref<1x2048xf32, #tpu.memory_space<vmem>>
          %dma_start3A_785 = arith.constant 0 : i32
          %dma_start3A_786 = tpu.memref_slice %arg4[%reduce_max3A_201, %dma_start3A_785] : memref<512x2048xf32, #tpu.memory_space<hbm>> -> memref<1x2048xf32, #tpu.memory_space<hbm>>
          tpu.enqueue_dma source(%dma_start3A_786 : memref<1x2048xf32, #tpu.memory_space<hbm>>) target(%dma_start3A_784 : memref<1x2048xf32, #tpu.memory_space<vmem>>) target_semaphore(%arg15 : memref<!tpu.dma_semaphore, #tpu.memory_space<semaphore_mem>>)
        } else {
        }
        %eq3A_207 = arith.constant 2 : i32
        %eq3A_208 = vector.broadcast %eq3A_207 : i32 to vector<16xi32>
        %eq3A_209 = arith.cmpi eq, %iota3A, %eq3A_208 : vector<16xi32>
        %jit3A_210 = arith.constant -1 : i32
        %broadcast_in_dim3A_211 = vector.broadcast %jit3A_210 : i32 to vector<16xi32>
        %select_n3A_212 = arith.select %eq3A_209, %select_n3A, %broadcast_in_dim3A_211 : vector<16xi1>, vector<16xi32>
        %reduce_max3A_213 = arith.constant true
        %reduce_max3A_214 = vector.broadcast %reduce_max3A_213 : i1 to vector<16xi1>
        %reduce_max3A_215 = arith.constant -2147483648 : i32
        %reduce_max3A_216 = vector.broadcast %reduce_max3A_215 : i32 to vector<16xi32>
        %reduce_max3A_217 = arith.xori %select_n3A_212, %reduce_max3A_216 : vector<16xi32>
        %reduce_max3A_218 = tpu.scan <max>, %reduce_max3A_217 masked %reduce_max3A_214 : vector<16xi32>, vector<16xi1> -> vector<16xi32>
        %reduce_max3A_219 = arith.xori %reduce_max3A_218, %reduce_max3A_216 : vector<16xi32>
        %reduce_max3A_220 = vector.extract %reduce_max3A_219[15] : i32 from vector<16xi32>
        %ge3A_221 = arith.constant 0 : i32
        %ge3A_222 = arith.cmpi sge, %reduce_max3A_220, %ge3A_221 : i32
        %convert_element_type3A_223 = arith.extui %ge3A_222 : i1 to i32
        %cond3A_224 = arith.constant 0 : i32
        %cond3A_225 = arith.cmpi ne, %convert_element_type3A_223, %cond3A_224 : i32
        scf.if %cond3A_225 {
          %dma_start3A_777 = arith.constant 2 : i32
          %dma_start3A_778 = arith.constant 0 : i32
          %dma_start3A_779 = tpu.memref_slice %arg9[%dma_start3A_777, %dma_start3A_778] : memref<16x2048xf32, #tpu.memory_space<vmem>> -> memref<1x2048xf32, #tpu.memory_space<vmem>>
          %dma_start3A_780 = arith.constant 0 : i32
          %dma_start3A_781 = tpu.memref_slice %arg4[%reduce_max3A_220, %dma_start3A_780] : memref<512x2048xf32, #tpu.memory_space<hbm>> -> memref<1x2048xf32, #tpu.memory_space<hbm>>
          %dma_start3A_782 = arith.constant 2 : i32
          %dma_start3A_783 = arith.constant 0 : i32
          %dma_start3A_784 = tpu.memref_slice %arg9[%dma_start3A_782, %dma_start3A_783] : memref<16x2048xf32, #tpu.memory_space<vmem>> -> memref<1x2048xf32, #tpu.memory_space<vmem>>
          %dma_start3A_785 = arith.constant 0 : i32
          %dma_start3A_786 = tpu.memref_slice %arg4[%reduce_max3A_220, %dma_start3A_785] : memref<512x2048xf32, #tpu.memory_space<hbm>> -> memref<1x2048xf32, #tpu.memory_space<hbm>>
          tpu.enqueue_dma source(%dma_start3A_786 : memref<1x2048xf32, #tpu.memory_space<hbm>>) target(%dma_start3A_784 : memref<1x2048xf32, #tpu.memory_space<vmem>>) target_semaphore(%arg15 : memref<!tpu.dma_semaphore, #tpu.memory_space<semaphore_mem>>)
        } else {
        }
        %eq3A_226 = arith.constant 3 : i32
        %eq3A_227 = vector.broadcast %eq3A_226 : i32 to vector<16xi32>
        %eq3A_228 = arith.cmpi eq, %iota3A, %eq3A_227 : vector<16xi32>
        %jit3A_229 = arith.constant -1 : i32
        %broadcast_in_dim3A_230 = vector.broadcast %jit3A_229 : i32 to vector<16xi32>
        %select_n3A_231 = arith.select %eq3A_228, %select_n3A, %broadcast_in_dim3A_230 : vector<16xi1>, vector<16xi32>
        %reduce_max3A_232 = arith.constant true
        %reduce_max3A_233 = vector.broadcast %reduce_max3A_232 : i1 to vector<16xi1>
        %reduce_max3A_234 = arith.constant -2147483648 : i32
        %reduce_max3A_235 = vector.broadcast %reduce_max3A_234 : i32 to vector<16xi32>
        %reduce_max3A_236 = arith.xori %select_n3A_231, %reduce_max3A_235 : vector<16xi32>
        %reduce_max3A_237 = tpu.scan <max>, %reduce_max3A_236 masked %reduce_max3A_233 : vector<16xi32>, vector<16xi1> -> vector<16xi32>
        %reduce_max3A_238 = arith.xori %reduce_max3A_237, %reduce_max3A_235 : vector<16xi32>
        %reduce_max3A_239 = vector.extract %reduce_max3A_238[15] : i32 from vector<16xi32>
        %ge3A_240 = arith.constant 0 : i32
        %ge3A_241 = arith.cmpi sge, %reduce_max3A_239, %ge3A_240 : i32
        %convert_element_type3A_242 = arith.extui %ge3A_241 : i1 to i32
        %cond3A_243 = arith.constant 0 : i32
        %cond3A_244 = arith.cmpi ne, %convert_element_type3A_242, %cond3A_243 : i32
        scf.if %cond3A_244 {
          %dma_start3A_777 = arith.constant 3 : i32
          %dma_start3A_778 = arith.constant 0 : i32
          %dma_start3A_779 = tpu.memref_slice %arg9[%dma_start3A_777, %dma_start3A_778] : memref<16x2048xf32, #tpu.memory_space<vmem>> -> memref<1x2048xf32, #tpu.memory_space<vmem>>
          %dma_start3A_780 = arith.constant 0 : i32
          %dma_start3A_781 = tpu.memref_slice %arg4[%reduce_max3A_239, %dma_start3A_780] : memref<512x2048xf32, #tpu.memory_space<hbm>> -> memref<1x2048xf32, #tpu.memory_space<hbm>>
          %dma_start3A_782 = arith.constant 3 : i32
          %dma_start3A_783 = arith.constant 0 : i32
          %dma_start3A_784 = tpu.memref_slice %arg9[%dma_start3A_782, %dma_start3A_783] : memref<16x2048xf32, #tpu.memory_space<vmem>> -> memref<1x2048xf32, #tpu.memory_space<vmem>>
          %dma_start3A_785 = arith.constant 0 : i32
          %dma_start3A_786 = tpu.memref_slice %arg4[%reduce_max3A_239, %dma_start3A_785] : memref<512x2048xf32, #tpu.memory_space<hbm>> -> memref<1x2048xf32, #tpu.memory_space<hbm>>
          tpu.enqueue_dma source(%dma_start3A_786 : memref<1x2048xf32, #tpu.memory_space<hbm>>) target(%dma_start3A_784 : memref<1x2048xf32, #tpu.memory_space<vmem>>) target_semaphore(%arg15 : memref<!tpu.dma_semaphore, #tpu.memory_space<semaphore_mem>>)
        } else {
        }
        %eq3A_245 = arith.constant 4 : i32
        %eq3A_246 = vector.broadcast %eq3A_245 : i32 to vector<16xi32>
        %eq3A_247 = arith.cmpi eq, %iota3A, %eq3A_246 : vector<16xi32>
        %jit3A_248 = arith.constant -1 : i32
        %broadcast_in_dim3A_249 = vector.broadcast %jit3A_248 : i32 to vector<16xi32>
        %select_n3A_250 = arith.select %eq3A_247, %select_n3A, %broadcast_in_dim3A_249 : vector<16xi1>, vector<16xi32>
        %reduce_max3A_251 = arith.constant true
        %reduce_max3A_252 = vector.broadcast %reduce_max3A_251 : i1 to vector<16xi1>
        %reduce_max3A_253 = arith.constant -2147483648 : i32
        %reduce_max3A_254 = vector.broadcast %reduce_max3A_253 : i32 to vector<16xi32>
        %reduce_max3A_255 = arith.xori %select_n3A_250, %reduce_max3A_254 : vector<16xi32>
        %reduce_max3A_256 = tpu.scan <max>, %reduce_max3A_255 masked %reduce_max3A_252 : vector<16xi32>, vector<16xi1> -> vector<16xi32>
        %reduce_max3A_257 = arith.xori %reduce_max3A_256, %reduce_max3A_254 : vector<16xi32>
        %reduce_max3A_258 = vector.extract %reduce_max3A_257[15] : i32 from vector<16xi32>
        %ge3A_259 = arith.constant 0 : i32
        %ge3A_260 = arith.cmpi sge, %reduce_max3A_258, %ge3A_259 : i32
        %convert_element_type3A_261 = arith.extui %ge3A_260 : i1 to i32
        %cond3A_262 = arith.constant 0 : i32
        %cond3A_263 = arith.cmpi ne, %convert_element_type3A_261, %cond3A_262 : i32
        scf.if %cond3A_263 {
          %dma_start3A_777 = arith.constant 4 : i32
          %dma_start3A_778 = arith.constant 0 : i32
          %dma_start3A_779 = tpu.memref_slice %arg9[%dma_start3A_777, %dma_start3A_778] : memref<16x2048xf32, #tpu.memory_space<vmem>> -> memref<1x2048xf32, #tpu.memory_space<vmem>>
          %dma_start3A_780 = arith.constant 0 : i32
          %dma_start3A_781 = tpu.memref_slice %arg4[%reduce_max3A_258, %dma_start3A_780] : memref<512x2048xf32, #tpu.memory_space<hbm>> -> memref<1x2048xf32, #tpu.memory_space<hbm>>
          %dma_start3A_782 = arith.constant 4 : i32
          %dma_start3A_783 = arith.constant 0 : i32
          %dma_start3A_784 = tpu.memref_slice %arg9[%dma_start3A_782, %dma_start3A_783] : memref<16x2048xf32, #tpu.memory_space<vmem>> -> memref<1x2048xf32, #tpu.memory_space<vmem>>
          %dma_start3A_785 = arith.constant 0 : i32
          %dma_start3A_786 = tpu.memref_slice %arg4[%reduce_max3A_258, %dma_start3A_785] : memref<512x2048xf32, #tpu.memory_space<hbm>> -> memref<1x2048xf32, #tpu.memory_space<hbm>>
          tpu.enqueue_dma source(%dma_start3A_786 : memref<1x2048xf32, #tpu.memory_space<hbm>>) target(%dma_start3A_784 : memref<1x2048xf32, #tpu.memory_space<vmem>>) target_semaphore(%arg15 : memref<!tpu.dma_semaphore, #tpu.memory_space<semaphore_mem>>)
        } else {
        }
        %eq3A_264 = arith.constant 5 : i32
        %eq3A_265 = vector.broadcast %eq3A_264 : i32 to vector<16xi32>
        %eq3A_266 = arith.cmpi eq, %iota3A, %eq3A_265 : vector<16xi32>
        %jit3A_267 = arith.constant -1 : i32
        %broadcast_in_dim3A_268 = vector.broadcast %jit3A_267 : i32 to vector<16xi32>
        %select_n3A_269 = arith.select %eq3A_266, %select_n3A, %broadcast_in_dim3A_268 : vector<16xi1>, vector<16xi32>
        %reduce_max3A_270 = arith.constant true
        %reduce_max3A_271 = vector.broadcast %reduce_max3A_270 : i1 to vector<16xi1>
        %reduce_max3A_272 = arith.constant -2147483648 : i32
        %reduce_max3A_273 = vector.broadcast %reduce_max3A_272 : i32 to vector<16xi32>
        %reduce_max3A_274 = arith.xori %select_n3A_269, %reduce_max3A_273 : vector<16xi32>
        %reduce_max3A_275 = tpu.scan <max>, %reduce_max3A_274 masked %reduce_max3A_271 : vector<16xi32>, vector<16xi1> -> vector<16xi32>
        %reduce_max3A_276 = arith.xori %reduce_max3A_275, %reduce_max3A_273 : vector<16xi32>
        %reduce_max3A_277 = vector.extract %reduce_max3A_276[15] : i32 from vector<16xi32>
        %ge3A_278 = arith.constant 0 : i32
        %ge3A_279 = arith.cmpi sge, %reduce_max3A_277, %ge3A_278 : i32
        %convert_element_type3A_280 = arith.extui %ge3A_279 : i1 to i32
        %cond3A_281 = arith.constant 0 : i32
        %cond3A_282 = arith.cmpi ne, %convert_element_type3A_280, %cond3A_281 : i32
        scf.if %cond3A_282 {
          %dma_start3A_777 = arith.constant 5 : i32
          %dma_start3A_778 = arith.constant 0 : i32
          %dma_start3A_779 = tpu.memref_slice %arg9[%dma_start3A_777, %dma_start3A_778] : memref<16x2048xf32, #tpu.memory_space<vmem>> -> memref<1x2048xf32, #tpu.memory_space<vmem>>
          %dma_start3A_780 = arith.constant 0 : i32
          %dma_start3A_781 = tpu.memref_slice %arg4[%reduce_max3A_277, %dma_start3A_780] : memref<512x2048xf32, #tpu.memory_space<hbm>> -> memref<1x2048xf32, #tpu.memory_space<hbm>>
          %dma_start3A_782 = arith.constant 5 : i32
          %dma_start3A_783 = arith.constant 0 : i32
          %dma_start3A_784 = tpu.memref_slice %arg9[%dma_start3A_782, %dma_start3A_783] : memref<16x2048xf32, #tpu.memory_space<vmem>> -> memref<1x2048xf32, #tpu.memory_space<vmem>>
          %dma_start3A_785 = arith.constant 0 : i32
          %dma_start3A_786 = tpu.memref_slice %arg4[%reduce_max3A_277, %dma_start3A_785] : memref<512x2048xf32, #tpu.memory_space<hbm>> -> memref<1x2048xf32, #tpu.memory_space<hbm>>
          tpu.enqueue_dma source(%dma_start3A_786 : memref<1x2048xf32, #tpu.memory_space<hbm>>) target(%dma_start3A_784 : memref<1x2048xf32, #tpu.memory_space<vmem>>) target_semaphore(%arg15 : memref<!tpu.dma_semaphore, #tpu.memory_space<semaphore_mem>>)
        } else {
        }
        %eq3A_283 = arith.constant 6 : i32
        %eq3A_284 = vector.broadcast %eq3A_283 : i32 to vector<16xi32>
        %eq3A_285 = arith.cmpi eq, %iota3A, %eq3A_284 : vector<16xi32>
        %jit3A_286 = arith.constant -1 : i32
        %broadcast_in_dim3A_287 = vector.broadcast %jit3A_286 : i32 to vector<16xi32>
        %select_n3A_288 = arith.select %eq3A_285, %select_n3A, %broadcast_in_dim3A_287 : vector<16xi1>, vector<16xi32>
        %reduce_max3A_289 = arith.constant true
        %reduce_max3A_290 = vector.broadcast %reduce_max3A_289 : i1 to vector<16xi1>
        %reduce_max3A_291 = arith.constant -2147483648 : i32
        %reduce_max3A_292 = vector.broadcast %reduce_max3A_291 : i32 to vector<16xi32>
        %reduce_max3A_293 = arith.xori %select_n3A_288, %reduce_max3A_292 : vector<16xi32>
        %reduce_max3A_294 = tpu.scan <max>, %reduce_max3A_293 masked %reduce_max3A_290 : vector<16xi32>, vector<16xi1> -> vector<16xi32>
        %reduce_max3A_295 = arith.xori %reduce_max3A_294, %reduce_max3A_292 : vector<16xi32>
        %reduce_max3A_296 = vector.extract %reduce_max3A_295[15] : i32 from vector<16xi32>
        %ge3A_297 = arith.constant 0 : i32
        %ge3A_298 = arith.cmpi sge, %reduce_max3A_296, %ge3A_297 : i32
        %convert_element_type3A_299 = arith.extui %ge3A_298 : i1 to i32
        %cond3A_300 = arith.constant 0 : i32
        %cond3A_301 = arith.cmpi ne, %convert_element_type3A_299, %cond3A_300 : i32
        scf.if %cond3A_301 {
          %dma_start3A_777 = arith.constant 6 : i32
          %dma_start3A_778 = arith.constant 0 : i32
          %dma_start3A_779 = tpu.memref_slice %arg9[%dma_start3A_777, %dma_start3A_778] : memref<16x2048xf32, #tpu.memory_space<vmem>> -> memref<1x2048xf32, #tpu.memory_space<vmem>>
          %dma_start3A_780 = arith.constant 0 : i32
          %dma_start3A_781 = tpu.memref_slice %arg4[%reduce_max3A_296, %dma_start3A_780] : memref<512x2048xf32, #tpu.memory_space<hbm>> -> memref<1x2048xf32, #tpu.memory_space<hbm>>
          %dma_start3A_782 = arith.constant 6 : i32
          %dma_start3A_783 = arith.constant 0 : i32
          %dma_start3A_784 = tpu.memref_slice %arg9[%dma_start3A_782, %dma_start3A_783] : memref<16x2048xf32, #tpu.memory_space<vmem>> -> memref<1x2048xf32, #tpu.memory_space<vmem>>
          %dma_start3A_785 = arith.constant 0 : i32
          %dma_start3A_786 = tpu.memref_slice %arg4[%reduce_max3A_296, %dma_start3A_785] : memref<512x2048xf32, #tpu.memory_space<hbm>> -> memref<1x2048xf32, #tpu.memory_space<hbm>>
          tpu.enqueue_dma source(%dma_start3A_786 : memref<1x2048xf32, #tpu.memory_space<hbm>>) target(%dma_start3A_784 : memref<1x2048xf32, #tpu.memory_space<vmem>>) target_semaphore(%arg15 : memref<!tpu.dma_semaphore, #tpu.memory_space<semaphore_mem>>)
        } else {
        }
        %eq3A_302 = arith.constant 7 : i32
        %eq3A_303 = vector.broadcast %eq3A_302 : i32 to vector<16xi32>
        %eq3A_304 = arith.cmpi eq, %iota3A, %eq3A_303 : vector<16xi32>
        %jit3A_305 = arith.constant -1 : i32
        %broadcast_in_dim3A_306 = vector.broadcast %jit3A_305 : i32 to vector<16xi32>
        %select_n3A_307 = arith.select %eq3A_304, %select_n3A, %broadcast_in_dim3A_306 : vector<16xi1>, vector<16xi32>
        %reduce_max3A_308 = arith.constant true
        %reduce_max3A_309 = vector.broadcast %reduce_max3A_308 : i1 to vector<16xi1>
        %reduce_max3A_310 = arith.constant -2147483648 : i32
        %reduce_max3A_311 = vector.broadcast %reduce_max3A_310 : i32 to vector<16xi32>
        %reduce_max3A_312 = arith.xori %select_n3A_307, %reduce_max3A_311 : vector<16xi32>
        %reduce_max3A_313 = tpu.scan <max>, %reduce_max3A_312 masked %reduce_max3A_309 : vector<16xi32>, vector<16xi1> -> vector<16xi32>
        %reduce_max3A_314 = arith.xori %reduce_max3A_313, %reduce_max3A_311 : vector<16xi32>
        %reduce_max3A_315 = vector.extract %reduce_max3A_314[15] : i32 from vector<16xi32>
        %ge3A_316 = arith.constant 0 : i32
        %ge3A_317 = arith.cmpi sge, %reduce_max3A_315, %ge3A_316 : i32
        %convert_element_type3A_318 = arith.extui %ge3A_317 : i1 to i32
        %cond3A_319 = arith.constant 0 : i32
        %cond3A_320 = arith.cmpi ne, %convert_element_type3A_318, %cond3A_319 : i32
        scf.if %cond3A_320 {
          %dma_start3A_777 = arith.constant 7 : i32
          %dma_start3A_778 = arith.constant 0 : i32
          %dma_start3A_779 = tpu.memref_slice %arg9[%dma_start3A_777, %dma_start3A_778] : memref<16x2048xf32, #tpu.memory_space<vmem>> -> memref<1x2048xf32, #tpu.memory_space<vmem>>
          %dma_start3A_780 = arith.constant 0 : i32
          %dma_start3A_781 = tpu.memref_slice %arg4[%reduce_max3A_315, %dma_start3A_780] : memref<512x2048xf32, #tpu.memory_space<hbm>> -> memref<1x2048xf32, #tpu.memory_space<hbm>>
          %dma_start3A_782 = arith.constant 7 : i32
          %dma_start3A_783 = arith.constant 0 : i32
          %dma_start3A_784 = tpu.memref_slice %arg9[%dma_start3A_782, %dma_start3A_783] : memref<16x2048xf32, #tpu.memory_space<vmem>> -> memref<1x2048xf32, #tpu.memory_space<vmem>>
          %dma_start3A_785 = arith.constant 0 : i32
          %dma_start3A_786 = tpu.memref_slice %arg4[%reduce_max3A_315, %dma_start3A_785] : memref<512x2048xf32, #tpu.memory_space<hbm>> -> memref<1x2048xf32, #tpu.memory_space<hbm>>
          tpu.enqueue_dma source(%dma_start3A_786 : memref<1x2048xf32, #tpu.memory_space<hbm>>) target(%dma_start3A_784 : memref<1x2048xf32, #tpu.memory_space<vmem>>) target_semaphore(%arg15 : memref<!tpu.dma_semaphore, #tpu.memory_space<semaphore_mem>>)
        } else {
        }
        %eq3A_321 = arith.constant 8 : i32
        %eq3A_322 = vector.broadcast %eq3A_321 : i32 to vector<16xi32>
        %eq3A_323 = arith.cmpi eq, %iota3A, %eq3A_322 : vector<16xi32>
        %jit3A_324 = arith.constant -1 : i32
        %broadcast_in_dim3A_325 = vector.broadcast %jit3A_324 : i32 to vector<16xi32>
        %select_n3A_326 = arith.select %eq3A_323, %select_n3A, %broadcast_in_dim3A_325 : vector<16xi1>, vector<16xi32>
        %reduce_max3A_327 = arith.constant true
        %reduce_max3A_328 = vector.broadcast %reduce_max3A_327 : i1 to vector<16xi1>
        %reduce_max3A_329 = arith.constant -2147483648 : i32
        %reduce_max3A_330 = vector.broadcast %reduce_max3A_329 : i32 to vector<16xi32>
        %reduce_max3A_331 = arith.xori %select_n3A_326, %reduce_max3A_330 : vector<16xi32>
        %reduce_max3A_332 = tpu.scan <max>, %reduce_max3A_331 masked %reduce_max3A_328 : vector<16xi32>, vector<16xi1> -> vector<16xi32>
        %reduce_max3A_333 = arith.xori %reduce_max3A_332, %reduce_max3A_330 : vector<16xi32>
        %reduce_max3A_334 = vector.extract %reduce_max3A_333[15] : i32 from vector<16xi32>
        %ge3A_335 = arith.constant 0 : i32
        %ge3A_336 = arith.cmpi sge, %reduce_max3A_334, %ge3A_335 : i32
        %convert_element_type3A_337 = arith.extui %ge3A_336 : i1 to i32
        %cond3A_338 = arith.constant 0 : i32
        %cond3A_339 = arith.cmpi ne, %convert_element_type3A_337, %cond3A_338 : i32
        scf.if %cond3A_339 {
          %dma_start3A_777 = arith.constant 8 : i32
          %dma_start3A_778 = arith.constant 0 : i32
          %dma_start3A_779 = tpu.memref_slice %arg9[%dma_start3A_777, %dma_start3A_778] : memref<16x2048xf32, #tpu.memory_space<vmem>> -> memref<1x2048xf32, #tpu.memory_space<vmem>>
          %dma_start3A_780 = arith.constant 0 : i32
          %dma_start3A_781 = tpu.memref_slice %arg4[%reduce_max3A_334, %dma_start3A_780] : memref<512x2048xf32, #tpu.memory_space<hbm>> -> memref<1x2048xf32, #tpu.memory_space<hbm>>
          %dma_start3A_782 = arith.constant 8 : i32
          %dma_start3A_783 = arith.constant 0 : i32
          %dma_start3A_784 = tpu.memref_slice %arg9[%dma_start3A_782, %dma_start3A_783] : memref<16x2048xf32, #tpu.memory_space<vmem>> -> memref<1x2048xf32, #tpu.memory_space<vmem>>
          %dma_start3A_785 = arith.constant 0 : i32
          %dma_start3A_786 = tpu.memref_slice %arg4[%reduce_max3A_334, %dma_start3A_785] : memref<512x2048xf32, #tpu.memory_space<hbm>> -> memref<1x2048xf32, #tpu.memory_space<hbm>>
          tpu.enqueue_dma source(%dma_start3A_786 : memref<1x2048xf32, #tpu.memory_space<hbm>>) target(%dma_start3A_784 : memref<1x2048xf32, #tpu.memory_space<vmem>>) target_semaphore(%arg15 : memref<!tpu.dma_semaphore, #tpu.memory_space<semaphore_mem>>)
        } else {
        }
        %eq3A_340 = arith.constant 9 : i32
        %eq3A_341 = vector.broadcast %eq3A_340 : i32 to vector<16xi32>
        %eq3A_342 = arith.cmpi eq, %iota3A, %eq3A_341 : vector<16xi32>
        %jit3A_343 = arith.constant -1 : i32
        %broadcast_in_dim3A_344 = vector.broadcast %jit3A_343 : i32 to vector<16xi32>
        %select_n3A_345 = arith.select %eq3A_342, %select_n3A, %broadcast_in_dim3A_344 : vector<16xi1>, vector<16xi32>
        %reduce_max3A_346 = arith.constant true
        %reduce_max3A_347 = vector.broadcast %reduce_max3A_346 : i1 to vector<16xi1>
        %reduce_max3A_348 = arith.constant -2147483648 : i32
        %reduce_max3A_349 = vector.broadcast %reduce_max3A_348 : i32 to vector<16xi32>
        %reduce_max3A_350 = arith.xori %select_n3A_345, %reduce_max3A_349 : vector<16xi32>
        %reduce_max3A_351 = tpu.scan <max>, %reduce_max3A_350 masked %reduce_max3A_347 : vector<16xi32>, vector<16xi1> -> vector<16xi32>
        %reduce_max3A_352 = arith.xori %reduce_max3A_351, %reduce_max3A_349 : vector<16xi32>
        %reduce_max3A_353 = vector.extract %reduce_max3A_352[15] : i32 from vector<16xi32>
        %ge3A_354 = arith.constant 0 : i32
        %ge3A_355 = arith.cmpi sge, %reduce_max3A_353, %ge3A_354 : i32
        %convert_element_type3A_356 = arith.extui %ge3A_355 : i1 to i32
        %cond3A_357 = arith.constant 0 : i32
        %cond3A_358 = arith.cmpi ne, %convert_element_type3A_356, %cond3A_357 : i32
        scf.if %cond3A_358 {
          %dma_start3A_777 = arith.constant 9 : i32
          %dma_start3A_778 = arith.constant 0 : i32
          %dma_start3A_779 = tpu.memref_slice %arg9[%dma_start3A_777, %dma_start3A_778] : memref<16x2048xf32, #tpu.memory_space<vmem>> -> memref<1x2048xf32, #tpu.memory_space<vmem>>
          %dma_start3A_780 = arith.constant 0 : i32
          %dma_start3A_781 = tpu.memref_slice %arg4[%reduce_max3A_353, %dma_start3A_780] : memref<512x2048xf32, #tpu.memory_space<hbm>> -> memref<1x2048xf32, #tpu.memory_space<hbm>>
          %dma_start3A_782 = arith.constant 9 : i32
          %dma_start3A_783 = arith.constant 0 : i32
          %dma_start3A_784 = tpu.memref_slice %arg9[%dma_start3A_782, %dma_start3A_783] : memref<16x2048xf32, #tpu.memory_space<vmem>> -> memref<1x2048xf32, #tpu.memory_space<vmem>>
          %dma_start3A_785 = arith.constant 0 : i32
          %dma_start3A_786 = tpu.memref_slice %arg4[%reduce_max3A_353, %dma_start3A_785] : memref<512x2048xf32, #tpu.memory_space<hbm>> -> memref<1x2048xf32, #tpu.memory_space<hbm>>
          tpu.enqueue_dma source(%dma_start3A_786 : memref<1x2048xf32, #tpu.memory_space<hbm>>) target(%dma_start3A_784 : memref<1x2048xf32, #tpu.memory_space<vmem>>) target_semaphore(%arg15 : memref<!tpu.dma_semaphore, #tpu.memory_space<semaphore_mem>>)
        } else {
        }
        %eq3A_359 = arith.constant 10 : i32
        %eq3A_360 = vector.broadcast %eq3A_359 : i32 to vector<16xi32>
        %eq3A_361 = arith.cmpi eq, %iota3A, %eq3A_360 : vector<16xi32>
        %jit3A_362 = arith.constant -1 : i32
        %broadcast_in_dim3A_363 = vector.broadcast %jit3A_362 : i32 to vector<16xi32>
        %select_n3A_364 = arith.select %eq3A_361, %select_n3A, %broadcast_in_dim3A_363 : vector<16xi1>, vector<16xi32>
        %reduce_max3A_365 = arith.constant true
        %reduce_max3A_366 = vector.broadcast %reduce_max3A_365 : i1 to vector<16xi1>
        %reduce_max3A_367 = arith.constant -2147483648 : i32
        %reduce_max3A_368 = vector.broadcast %reduce_max3A_367 : i32 to vector<16xi32>
        %reduce_max3A_369 = arith.xori %select_n3A_364, %reduce_max3A_368 : vector<16xi32>
        %reduce_max3A_370 = tpu.scan <max>, %reduce_max3A_369 masked %reduce_max3A_366 : vector<16xi32>, vector<16xi1> -> vector<16xi32>
        %reduce_max3A_371 = arith.xori %reduce_max3A_370, %reduce_max3A_368 : vector<16xi32>
        %reduce_max3A_372 = vector.extract %reduce_max3A_371[15] : i32 from vector<16xi32>
        %ge3A_373 = arith.constant 0 : i32
        %ge3A_374 = arith.cmpi sge, %reduce_max3A_372, %ge3A_373 : i32
        %convert_element_type3A_375 = arith.extui %ge3A_374 : i1 to i32
        %cond3A_376 = arith.constant 0 : i32
        %cond3A_377 = arith.cmpi ne, %convert_element_type3A_375, %cond3A_376 : i32
        scf.if %cond3A_377 {
          %dma_start3A_777 = arith.constant 10 : i32
          %dma_start3A_778 = arith.constant 0 : i32
          %dma_start3A_779 = tpu.memref_slice %arg9[%dma_start3A_777, %dma_start3A_778] : memref<16x2048xf32, #tpu.memory_space<vmem>> -> memref<1x2048xf32, #tpu.memory_space<vmem>>
          %dma_start3A_780 = arith.constant 0 : i32
          %dma_start3A_781 = tpu.memref_slice %arg4[%reduce_max3A_372, %dma_start3A_780] : memref<512x2048xf32, #tpu.memory_space<hbm>> -> memref<1x2048xf32, #tpu.memory_space<hbm>>
          %dma_start3A_782 = arith.constant 10 : i32
          %dma_start3A_783 = arith.constant 0 : i32
          %dma_start3A_784 = tpu.memref_slice %arg9[%dma_start3A_782, %dma_start3A_783] : memref<16x2048xf32, #tpu.memory_space<vmem>> -> memref<1x2048xf32, #tpu.memory_space<vmem>>
          %dma_start3A_785 = arith.constant 0 : i32
          %dma_start3A_786 = tpu.memref_slice %arg4[%reduce_max3A_372, %dma_start3A_785] : memref<512x2048xf32, #tpu.memory_space<hbm>> -> memref<1x2048xf32, #tpu.memory_space<hbm>>
          tpu.enqueue_dma source(%dma_start3A_786 : memref<1x2048xf32, #tpu.memory_space<hbm>>) target(%dma_start3A_784 : memref<1x2048xf32, #tpu.memory_space<vmem>>) target_semaphore(%arg15 : memref<!tpu.dma_semaphore, #tpu.memory_space<semaphore_mem>>)
        } else {
        }
        %eq3A_378 = arith.constant 11 : i32
        %eq3A_379 = vector.broadcast %eq3A_378 : i32 to vector<16xi32>
        %eq3A_380 = arith.cmpi eq, %iota3A, %eq3A_379 : vector<16xi32>
        %jit3A_381 = arith.constant -1 : i32
        %broadcast_in_dim3A_382 = vector.broadcast %jit3A_381 : i32 to vector<16xi32>
        %select_n3A_383 = arith.select %eq3A_380, %select_n3A, %broadcast_in_dim3A_382 : vector<16xi1>, vector<16xi32>
        %reduce_max3A_384 = arith.constant true
        %reduce_max3A_385 = vector.broadcast %reduce_max3A_384 : i1 to vector<16xi1>
        %reduce_max3A_386 = arith.constant -2147483648 : i32
        %reduce_max3A_387 = vector.broadcast %reduce_max3A_386 : i32 to vector<16xi32>
        %reduce_max3A_388 = arith.xori %select_n3A_383, %reduce_max3A_387 : vector<16xi32>
        %reduce_max3A_389 = tpu.scan <max>, %reduce_max3A_388 masked %reduce_max3A_385 : vector<16xi32>, vector<16xi1> -> vector<16xi32>
        %reduce_max3A_390 = arith.xori %reduce_max3A_389, %reduce_max3A_387 : vector<16xi32>
        %reduce_max3A_391 = vector.extract %reduce_max3A_390[15] : i32 from vector<16xi32>
        %ge3A_392 = arith.constant 0 : i32
        %ge3A_393 = arith.cmpi sge, %reduce_max3A_391, %ge3A_392 : i32
        %convert_element_type3A_394 = arith.extui %ge3A_393 : i1 to i32
        %cond3A_395 = arith.constant 0 : i32
        %cond3A_396 = arith.cmpi ne, %convert_element_type3A_394, %cond3A_395 : i32
        scf.if %cond3A_396 {
          %dma_start3A_777 = arith.constant 11 : i32
          %dma_start3A_778 = arith.constant 0 : i32
          %dma_start3A_779 = tpu.memref_slice %arg9[%dma_start3A_777, %dma_start3A_778] : memref<16x2048xf32, #tpu.memory_space<vmem>> -> memref<1x2048xf32, #tpu.memory_space<vmem>>
          %dma_start3A_780 = arith.constant 0 : i32
          %dma_start3A_781 = tpu.memref_slice %arg4[%reduce_max3A_391, %dma_start3A_780] : memref<512x2048xf32, #tpu.memory_space<hbm>> -> memref<1x2048xf32, #tpu.memory_space<hbm>>
          %dma_start3A_782 = arith.constant 11 : i32
          %dma_start3A_783 = arith.constant 0 : i32
          %dma_start3A_784 = tpu.memref_slice %arg9[%dma_start3A_782, %dma_start3A_783] : memref<16x2048xf32, #tpu.memory_space<vmem>> -> memref<1x2048xf32, #tpu.memory_space<vmem>>
          %dma_start3A_785 = arith.constant 0 : i32
          %dma_start3A_786 = tpu.memref_slice %arg4[%reduce_max3A_391, %dma_start3A_785] : memref<512x2048xf32, #tpu.memory_space<hbm>> -> memref<1x2048xf32, #tpu.memory_space<hbm>>
          tpu.enqueue_dma source(%dma_start3A_786 : memref<1x2048xf32, #tpu.memory_space<hbm>>) target(%dma_start3A_784 : memref<1x2048xf32, #tpu.memory_space<vmem>>) target_semaphore(%arg15 : memref<!tpu.dma_semaphore, #tpu.memory_space<semaphore_mem>>)
        } else {
        }
        %eq3A_397 = arith.constant 12 : i32
        %eq3A_398 = vector.broadcast %eq3A_397 : i32 to vector<16xi32>
        %eq3A_399 = arith.cmpi eq, %iota3A, %eq3A_398 : vector<16xi32>
        %jit3A_400 = arith.constant -1 : i32
        %broadcast_in_dim3A_401 = vector.broadcast %jit3A_400 : i32 to vector<16xi32>
        %select_n3A_402 = arith.select %eq3A_399, %select_n3A, %broadcast_in_dim3A_401 : vector<16xi1>, vector<16xi32>
        %reduce_max3A_403 = arith.constant true
        %reduce_max3A_404 = vector.broadcast %reduce_max3A_403 : i1 to vector<16xi1>
        %reduce_max3A_405 = arith.constant -2147483648 : i32
        %reduce_max3A_406 = vector.broadcast %reduce_max3A_405 : i32 to vector<16xi32>
        %reduce_max3A_407 = arith.xori %select_n3A_402, %reduce_max3A_406 : vector<16xi32>
        %reduce_max3A_408 = tpu.scan <max>, %reduce_max3A_407 masked %reduce_max3A_404 : vector<16xi32>, vector<16xi1> -> vector<16xi32>
        %reduce_max3A_409 = arith.xori %reduce_max3A_408, %reduce_max3A_406 : vector<16xi32>
        %reduce_max3A_410 = vector.extract %reduce_max3A_409[15] : i32 from vector<16xi32>
        %ge3A_411 = arith.constant 0 : i32
        %ge3A_412 = arith.cmpi sge, %reduce_max3A_410, %ge3A_411 : i32
        %convert_element_type3A_413 = arith.extui %ge3A_412 : i1 to i32
        %cond3A_414 = arith.constant 0 : i32
        %cond3A_415 = arith.cmpi ne, %convert_element_type3A_413, %cond3A_414 : i32
        scf.if %cond3A_415 {
          %dma_start3A_777 = arith.constant 12 : i32
          %dma_start3A_778 = arith.constant 0 : i32
          %dma_start3A_779 = tpu.memref_slice %arg9[%dma_start3A_777, %dma_start3A_778] : memref<16x2048xf32, #tpu.memory_space<vmem>> -> memref<1x2048xf32, #tpu.memory_space<vmem>>
          %dma_start3A_780 = arith.constant 0 : i32
          %dma_start3A_781 = tpu.memref_slice %arg4[%reduce_max3A_410, %dma_start3A_780] : memref<512x2048xf32, #tpu.memory_space<hbm>> -> memref<1x2048xf32, #tpu.memory_space<hbm>>
          %dma_start3A_782 = arith.constant 12 : i32
          %dma_start3A_783 = arith.constant 0 : i32
          %dma_start3A_784 = tpu.memref_slice %arg9[%dma_start3A_782, %dma_start3A_783] : memref<16x2048xf32, #tpu.memory_space<vmem>> -> memref<1x2048xf32, #tpu.memory_space<vmem>>
          %dma_start3A_785 = arith.constant 0 : i32
          %dma_start3A_786 = tpu.memref_slice %arg4[%reduce_max3A_410, %dma_start3A_785] : memref<512x2048xf32, #tpu.memory_space<hbm>> -> memref<1x2048xf32, #tpu.memory_space<hbm>>
          tpu.enqueue_dma source(%dma_start3A_786 : memref<1x2048xf32, #tpu.memory_space<hbm>>) target(%dma_start3A_784 : memref<1x2048xf32, #tpu.memory_space<vmem>>) target_semaphore(%arg15 : memref<!tpu.dma_semaphore, #tpu.memory_space<semaphore_mem>>)
        } else {
        }
        %eq3A_416 = arith.constant 13 : i32
        %eq3A_417 = vector.broadcast %eq3A_416 : i32 to vector<16xi32>
        %eq3A_418 = arith.cmpi eq, %iota3A, %eq3A_417 : vector<16xi32>
        %jit3A_419 = arith.constant -1 : i32
        %broadcast_in_dim3A_420 = vector.broadcast %jit3A_419 : i32 to vector<16xi32>
        %select_n3A_421 = arith.select %eq3A_418, %select_n3A, %broadcast_in_dim3A_420 : vector<16xi1>, vector<16xi32>
        %reduce_max3A_422 = arith.constant true
        %reduce_max3A_423 = vector.broadcast %reduce_max3A_422 : i1 to vector<16xi1>
        %reduce_max3A_424 = arith.constant -2147483648 : i32
        %reduce_max3A_425 = vector.broadcast %reduce_max3A_424 : i32 to vector<16xi32>
        %reduce_max3A_426 = arith.xori %select_n3A_421, %reduce_max3A_425 : vector<16xi32>
        %reduce_max3A_427 = tpu.scan <max>, %reduce_max3A_426 masked %reduce_max3A_423 : vector<16xi32>, vector<16xi1> -> vector<16xi32>
        %reduce_max3A_428 = arith.xori %reduce_max3A_427, %reduce_max3A_425 : vector<16xi32>
        %reduce_max3A_429 = vector.extract %reduce_max3A_428[15] : i32 from vector<16xi32>
        %ge3A_430 = arith.constant 0 : i32
        %ge3A_431 = arith.cmpi sge, %reduce_max3A_429, %ge3A_430 : i32
        %convert_element_type3A_432 = arith.extui %ge3A_431 : i1 to i32
        %cond3A_433 = arith.constant 0 : i32
        %cond3A_434 = arith.cmpi ne, %convert_element_type3A_432, %cond3A_433 : i32
        scf.if %cond3A_434 {
          %dma_start3A_777 = arith.constant 13 : i32
          %dma_start3A_778 = arith.constant 0 : i32
          %dma_start3A_779 = tpu.memref_slice %arg9[%dma_start3A_777, %dma_start3A_778] : memref<16x2048xf32, #tpu.memory_space<vmem>> -> memref<1x2048xf32, #tpu.memory_space<vmem>>
          %dma_start3A_780 = arith.constant 0 : i32
          %dma_start3A_781 = tpu.memref_slice %arg4[%reduce_max3A_429, %dma_start3A_780] : memref<512x2048xf32, #tpu.memory_space<hbm>> -> memref<1x2048xf32, #tpu.memory_space<hbm>>
          %dma_start3A_782 = arith.constant 13 : i32
          %dma_start3A_783 = arith.constant 0 : i32
          %dma_start3A_784 = tpu.memref_slice %arg9[%dma_start3A_782, %dma_start3A_783] : memref<16x2048xf32, #tpu.memory_space<vmem>> -> memref<1x2048xf32, #tpu.memory_space<vmem>>
          %dma_start3A_785 = arith.constant 0 : i32
          %dma_start3A_786 = tpu.memref_slice %arg4[%reduce_max3A_429, %dma_start3A_785] : memref<512x2048xf32, #tpu.memory_space<hbm>> -> memref<1x2048xf32, #tpu.memory_space<hbm>>
          tpu.enqueue_dma source(%dma_start3A_786 : memref<1x2048xf32, #tpu.memory_space<hbm>>) target(%dma_start3A_784 : memref<1x2048xf32, #tpu.memory_space<vmem>>) target_semaphore(%arg15 : memref<!tpu.dma_semaphore, #tpu.memory_space<semaphore_mem>>)
        } else {
        }
        %eq3A_435 = arith.constant 14 : i32
        %eq3A_436 = vector.broadcast %eq3A_435 : i32 to vector<16xi32>
        %eq3A_437 = arith.cmpi eq, %iota3A, %eq3A_436 : vector<16xi32>
        %jit3A_438 = arith.constant -1 : i32
        %broadcast_in_dim3A_439 = vector.broadcast %jit3A_438 : i32 to vector<16xi32>
        %select_n3A_440 = arith.select %eq3A_437, %select_n3A, %broadcast_in_dim3A_439 : vector<16xi1>, vector<16xi32>
        %reduce_max3A_441 = arith.constant true
        %reduce_max3A_442 = vector.broadcast %reduce_max3A_441 : i1 to vector<16xi1>
        %reduce_max3A_443 = arith.constant -2147483648 : i32
        %reduce_max3A_444 = vector.broadcast %reduce_max3A_443 : i32 to vector<16xi32>
        %reduce_max3A_445 = arith.xori %select_n3A_440, %reduce_max3A_444 : vector<16xi32>
        %reduce_max3A_446 = tpu.scan <max>, %reduce_max3A_445 masked %reduce_max3A_442 : vector<16xi32>, vector<16xi1> -> vector<16xi32>
        %reduce_max3A_447 = arith.xori %reduce_max3A_446, %reduce_max3A_444 : vector<16xi32>
        %reduce_max3A_448 = vector.extract %reduce_max3A_447[15] : i32 from vector<16xi32>
        %ge3A_449 = arith.constant 0 : i32
        %ge3A_450 = arith.cmpi sge, %reduce_max3A_448, %ge3A_449 : i32
        %convert_element_type3A_451 = arith.extui %ge3A_450 : i1 to i32
        %cond3A_452 = arith.constant 0 : i32
        %cond3A_453 = arith.cmpi ne, %convert_element_type3A_451, %cond3A_452 : i32
        scf.if %cond3A_453 {
          %dma_start3A_777 = arith.constant 14 : i32
          %dma_start3A_778 = arith.constant 0 : i32
          %dma_start3A_779 = tpu.memref_slice %arg9[%dma_start3A_777, %dma_start3A_778] : memref<16x2048xf32, #tpu.memory_space<vmem>> -> memref<1x2048xf32, #tpu.memory_space<vmem>>
          %dma_start3A_780 = arith.constant 0 : i32
          %dma_start3A_781 = tpu.memref_slice %arg4[%reduce_max3A_448, %dma_start3A_780] : memref<512x2048xf32, #tpu.memory_space<hbm>> -> memref<1x2048xf32, #tpu.memory_space<hbm>>
          %dma_start3A_782 = arith.constant 14 : i32
          %dma_start3A_783 = arith.constant 0 : i32
          %dma_start3A_784 = tpu.memref_slice %arg9[%dma_start3A_782, %dma_start3A_783] : memref<16x2048xf32, #tpu.memory_space<vmem>> -> memref<1x2048xf32, #tpu.memory_space<vmem>>
          %dma_start3A_785 = arith.constant 0 : i32
          %dma_start3A_786 = tpu.memref_slice %arg4[%reduce_max3A_448, %dma_start3A_785] : memref<512x2048xf32, #tpu.memory_space<hbm>> -> memref<1x2048xf32, #tpu.memory_space<hbm>>
          tpu.enqueue_dma source(%dma_start3A_786 : memref<1x2048xf32, #tpu.memory_space<hbm>>) target(%dma_start3A_784 : memref<1x2048xf32, #tpu.memory_space<vmem>>) target_semaphore(%arg15 : memref<!tpu.dma_semaphore, #tpu.memory_space<semaphore_mem>>)
        } else {
        }
        %eq3A_454 = arith.constant 15 : i32
        %eq3A_455 = vector.broadcast %eq3A_454 : i32 to vector<16xi32>
        %eq3A_456 = arith.cmpi eq, %iota3A, %eq3A_455 : vector<16xi32>
        %jit3A_457 = arith.constant -1 : i32
        %broadcast_in_dim3A_458 = vector.broadcast %jit3A_457 : i32 to vector<16xi32>
        %select_n3A_459 = arith.select %eq3A_456, %select_n3A, %broadcast_in_dim3A_458 : vector<16xi1>, vector<16xi32>
        %reduce_max3A_460 = arith.constant true
        %reduce_max3A_461 = vector.broadcast %reduce_max3A_460 : i1 to vector<16xi1>
        %reduce_max3A_462 = arith.constant -2147483648 : i32
        %reduce_max3A_463 = vector.broadcast %reduce_max3A_462 : i32 to vector<16xi32>
        %reduce_max3A_464 = arith.xori %select_n3A_459, %reduce_max3A_463 : vector<16xi32>
        %reduce_max3A_465 = tpu.scan <max>, %reduce_max3A_464 masked %reduce_max3A_461 : vector<16xi32>, vector<16xi1> -> vector<16xi32>
        %reduce_max3A_466 = arith.xori %reduce_max3A_465, %reduce_max3A_463 : vector<16xi32>
        %reduce_max3A_467 = vector.extract %reduce_max3A_466[15] : i32 from vector<16xi32>
        %ge3A_468 = arith.constant 0 : i32
        %ge3A_469 = arith.cmpi sge, %reduce_max3A_467, %ge3A_468 : i32
        %convert_element_type3A_470 = arith.extui %ge3A_469 : i1 to i32
        %cond3A_471 = arith.constant 0 : i32
        %cond3A_472 = arith.cmpi ne, %convert_element_type3A_470, %cond3A_471 : i32
        scf.if %cond3A_472 {
          %dma_start3A_777 = arith.constant 15 : i32
          %dma_start3A_778 = arith.constant 0 : i32
          %dma_start3A_779 = tpu.memref_slice %arg9[%dma_start3A_777, %dma_start3A_778] : memref<16x2048xf32, #tpu.memory_space<vmem>> -> memref<1x2048xf32, #tpu.memory_space<vmem>>
          %dma_start3A_780 = arith.constant 0 : i32
          %dma_start3A_781 = tpu.memref_slice %arg4[%reduce_max3A_467, %dma_start3A_780] : memref<512x2048xf32, #tpu.memory_space<hbm>> -> memref<1x2048xf32, #tpu.memory_space<hbm>>
          %dma_start3A_782 = arith.constant 15 : i32
          %dma_start3A_783 = arith.constant 0 : i32
          %dma_start3A_784 = tpu.memref_slice %arg9[%dma_start3A_782, %dma_start3A_783] : memref<16x2048xf32, #tpu.memory_space<vmem>> -> memref<1x2048xf32, #tpu.memory_space<vmem>>
          %dma_start3A_785 = arith.constant 0 : i32
          %dma_start3A_786 = tpu.memref_slice %arg4[%reduce_max3A_467, %dma_start3A_785] : memref<512x2048xf32, #tpu.memory_space<hbm>> -> memref<1x2048xf32, #tpu.memory_space<hbm>>
          tpu.enqueue_dma source(%dma_start3A_786 : memref<1x2048xf32, #tpu.memory_space<hbm>>) target(%dma_start3A_784 : memref<1x2048xf32, #tpu.memory_space<vmem>>) target_semaphore(%arg15 : memref<!tpu.dma_semaphore, #tpu.memory_space<semaphore_mem>>)
        } else {
        }
        %eq3A_473 = arith.constant 0 : i32
        %eq3A_474 = vector.broadcast %eq3A_473 : i32 to vector<16xi32>
        %eq3A_475 = arith.cmpi eq, %iota3A, %eq3A_474 : vector<16xi32>
        %jit3A_476 = arith.constant -1 : i32
        %broadcast_in_dim3A_477 = vector.broadcast %jit3A_476 : i32 to vector<16xi32>
        %select_n3A_478 = arith.select %eq3A_475, %select_n3A, %broadcast_in_dim3A_477 : vector<16xi1>, vector<16xi32>
        %reduce_max3A_479 = arith.constant true
        %reduce_max3A_480 = vector.broadcast %reduce_max3A_479 : i1 to vector<16xi1>
        %reduce_max3A_481 = arith.constant -2147483648 : i32
        %reduce_max3A_482 = vector.broadcast %reduce_max3A_481 : i32 to vector<16xi32>
        %reduce_max3A_483 = arith.xori %select_n3A_478, %reduce_max3A_482 : vector<16xi32>
        %reduce_max3A_484 = tpu.scan <max>, %reduce_max3A_483 masked %reduce_max3A_480 : vector<16xi32>, vector<16xi1> -> vector<16xi32>
        %reduce_max3A_485 = arith.xori %reduce_max3A_484, %reduce_max3A_482 : vector<16xi32>
        %reduce_max3A_486 = vector.extract %reduce_max3A_485[15] : i32 from vector<16xi32>
        %ge3A_487 = arith.constant 0 : i32
        %ge3A_488 = arith.cmpi sge, %reduce_max3A_486, %ge3A_487 : i32
        %convert_element_type3A_489 = arith.extui %ge3A_488 : i1 to i32
        %cond3A_490 = arith.constant 0 : i32
        %cond3A_491 = arith.cmpi ne, %convert_element_type3A_489, %cond3A_490 : i32
        scf.if %cond3A_491 {
          %dma_wait3A_777 = arith.constant 0 : i32
          %dma_wait3A_778 = arith.constant 0 : i32
          %dma_wait3A_779 = tpu.memref_slice %arg9[%dma_wait3A_777, %dma_wait3A_778] : memref<16x2048xf32, #tpu.memory_space<vmem>> -> memref<1x2048xf32, #tpu.memory_space<vmem>>
          %dma_wait3A_780 = arith.constant 0 : i32
          %dma_wait3A_781 = arith.constant 0 : i32
          %dma_wait3A_782 = tpu.memref_slice %arg4[%dma_wait3A_780, %dma_wait3A_781] : memref<512x2048xf32, #tpu.memory_space<hbm>> -> memref<1x2048xf32, #tpu.memory_space<hbm>>
          %dma_wait3A_783 = arith.constant 0 : i32
          %dma_wait3A_784 = arith.constant 0 : i32
          %dma_wait3A_785 = tpu.memref_slice %arg9[%dma_wait3A_783, %dma_wait3A_784] : memref<16x2048xf32, #tpu.memory_space<vmem>> -> memref<1x2048xf32, #tpu.memory_space<vmem>>
          %dma_wait3A_786 = arith.constant 0 : i32
          %dma_wait3A_787 = arith.constant 0 : i32
          %dma_wait3A_788 = tpu.memref_slice %arg4[%dma_wait3A_786, %dma_wait3A_787] : memref<512x2048xf32, #tpu.memory_space<hbm>> -> memref<1x2048xf32, #tpu.memory_space<hbm>>
          tpu.wait_dma2 semaphore(%arg15 : memref<!tpu.dma_semaphore, #tpu.memory_space<semaphore_mem>>) src(%dma_wait3A_788 : memref<1x2048xf32, #tpu.memory_space<hbm>>) dst(%dma_wait3A_785 : memref<1x2048xf32, #tpu.memory_space<vmem>>)
        } else {
        }
        %eq3A_492 = arith.constant 1 : i32
        %eq3A_493 = vector.broadcast %eq3A_492 : i32 to vector<16xi32>
        %eq3A_494 = arith.cmpi eq, %iota3A, %eq3A_493 : vector<16xi32>
        %jit3A_495 = arith.constant -1 : i32
        %broadcast_in_dim3A_496 = vector.broadcast %jit3A_495 : i32 to vector<16xi32>
        %select_n3A_497 = arith.select %eq3A_494, %select_n3A, %broadcast_in_dim3A_496 : vector<16xi1>, vector<16xi32>
        %reduce_max3A_498 = arith.constant true
        %reduce_max3A_499 = vector.broadcast %reduce_max3A_498 : i1 to vector<16xi1>
        %reduce_max3A_500 = arith.constant -2147483648 : i32
        %reduce_max3A_501 = vector.broadcast %reduce_max3A_500 : i32 to vector<16xi32>
        %reduce_max3A_502 = arith.xori %select_n3A_497, %reduce_max3A_501 : vector<16xi32>
        %reduce_max3A_503 = tpu.scan <max>, %reduce_max3A_502 masked %reduce_max3A_499 : vector<16xi32>, vector<16xi1> -> vector<16xi32>
        %reduce_max3A_504 = arith.xori %reduce_max3A_503, %reduce_max3A_501 : vector<16xi32>
        %reduce_max3A_505 = vector.extract %reduce_max3A_504[15] : i32 from vector<16xi32>
        %ge3A_506 = arith.constant 0 : i32
        %ge3A_507 = arith.cmpi sge, %reduce_max3A_505, %ge3A_506 : i32
        %convert_element_type3A_508 = arith.extui %ge3A_507 : i1 to i32
        %cond3A_509 = arith.constant 0 : i32
        %cond3A_510 = arith.cmpi ne, %convert_element_type3A_508, %cond3A_509 : i32
        scf.if %cond3A_510 {
          %dma_wait3A_777 = arith.constant 1 : i32
          %dma_wait3A_778 = arith.constant 0 : i32
          %dma_wait3A_779 = tpu.memref_slice %arg9[%dma_wait3A_777, %dma_wait3A_778] : memref<16x2048xf32, #tpu.memory_space<vmem>> -> memref<1x2048xf32, #tpu.memory_space<vmem>>
          %dma_wait3A_780 = arith.constant 0 : i32
          %dma_wait3A_781 = arith.constant 0 : i32
          %dma_wait3A_782 = tpu.memref_slice %arg4[%dma_wait3A_780, %dma_wait3A_781] : memref<512x2048xf32, #tpu.memory_space<hbm>> -> memref<1x2048xf32, #tpu.memory_space<hbm>>
          %dma_wait3A_783 = arith.constant 1 : i32
          %dma_wait3A_784 = arith.constant 0 : i32
          %dma_wait3A_785 = tpu.memref_slice %arg9[%dma_wait3A_783, %dma_wait3A_784] : memref<16x2048xf32, #tpu.memory_space<vmem>> -> memref<1x2048xf32, #tpu.memory_space<vmem>>
          %dma_wait3A_786 = arith.constant 0 : i32
          %dma_wait3A_787 = arith.constant 0 : i32
          %dma_wait3A_788 = tpu.memref_slice %arg4[%dma_wait3A_786, %dma_wait3A_787] : memref<512x2048xf32, #tpu.memory_space<hbm>> -> memref<1x2048xf32, #tpu.memory_space<hbm>>
          tpu.wait_dma2 semaphore(%arg15 : memref<!tpu.dma_semaphore, #tpu.memory_space<semaphore_mem>>) src(%dma_wait3A_788 : memref<1x2048xf32, #tpu.memory_space<hbm>>) dst(%dma_wait3A_785 : memref<1x2048xf32, #tpu.memory_space<vmem>>)
        } else {
        }
        %eq3A_511 = arith.constant 2 : i32
        %eq3A_512 = vector.broadcast %eq3A_511 : i32 to vector<16xi32>
        %eq3A_513 = arith.cmpi eq, %iota3A, %eq3A_512 : vector<16xi32>
        %jit3A_514 = arith.constant -1 : i32
        %broadcast_in_dim3A_515 = vector.broadcast %jit3A_514 : i32 to vector<16xi32>
        %select_n3A_516 = arith.select %eq3A_513, %select_n3A, %broadcast_in_dim3A_515 : vector<16xi1>, vector<16xi32>
        %reduce_max3A_517 = arith.constant true
        %reduce_max3A_518 = vector.broadcast %reduce_max3A_517 : i1 to vector<16xi1>
        %reduce_max3A_519 = arith.constant -2147483648 : i32
        %reduce_max3A_520 = vector.broadcast %reduce_max3A_519 : i32 to vector<16xi32>
        %reduce_max3A_521 = arith.xori %select_n3A_516, %reduce_max3A_520 : vector<16xi32>
        %reduce_max3A_522 = tpu.scan <max>, %reduce_max3A_521 masked %reduce_max3A_518 : vector<16xi32>, vector<16xi1> -> vector<16xi32>
        %reduce_max3A_523 = arith.xori %reduce_max3A_522, %reduce_max3A_520 : vector<16xi32>
        %reduce_max3A_524 = vector.extract %reduce_max3A_523[15] : i32 from vector<16xi32>
        %ge3A_525 = arith.constant 0 : i32
        %ge3A_526 = arith.cmpi sge, %reduce_max3A_524, %ge3A_525 : i32
        %convert_element_type3A_527 = arith.extui %ge3A_526 : i1 to i32
        %cond3A_528 = arith.constant 0 : i32
        %cond3A_529 = arith.cmpi ne, %convert_element_type3A_527, %cond3A_528 : i32
        scf.if %cond3A_529 {
          %dma_wait3A_777 = arith.constant 2 : i32
          %dma_wait3A_778 = arith.constant 0 : i32
          %dma_wait3A_779 = tpu.memref_slice %arg9[%dma_wait3A_777, %dma_wait3A_778] : memref<16x2048xf32, #tpu.memory_space<vmem>> -> memref<1x2048xf32, #tpu.memory_space<vmem>>
          %dma_wait3A_780 = arith.constant 0 : i32
          %dma_wait3A_781 = arith.constant 0 : i32
          %dma_wait3A_782 = tpu.memref_slice %arg4[%dma_wait3A_780, %dma_wait3A_781] : memref<512x2048xf32, #tpu.memory_space<hbm>> -> memref<1x2048xf32, #tpu.memory_space<hbm>>
          %dma_wait3A_783 = arith.constant 2 : i32
          %dma_wait3A_784 = arith.constant 0 : i32
          %dma_wait3A_785 = tpu.memref_slice %arg9[%dma_wait3A_783, %dma_wait3A_784] : memref<16x2048xf32, #tpu.memory_space<vmem>> -> memref<1x2048xf32, #tpu.memory_space<vmem>>
          %dma_wait3A_786 = arith.constant 0 : i32
          %dma_wait3A_787 = arith.constant 0 : i32
          %dma_wait3A_788 = tpu.memref_slice %arg4[%dma_wait3A_786, %dma_wait3A_787] : memref<512x2048xf32, #tpu.memory_space<hbm>> -> memref<1x2048xf32, #tpu.memory_space<hbm>>
          tpu.wait_dma2 semaphore(%arg15 : memref<!tpu.dma_semaphore, #tpu.memory_space<semaphore_mem>>) src(%dma_wait3A_788 : memref<1x2048xf32, #tpu.memory_space<hbm>>) dst(%dma_wait3A_785 : memref<1x2048xf32, #tpu.memory_space<vmem>>)
        } else {
        }
        %eq3A_530 = arith.constant 3 : i32
        %eq3A_531 = vector.broadcast %eq3A_530 : i32 to vector<16xi32>
        %eq3A_532 = arith.cmpi eq, %iota3A, %eq3A_531 : vector<16xi32>
        %jit3A_533 = arith.constant -1 : i32
        %broadcast_in_dim3A_534 = vector.broadcast %jit3A_533 : i32 to vector<16xi32>
        %select_n3A_535 = arith.select %eq3A_532, %select_n3A, %broadcast_in_dim3A_534 : vector<16xi1>, vector<16xi32>
        %reduce_max3A_536 = arith.constant true
        %reduce_max3A_537 = vector.broadcast %reduce_max3A_536 : i1 to vector<16xi1>
        %reduce_max3A_538 = arith.constant -2147483648 : i32
        %reduce_max3A_539 = vector.broadcast %reduce_max3A_538 : i32 to vector<16xi32>
        %reduce_max3A_540 = arith.xori %select_n3A_535, %reduce_max3A_539 : vector<16xi32>
        %reduce_max3A_541 = tpu.scan <max>, %reduce_max3A_540 masked %reduce_max3A_537 : vector<16xi32>, vector<16xi1> -> vector<16xi32>
        %reduce_max3A_542 = arith.xori %reduce_max3A_541, %reduce_max3A_539 : vector<16xi32>
        %reduce_max3A_543 = vector.extract %reduce_max3A_542[15] : i32 from vector<16xi32>
        %ge3A_544 = arith.constant 0 : i32
        %ge3A_545 = arith.cmpi sge, %reduce_max3A_543, %ge3A_544 : i32
        %convert_element_type3A_546 = arith.extui %ge3A_545 : i1 to i32
        %cond3A_547 = arith.constant 0 : i32
        %cond3A_548 = arith.cmpi ne, %convert_element_type3A_546, %cond3A_547 : i32
        scf.if %cond3A_548 {
          %dma_wait3A_777 = arith.constant 3 : i32
          %dma_wait3A_778 = arith.constant 0 : i32
          %dma_wait3A_779 = tpu.memref_slice %arg9[%dma_wait3A_777, %dma_wait3A_778] : memref<16x2048xf32, #tpu.memory_space<vmem>> -> memref<1x2048xf32, #tpu.memory_space<vmem>>
          %dma_wait3A_780 = arith.constant 0 : i32
          %dma_wait3A_781 = arith.constant 0 : i32
          %dma_wait3A_782 = tpu.memref_slice %arg4[%dma_wait3A_780, %dma_wait3A_781] : memref<512x2048xf32, #tpu.memory_space<hbm>> -> memref<1x2048xf32, #tpu.memory_space<hbm>>
          %dma_wait3A_783 = arith.constant 3 : i32
          %dma_wait3A_784 = arith.constant 0 : i32
          %dma_wait3A_785 = tpu.memref_slice %arg9[%dma_wait3A_783, %dma_wait3A_784] : memref<16x2048xf32, #tpu.memory_space<vmem>> -> memref<1x2048xf32, #tpu.memory_space<vmem>>
          %dma_wait3A_786 = arith.constant 0 : i32
          %dma_wait3A_787 = arith.constant 0 : i32
          %dma_wait3A_788 = tpu.memref_slice %arg4[%dma_wait3A_786, %dma_wait3A_787] : memref<512x2048xf32, #tpu.memory_space<hbm>> -> memref<1x2048xf32, #tpu.memory_space<hbm>>
          tpu.wait_dma2 semaphore(%arg15 : memref<!tpu.dma_semaphore, #tpu.memory_space<semaphore_mem>>) src(%dma_wait3A_788 : memref<1x2048xf32, #tpu.memory_space<hbm>>) dst(%dma_wait3A_785 : memref<1x2048xf32, #tpu.memory_space<vmem>>)
        } else {
        }
        %eq3A_549 = arith.constant 4 : i32
        %eq3A_550 = vector.broadcast %eq3A_549 : i32 to vector<16xi32>
        %eq3A_551 = arith.cmpi eq, %iota3A, %eq3A_550 : vector<16xi32>
        %jit3A_552 = arith.constant -1 : i32
        %broadcast_in_dim3A_553 = vector.broadcast %jit3A_552 : i32 to vector<16xi32>
        %select_n3A_554 = arith.select %eq3A_551, %select_n3A, %broadcast_in_dim3A_553 : vector<16xi1>, vector<16xi32>
        %reduce_max3A_555 = arith.constant true
        %reduce_max3A_556 = vector.broadcast %reduce_max3A_555 : i1 to vector<16xi1>
        %reduce_max3A_557 = arith.constant -2147483648 : i32
        %reduce_max3A_558 = vector.broadcast %reduce_max3A_557 : i32 to vector<16xi32>
        %reduce_max3A_559 = arith.xori %select_n3A_554, %reduce_max3A_558 : vector<16xi32>
        %reduce_max3A_560 = tpu.scan <max>, %reduce_max3A_559 masked %reduce_max3A_556 : vector<16xi32>, vector<16xi1> -> vector<16xi32>
        %reduce_max3A_561 = arith.xori %reduce_max3A_560, %reduce_max3A_558 : vector<16xi32>
        %reduce_max3A_562 = vector.extract %reduce_max3A_561[15] : i32 from vector<16xi32>
        %ge3A_563 = arith.constant 0 : i32
        %ge3A_564 = arith.cmpi sge, %reduce_max3A_562, %ge3A_563 : i32
        %convert_element_type3A_565 = arith.extui %ge3A_564 : i1 to i32
        %cond3A_566 = arith.constant 0 : i32
        %cond3A_567 = arith.cmpi ne, %convert_element_type3A_565, %cond3A_566 : i32
        scf.if %cond3A_567 {
          %dma_wait3A_777 = arith.constant 4 : i32
          %dma_wait3A_778 = arith.constant 0 : i32
          %dma_wait3A_779 = tpu.memref_slice %arg9[%dma_wait3A_777, %dma_wait3A_778] : memref<16x2048xf32, #tpu.memory_space<vmem>> -> memref<1x2048xf32, #tpu.memory_space<vmem>>
          %dma_wait3A_780 = arith.constant 0 : i32
          %dma_wait3A_781 = arith.constant 0 : i32
          %dma_wait3A_782 = tpu.memref_slice %arg4[%dma_wait3A_780, %dma_wait3A_781] : memref<512x2048xf32, #tpu.memory_space<hbm>> -> memref<1x2048xf32, #tpu.memory_space<hbm>>
          %dma_wait3A_783 = arith.constant 4 : i32
          %dma_wait3A_784 = arith.constant 0 : i32
          %dma_wait3A_785 = tpu.memref_slice %arg9[%dma_wait3A_783, %dma_wait3A_784] : memref<16x2048xf32, #tpu.memory_space<vmem>> -> memref<1x2048xf32, #tpu.memory_space<vmem>>
          %dma_wait3A_786 = arith.constant 0 : i32
          %dma_wait3A_787 = arith.constant 0 : i32
          %dma_wait3A_788 = tpu.memref_slice %arg4[%dma_wait3A_786, %dma_wait3A_787] : memref<512x2048xf32, #tpu.memory_space<hbm>> -> memref<1x2048xf32, #tpu.memory_space<hbm>>
          tpu.wait_dma2 semaphore(%arg15 : memref<!tpu.dma_semaphore, #tpu.memory_space<semaphore_mem>>) src(%dma_wait3A_788 : memref<1x2048xf32, #tpu.memory_space<hbm>>) dst(%dma_wait3A_785 : memref<1x2048xf32, #tpu.memory_space<vmem>>)
        } else {
        }
        %eq3A_568 = arith.constant 5 : i32
        %eq3A_569 = vector.broadcast %eq3A_568 : i32 to vector<16xi32>
        %eq3A_570 = arith.cmpi eq, %iota3A, %eq3A_569 : vector<16xi32>
        %jit3A_571 = arith.constant -1 : i32
        %broadcast_in_dim3A_572 = vector.broadcast %jit3A_571 : i32 to vector<16xi32>
        %select_n3A_573 = arith.select %eq3A_570, %select_n3A, %broadcast_in_dim3A_572 : vector<16xi1>, vector<16xi32>
        %reduce_max3A_574 = arith.constant true
        %reduce_max3A_575 = vector.broadcast %reduce_max3A_574 : i1 to vector<16xi1>
        %reduce_max3A_576 = arith.constant -2147483648 : i32
        %reduce_max3A_577 = vector.broadcast %reduce_max3A_576 : i32 to vector<16xi32>
        %reduce_max3A_578 = arith.xori %select_n3A_573, %reduce_max3A_577 : vector<16xi32>
        %reduce_max3A_579 = tpu.scan <max>, %reduce_max3A_578 masked %reduce_max3A_575 : vector<16xi32>, vector<16xi1> -> vector<16xi32>
        %reduce_max3A_580 = arith.xori %reduce_max3A_579, %reduce_max3A_577 : vector<16xi32>
        %reduce_max3A_581 = vector.extract %reduce_max3A_580[15] : i32 from vector<16xi32>
        %ge3A_582 = arith.constant 0 : i32
        %ge3A_583 = arith.cmpi sge, %reduce_max3A_581, %ge3A_582 : i32
        %convert_element_type3A_584 = arith.extui %ge3A_583 : i1 to i32
        %cond3A_585 = arith.constant 0 : i32
        %cond3A_586 = arith.cmpi ne, %convert_element_type3A_584, %cond3A_585 : i32
        scf.if %cond3A_586 {
          %dma_wait3A_777 = arith.constant 5 : i32
          %dma_wait3A_778 = arith.constant 0 : i32
          %dma_wait3A_779 = tpu.memref_slice %arg9[%dma_wait3A_777, %dma_wait3A_778] : memref<16x2048xf32, #tpu.memory_space<vmem>> -> memref<1x2048xf32, #tpu.memory_space<vmem>>
          %dma_wait3A_780 = arith.constant 0 : i32
          %dma_wait3A_781 = arith.constant 0 : i32
          %dma_wait3A_782 = tpu.memref_slice %arg4[%dma_wait3A_780, %dma_wait3A_781] : memref<512x2048xf32, #tpu.memory_space<hbm>> -> memref<1x2048xf32, #tpu.memory_space<hbm>>
          %dma_wait3A_783 = arith.constant 5 : i32
          %dma_wait3A_784 = arith.constant 0 : i32
          %dma_wait3A_785 = tpu.memref_slice %arg9[%dma_wait3A_783, %dma_wait3A_784] : memref<16x2048xf32, #tpu.memory_space<vmem>> -> memref<1x2048xf32, #tpu.memory_space<vmem>>
          %dma_wait3A_786 = arith.constant 0 : i32
          %dma_wait3A_787 = arith.constant 0 : i32
          %dma_wait3A_788 = tpu.memref_slice %arg4[%dma_wait3A_786, %dma_wait3A_787] : memref<512x2048xf32, #tpu.memory_space<hbm>> -> memref<1x2048xf32, #tpu.memory_space<hbm>>
          tpu.wait_dma2 semaphore(%arg15 : memref<!tpu.dma_semaphore, #tpu.memory_space<semaphore_mem>>) src(%dma_wait3A_788 : memref<1x2048xf32, #tpu.memory_space<hbm>>) dst(%dma_wait3A_785 : memref<1x2048xf32, #tpu.memory_space<vmem>>)
        } else {
        }
        %eq3A_587 = arith.constant 6 : i32
        %eq3A_588 = vector.broadcast %eq3A_587 : i32 to vector<16xi32>
        %eq3A_589 = arith.cmpi eq, %iota3A, %eq3A_588 : vector<16xi32>
        %jit3A_590 = arith.constant -1 : i32
        %broadcast_in_dim3A_591 = vector.broadcast %jit3A_590 : i32 to vector<16xi32>
        %select_n3A_592 = arith.select %eq3A_589, %select_n3A, %broadcast_in_dim3A_591 : vector<16xi1>, vector<16xi32>
        %reduce_max3A_593 = arith.constant true
        %reduce_max3A_594 = vector.broadcast %reduce_max3A_593 : i1 to vector<16xi1>
        %reduce_max3A_595 = arith.constant -2147483648 : i32
        %reduce_max3A_596 = vector.broadcast %reduce_max3A_595 : i32 to vector<16xi32>
        %reduce_max3A_597 = arith.xori %select_n3A_592, %reduce_max3A_596 : vector<16xi32>
        %reduce_max3A_598 = tpu.scan <max>, %reduce_max3A_597 masked %reduce_max3A_594 : vector<16xi32>, vector<16xi1> -> vector<16xi32>
        %reduce_max3A_599 = arith.xori %reduce_max3A_598, %reduce_max3A_596 : vector<16xi32>
        %reduce_max3A_600 = vector.extract %reduce_max3A_599[15] : i32 from vector<16xi32>
        %ge3A_601 = arith.constant 0 : i32
        %ge3A_602 = arith.cmpi sge, %reduce_max3A_600, %ge3A_601 : i32
        %convert_element_type3A_603 = arith.extui %ge3A_602 : i1 to i32
        %cond3A_604 = arith.constant 0 : i32
        %cond3A_605 = arith.cmpi ne, %convert_element_type3A_603, %cond3A_604 : i32
        scf.if %cond3A_605 {
          %dma_wait3A_777 = arith.constant 6 : i32
          %dma_wait3A_778 = arith.constant 0 : i32
          %dma_wait3A_779 = tpu.memref_slice %arg9[%dma_wait3A_777, %dma_wait3A_778] : memref<16x2048xf32, #tpu.memory_space<vmem>> -> memref<1x2048xf32, #tpu.memory_space<vmem>>
          %dma_wait3A_780 = arith.constant 0 : i32
          %dma_wait3A_781 = arith.constant 0 : i32
          %dma_wait3A_782 = tpu.memref_slice %arg4[%dma_wait3A_780, %dma_wait3A_781] : memref<512x2048xf32, #tpu.memory_space<hbm>> -> memref<1x2048xf32, #tpu.memory_space<hbm>>
          %dma_wait3A_783 = arith.constant 6 : i32
          %dma_wait3A_784 = arith.constant 0 : i32
          %dma_wait3A_785 = tpu.memref_slice %arg9[%dma_wait3A_783, %dma_wait3A_784] : memref<16x2048xf32, #tpu.memory_space<vmem>> -> memref<1x2048xf32, #tpu.memory_space<vmem>>
          %dma_wait3A_786 = arith.constant 0 : i32
          %dma_wait3A_787 = arith.constant 0 : i32
          %dma_wait3A_788 = tpu.memref_slice %arg4[%dma_wait3A_786, %dma_wait3A_787] : memref<512x2048xf32, #tpu.memory_space<hbm>> -> memref<1x2048xf32, #tpu.memory_space<hbm>>
          tpu.wait_dma2 semaphore(%arg15 : memref<!tpu.dma_semaphore, #tpu.memory_space<semaphore_mem>>) src(%dma_wait3A_788 : memref<1x2048xf32, #tpu.memory_space<hbm>>) dst(%dma_wait3A_785 : memref<1x2048xf32, #tpu.memory_space<vmem>>)
        } else {
        }
        %eq3A_606 = arith.constant 7 : i32
        %eq3A_607 = vector.broadcast %eq3A_606 : i32 to vector<16xi32>
        %eq3A_608 = arith.cmpi eq, %iota3A, %eq3A_607 : vector<16xi32>
        %jit3A_609 = arith.constant -1 : i32
        %broadcast_in_dim3A_610 = vector.broadcast %jit3A_609 : i32 to vector<16xi32>
        %select_n3A_611 = arith.select %eq3A_608, %select_n3A, %broadcast_in_dim3A_610 : vector<16xi1>, vector<16xi32>
        %reduce_max3A_612 = arith.constant true
        %reduce_max3A_613 = vector.broadcast %reduce_max3A_612 : i1 to vector<16xi1>
        %reduce_max3A_614 = arith.constant -2147483648 : i32
        %reduce_max3A_615 = vector.broadcast %reduce_max3A_614 : i32 to vector<16xi32>
        %reduce_max3A_616 = arith.xori %select_n3A_611, %reduce_max3A_615 : vector<16xi32>
        %reduce_max3A_617 = tpu.scan <max>, %reduce_max3A_616 masked %reduce_max3A_613 : vector<16xi32>, vector<16xi1> -> vector<16xi32>
        %reduce_max3A_618 = arith.xori %reduce_max3A_617, %reduce_max3A_615 : vector<16xi32>
        %reduce_max3A_619 = vector.extract %reduce_max3A_618[15] : i32 from vector<16xi32>
        %ge3A_620 = arith.constant 0 : i32
        %ge3A_621 = arith.cmpi sge, %reduce_max3A_619, %ge3A_620 : i32
        %convert_element_type3A_622 = arith.extui %ge3A_621 : i1 to i32
        %cond3A_623 = arith.constant 0 : i32
        %cond3A_624 = arith.cmpi ne, %convert_element_type3A_622, %cond3A_623 : i32
        scf.if %cond3A_624 {
          %dma_wait3A_777 = arith.constant 7 : i32
          %dma_wait3A_778 = arith.constant 0 : i32
          %dma_wait3A_779 = tpu.memref_slice %arg9[%dma_wait3A_777, %dma_wait3A_778] : memref<16x2048xf32, #tpu.memory_space<vmem>> -> memref<1x2048xf32, #tpu.memory_space<vmem>>
          %dma_wait3A_780 = arith.constant 0 : i32
          %dma_wait3A_781 = arith.constant 0 : i32
          %dma_wait3A_782 = tpu.memref_slice %arg4[%dma_wait3A_780, %dma_wait3A_781] : memref<512x2048xf32, #tpu.memory_space<hbm>> -> memref<1x2048xf32, #tpu.memory_space<hbm>>
          %dma_wait3A_783 = arith.constant 7 : i32
          %dma_wait3A_784 = arith.constant 0 : i32
          %dma_wait3A_785 = tpu.memref_slice %arg9[%dma_wait3A_783, %dma_wait3A_784] : memref<16x2048xf32, #tpu.memory_space<vmem>> -> memref<1x2048xf32, #tpu.memory_space<vmem>>
          %dma_wait3A_786 = arith.constant 0 : i32
          %dma_wait3A_787 = arith.constant 0 : i32
          %dma_wait3A_788 = tpu.memref_slice %arg4[%dma_wait3A_786, %dma_wait3A_787] : memref<512x2048xf32, #tpu.memory_space<hbm>> -> memref<1x2048xf32, #tpu.memory_space<hbm>>
          tpu.wait_dma2 semaphore(%arg15 : memref<!tpu.dma_semaphore, #tpu.memory_space<semaphore_mem>>) src(%dma_wait3A_788 : memref<1x2048xf32, #tpu.memory_space<hbm>>) dst(%dma_wait3A_785 : memref<1x2048xf32, #tpu.memory_space<vmem>>)
        } else {
        }
        %eq3A_625 = arith.constant 8 : i32
        %eq3A_626 = vector.broadcast %eq3A_625 : i32 to vector<16xi32>
        %eq3A_627 = arith.cmpi eq, %iota3A, %eq3A_626 : vector<16xi32>
        %jit3A_628 = arith.constant -1 : i32
        %broadcast_in_dim3A_629 = vector.broadcast %jit3A_628 : i32 to vector<16xi32>
        %select_n3A_630 = arith.select %eq3A_627, %select_n3A, %broadcast_in_dim3A_629 : vector<16xi1>, vector<16xi32>
        %reduce_max3A_631 = arith.constant true
        %reduce_max3A_632 = vector.broadcast %reduce_max3A_631 : i1 to vector<16xi1>
        %reduce_max3A_633 = arith.constant -2147483648 : i32
        %reduce_max3A_634 = vector.broadcast %reduce_max3A_633 : i32 to vector<16xi32>
        %reduce_max3A_635 = arith.xori %select_n3A_630, %reduce_max3A_634 : vector<16xi32>
        %reduce_max3A_636 = tpu.scan <max>, %reduce_max3A_635 masked %reduce_max3A_632 : vector<16xi32>, vector<16xi1> -> vector<16xi32>
        %reduce_max3A_637 = arith.xori %reduce_max3A_636, %reduce_max3A_634 : vector<16xi32>
        %reduce_max3A_638 = vector.extract %reduce_max3A_637[15] : i32 from vector<16xi32>
        %ge3A_639 = arith.constant 0 : i32
        %ge3A_640 = arith.cmpi sge, %reduce_max3A_638, %ge3A_639 : i32
        %convert_element_type3A_641 = arith.extui %ge3A_640 : i1 to i32
        %cond3A_642 = arith.constant 0 : i32
        %cond3A_643 = arith.cmpi ne, %convert_element_type3A_641, %cond3A_642 : i32
        scf.if %cond3A_643 {
          %dma_wait3A_777 = arith.constant 8 : i32
          %dma_wait3A_778 = arith.constant 0 : i32
          %dma_wait3A_779 = tpu.memref_slice %arg9[%dma_wait3A_777, %dma_wait3A_778] : memref<16x2048xf32, #tpu.memory_space<vmem>> -> memref<1x2048xf32, #tpu.memory_space<vmem>>
          %dma_wait3A_780 = arith.constant 0 : i32
          %dma_wait3A_781 = arith.constant 0 : i32
          %dma_wait3A_782 = tpu.memref_slice %arg4[%dma_wait3A_780, %dma_wait3A_781] : memref<512x2048xf32, #tpu.memory_space<hbm>> -> memref<1x2048xf32, #tpu.memory_space<hbm>>
          %dma_wait3A_783 = arith.constant 8 : i32
          %dma_wait3A_784 = arith.constant 0 : i32
          %dma_wait3A_785 = tpu.memref_slice %arg9[%dma_wait3A_783, %dma_wait3A_784] : memref<16x2048xf32, #tpu.memory_space<vmem>> -> memref<1x2048xf32, #tpu.memory_space<vmem>>
          %dma_wait3A_786 = arith.constant 0 : i32
          %dma_wait3A_787 = arith.constant 0 : i32
          %dma_wait3A_788 = tpu.memref_slice %arg4[%dma_wait3A_786, %dma_wait3A_787] : memref<512x2048xf32, #tpu.memory_space<hbm>> -> memref<1x2048xf32, #tpu.memory_space<hbm>>
          tpu.wait_dma2 semaphore(%arg15 : memref<!tpu.dma_semaphore, #tpu.memory_space<semaphore_mem>>) src(%dma_wait3A_788 : memref<1x2048xf32, #tpu.memory_space<hbm>>) dst(%dma_wait3A_785 : memref<1x2048xf32, #tpu.memory_space<vmem>>)
        } else {
        }
        %eq3A_644 = arith.constant 9 : i32
        %eq3A_645 = vector.broadcast %eq3A_644 : i32 to vector<16xi32>
        %eq3A_646 = arith.cmpi eq, %iota3A, %eq3A_645 : vector<16xi32>
        %jit3A_647 = arith.constant -1 : i32
        %broadcast_in_dim3A_648 = vector.broadcast %jit3A_647 : i32 to vector<16xi32>
        %select_n3A_649 = arith.select %eq3A_646, %select_n3A, %broadcast_in_dim3A_648 : vector<16xi1>, vector<16xi32>
        %reduce_max3A_650 = arith.constant true
        %reduce_max3A_651 = vector.broadcast %reduce_max3A_650 : i1 to vector<16xi1>
        %reduce_max3A_652 = arith.constant -2147483648 : i32
        %reduce_max3A_653 = vector.broadcast %reduce_max3A_652 : i32 to vector<16xi32>
        %reduce_max3A_654 = arith.xori %select_n3A_649, %reduce_max3A_653 : vector<16xi32>
        %reduce_max3A_655 = tpu.scan <max>, %reduce_max3A_654 masked %reduce_max3A_651 : vector<16xi32>, vector<16xi1> -> vector<16xi32>
        %reduce_max3A_656 = arith.xori %reduce_max3A_655, %reduce_max3A_653 : vector<16xi32>
        %reduce_max3A_657 = vector.extract %reduce_max3A_656[15] : i32 from vector<16xi32>
        %ge3A_658 = arith.constant 0 : i32
        %ge3A_659 = arith.cmpi sge, %reduce_max3A_657, %ge3A_658 : i32
        %convert_element_type3A_660 = arith.extui %ge3A_659 : i1 to i32
        %cond3A_661 = arith.constant 0 : i32
        %cond3A_662 = arith.cmpi ne, %convert_element_type3A_660, %cond3A_661 : i32
        scf.if %cond3A_662 {
          %dma_wait3A_777 = arith.constant 9 : i32
          %dma_wait3A_778 = arith.constant 0 : i32
          %dma_wait3A_779 = tpu.memref_slice %arg9[%dma_wait3A_777, %dma_wait3A_778] : memref<16x2048xf32, #tpu.memory_space<vmem>> -> memref<1x2048xf32, #tpu.memory_space<vmem>>
          %dma_wait3A_780 = arith.constant 0 : i32
          %dma_wait3A_781 = arith.constant 0 : i32
          %dma_wait3A_782 = tpu.memref_slice %arg4[%dma_wait3A_780, %dma_wait3A_781] : memref<512x2048xf32, #tpu.memory_space<hbm>> -> memref<1x2048xf32, #tpu.memory_space<hbm>>
          %dma_wait3A_783 = arith.constant 9 : i32
          %dma_wait3A_784 = arith.constant 0 : i32
          %dma_wait3A_785 = tpu.memref_slice %arg9[%dma_wait3A_783, %dma_wait3A_784] : memref<16x2048xf32, #tpu.memory_space<vmem>> -> memref<1x2048xf32, #tpu.memory_space<vmem>>
          %dma_wait3A_786 = arith.constant 0 : i32
          %dma_wait3A_787 = arith.constant 0 : i32
          %dma_wait3A_788 = tpu.memref_slice %arg4[%dma_wait3A_786, %dma_wait3A_787] : memref<512x2048xf32, #tpu.memory_space<hbm>> -> memref<1x2048xf32, #tpu.memory_space<hbm>>
          tpu.wait_dma2 semaphore(%arg15 : memref<!tpu.dma_semaphore, #tpu.memory_space<semaphore_mem>>) src(%dma_wait3A_788 : memref<1x2048xf32, #tpu.memory_space<hbm>>) dst(%dma_wait3A_785 : memref<1x2048xf32, #tpu.memory_space<vmem>>)
        } else {
        }
        %eq3A_663 = arith.constant 10 : i32
        %eq3A_664 = vector.broadcast %eq3A_663 : i32 to vector<16xi32>
        %eq3A_665 = arith.cmpi eq, %iota3A, %eq3A_664 : vector<16xi32>
        %jit3A_666 = arith.constant -1 : i32
        %broadcast_in_dim3A_667 = vector.broadcast %jit3A_666 : i32 to vector<16xi32>
        %select_n3A_668 = arith.select %eq3A_665, %select_n3A, %broadcast_in_dim3A_667 : vector<16xi1>, vector<16xi32>
        %reduce_max3A_669 = arith.constant true
        %reduce_max3A_670 = vector.broadcast %reduce_max3A_669 : i1 to vector<16xi1>
        %reduce_max3A_671 = arith.constant -2147483648 : i32
        %reduce_max3A_672 = vector.broadcast %reduce_max3A_671 : i32 to vector<16xi32>
        %reduce_max3A_673 = arith.xori %select_n3A_668, %reduce_max3A_672 : vector<16xi32>
        %reduce_max3A_674 = tpu.scan <max>, %reduce_max3A_673 masked %reduce_max3A_670 : vector<16xi32>, vector<16xi1> -> vector<16xi32>
        %reduce_max3A_675 = arith.xori %reduce_max3A_674, %reduce_max3A_672 : vector<16xi32>
        %reduce_max3A_676 = vector.extract %reduce_max3A_675[15] : i32 from vector<16xi32>
        %ge3A_677 = arith.constant 0 : i32
        %ge3A_678 = arith.cmpi sge, %reduce_max3A_676, %ge3A_677 : i32
        %convert_element_type3A_679 = arith.extui %ge3A_678 : i1 to i32
        %cond3A_680 = arith.constant 0 : i32
        %cond3A_681 = arith.cmpi ne, %convert_element_type3A_679, %cond3A_680 : i32
        scf.if %cond3A_681 {
          %dma_wait3A_777 = arith.constant 10 : i32
          %dma_wait3A_778 = arith.constant 0 : i32
          %dma_wait3A_779 = tpu.memref_slice %arg9[%dma_wait3A_777, %dma_wait3A_778] : memref<16x2048xf32, #tpu.memory_space<vmem>> -> memref<1x2048xf32, #tpu.memory_space<vmem>>
          %dma_wait3A_780 = arith.constant 0 : i32
          %dma_wait3A_781 = arith.constant 0 : i32
          %dma_wait3A_782 = tpu.memref_slice %arg4[%dma_wait3A_780, %dma_wait3A_781] : memref<512x2048xf32, #tpu.memory_space<hbm>> -> memref<1x2048xf32, #tpu.memory_space<hbm>>
          %dma_wait3A_783 = arith.constant 10 : i32
          %dma_wait3A_784 = arith.constant 0 : i32
          %dma_wait3A_785 = tpu.memref_slice %arg9[%dma_wait3A_783, %dma_wait3A_784] : memref<16x2048xf32, #tpu.memory_space<vmem>> -> memref<1x2048xf32, #tpu.memory_space<vmem>>
          %dma_wait3A_786 = arith.constant 0 : i32
          %dma_wait3A_787 = arith.constant 0 : i32
          %dma_wait3A_788 = tpu.memref_slice %arg4[%dma_wait3A_786, %dma_wait3A_787] : memref<512x2048xf32, #tpu.memory_space<hbm>> -> memref<1x2048xf32, #tpu.memory_space<hbm>>
          tpu.wait_dma2 semaphore(%arg15 : memref<!tpu.dma_semaphore, #tpu.memory_space<semaphore_mem>>) src(%dma_wait3A_788 : memref<1x2048xf32, #tpu.memory_space<hbm>>) dst(%dma_wait3A_785 : memref<1x2048xf32, #tpu.memory_space<vmem>>)
        } else {
        }
        %eq3A_682 = arith.constant 11 : i32
        %eq3A_683 = vector.broadcast %eq3A_682 : i32 to vector<16xi32>
        %eq3A_684 = arith.cmpi eq, %iota3A, %eq3A_683 : vector<16xi32>
        %jit3A_685 = arith.constant -1 : i32
        %broadcast_in_dim3A_686 = vector.broadcast %jit3A_685 : i32 to vector<16xi32>
        %select_n3A_687 = arith.select %eq3A_684, %select_n3A, %broadcast_in_dim3A_686 : vector<16xi1>, vector<16xi32>
        %reduce_max3A_688 = arith.constant true
        %reduce_max3A_689 = vector.broadcast %reduce_max3A_688 : i1 to vector<16xi1>
        %reduce_max3A_690 = arith.constant -2147483648 : i32
        %reduce_max3A_691 = vector.broadcast %reduce_max3A_690 : i32 to vector<16xi32>
        %reduce_max3A_692 = arith.xori %select_n3A_687, %reduce_max3A_691 : vector<16xi32>
        %reduce_max3A_693 = tpu.scan <max>, %reduce_max3A_692 masked %reduce_max3A_689 : vector<16xi32>, vector<16xi1> -> vector<16xi32>
        %reduce_max3A_694 = arith.xori %reduce_max3A_693, %reduce_max3A_691 : vector<16xi32>
        %reduce_max3A_695 = vector.extract %reduce_max3A_694[15] : i32 from vector<16xi32>
        %ge3A_696 = arith.constant 0 : i32
        %ge3A_697 = arith.cmpi sge, %reduce_max3A_695, %ge3A_696 : i32
        %convert_element_type3A_698 = arith.extui %ge3A_697 : i1 to i32
        %cond3A_699 = arith.constant 0 : i32
        %cond3A_700 = arith.cmpi ne, %convert_element_type3A_698, %cond3A_699 : i32
        scf.if %cond3A_700 {
          %dma_wait3A_777 = arith.constant 11 : i32
          %dma_wait3A_778 = arith.constant 0 : i32
          %dma_wait3A_779 = tpu.memref_slice %arg9[%dma_wait3A_777, %dma_wait3A_778] : memref<16x2048xf32, #tpu.memory_space<vmem>> -> memref<1x2048xf32, #tpu.memory_space<vmem>>
          %dma_wait3A_780 = arith.constant 0 : i32
          %dma_wait3A_781 = arith.constant 0 : i32
          %dma_wait3A_782 = tpu.memref_slice %arg4[%dma_wait3A_780, %dma_wait3A_781] : memref<512x2048xf32, #tpu.memory_space<hbm>> -> memref<1x2048xf32, #tpu.memory_space<hbm>>
          %dma_wait3A_783 = arith.constant 11 : i32
          %dma_wait3A_784 = arith.constant 0 : i32
          %dma_wait3A_785 = tpu.memref_slice %arg9[%dma_wait3A_783, %dma_wait3A_784] : memref<16x2048xf32, #tpu.memory_space<vmem>> -> memref<1x2048xf32, #tpu.memory_space<vmem>>
          %dma_wait3A_786 = arith.constant 0 : i32
          %dma_wait3A_787 = arith.constant 0 : i32
          %dma_wait3A_788 = tpu.memref_slice %arg4[%dma_wait3A_786, %dma_wait3A_787] : memref<512x2048xf32, #tpu.memory_space<hbm>> -> memref<1x2048xf32, #tpu.memory_space<hbm>>
          tpu.wait_dma2 semaphore(%arg15 : memref<!tpu.dma_semaphore, #tpu.memory_space<semaphore_mem>>) src(%dma_wait3A_788 : memref<1x2048xf32, #tpu.memory_space<hbm>>) dst(%dma_wait3A_785 : memref<1x2048xf32, #tpu.memory_space<vmem>>)
        } else {
        }
        %eq3A_701 = arith.constant 12 : i32
        %eq3A_702 = vector.broadcast %eq3A_701 : i32 to vector<16xi32>
        %eq3A_703 = arith.cmpi eq, %iota3A, %eq3A_702 : vector<16xi32>
        %jit3A_704 = arith.constant -1 : i32
        %broadcast_in_dim3A_705 = vector.broadcast %jit3A_704 : i32 to vector<16xi32>
        %select_n3A_706 = arith.select %eq3A_703, %select_n3A, %broadcast_in_dim3A_705 : vector<16xi1>, vector<16xi32>
        %reduce_max3A_707 = arith.constant true
        %reduce_max3A_708 = vector.broadcast %reduce_max3A_707 : i1 to vector<16xi1>
        %reduce_max3A_709 = arith.constant -2147483648 : i32
        %reduce_max3A_710 = vector.broadcast %reduce_max3A_709 : i32 to vector<16xi32>
        %reduce_max3A_711 = arith.xori %select_n3A_706, %reduce_max3A_710 : vector<16xi32>
        %reduce_max3A_712 = tpu.scan <max>, %reduce_max3A_711 masked %reduce_max3A_708 : vector<16xi32>, vector<16xi1> -> vector<16xi32>
        %reduce_max3A_713 = arith.xori %reduce_max3A_712, %reduce_max3A_710 : vector<16xi32>
        %reduce_max3A_714 = vector.extract %reduce_max3A_713[15] : i32 from vector<16xi32>
        %ge3A_715 = arith.constant 0 : i32
        %ge3A_716 = arith.cmpi sge, %reduce_max3A_714, %ge3A_715 : i32
        %convert_element_type3A_717 = arith.extui %ge3A_716 : i1 to i32
        %cond3A_718 = arith.constant 0 : i32
        %cond3A_719 = arith.cmpi ne, %convert_element_type3A_717, %cond3A_718 : i32
        scf.if %cond3A_719 {
          %dma_wait3A_777 = arith.constant 12 : i32
          %dma_wait3A_778 = arith.constant 0 : i32
          %dma_wait3A_779 = tpu.memref_slice %arg9[%dma_wait3A_777, %dma_wait3A_778] : memref<16x2048xf32, #tpu.memory_space<vmem>> -> memref<1x2048xf32, #tpu.memory_space<vmem>>
          %dma_wait3A_780 = arith.constant 0 : i32
          %dma_wait3A_781 = arith.constant 0 : i32
          %dma_wait3A_782 = tpu.memref_slice %arg4[%dma_wait3A_780, %dma_wait3A_781] : memref<512x2048xf32, #tpu.memory_space<hbm>> -> memref<1x2048xf32, #tpu.memory_space<hbm>>
          %dma_wait3A_783 = arith.constant 12 : i32
          %dma_wait3A_784 = arith.constant 0 : i32
          %dma_wait3A_785 = tpu.memref_slice %arg9[%dma_wait3A_783, %dma_wait3A_784] : memref<16x2048xf32, #tpu.memory_space<vmem>> -> memref<1x2048xf32, #tpu.memory_space<vmem>>
          %dma_wait3A_786 = arith.constant 0 : i32
          %dma_wait3A_787 = arith.constant 0 : i32
          %dma_wait3A_788 = tpu.memref_slice %arg4[%dma_wait3A_786, %dma_wait3A_787] : memref<512x2048xf32, #tpu.memory_space<hbm>> -> memref<1x2048xf32, #tpu.memory_space<hbm>>
          tpu.wait_dma2 semaphore(%arg15 : memref<!tpu.dma_semaphore, #tpu.memory_space<semaphore_mem>>) src(%dma_wait3A_788 : memref<1x2048xf32, #tpu.memory_space<hbm>>) dst(%dma_wait3A_785 : memref<1x2048xf32, #tpu.memory_space<vmem>>)
        } else {
        }
        %eq3A_720 = arith.constant 13 : i32
        %eq3A_721 = vector.broadcast %eq3A_720 : i32 to vector<16xi32>
        %eq3A_722 = arith.cmpi eq, %iota3A, %eq3A_721 : vector<16xi32>
        %jit3A_723 = arith.constant -1 : i32
        %broadcast_in_dim3A_724 = vector.broadcast %jit3A_723 : i32 to vector<16xi32>
        %select_n3A_725 = arith.select %eq3A_722, %select_n3A, %broadcast_in_dim3A_724 : vector<16xi1>, vector<16xi32>
        %reduce_max3A_726 = arith.constant true
        %reduce_max3A_727 = vector.broadcast %reduce_max3A_726 : i1 to vector<16xi1>
        %reduce_max3A_728 = arith.constant -2147483648 : i32
        %reduce_max3A_729 = vector.broadcast %reduce_max3A_728 : i32 to vector<16xi32>
        %reduce_max3A_730 = arith.xori %select_n3A_725, %reduce_max3A_729 : vector<16xi32>
        %reduce_max3A_731 = tpu.scan <max>, %reduce_max3A_730 masked %reduce_max3A_727 : vector<16xi32>, vector<16xi1> -> vector<16xi32>
        %reduce_max3A_732 = arith.xori %reduce_max3A_731, %reduce_max3A_729 : vector<16xi32>
        %reduce_max3A_733 = vector.extract %reduce_max3A_732[15] : i32 from vector<16xi32>
        %ge3A_734 = arith.constant 0 : i32
        %ge3A_735 = arith.cmpi sge, %reduce_max3A_733, %ge3A_734 : i32
        %convert_element_type3A_736 = arith.extui %ge3A_735 : i1 to i32
        %cond3A_737 = arith.constant 0 : i32
        %cond3A_738 = arith.cmpi ne, %convert_element_type3A_736, %cond3A_737 : i32
        scf.if %cond3A_738 {
          %dma_wait3A_777 = arith.constant 13 : i32
          %dma_wait3A_778 = arith.constant 0 : i32
          %dma_wait3A_779 = tpu.memref_slice %arg9[%dma_wait3A_777, %dma_wait3A_778] : memref<16x2048xf32, #tpu.memory_space<vmem>> -> memref<1x2048xf32, #tpu.memory_space<vmem>>
          %dma_wait3A_780 = arith.constant 0 : i32
          %dma_wait3A_781 = arith.constant 0 : i32
          %dma_wait3A_782 = tpu.memref_slice %arg4[%dma_wait3A_780, %dma_wait3A_781] : memref<512x2048xf32, #tpu.memory_space<hbm>> -> memref<1x2048xf32, #tpu.memory_space<hbm>>
          %dma_wait3A_783 = arith.constant 13 : i32
          %dma_wait3A_784 = arith.constant 0 : i32
          %dma_wait3A_785 = tpu.memref_slice %arg9[%dma_wait3A_783, %dma_wait3A_784] : memref<16x2048xf32, #tpu.memory_space<vmem>> -> memref<1x2048xf32, #tpu.memory_space<vmem>>
          %dma_wait3A_786 = arith.constant 0 : i32
          %dma_wait3A_787 = arith.constant 0 : i32
          %dma_wait3A_788 = tpu.memref_slice %arg4[%dma_wait3A_786, %dma_wait3A_787] : memref<512x2048xf32, #tpu.memory_space<hbm>> -> memref<1x2048xf32, #tpu.memory_space<hbm>>
          tpu.wait_dma2 semaphore(%arg15 : memref<!tpu.dma_semaphore, #tpu.memory_space<semaphore_mem>>) src(%dma_wait3A_788 : memref<1x2048xf32, #tpu.memory_space<hbm>>) dst(%dma_wait3A_785 : memref<1x2048xf32, #tpu.memory_space<vmem>>)
        } else {
        }
        %eq3A_739 = arith.constant 14 : i32
        %eq3A_740 = vector.broadcast %eq3A_739 : i32 to vector<16xi32>
        %eq3A_741 = arith.cmpi eq, %iota3A, %eq3A_740 : vector<16xi32>
        %jit3A_742 = arith.constant -1 : i32
        %broadcast_in_dim3A_743 = vector.broadcast %jit3A_742 : i32 to vector<16xi32>
        %select_n3A_744 = arith.select %eq3A_741, %select_n3A, %broadcast_in_dim3A_743 : vector<16xi1>, vector<16xi32>
        %reduce_max3A_745 = arith.constant true
        %reduce_max3A_746 = vector.broadcast %reduce_max3A_745 : i1 to vector<16xi1>
        %reduce_max3A_747 = arith.constant -2147483648 : i32
        %reduce_max3A_748 = vector.broadcast %reduce_max3A_747 : i32 to vector<16xi32>
        %reduce_max3A_749 = arith.xori %select_n3A_744, %reduce_max3A_748 : vector<16xi32>
        %reduce_max3A_750 = tpu.scan <max>, %reduce_max3A_749 masked %reduce_max3A_746 : vector<16xi32>, vector<16xi1> -> vector<16xi32>
        %reduce_max3A_751 = arith.xori %reduce_max3A_750, %reduce_max3A_748 : vector<16xi32>
        %reduce_max3A_752 = vector.extract %reduce_max3A_751[15] : i32 from vector<16xi32>
        %ge3A_753 = arith.constant 0 : i32
        %ge3A_754 = arith.cmpi sge, %reduce_max3A_752, %ge3A_753 : i32
        %convert_element_type3A_755 = arith.extui %ge3A_754 : i1 to i32
        %cond3A_756 = arith.constant 0 : i32
        %cond3A_757 = arith.cmpi ne, %convert_element_type3A_755, %cond3A_756 : i32
        scf.if %cond3A_757 {
          %dma_wait3A_777 = arith.constant 14 : i32
          %dma_wait3A_778 = arith.constant 0 : i32
          %dma_wait3A_779 = tpu.memref_slice %arg9[%dma_wait3A_777, %dma_wait3A_778] : memref<16x2048xf32, #tpu.memory_space<vmem>> -> memref<1x2048xf32, #tpu.memory_space<vmem>>
          %dma_wait3A_780 = arith.constant 0 : i32
          %dma_wait3A_781 = arith.constant 0 : i32
          %dma_wait3A_782 = tpu.memref_slice %arg4[%dma_wait3A_780, %dma_wait3A_781] : memref<512x2048xf32, #tpu.memory_space<hbm>> -> memref<1x2048xf32, #tpu.memory_space<hbm>>
          %dma_wait3A_783 = arith.constant 14 : i32
          %dma_wait3A_784 = arith.constant 0 : i32
          %dma_wait3A_785 = tpu.memref_slice %arg9[%dma_wait3A_783, %dma_wait3A_784] : memref<16x2048xf32, #tpu.memory_space<vmem>> -> memref<1x2048xf32, #tpu.memory_space<vmem>>
          %dma_wait3A_786 = arith.constant 0 : i32
          %dma_wait3A_787 = arith.constant 0 : i32
          %dma_wait3A_788 = tpu.memref_slice %arg4[%dma_wait3A_786, %dma_wait3A_787] : memref<512x2048xf32, #tpu.memory_space<hbm>> -> memref<1x2048xf32, #tpu.memory_space<hbm>>
          tpu.wait_dma2 semaphore(%arg15 : memref<!tpu.dma_semaphore, #tpu.memory_space<semaphore_mem>>) src(%dma_wait3A_788 : memref<1x2048xf32, #tpu.memory_space<hbm>>) dst(%dma_wait3A_785 : memref<1x2048xf32, #tpu.memory_space<vmem>>)
        } else {
        }
        %eq3A_758 = arith.constant 15 : i32
        %eq3A_759 = vector.broadcast %eq3A_758 : i32 to vector<16xi32>
        %eq3A_760 = arith.cmpi eq, %iota3A, %eq3A_759 : vector<16xi32>
        %jit3A_761 = arith.constant -1 : i32
        %broadcast_in_dim3A_762 = vector.broadcast %jit3A_761 : i32 to vector<16xi32>
        %select_n3A_763 = arith.select %eq3A_760, %select_n3A, %broadcast_in_dim3A_762 : vector<16xi1>, vector<16xi32>
        %reduce_max3A_764 = arith.constant true
        %reduce_max3A_765 = vector.broadcast %reduce_max3A_764 : i1 to vector<16xi1>
        %reduce_max3A_766 = arith.constant -2147483648 : i32
        %reduce_max3A_767 = vector.broadcast %reduce_max3A_766 : i32 to vector<16xi32>
        %reduce_max3A_768 = arith.xori %select_n3A_763, %reduce_max3A_767 : vector<16xi32>
        %reduce_max3A_769 = tpu.scan <max>, %reduce_max3A_768 masked %reduce_max3A_765 : vector<16xi32>, vector<16xi1> -> vector<16xi32>
        %reduce_max3A_770 = arith.xori %reduce_max3A_769, %reduce_max3A_767 : vector<16xi32>
        %reduce_max3A_771 = vector.extract %reduce_max3A_770[15] : i32 from vector<16xi32>
        %ge3A_772 = arith.constant 0 : i32
        %ge3A_773 = arith.cmpi sge, %reduce_max3A_771, %ge3A_772 : i32
        %convert_element_type3A_774 = arith.extui %ge3A_773 : i1 to i32
        %cond3A_775 = arith.constant 0 : i32
        %cond3A_776 = arith.cmpi ne, %convert_element_type3A_774, %cond3A_775 : i32
        scf.if %cond3A_776 {
          %dma_wait3A_777 = arith.constant 15 : i32
          %dma_wait3A_778 = arith.constant 0 : i32
          %dma_wait3A_779 = tpu.memref_slice %arg9[%dma_wait3A_777, %dma_wait3A_778] : memref<16x2048xf32, #tpu.memory_space<vmem>> -> memref<1x2048xf32, #tpu.memory_space<vmem>>
          %dma_wait3A_780 = arith.constant 0 : i32
          %dma_wait3A_781 = arith.constant 0 : i32
          %dma_wait3A_782 = tpu.memref_slice %arg4[%dma_wait3A_780, %dma_wait3A_781] : memref<512x2048xf32, #tpu.memory_space<hbm>> -> memref<1x2048xf32, #tpu.memory_space<hbm>>
          %dma_wait3A_783 = arith.constant 15 : i32
          %dma_wait3A_784 = arith.constant 0 : i32
          %dma_wait3A_785 = tpu.memref_slice %arg9[%dma_wait3A_783, %dma_wait3A_784] : memref<16x2048xf32, #tpu.memory_space<vmem>> -> memref<1x2048xf32, #tpu.memory_space<vmem>>
          %dma_wait3A_786 = arith.constant 0 : i32
          %dma_wait3A_787 = arith.constant 0 : i32
          %dma_wait3A_788 = tpu.memref_slice %arg4[%dma_wait3A_786, %dma_wait3A_787] : memref<512x2048xf32, #tpu.memory_space<hbm>> -> memref<1x2048xf32, #tpu.memory_space<hbm>>
          tpu.wait_dma2 semaphore(%arg15 : memref<!tpu.dma_semaphore, #tpu.memory_space<semaphore_mem>>) src(%dma_wait3A_788 : memref<1x2048xf32, #tpu.memory_space<hbm>>) dst(%dma_wait3A_785 : memref<1x2048xf32, #tpu.memory_space<vmem>>)
        } else {
        }
      } else {
      }
      %dma_start3A_92 = arith.constant 0 : i32
      %dma_start3A_93 = arith.constant 0 : i32
      %dma_start3A_94 = tpu.memref_slice %arg6[%arg1, %dma_start3A_92, %dma_start3A_93] : memref<16x16x2048xf32, #tpu.memory_space<vmem_shared>> -> memref<1x16x2048xf32, #tpu.memory_space<vmem_shared>>
      %dma_start3A_95 = tpu.memref_squeeze %dma_start3A_94 : memref<1x16x2048xf32, #tpu.memory_space<vmem_shared>> -> memref<16x2048xf32, #tpu.memory_space<vmem_shared>>
      %dma_start3A_96 = arith.constant 0 : i32
      %dma_start3A_97 = arith.constant 0 : i32
      %dma_start3A_98 = tpu.memref_slice %arg6[%arg1, %dma_start3A_96, %dma_start3A_97] : memref<16x16x2048xf32, #tpu.memory_space<vmem_shared>> -> memref<1x16x2048xf32, #tpu.memory_space<vmem_shared>>
      %dma_start3A_99 = tpu.memref_squeeze %dma_start3A_98 : memref<1x16x2048xf32, #tpu.memory_space<vmem_shared>> -> memref<16x2048xf32, #tpu.memory_space<vmem_shared>>
      tpu.enqueue_dma source(%arg9 : memref<16x2048xf32, #tpu.memory_space<vmem>>) target(%dma_start3A_99 : memref<16x2048xf32, #tpu.memory_space<vmem_shared>>) target_semaphore(%arg13 : memref<!tpu.dma_semaphore, #tpu.memory_space<semaphore_mem>>)
      %add3A_100 = arith.constant 32 : i32
      %add3A_101 = arith.addi %add3A_54, %add3A_100 : i32
      %lt3A = arith.constant 256 : i32
      %lt3A_102 = arith.cmpi slt, %add3A_101, %lt3A : i32
      %convert_element_type3A_103 = arith.extui %lt3A_102 : i1 to i32
      %cond3A_104 = arith.constant 0 : i32
      %cond3A_105 = arith.cmpi ne, %convert_element_type3A_103, %cond3A_104 : i32
      scf.if %cond3A_105 {
        %dma_wait3A_170 = arith.constant 0 : i32
        %dma_wait3A_171 = arith.constant 0 : i32
        %dma_wait3A_172 = tpu.memref_slice %arg5[%dma_wait3A_170, %dma_wait3A_171] : memref<8192x2048xf32, #tpu.memory_space<hbm>> -> memref<16x2048xf32, #tpu.memory_space<hbm>>
        %dma_wait3A_173 = arith.constant 0 : i32
        %dma_wait3A_174 = arith.constant 0 : i32
        %dma_wait3A_175 = tpu.memref_slice %arg5[%dma_wait3A_173, %dma_wait3A_174] : memref<8192x2048xf32, #tpu.memory_space<hbm>> -> memref<16x2048xf32, #tpu.memory_space<hbm>>
        tpu.wait_dma2 semaphore(%arg13 : memref<!tpu.dma_semaphore, #tpu.memory_space<semaphore_mem>>) src(%arg9 : memref<16x2048xf32, #tpu.memory_space<vmem>>) dst(%dma_wait3A_175 : memref<16x2048xf32, #tpu.memory_space<hbm>>)
        %add3A_176 = arith.addi %mul3A_2, %add3A_101 : i32
        %get3A_177 = arith.index_cast %add3A_176 : i32 to index
        %get3A_178 = tpu.vector_load %arg7[%get3A_177] {strides = array<i32>} : memref<8192xi32, #tpu.memory_space<vmem>>, vector<16xi32>,
        %dma_start3A_179 = arith.constant 0 : i32
        %dma_start3A_180 = arith.constant 0 : i32
        %dma_start3A_181 = tpu.memref_slice %arg3[%dma_start3A_179, %dma_start3A_180] : memref<151936x2048xf32, #tpu.memory_space<hbm>> -> memref<151936x2048xf32, #tpu.memory_space<hbm>>
        tpu.enqueue_indirect_dma source(%dma_start3A_181 : memref<151936x2048xf32, #tpu.memory_space<hbm>>) target(%arg9 : memref<16x2048xf32, #tpu.memory_space<vmem>>) offsets(%get3A_178 : vector<16xi32>) semaphore(%arg11 : memref<!tpu.dma_semaphore, #tpu.memory_space<semaphore_mem>>)
      } else {
      }
      %add3A_106 = arith.constant 16 : i32
      %add3A_107 = arith.addi %add3A_52, %add3A_106 : i32
      %dma_wait3A_108 = arith.constant 0 : i32
      %dma_wait3A_109 = tpu.memref_slice %arg7[%dma_wait3A_108] : memref<8192xi32, #tpu.memory_space<vmem>> -> memref<16xi32, #tpu.memory_space<vmem>>
      %dma_wait3A_110 = arith.constant 0 : i32
      %dma_wait3A_111 = arith.constant 0 : i32
      %dma_wait3A_112 = tpu.memref_slice %arg3[%dma_wait3A_110, %dma_wait3A_111] : memref<151936x2048xf32, #tpu.memory_space<hbm>> -> memref<151936x2048xf32, #tpu.memory_space<hbm>>
      tpu.wait_indirect_dma semaphore(%arg12 : memref<!tpu.dma_semaphore, #tpu.memory_space<semaphore_mem>>) src(%dma_wait3A_112 : memref<151936x2048xf32, #tpu.memory_space<hbm>>) dst(%arg10 : memref<16x2048xf32, #tpu.memory_space<vmem>>)
      %add3A_113 = arith.addi %mul3A_2, %add3A_107 : i32
      %get3A_114 = arith.index_cast %add3A_113 : i32 to index
      %get3A_115 = tpu.vector_load %arg7[%get3A_114] {strides = array<i32>} : memref<8192xi32, #tpu.memory_space<vmem>>, vector<16xi32>,
      %eq3A_116 = arith.constant 151655 : i32
      %eq3A_117 = vector.broadcast %eq3A_116 : i32 to vector<16xi32>
      %eq3A_118 = arith.cmpi eq, %get3A_115, %eq3A_117 : vector<16xi32>
      %convert_element_type3A_119 = arith.extui %eq3A_118 : vector<16xi1> to vector<16xi32>
      %broadcast_in_dim3A_120 = arith.constant true
      %broadcast_in_dim3A_121 = vector.broadcast %broadcast_in_dim3A_120 : i1 to vector<16xi1>
      %masked_cumsum3A_122 = tpu.scan <sum>, %convert_element_type3A_119 masked %broadcast_in_dim3A_121 : vector<16xi32>, vector<16xi1> -> vector<16xi32>
      %reduce_max3A_123 = arith.constant true
      %reduce_max3A_124 = vector.broadcast %reduce_max3A_123 : i1 to vector<16xi1>
      %reduce_max3A_125 = arith.constant -2147483648 : i32
      %reduce_max3A_126 = vector.broadcast %reduce_max3A_125 : i32 to vector<16xi32>
      %reduce_max3A_127 = arith.xori %masked_cumsum3A_122, %reduce_max3A_126 : vector<16xi32>
      %reduce_max3A_128 = tpu.scan <max>, %reduce_max3A_127 masked %reduce_max3A_124 : vector<16xi32>, vector<16xi1> -> vector<16xi32>
      %reduce_max3A_129 = arith.xori %reduce_max3A_128, %reduce_max3A_126 : vector<16xi32>
      %reduce_max3A_130 = vector.extract %reduce_max3A_129[15] : i32 from vector<16xi32>
      %get3A_131 = arith.constant 0 : index
      %get3A_132 = tpu.vector_load %arg8[%get3A_131] {strides = array<i32>} : memref<16xi32, #tpu.memory_space<vmem>>, vector<16xi32>,
      %add3A_133 = arith.addi %get3A_132, %masked_cumsum3A_122 : vector<16xi32>
      %sub3A_134 = arith.constant 1 : i32
      %sub3A_135 = vector.broadcast %sub3A_134 : i32 to vector<16xi32>
      %sub3A_136 = arith.subi %add3A_133, %sub3A_135 : vector<16xi32>
      %jit3A_137 = arith.constant 0 : i32
      %jit3A_138 = arith.constant 511 : i32
      %max3A_139 = vector.broadcast %jit3A_137 : i32 to vector<16xi32>
      %max3A_140 = arith.maxsi %max3A_139, %sub3A_136 : vector<16xi32>
      %min3A_141 = vector.broadcast %jit3A_138 : i32 to vector<16xi32>
      %min3A_142 = arith.minsi %min3A_141, %max3A_140 : vector<16xi32>
      %jit3A_143 = arith.constant -1 : i32
      %broadcast_in_dim3A_144 = vector.broadcast %jit3A_143 : i32 to vector<16xi32>
      %select_n3A_145 = arith.select %eq3A_118, %min3A_142, %broadcast_in_dim3A_144 : vector<16xi1>, vector<16xi32>
      %add3A_146 = vector.broadcast %reduce_max3A_130 : i32 to vector<16xi32>
      %add3A_147 = arith.addi %get3A_132, %add3A_146 : vector<16xi32>
      %swap3A_148 = arith.constant 0 : index
      %swap3A_149 = tpu.vector_load %arg8[%swap3A_148] {strides = array<i32>} : memref<16xi32, #tpu.memory_space<vmem>>, vector<16xi32>,
      tpu.vector_store %arg8[%swap3A_148], %add3A_147 {strides = array<i32>} : memref<16xi32, #tpu.memory_space<vmem>>, vector<16xi32>,
      %gt3A_150 = arith.constant 0 : i32
      %gt3A_151 = arith.cmpi sgt, %reduce_max3A_130, %gt3A_150 : i32
      %convert_element_type3A_152 = arith.extui %gt3A_151 : i1 to i32
      %cond3A_153 = arith.constant 0 : i32
      %cond3A_154 = arith.cmpi ne, %convert_element_type3A_152, %cond3A_153 : i32
      scf.if %cond3A_154 {
        %iota3A = tpu.iota {dimensions = array<i32: 0>} : vector<16xi32>
        %eq3A_170 = arith.constant 0 : i32
        %eq3A_171 = vector.broadcast %eq3A_170 : i32 to vector<16xi32>
        %eq3A_172 = arith.cmpi eq, %iota3A, %eq3A_171 : vector<16xi32>
        %jit3A_173 = arith.constant -1 : i32
        %broadcast_in_dim3A_174 = vector.broadcast %jit3A_173 : i32 to vector<16xi32>
        %select_n3A_175 = arith.select %eq3A_172, %select_n3A_145, %broadcast_in_dim3A_174 : vector<16xi1>, vector<16xi32>
        %reduce_max3A_176 = arith.constant true
        %reduce_max3A_177 = vector.broadcast %reduce_max3A_176 : i1 to vector<16xi1>
        %reduce_max3A_178 = arith.constant -2147483648 : i32
        %reduce_max3A_179 = vector.broadcast %reduce_max3A_178 : i32 to vector<16xi32>
        %reduce_max3A_180 = arith.xori %select_n3A_175, %reduce_max3A_179 : vector<16xi32>
        %reduce_max3A_181 = tpu.scan <max>, %reduce_max3A_180 masked %reduce_max3A_177 : vector<16xi32>, vector<16xi1> -> vector<16xi32>
        %reduce_max3A_182 = arith.xori %reduce_max3A_181, %reduce_max3A_179 : vector<16xi32>
        %reduce_max3A_183 = vector.extract %reduce_max3A_182[15] : i32 from vector<16xi32>
        %ge3A = arith.constant 0 : i32
        %ge3A_184 = arith.cmpi sge, %reduce_max3A_183, %ge3A : i32
        %convert_element_type3A_185 = arith.extui %ge3A_184 : i1 to i32
        %cond3A_186 = arith.constant 0 : i32
        %cond3A_187 = arith.cmpi ne, %convert_element_type3A_185, %cond3A_186 : i32
        scf.if %cond3A_187 {
          %dma_start3A_777 = arith.constant 0 : i32
          %dma_start3A_778 = arith.constant 0 : i32
          %dma_start3A_779 = tpu.memref_slice %arg10[%dma_start3A_777, %dma_start3A_778] : memref<16x2048xf32, #tpu.memory_space<vmem>> -> memref<1x2048xf32, #tpu.memory_space<vmem>>
          %dma_start3A_780 = arith.constant 0 : i32
          %dma_start3A_781 = tpu.memref_slice %arg4[%reduce_max3A_183, %dma_start3A_780] : memref<512x2048xf32, #tpu.memory_space<hbm>> -> memref<1x2048xf32, #tpu.memory_space<hbm>>
          %dma_start3A_782 = arith.constant 0 : i32
          %dma_start3A_783 = arith.constant 0 : i32
          %dma_start3A_784 = tpu.memref_slice %arg10[%dma_start3A_782, %dma_start3A_783] : memref<16x2048xf32, #tpu.memory_space<vmem>> -> memref<1x2048xf32, #tpu.memory_space<vmem>>
          %dma_start3A_785 = arith.constant 0 : i32
          %dma_start3A_786 = tpu.memref_slice %arg4[%reduce_max3A_183, %dma_start3A_785] : memref<512x2048xf32, #tpu.memory_space<hbm>> -> memref<1x2048xf32, #tpu.memory_space<hbm>>
          tpu.enqueue_dma source(%dma_start3A_786 : memref<1x2048xf32, #tpu.memory_space<hbm>>) target(%dma_start3A_784 : memref<1x2048xf32, #tpu.memory_space<vmem>>) target_semaphore(%arg15 : memref<!tpu.dma_semaphore, #tpu.memory_space<semaphore_mem>>)
        } else {
        }
        %eq3A_188 = arith.constant 1 : i32
        %eq3A_189 = vector.broadcast %eq3A_188 : i32 to vector<16xi32>
        %eq3A_190 = arith.cmpi eq, %iota3A, %eq3A_189 : vector<16xi32>
        %jit3A_191 = arith.constant -1 : i32
        %broadcast_in_dim3A_192 = vector.broadcast %jit3A_191 : i32 to vector<16xi32>
        %select_n3A_193 = arith.select %eq3A_190, %select_n3A_145, %broadcast_in_dim3A_192 : vector<16xi1>, vector<16xi32>
        %reduce_max3A_194 = arith.constant true
        %reduce_max3A_195 = vector.broadcast %reduce_max3A_194 : i1 to vector<16xi1>
        %reduce_max3A_196 = arith.constant -2147483648 : i32
        %reduce_max3A_197 = vector.broadcast %reduce_max3A_196 : i32 to vector<16xi32>
        %reduce_max3A_198 = arith.xori %select_n3A_193, %reduce_max3A_197 : vector<16xi32>
        %reduce_max3A_199 = tpu.scan <max>, %reduce_max3A_198 masked %reduce_max3A_195 : vector<16xi32>, vector<16xi1> -> vector<16xi32>
        %reduce_max3A_200 = arith.xori %reduce_max3A_199, %reduce_max3A_197 : vector<16xi32>
        %reduce_max3A_201 = vector.extract %reduce_max3A_200[15] : i32 from vector<16xi32>
        %ge3A_202 = arith.constant 0 : i32
        %ge3A_203 = arith.cmpi sge, %reduce_max3A_201, %ge3A_202 : i32
        %convert_element_type3A_204 = arith.extui %ge3A_203 : i1 to i32
        %cond3A_205 = arith.constant 0 : i32
        %cond3A_206 = arith.cmpi ne, %convert_element_type3A_204, %cond3A_205 : i32
        scf.if %cond3A_206 {
          %dma_start3A_777 = arith.constant 1 : i32
          %dma_start3A_778 = arith.constant 0 : i32
          %dma_start3A_779 = tpu.memref_slice %arg10[%dma_start3A_777, %dma_start3A_778] : memref<16x2048xf32, #tpu.memory_space<vmem>> -> memref<1x2048xf32, #tpu.memory_space<vmem>>
          %dma_start3A_780 = arith.constant 0 : i32
          %dma_start3A_781 = tpu.memref_slice %arg4[%reduce_max3A_201, %dma_start3A_780] : memref<512x2048xf32, #tpu.memory_space<hbm>> -> memref<1x2048xf32, #tpu.memory_space<hbm>>
          %dma_start3A_782 = arith.constant 1 : i32
          %dma_start3A_783 = arith.constant 0 : i32
          %dma_start3A_784 = tpu.memref_slice %arg10[%dma_start3A_782, %dma_start3A_783] : memref<16x2048xf32, #tpu.memory_space<vmem>> -> memref<1x2048xf32, #tpu.memory_space<vmem>>
          %dma_start3A_785 = arith.constant 0 : i32
          %dma_start3A_786 = tpu.memref_slice %arg4[%reduce_max3A_201, %dma_start3A_785] : memref<512x2048xf32, #tpu.memory_space<hbm>> -> memref<1x2048xf32, #tpu.memory_space<hbm>>
          tpu.enqueue_dma source(%dma_start3A_786 : memref<1x2048xf32, #tpu.memory_space<hbm>>) target(%dma_start3A_784 : memref<1x2048xf32, #tpu.memory_space<vmem>>) target_semaphore(%arg15 : memref<!tpu.dma_semaphore, #tpu.memory_space<semaphore_mem>>)
        } else {
        }
        %eq3A_207 = arith.constant 2 : i32
        %eq3A_208 = vector.broadcast %eq3A_207 : i32 to vector<16xi32>
        %eq3A_209 = arith.cmpi eq, %iota3A, %eq3A_208 : vector<16xi32>
        %jit3A_210 = arith.constant -1 : i32
        %broadcast_in_dim3A_211 = vector.broadcast %jit3A_210 : i32 to vector<16xi32>
        %select_n3A_212 = arith.select %eq3A_209, %select_n3A_145, %broadcast_in_dim3A_211 : vector<16xi1>, vector<16xi32>
        %reduce_max3A_213 = arith.constant true
        %reduce_max3A_214 = vector.broadcast %reduce_max3A_213 : i1 to vector<16xi1>
        %reduce_max3A_215 = arith.constant -2147483648 : i32
        %reduce_max3A_216 = vector.broadcast %reduce_max3A_215 : i32 to vector<16xi32>
        %reduce_max3A_217 = arith.xori %select_n3A_212, %reduce_max3A_216 : vector<16xi32>
        %reduce_max3A_218 = tpu.scan <max>, %reduce_max3A_217 masked %reduce_max3A_214 : vector<16xi32>, vector<16xi1> -> vector<16xi32>
        %reduce_max3A_219 = arith.xori %reduce_max3A_218, %reduce_max3A_216 : vector<16xi32>
        %reduce_max3A_220 = vector.extract %reduce_max3A_219[15] : i32 from vector<16xi32>
        %ge3A_221 = arith.constant 0 : i32
        %ge3A_222 = arith.cmpi sge, %reduce_max3A_220, %ge3A_221 : i32
        %convert_element_type3A_223 = arith.extui %ge3A_222 : i1 to i32
        %cond3A_224 = arith.constant 0 : i32
        %cond3A_225 = arith.cmpi ne, %convert_element_type3A_223, %cond3A_224 : i32
        scf.if %cond3A_225 {
          %dma_start3A_777 = arith.constant 2 : i32
          %dma_start3A_778 = arith.constant 0 : i32
          %dma_start3A_779 = tpu.memref_slice %arg10[%dma_start3A_777, %dma_start3A_778] : memref<16x2048xf32, #tpu.memory_space<vmem>> -> memref<1x2048xf32, #tpu.memory_space<vmem>>
          %dma_start3A_780 = arith.constant 0 : i32
          %dma_start3A_781 = tpu.memref_slice %arg4[%reduce_max3A_220, %dma_start3A_780] : memref<512x2048xf32, #tpu.memory_space<hbm>> -> memref<1x2048xf32, #tpu.memory_space<hbm>>
          %dma_start3A_782 = arith.constant 2 : i32
          %dma_start3A_783 = arith.constant 0 : i32
          %dma_start3A_784 = tpu.memref_slice %arg10[%dma_start3A_782, %dma_start3A_783] : memref<16x2048xf32, #tpu.memory_space<vmem>> -> memref<1x2048xf32, #tpu.memory_space<vmem>>
          %dma_start3A_785 = arith.constant 0 : i32
          %dma_start3A_786 = tpu.memref_slice %arg4[%reduce_max3A_220, %dma_start3A_785] : memref<512x2048xf32, #tpu.memory_space<hbm>> -> memref<1x2048xf32, #tpu.memory_space<hbm>>
          tpu.enqueue_dma source(%dma_start3A_786 : memref<1x2048xf32, #tpu.memory_space<hbm>>) target(%dma_start3A_784 : memref<1x2048xf32, #tpu.memory_space<vmem>>) target_semaphore(%arg15 : memref<!tpu.dma_semaphore, #tpu.memory_space<semaphore_mem>>)
        } else {
        }
        %eq3A_226 = arith.constant 3 : i32
        %eq3A_227 = vector.broadcast %eq3A_226 : i32 to vector<16xi32>
        %eq3A_228 = arith.cmpi eq, %iota3A, %eq3A_227 : vector<16xi32>
        %jit3A_229 = arith.constant -1 : i32
        %broadcast_in_dim3A_230 = vector.broadcast %jit3A_229 : i32 to vector<16xi32>
        %select_n3A_231 = arith.select %eq3A_228, %select_n3A_145, %broadcast_in_dim3A_230 : vector<16xi1>, vector<16xi32>
        %reduce_max3A_232 = arith.constant true
        %reduce_max3A_233 = vector.broadcast %reduce_max3A_232 : i1 to vector<16xi1>
        %reduce_max3A_234 = arith.constant -2147483648 : i32
        %reduce_max3A_235 = vector.broadcast %reduce_max3A_234 : i32 to vector<16xi32>
        %reduce_max3A_236 = arith.xori %select_n3A_231, %reduce_max3A_235 : vector<16xi32>
        %reduce_max3A_237 = tpu.scan <max>, %reduce_max3A_236 masked %reduce_max3A_233 : vector<16xi32>, vector<16xi1> -> vector<16xi32>
        %reduce_max3A_238 = arith.xori %reduce_max3A_237, %reduce_max3A_235 : vector<16xi32>
        %reduce_max3A_239 = vector.extract %reduce_max3A_238[15] : i32 from vector<16xi32>
        %ge3A_240 = arith.constant 0 : i32
        %ge3A_241 = arith.cmpi sge, %reduce_max3A_239, %ge3A_240 : i32
        %convert_element_type3A_242 = arith.extui %ge3A_241 : i1 to i32
        %cond3A_243 = arith.constant 0 : i32
        %cond3A_244 = arith.cmpi ne, %convert_element_type3A_242, %cond3A_243 : i32
        scf.if %cond3A_244 {
          %dma_start3A_777 = arith.constant 3 : i32
          %dma_start3A_778 = arith.constant 0 : i32
          %dma_start3A_779 = tpu.memref_slice %arg10[%dma_start3A_777, %dma_start3A_778] : memref<16x2048xf32, #tpu.memory_space<vmem>> -> memref<1x2048xf32, #tpu.memory_space<vmem>>
          %dma_start3A_780 = arith.constant 0 : i32
          %dma_start3A_781 = tpu.memref_slice %arg4[%reduce_max3A_239, %dma_start3A_780] : memref<512x2048xf32, #tpu.memory_space<hbm>> -> memref<1x2048xf32, #tpu.memory_space<hbm>>
          %dma_start3A_782 = arith.constant 3 : i32
          %dma_start3A_783 = arith.constant 0 : i32
          %dma_start3A_784 = tpu.memref_slice %arg10[%dma_start3A_782, %dma_start3A_783] : memref<16x2048xf32, #tpu.memory_space<vmem>> -> memref<1x2048xf32, #tpu.memory_space<vmem>>
          %dma_start3A_785 = arith.constant 0 : i32
          %dma_start3A_786 = tpu.memref_slice %arg4[%reduce_max3A_239, %dma_start3A_785] : memref<512x2048xf32, #tpu.memory_space<hbm>> -> memref<1x2048xf32, #tpu.memory_space<hbm>>
          tpu.enqueue_dma source(%dma_start3A_786 : memref<1x2048xf32, #tpu.memory_space<hbm>>) target(%dma_start3A_784 : memref<1x2048xf32, #tpu.memory_space<vmem>>) target_semaphore(%arg15 : memref<!tpu.dma_semaphore, #tpu.memory_space<semaphore_mem>>)
        } else {
        }
        %eq3A_245 = arith.constant 4 : i32
        %eq3A_246 = vector.broadcast %eq3A_245 : i32 to vector<16xi32>
        %eq3A_247 = arith.cmpi eq, %iota3A, %eq3A_246 : vector<16xi32>
        %jit3A_248 = arith.constant -1 : i32
        %broadcast_in_dim3A_249 = vector.broadcast %jit3A_248 : i32 to vector<16xi32>
        %select_n3A_250 = arith.select %eq3A_247, %select_n3A_145, %broadcast_in_dim3A_249 : vector<16xi1>, vector<16xi32>
        %reduce_max3A_251 = arith.constant true
        %reduce_max3A_252 = vector.broadcast %reduce_max3A_251 : i1 to vector<16xi1>
        %reduce_max3A_253 = arith.constant -2147483648 : i32
        %reduce_max3A_254 = vector.broadcast %reduce_max3A_253 : i32 to vector<16xi32>
        %reduce_max3A_255 = arith.xori %select_n3A_250, %reduce_max3A_254 : vector<16xi32>
        %reduce_max3A_256 = tpu.scan <max>, %reduce_max3A_255 masked %reduce_max3A_252 : vector<16xi32>, vector<16xi1> -> vector<16xi32>
        %reduce_max3A_257 = arith.xori %reduce_max3A_256, %reduce_max3A_254 : vector<16xi32>
        %reduce_max3A_258 = vector.extract %reduce_max3A_257[15] : i32 from vector<16xi32>
        %ge3A_259 = arith.constant 0 : i32
        %ge3A_260 = arith.cmpi sge, %reduce_max3A_258, %ge3A_259 : i32
        %convert_element_type3A_261 = arith.extui %ge3A_260 : i1 to i32
        %cond3A_262 = arith.constant 0 : i32
        %cond3A_263 = arith.cmpi ne, %convert_element_type3A_261, %cond3A_262 : i32
        scf.if %cond3A_263 {
          %dma_start3A_777 = arith.constant 4 : i32
          %dma_start3A_778 = arith.constant 0 : i32
          %dma_start3A_779 = tpu.memref_slice %arg10[%dma_start3A_777, %dma_start3A_778] : memref<16x2048xf32, #tpu.memory_space<vmem>> -> memref<1x2048xf32, #tpu.memory_space<vmem>>
          %dma_start3A_780 = arith.constant 0 : i32
          %dma_start3A_781 = tpu.memref_slice %arg4[%reduce_max3A_258, %dma_start3A_780] : memref<512x2048xf32, #tpu.memory_space<hbm>> -> memref<1x2048xf32, #tpu.memory_space<hbm>>
          %dma_start3A_782 = arith.constant 4 : i32
          %dma_start3A_783 = arith.constant 0 : i32
          %dma_start3A_784 = tpu.memref_slice %arg10[%dma_start3A_782, %dma_start3A_783] : memref<16x2048xf32, #tpu.memory_space<vmem>> -> memref<1x2048xf32, #tpu.memory_space<vmem>>
          %dma_start3A_785 = arith.constant 0 : i32
          %dma_start3A_786 = tpu.memref_slice %arg4[%reduce_max3A_258, %dma_start3A_785] : memref<512x2048xf32, #tpu.memory_space<hbm>> -> memref<1x2048xf32, #tpu.memory_space<hbm>>
          tpu.enqueue_dma source(%dma_start3A_786 : memref<1x2048xf32, #tpu.memory_space<hbm>>) target(%dma_start3A_784 : memref<1x2048xf32, #tpu.memory_space<vmem>>) target_semaphore(%arg15 : memref<!tpu.dma_semaphore, #tpu.memory_space<semaphore_mem>>)
        } else {
        }
        %eq3A_264 = arith.constant 5 : i32
        %eq3A_265 = vector.broadcast %eq3A_264 : i32 to vector<16xi32>
        %eq3A_266 = arith.cmpi eq, %iota3A, %eq3A_265 : vector<16xi32>
        %jit3A_267 = arith.constant -1 : i32
        %broadcast_in_dim3A_268 = vector.broadcast %jit3A_267 : i32 to vector<16xi32>
        %select_n3A_269 = arith.select %eq3A_266, %select_n3A_145, %broadcast_in_dim3A_268 : vector<16xi1>, vector<16xi32>
        %reduce_max3A_270 = arith.constant true
        %reduce_max3A_271 = vector.broadcast %reduce_max3A_270 : i1 to vector<16xi1>
        %reduce_max3A_272 = arith.constant -2147483648 : i32
        %reduce_max3A_273 = vector.broadcast %reduce_max3A_272 : i32 to vector<16xi32>
        %reduce_max3A_274 = arith.xori %select_n3A_269, %reduce_max3A_273 : vector<16xi32>
        %reduce_max3A_275 = tpu.scan <max>, %reduce_max3A_274 masked %reduce_max3A_271 : vector<16xi32>, vector<16xi1> -> vector<16xi32>
        %reduce_max3A_276 = arith.xori %reduce_max3A_275, %reduce_max3A_273 : vector<16xi32>
        %reduce_max3A_277 = vector.extract %reduce_max3A_276[15] : i32 from vector<16xi32>
        %ge3A_278 = arith.constant 0 : i32
        %ge3A_279 = arith.cmpi sge, %reduce_max3A_277, %ge3A_278 : i32
        %convert_element_type3A_280 = arith.extui %ge3A_279 : i1 to i32
        %cond3A_281 = arith.constant 0 : i32
        %cond3A_282 = arith.cmpi ne, %convert_element_type3A_280, %cond3A_281 : i32
        scf.if %cond3A_282 {
          %dma_start3A_777 = arith.constant 5 : i32
          %dma_start3A_778 = arith.constant 0 : i32
          %dma_start3A_779 = tpu.memref_slice %arg10[%dma_start3A_777, %dma_start3A_778] : memref<16x2048xf32, #tpu.memory_space<vmem>> -> memref<1x2048xf32, #tpu.memory_space<vmem>>
          %dma_start3A_780 = arith.constant 0 : i32
          %dma_start3A_781 = tpu.memref_slice %arg4[%reduce_max3A_277, %dma_start3A_780] : memref<512x2048xf32, #tpu.memory_space<hbm>> -> memref<1x2048xf32, #tpu.memory_space<hbm>>
          %dma_start3A_782 = arith.constant 5 : i32
          %dma_start3A_783 = arith.constant 0 : i32
          %dma_start3A_784 = tpu.memref_slice %arg10[%dma_start3A_782, %dma_start3A_783] : memref<16x2048xf32, #tpu.memory_space<vmem>> -> memref<1x2048xf32, #tpu.memory_space<vmem>>
          %dma_start3A_785 = arith.constant 0 : i32
          %dma_start3A_786 = tpu.memref_slice %arg4[%reduce_max3A_277, %dma_start3A_785] : memref<512x2048xf32, #tpu.memory_space<hbm>> -> memref<1x2048xf32, #tpu.memory_space<hbm>>
          tpu.enqueue_dma source(%dma_start3A_786 : memref<1x2048xf32, #tpu.memory_space<hbm>>) target(%dma_start3A_784 : memref<1x2048xf32, #tpu.memory_space<vmem>>) target_semaphore(%arg15 : memref<!tpu.dma_semaphore, #tpu.memory_space<semaphore_mem>>)
        } else {
        }
        %eq3A_283 = arith.constant 6 : i32
        %eq3A_284 = vector.broadcast %eq3A_283 : i32 to vector<16xi32>
        %eq3A_285 = arith.cmpi eq, %iota3A, %eq3A_284 : vector<16xi32>
        %jit3A_286 = arith.constant -1 : i32
        %broadcast_in_dim3A_287 = vector.broadcast %jit3A_286 : i32 to vector<16xi32>
        %select_n3A_288 = arith.select %eq3A_285, %select_n3A_145, %broadcast_in_dim3A_287 : vector<16xi1>, vector<16xi32>
        %reduce_max3A_289 = arith.constant true
        %reduce_max3A_290 = vector.broadcast %reduce_max3A_289 : i1 to vector<16xi1>
        %reduce_max3A_291 = arith.constant -2147483648 : i32
        %reduce_max3A_292 = vector.broadcast %reduce_max3A_291 : i32 to vector<16xi32>
        %reduce_max3A_293 = arith.xori %select_n3A_288, %reduce_max3A_292 : vector<16xi32>
        %reduce_max3A_294 = tpu.scan <max>, %reduce_max3A_293 masked %reduce_max3A_290 : vector<16xi32>, vector<16xi1> -> vector<16xi32>
        %reduce_max3A_295 = arith.xori %reduce_max3A_294, %reduce_max3A_292 : vector<16xi32>
        %reduce_max3A_296 = vector.extract %reduce_max3A_295[15] : i32 from vector<16xi32>
        %ge3A_297 = arith.constant 0 : i32
        %ge3A_298 = arith.cmpi sge, %reduce_max3A_296, %ge3A_297 : i32
        %convert_element_type3A_299 = arith.extui %ge3A_298 : i1 to i32
        %cond3A_300 = arith.constant 0 : i32
        %cond3A_301 = arith.cmpi ne, %convert_element_type3A_299, %cond3A_300 : i32
        scf.if %cond3A_301 {
          %dma_start3A_777 = arith.constant 6 : i32
          %dma_start3A_778 = arith.constant 0 : i32
          %dma_start3A_779 = tpu.memref_slice %arg10[%dma_start3A_777, %dma_start3A_778] : memref<16x2048xf32, #tpu.memory_space<vmem>> -> memref<1x2048xf32, #tpu.memory_space<vmem>>
          %dma_start3A_780 = arith.constant 0 : i32
          %dma_start3A_781 = tpu.memref_slice %arg4[%reduce_max3A_296, %dma_start3A_780] : memref<512x2048xf32, #tpu.memory_space<hbm>> -> memref<1x2048xf32, #tpu.memory_space<hbm>>
          %dma_start3A_782 = arith.constant 6 : i32
          %dma_start3A_783 = arith.constant 0 : i32
          %dma_start3A_784 = tpu.memref_slice %arg10[%dma_start3A_782, %dma_start3A_783] : memref<16x2048xf32, #tpu.memory_space<vmem>> -> memref<1x2048xf32, #tpu.memory_space<vmem>>
          %dma_start3A_785 = arith.constant 0 : i32
          %dma_start3A_786 = tpu.memref_slice %arg4[%reduce_max3A_296, %dma_start3A_785] : memref<512x2048xf32, #tpu.memory_space<hbm>> -> memref<1x2048xf32, #tpu.memory_space<hbm>>
          tpu.enqueue_dma source(%dma_start3A_786 : memref<1x2048xf32, #tpu.memory_space<hbm>>) target(%dma_start3A_784 : memref<1x2048xf32, #tpu.memory_space<vmem>>) target_semaphore(%arg15 : memref<!tpu.dma_semaphore, #tpu.memory_space<semaphore_mem>>)
        } else {
        }
        %eq3A_302 = arith.constant 7 : i32
        %eq3A_303 = vector.broadcast %eq3A_302 : i32 to vector<16xi32>
        %eq3A_304 = arith.cmpi eq, %iota3A, %eq3A_303 : vector<16xi32>
        %jit3A_305 = arith.constant -1 : i32
        %broadcast_in_dim3A_306 = vector.broadcast %jit3A_305 : i32 to vector<16xi32>
        %select_n3A_307 = arith.select %eq3A_304, %select_n3A_145, %broadcast_in_dim3A_306 : vector<16xi1>, vector<16xi32>
        %reduce_max3A_308 = arith.constant true
        %reduce_max3A_309 = vector.broadcast %reduce_max3A_308 : i1 to vector<16xi1>
        %reduce_max3A_310 = arith.constant -2147483648 : i32
        %reduce_max3A_311 = vector.broadcast %reduce_max3A_310 : i32 to vector<16xi32>
        %reduce_max3A_312 = arith.xori %select_n3A_307, %reduce_max3A_311 : vector<16xi32>
        %reduce_max3A_313 = tpu.scan <max>, %reduce_max3A_312 masked %reduce_max3A_309 : vector<16xi32>, vector<16xi1> -> vector<16xi32>
        %reduce_max3A_314 = arith.xori %reduce_max3A_313, %reduce_max3A_311 : vector<16xi32>
        %reduce_max3A_315 = vector.extract %reduce_max3A_314[15] : i32 from vector<16xi32>
        %ge3A_316 = arith.constant 0 : i32
        %ge3A_317 = arith.cmpi sge, %reduce_max3A_315, %ge3A_316 : i32
        %convert_element_type3A_318 = arith.extui %ge3A_317 : i1 to i32
        %cond3A_319 = arith.constant 0 : i32
        %cond3A_320 = arith.cmpi ne, %convert_element_type3A_318, %cond3A_319 : i32
        scf.if %cond3A_320 {
          %dma_start3A_777 = arith.constant 7 : i32
          %dma_start3A_778 = arith.constant 0 : i32
          %dma_start3A_779 = tpu.memref_slice %arg10[%dma_start3A_777, %dma_start3A_778] : memref<16x2048xf32, #tpu.memory_space<vmem>> -> memref<1x2048xf32, #tpu.memory_space<vmem>>
          %dma_start3A_780 = arith.constant 0 : i32
          %dma_start3A_781 = tpu.memref_slice %arg4[%reduce_max3A_315, %dma_start3A_780] : memref<512x2048xf32, #tpu.memory_space<hbm>> -> memref<1x2048xf32, #tpu.memory_space<hbm>>
          %dma_start3A_782 = arith.constant 7 : i32
          %dma_start3A_783 = arith.constant 0 : i32
          %dma_start3A_784 = tpu.memref_slice %arg10[%dma_start3A_782, %dma_start3A_783] : memref<16x2048xf32, #tpu.memory_space<vmem>> -> memref<1x2048xf32, #tpu.memory_space<vmem>>
          %dma_start3A_785 = arith.constant 0 : i32
          %dma_start3A_786 = tpu.memref_slice %arg4[%reduce_max3A_315, %dma_start3A_785] : memref<512x2048xf32, #tpu.memory_space<hbm>> -> memref<1x2048xf32, #tpu.memory_space<hbm>>
          tpu.enqueue_dma source(%dma_start3A_786 : memref<1x2048xf32, #tpu.memory_space<hbm>>) target(%dma_start3A_784 : memref<1x2048xf32, #tpu.memory_space<vmem>>) target_semaphore(%arg15 : memref<!tpu.dma_semaphore, #tpu.memory_space<semaphore_mem>>)
        } else {
        }
        %eq3A_321 = arith.constant 8 : i32
        %eq3A_322 = vector.broadcast %eq3A_321 : i32 to vector<16xi32>
        %eq3A_323 = arith.cmpi eq, %iota3A, %eq3A_322 : vector<16xi32>
        %jit3A_324 = arith.constant -1 : i32
        %broadcast_in_dim3A_325 = vector.broadcast %jit3A_324 : i32 to vector<16xi32>
        %select_n3A_326 = arith.select %eq3A_323, %select_n3A_145, %broadcast_in_dim3A_325 : vector<16xi1>, vector<16xi32>
        %reduce_max3A_327 = arith.constant true
        %reduce_max3A_328 = vector.broadcast %reduce_max3A_327 : i1 to vector<16xi1>
        %reduce_max3A_329 = arith.constant -2147483648 : i32
        %reduce_max3A_330 = vector.broadcast %reduce_max3A_329 : i32 to vector<16xi32>
        %reduce_max3A_331 = arith.xori %select_n3A_326, %reduce_max3A_330 : vector<16xi32>
        %reduce_max3A_332 = tpu.scan <max>, %reduce_max3A_331 masked %reduce_max3A_328 : vector<16xi32>, vector<16xi1> -> vector<16xi32>
        %reduce_max3A_333 = arith.xori %reduce_max3A_332, %reduce_max3A_330 : vector<16xi32>
        %reduce_max3A_334 = vector.extract %reduce_max3A_333[15] : i32 from vector<16xi32>
        %ge3A_335 = arith.constant 0 : i32
        %ge3A_336 = arith.cmpi sge, %reduce_max3A_334, %ge3A_335 : i32
        %convert_element_type3A_337 = arith.extui %ge3A_336 : i1 to i32
        %cond3A_338 = arith.constant 0 : i32
        %cond3A_339 = arith.cmpi ne, %convert_element_type3A_337, %cond3A_338 : i32
        scf.if %cond3A_339 {
          %dma_start3A_777 = arith.constant 8 : i32
          %dma_start3A_778 = arith.constant 0 : i32
          %dma_start3A_779 = tpu.memref_slice %arg10[%dma_start3A_777, %dma_start3A_778] : memref<16x2048xf32, #tpu.memory_space<vmem>> -> memref<1x2048xf32, #tpu.memory_space<vmem>>
          %dma_start3A_780 = arith.constant 0 : i32
          %dma_start3A_781 = tpu.memref_slice %arg4[%reduce_max3A_334, %dma_start3A_780] : memref<512x2048xf32, #tpu.memory_space<hbm>> -> memref<1x2048xf32, #tpu.memory_space<hbm>>
          %dma_start3A_782 = arith.constant 8 : i32
          %dma_start3A_783 = arith.constant 0 : i32
          %dma_start3A_784 = tpu.memref_slice %arg10[%dma_start3A_782, %dma_start3A_783] : memref<16x2048xf32, #tpu.memory_space<vmem>> -> memref<1x2048xf32, #tpu.memory_space<vmem>>
          %dma_start3A_785 = arith.constant 0 : i32
          %dma_start3A_786 = tpu.memref_slice %arg4[%reduce_max3A_334, %dma_start3A_785] : memref<512x2048xf32, #tpu.memory_space<hbm>> -> memref<1x2048xf32, #tpu.memory_space<hbm>>
          tpu.enqueue_dma source(%dma_start3A_786 : memref<1x2048xf32, #tpu.memory_space<hbm>>) target(%dma_start3A_784 : memref<1x2048xf32, #tpu.memory_space<vmem>>) target_semaphore(%arg15 : memref<!tpu.dma_semaphore, #tpu.memory_space<semaphore_mem>>)
        } else {
        }
        %eq3A_340 = arith.constant 9 : i32
        %eq3A_341 = vector.broadcast %eq3A_340 : i32 to vector<16xi32>
        %eq3A_342 = arith.cmpi eq, %iota3A, %eq3A_341 : vector<16xi32>
        %jit3A_343 = arith.constant -1 : i32
        %broadcast_in_dim3A_344 = vector.broadcast %jit3A_343 : i32 to vector<16xi32>
        %select_n3A_345 = arith.select %eq3A_342, %select_n3A_145, %broadcast_in_dim3A_344 : vector<16xi1>, vector<16xi32>
        %reduce_max3A_346 = arith.constant true
        %reduce_max3A_347 = vector.broadcast %reduce_max3A_346 : i1 to vector<16xi1>
        %reduce_max3A_348 = arith.constant -2147483648 : i32
        %reduce_max3A_349 = vector.broadcast %reduce_max3A_348 : i32 to vector<16xi32>
        %reduce_max3A_350 = arith.xori %select_n3A_345, %reduce_max3A_349 : vector<16xi32>
        %reduce_max3A_351 = tpu.scan <max>, %reduce_max3A_350 masked %reduce_max3A_347 : vector<16xi32>, vector<16xi1> -> vector<16xi32>
        %reduce_max3A_352 = arith.xori %reduce_max3A_351, %reduce_max3A_349 : vector<16xi32>
        %reduce_max3A_353 = vector.extract %reduce_max3A_352[15] : i32 from vector<16xi32>
        %ge3A_354 = arith.constant 0 : i32
        %ge3A_355 = arith.cmpi sge, %reduce_max3A_353, %ge3A_354 : i32
        %convert_element_type3A_356 = arith.extui %ge3A_355 : i1 to i32
        %cond3A_357 = arith.constant 0 : i32
        %cond3A_358 = arith.cmpi ne, %convert_element_type3A_356, %cond3A_357 : i32
        scf.if %cond3A_358 {
          %dma_start3A_777 = arith.constant 9 : i32
          %dma_start3A_778 = arith.constant 0 : i32
          %dma_start3A_779 = tpu.memref_slice %arg10[%dma_start3A_777, %dma_start3A_778] : memref<16x2048xf32, #tpu.memory_space<vmem>> -> memref<1x2048xf32, #tpu.memory_space<vmem>>
          %dma_start3A_780 = arith.constant 0 : i32
          %dma_start3A_781 = tpu.memref_slice %arg4[%reduce_max3A_353, %dma_start3A_780] : memref<512x2048xf32, #tpu.memory_space<hbm>> -> memref<1x2048xf32, #tpu.memory_space<hbm>>
          %dma_start3A_782 = arith.constant 9 : i32
          %dma_start3A_783 = arith.constant 0 : i32
          %dma_start3A_784 = tpu.memref_slice %arg10[%dma_start3A_782, %dma_start3A_783] : memref<16x2048xf32, #tpu.memory_space<vmem>> -> memref<1x2048xf32, #tpu.memory_space<vmem>>
          %dma_start3A_785 = arith.constant 0 : i32
          %dma_start3A_786 = tpu.memref_slice %arg4[%reduce_max3A_353, %dma_start3A_785] : memref<512x2048xf32, #tpu.memory_space<hbm>> -> memref<1x2048xf32, #tpu.memory_space<hbm>>
          tpu.enqueue_dma source(%dma_start3A_786 : memref<1x2048xf32, #tpu.memory_space<hbm>>) target(%dma_start3A_784 : memref<1x2048xf32, #tpu.memory_space<vmem>>) target_semaphore(%arg15 : memref<!tpu.dma_semaphore, #tpu.memory_space<semaphore_mem>>)
        } else {
        }
        %eq3A_359 = arith.constant 10 : i32
        %eq3A_360 = vector.broadcast %eq3A_359 : i32 to vector<16xi32>
        %eq3A_361 = arith.cmpi eq, %iota3A, %eq3A_360 : vector<16xi32>
        %jit3A_362 = arith.constant -1 : i32
        %broadcast_in_dim3A_363 = vector.broadcast %jit3A_362 : i32 to vector<16xi32>
        %select_n3A_364 = arith.select %eq3A_361, %select_n3A_145, %broadcast_in_dim3A_363 : vector<16xi1>, vector<16xi32>
        %reduce_max3A_365 = arith.constant true
        %reduce_max3A_366 = vector.broadcast %reduce_max3A_365 : i1 to vector<16xi1>
        %reduce_max3A_367 = arith.constant -2147483648 : i32
        %reduce_max3A_368 = vector.broadcast %reduce_max3A_367 : i32 to vector<16xi32>
        %reduce_max3A_369 = arith.xori %select_n3A_364, %reduce_max3A_368 : vector<16xi32>
        %reduce_max3A_370 = tpu.scan <max>, %reduce_max3A_369 masked %reduce_max3A_366 : vector<16xi32>, vector<16xi1> -> vector<16xi32>
        %reduce_max3A_371 = arith.xori %reduce_max3A_370, %reduce_max3A_368 : vector<16xi32>
        %reduce_max3A_372 = vector.extract %reduce_max3A_371[15] : i32 from vector<16xi32>
        %ge3A_373 = arith.constant 0 : i32
        %ge3A_374 = arith.cmpi sge, %reduce_max3A_372, %ge3A_373 : i32
        %convert_element_type3A_375 = arith.extui %ge3A_374 : i1 to i32
        %cond3A_376 = arith.constant 0 : i32
        %cond3A_377 = arith.cmpi ne, %convert_element_type3A_375, %cond3A_376 : i32
        scf.if %cond3A_377 {
          %dma_start3A_777 = arith.constant 10 : i32
          %dma_start3A_778 = arith.constant 0 : i32
          %dma_start3A_779 = tpu.memref_slice %arg10[%dma_start3A_777, %dma_start3A_778] : memref<16x2048xf32, #tpu.memory_space<vmem>> -> memref<1x2048xf32, #tpu.memory_space<vmem>>
          %dma_start3A_780 = arith.constant 0 : i32
          %dma_start3A_781 = tpu.memref_slice %arg4[%reduce_max3A_372, %dma_start3A_780] : memref<512x2048xf32, #tpu.memory_space<hbm>> -> memref<1x2048xf32, #tpu.memory_space<hbm>>
          %dma_start3A_782 = arith.constant 10 : i32
          %dma_start3A_783 = arith.constant 0 : i32
          %dma_start3A_784 = tpu.memref_slice %arg10[%dma_start3A_782, %dma_start3A_783] : memref<16x2048xf32, #tpu.memory_space<vmem>> -> memref<1x2048xf32, #tpu.memory_space<vmem>>
          %dma_start3A_785 = arith.constant 0 : i32
          %dma_start3A_786 = tpu.memref_slice %arg4[%reduce_max3A_372, %dma_start3A_785] : memref<512x2048xf32, #tpu.memory_space<hbm>> -> memref<1x2048xf32, #tpu.memory_space<hbm>>
          tpu.enqueue_dma source(%dma_start3A_786 : memref<1x2048xf32, #tpu.memory_space<hbm>>) target(%dma_start3A_784 : memref<1x2048xf32, #tpu.memory_space<vmem>>) target_semaphore(%arg15 : memref<!tpu.dma_semaphore, #tpu.memory_space<semaphore_mem>>)
        } else {
        }
        %eq3A_378 = arith.constant 11 : i32
        %eq3A_379 = vector.broadcast %eq3A_378 : i32 to vector<16xi32>
        %eq3A_380 = arith.cmpi eq, %iota3A, %eq3A_379 : vector<16xi32>
        %jit3A_381 = arith.constant -1 : i32
        %broadcast_in_dim3A_382 = vector.broadcast %jit3A_381 : i32 to vector<16xi32>
        %select_n3A_383 = arith.select %eq3A_380, %select_n3A_145, %broadcast_in_dim3A_382 : vector<16xi1>, vector<16xi32>
        %reduce_max3A_384 = arith.constant true
        %reduce_max3A_385 = vector.broadcast %reduce_max3A_384 : i1 to vector<16xi1>
        %reduce_max3A_386 = arith.constant -2147483648 : i32
        %reduce_max3A_387 = vector.broadcast %reduce_max3A_386 : i32 to vector<16xi32>
        %reduce_max3A_388 = arith.xori %select_n3A_383, %reduce_max3A_387 : vector<16xi32>
        %reduce_max3A_389 = tpu.scan <max>, %reduce_max3A_388 masked %reduce_max3A_385 : vector<16xi32>, vector<16xi1> -> vector<16xi32>
        %reduce_max3A_390 = arith.xori %reduce_max3A_389, %reduce_max3A_387 : vector<16xi32>
        %reduce_max3A_391 = vector.extract %reduce_max3A_390[15] : i32 from vector<16xi32>
        %ge3A_392 = arith.constant 0 : i32
        %ge3A_393 = arith.cmpi sge, %reduce_max3A_391, %ge3A_392 : i32
        %convert_element_type3A_394 = arith.extui %ge3A_393 : i1 to i32
        %cond3A_395 = arith.constant 0 : i32
        %cond3A_396 = arith.cmpi ne, %convert_element_type3A_394, %cond3A_395 : i32
        scf.if %cond3A_396 {
          %dma_start3A_777 = arith.constant 11 : i32
          %dma_start3A_778 = arith.constant 0 : i32
          %dma_start3A_779 = tpu.memref_slice %arg10[%dma_start3A_777, %dma_start3A_778] : memref<16x2048xf32, #tpu.memory_space<vmem>> -> memref<1x2048xf32, #tpu.memory_space<vmem>>
          %dma_start3A_780 = arith.constant 0 : i32
          %dma_start3A_781 = tpu.memref_slice %arg4[%reduce_max3A_391, %dma_start3A_780] : memref<512x2048xf32, #tpu.memory_space<hbm>> -> memref<1x2048xf32, #tpu.memory_space<hbm>>
          %dma_start3A_782 = arith.constant 11 : i32
          %dma_start3A_783 = arith.constant 0 : i32
          %dma_start3A_784 = tpu.memref_slice %arg10[%dma_start3A_782, %dma_start3A_783] : memref<16x2048xf32, #tpu.memory_space<vmem>> -> memref<1x2048xf32, #tpu.memory_space<vmem>>
          %dma_start3A_785 = arith.constant 0 : i32
          %dma_start3A_786 = tpu.memref_slice %arg4[%reduce_max3A_391, %dma_start3A_785] : memref<512x2048xf32, #tpu.memory_space<hbm>> -> memref<1x2048xf32, #tpu.memory_space<hbm>>
          tpu.enqueue_dma source(%dma_start3A_786 : memref<1x2048xf32, #tpu.memory_space<hbm>>) target(%dma_start3A_784 : memref<1x2048xf32, #tpu.memory_space<vmem>>) target_semaphore(%arg15 : memref<!tpu.dma_semaphore, #tpu.memory_space<semaphore_mem>>)
        } else {
        }
        %eq3A_397 = arith.constant 12 : i32
        %eq3A_398 = vector.broadcast %eq3A_397 : i32 to vector<16xi32>
        %eq3A_399 = arith.cmpi eq, %iota3A, %eq3A_398 : vector<16xi32>
        %jit3A_400 = arith.constant -1 : i32
        %broadcast_in_dim3A_401 = vector.broadcast %jit3A_400 : i32 to vector<16xi32>
        %select_n3A_402 = arith.select %eq3A_399, %select_n3A_145, %broadcast_in_dim3A_401 : vector<16xi1>, vector<16xi32>
        %reduce_max3A_403 = arith.constant true
        %reduce_max3A_404 = vector.broadcast %reduce_max3A_403 : i1 to vector<16xi1>
        %reduce_max3A_405 = arith.constant -2147483648 : i32
        %reduce_max3A_406 = vector.broadcast %reduce_max3A_405 : i32 to vector<16xi32>
        %reduce_max3A_407 = arith.xori %select_n3A_402, %reduce_max3A_406 : vector<16xi32>
        %reduce_max3A_408 = tpu.scan <max>, %reduce_max3A_407 masked %reduce_max3A_404 : vector<16xi32>, vector<16xi1> -> vector<16xi32>
        %reduce_max3A_409 = arith.xori %reduce_max3A_408, %reduce_max3A_406 : vector<16xi32>
        %reduce_max3A_410 = vector.extract %reduce_max3A_409[15] : i32 from vector<16xi32>
        %ge3A_411 = arith.constant 0 : i32
        %ge3A_412 = arith.cmpi sge, %reduce_max3A_410, %ge3A_411 : i32
        %convert_element_type3A_413 = arith.extui %ge3A_412 : i1 to i32
        %cond3A_414 = arith.constant 0 : i32
        %cond3A_415 = arith.cmpi ne, %convert_element_type3A_413, %cond3A_414 : i32
        scf.if %cond3A_415 {
          %dma_start3A_777 = arith.constant 12 : i32
          %dma_start3A_778 = arith.constant 0 : i32
          %dma_start3A_779 = tpu.memref_slice %arg10[%dma_start3A_777, %dma_start3A_778] : memref<16x2048xf32, #tpu.memory_space<vmem>> -> memref<1x2048xf32, #tpu.memory_space<vmem>>
          %dma_start3A_780 = arith.constant 0 : i32
          %dma_start3A_781 = tpu.memref_slice %arg4[%reduce_max3A_410, %dma_start3A_780] : memref<512x2048xf32, #tpu.memory_space<hbm>> -> memref<1x2048xf32, #tpu.memory_space<hbm>>
          %dma_start3A_782 = arith.constant 12 : i32
          %dma_start3A_783 = arith.constant 0 : i32
          %dma_start3A_784 = tpu.memref_slice %arg10[%dma_start3A_782, %dma_start3A_783] : memref<16x2048xf32, #tpu.memory_space<vmem>> -> memref<1x2048xf32, #tpu.memory_space<vmem>>
          %dma_start3A_785 = arith.constant 0 : i32
          %dma_start3A_786 = tpu.memref_slice %arg4[%reduce_max3A_410, %dma_start3A_785] : memref<512x2048xf32, #tpu.memory_space<hbm>> -> memref<1x2048xf32, #tpu.memory_space<hbm>>
          tpu.enqueue_dma source(%dma_start3A_786 : memref<1x2048xf32, #tpu.memory_space<hbm>>) target(%dma_start3A_784 : memref<1x2048xf32, #tpu.memory_space<vmem>>) target_semaphore(%arg15 : memref<!tpu.dma_semaphore, #tpu.memory_space<semaphore_mem>>)
        } else {
        }
        %eq3A_416 = arith.constant 13 : i32
        %eq3A_417 = vector.broadcast %eq3A_416 : i32 to vector<16xi32>
        %eq3A_418 = arith.cmpi eq, %iota3A, %eq3A_417 : vector<16xi32>
        %jit3A_419 = arith.constant -1 : i32
        %broadcast_in_dim3A_420 = vector.broadcast %jit3A_419 : i32 to vector<16xi32>
        %select_n3A_421 = arith.select %eq3A_418, %select_n3A_145, %broadcast_in_dim3A_420 : vector<16xi1>, vector<16xi32>
        %reduce_max3A_422 = arith.constant true
        %reduce_max3A_423 = vector.broadcast %reduce_max3A_422 : i1 to vector<16xi1>
        %reduce_max3A_424 = arith.constant -2147483648 : i32
        %reduce_max3A_425 = vector.broadcast %reduce_max3A_424 : i32 to vector<16xi32>
        %reduce_max3A_426 = arith.xori %select_n3A_421, %reduce_max3A_425 : vector<16xi32>
        %reduce_max3A_427 = tpu.scan <max>, %reduce_max3A_426 masked %reduce_max3A_423 : vector<16xi32>, vector<16xi1> -> vector<16xi32>
        %reduce_max3A_428 = arith.xori %reduce_max3A_427, %reduce_max3A_425 : vector<16xi32>
        %reduce_max3A_429 = vector.extract %reduce_max3A_428[15] : i32 from vector<16xi32>
        %ge3A_430 = arith.constant 0 : i32
        %ge3A_431 = arith.cmpi sge, %reduce_max3A_429, %ge3A_430 : i32
        %convert_element_type3A_432 = arith.extui %ge3A_431 : i1 to i32
        %cond3A_433 = arith.constant 0 : i32
        %cond3A_434 = arith.cmpi ne, %convert_element_type3A_432, %cond3A_433 : i32
        scf.if %cond3A_434 {
          %dma_start3A_777 = arith.constant 13 : i32
          %dma_start3A_778 = arith.constant 0 : i32
          %dma_start3A_779 = tpu.memref_slice %arg10[%dma_start3A_777, %dma_start3A_778] : memref<16x2048xf32, #tpu.memory_space<vmem>> -> memref<1x2048xf32, #tpu.memory_space<vmem>>
          %dma_start3A_780 = arith.constant 0 : i32
          %dma_start3A_781 = tpu.memref_slice %arg4[%reduce_max3A_429, %dma_start3A_780] : memref<512x2048xf32, #tpu.memory_space<hbm>> -> memref<1x2048xf32, #tpu.memory_space<hbm>>
          %dma_start3A_782 = arith.constant 13 : i32
          %dma_start3A_783 = arith.constant 0 : i32
          %dma_start3A_784 = tpu.memref_slice %arg10[%dma_start3A_782, %dma_start3A_783] : memref<16x2048xf32, #tpu.memory_space<vmem>> -> memref<1x2048xf32, #tpu.memory_space<vmem>>
          %dma_start3A_785 = arith.constant 0 : i32
          %dma_start3A_786 = tpu.memref_slice %arg4[%reduce_max3A_429, %dma_start3A_785] : memref<512x2048xf32, #tpu.memory_space<hbm>> -> memref<1x2048xf32, #tpu.memory_space<hbm>>
          tpu.enqueue_dma source(%dma_start3A_786 : memref<1x2048xf32, #tpu.memory_space<hbm>>) target(%dma_start3A_784 : memref<1x2048xf32, #tpu.memory_space<vmem>>) target_semaphore(%arg15 : memref<!tpu.dma_semaphore, #tpu.memory_space<semaphore_mem>>)
        } else {
        }
        %eq3A_435 = arith.constant 14 : i32
        %eq3A_436 = vector.broadcast %eq3A_435 : i32 to vector<16xi32>
        %eq3A_437 = arith.cmpi eq, %iota3A, %eq3A_436 : vector<16xi32>
        %jit3A_438 = arith.constant -1 : i32
        %broadcast_in_dim3A_439 = vector.broadcast %jit3A_438 : i32 to vector<16xi32>
        %select_n3A_440 = arith.select %eq3A_437, %select_n3A_145, %broadcast_in_dim3A_439 : vector<16xi1>, vector<16xi32>
        %reduce_max3A_441 = arith.constant true
        %reduce_max3A_442 = vector.broadcast %reduce_max3A_441 : i1 to vector<16xi1>
        %reduce_max3A_443 = arith.constant -2147483648 : i32
        %reduce_max3A_444 = vector.broadcast %reduce_max3A_443 : i32 to vector<16xi32>
        %reduce_max3A_445 = arith.xori %select_n3A_440, %reduce_max3A_444 : vector<16xi32>
        %reduce_max3A_446 = tpu.scan <max>, %reduce_max3A_445 masked %reduce_max3A_442 : vector<16xi32>, vector<16xi1> -> vector<16xi32>
        %reduce_max3A_447 = arith.xori %reduce_max3A_446, %reduce_max3A_444 : vector<16xi32>
        %reduce_max3A_448 = vector.extract %reduce_max3A_447[15] : i32 from vector<16xi32>
        %ge3A_449 = arith.constant 0 : i32
        %ge3A_450 = arith.cmpi sge, %reduce_max3A_448, %ge3A_449 : i32
        %convert_element_type3A_451 = arith.extui %ge3A_450 : i1 to i32
        %cond3A_452 = arith.constant 0 : i32
        %cond3A_453 = arith.cmpi ne, %convert_element_type3A_451, %cond3A_452 : i32
        scf.if %cond3A_453 {
          %dma_start3A_777 = arith.constant 14 : i32
          %dma_start3A_778 = arith.constant 0 : i32
          %dma_start3A_779 = tpu.memref_slice %arg10[%dma_start3A_777, %dma_start3A_778] : memref<16x2048xf32, #tpu.memory_space<vmem>> -> memref<1x2048xf32, #tpu.memory_space<vmem>>
          %dma_start3A_780 = arith.constant 0 : i32
          %dma_start3A_781 = tpu.memref_slice %arg4[%reduce_max3A_448, %dma_start3A_780] : memref<512x2048xf32, #tpu.memory_space<hbm>> -> memref<1x2048xf32, #tpu.memory_space<hbm>>
          %dma_start3A_782 = arith.constant 14 : i32
          %dma_start3A_783 = arith.constant 0 : i32
          %dma_start3A_784 = tpu.memref_slice %arg10[%dma_start3A_782, %dma_start3A_783] : memref<16x2048xf32, #tpu.memory_space<vmem>> -> memref<1x2048xf32, #tpu.memory_space<vmem>>
          %dma_start3A_785 = arith.constant 0 : i32
          %dma_start3A_786 = tpu.memref_slice %arg4[%reduce_max3A_448, %dma_start3A_785] : memref<512x2048xf32, #tpu.memory_space<hbm>> -> memref<1x2048xf32, #tpu.memory_space<hbm>>
          tpu.enqueue_dma source(%dma_start3A_786 : memref<1x2048xf32, #tpu.memory_space<hbm>>) target(%dma_start3A_784 : memref<1x2048xf32, #tpu.memory_space<vmem>>) target_semaphore(%arg15 : memref<!tpu.dma_semaphore, #tpu.memory_space<semaphore_mem>>)
        } else {
        }
        %eq3A_454 = arith.constant 15 : i32
        %eq3A_455 = vector.broadcast %eq3A_454 : i32 to vector<16xi32>
        %eq3A_456 = arith.cmpi eq, %iota3A, %eq3A_455 : vector<16xi32>
        %jit3A_457 = arith.constant -1 : i32
        %broadcast_in_dim3A_458 = vector.broadcast %jit3A_457 : i32 to vector<16xi32>
        %select_n3A_459 = arith.select %eq3A_456, %select_n3A_145, %broadcast_in_dim3A_458 : vector<16xi1>, vector<16xi32>
        %reduce_max3A_460 = arith.constant true
        %reduce_max3A_461 = vector.broadcast %reduce_max3A_460 : i1 to vector<16xi1>
        %reduce_max3A_462 = arith.constant -2147483648 : i32
        %reduce_max3A_463 = vector.broadcast %reduce_max3A_462 : i32 to vector<16xi32>
        %reduce_max3A_464 = arith.xori %select_n3A_459, %reduce_max3A_463 : vector<16xi32>
        %reduce_max3A_465 = tpu.scan <max>, %reduce_max3A_464 masked %reduce_max3A_461 : vector<16xi32>, vector<16xi1> -> vector<16xi32>
        %reduce_max3A_466 = arith.xori %reduce_max3A_465, %reduce_max3A_463 : vector<16xi32>
        %reduce_max3A_467 = vector.extract %reduce_max3A_466[15] : i32 from vector<16xi32>
        %ge3A_468 = arith.constant 0 : i32
        %ge3A_469 = arith.cmpi sge, %reduce_max3A_467, %ge3A_468 : i32
        %convert_element_type3A_470 = arith.extui %ge3A_469 : i1 to i32
        %cond3A_471 = arith.constant 0 : i32
        %cond3A_472 = arith.cmpi ne, %convert_element_type3A_470, %cond3A_471 : i32
        scf.if %cond3A_472 {
          %dma_start3A_777 = arith.constant 15 : i32
          %dma_start3A_778 = arith.constant 0 : i32
          %dma_start3A_779 = tpu.memref_slice %arg10[%dma_start3A_777, %dma_start3A_778] : memref<16x2048xf32, #tpu.memory_space<vmem>> -> memref<1x2048xf32, #tpu.memory_space<vmem>>
          %dma_start3A_780 = arith.constant 0 : i32
          %dma_start3A_781 = tpu.memref_slice %arg4[%reduce_max3A_467, %dma_start3A_780] : memref<512x2048xf32, #tpu.memory_space<hbm>> -> memref<1x2048xf32, #tpu.memory_space<hbm>>
          %dma_start3A_782 = arith.constant 15 : i32
          %dma_start3A_783 = arith.constant 0 : i32
          %dma_start3A_784 = tpu.memref_slice %arg10[%dma_start3A_782, %dma_start3A_783] : memref<16x2048xf32, #tpu.memory_space<vmem>> -> memref<1x2048xf32, #tpu.memory_space<vmem>>
          %dma_start3A_785 = arith.constant 0 : i32
          %dma_start3A_786 = tpu.memref_slice %arg4[%reduce_max3A_467, %dma_start3A_785] : memref<512x2048xf32, #tpu.memory_space<hbm>> -> memref<1x2048xf32, #tpu.memory_space<hbm>>
          tpu.enqueue_dma source(%dma_start3A_786 : memref<1x2048xf32, #tpu.memory_space<hbm>>) target(%dma_start3A_784 : memref<1x2048xf32, #tpu.memory_space<vmem>>) target_semaphore(%arg15 : memref<!tpu.dma_semaphore, #tpu.memory_space<semaphore_mem>>)
        } else {
        }
        %eq3A_473 = arith.constant 0 : i32
        %eq3A_474 = vector.broadcast %eq3A_473 : i32 to vector<16xi32>
        %eq3A_475 = arith.cmpi eq, %iota3A, %eq3A_474 : vector<16xi32>
        %jit3A_476 = arith.constant -1 : i32
        %broadcast_in_dim3A_477 = vector.broadcast %jit3A_476 : i32 to vector<16xi32>
        %select_n3A_478 = arith.select %eq3A_475, %select_n3A_145, %broadcast_in_dim3A_477 : vector<16xi1>, vector<16xi32>
        %reduce_max3A_479 = arith.constant true
        %reduce_max3A_480 = vector.broadcast %reduce_max3A_479 : i1 to vector<16xi1>
        %reduce_max3A_481 = arith.constant -2147483648 : i32
        %reduce_max3A_482 = vector.broadcast %reduce_max3A_481 : i32 to vector<16xi32>
        %reduce_max3A_483 = arith.xori %select_n3A_478, %reduce_max3A_482 : vector<16xi32>
        %reduce_max3A_484 = tpu.scan <max>, %reduce_max3A_483 masked %reduce_max3A_480 : vector<16xi32>, vector<16xi1> -> vector<16xi32>
        %reduce_max3A_485 = arith.xori %reduce_max3A_484, %reduce_max3A_482 : vector<16xi32>
        %reduce_max3A_486 = vector.extract %reduce_max3A_485[15] : i32 from vector<16xi32>
        %ge3A_487 = arith.constant 0 : i32
        %ge3A_488 = arith.cmpi sge, %reduce_max3A_486, %ge3A_487 : i32
        %convert_element_type3A_489 = arith.extui %ge3A_488 : i1 to i32
        %cond3A_490 = arith.constant 0 : i32
        %cond3A_491 = arith.cmpi ne, %convert_element_type3A_489, %cond3A_490 : i32
        scf.if %cond3A_491 {
          %dma_wait3A_777 = arith.constant 0 : i32
          %dma_wait3A_778 = arith.constant 0 : i32
          %dma_wait3A_779 = tpu.memref_slice %arg10[%dma_wait3A_777, %dma_wait3A_778] : memref<16x2048xf32, #tpu.memory_space<vmem>> -> memref<1x2048xf32, #tpu.memory_space<vmem>>
          %dma_wait3A_780 = arith.constant 0 : i32
          %dma_wait3A_781 = arith.constant 0 : i32
          %dma_wait3A_782 = tpu.memref_slice %arg4[%dma_wait3A_780, %dma_wait3A_781] : memref<512x2048xf32, #tpu.memory_space<hbm>> -> memref<1x2048xf32, #tpu.memory_space<hbm>>
          %dma_wait3A_783 = arith.constant 0 : i32
          %dma_wait3A_784 = arith.constant 0 : i32
          %dma_wait3A_785 = tpu.memref_slice %arg10[%dma_wait3A_783, %dma_wait3A_784] : memref<16x2048xf32, #tpu.memory_space<vmem>> -> memref<1x2048xf32, #tpu.memory_space<vmem>>
          %dma_wait3A_786 = arith.constant 0 : i32
          %dma_wait3A_787 = arith.constant 0 : i32
          %dma_wait3A_788 = tpu.memref_slice %arg4[%dma_wait3A_786, %dma_wait3A_787] : memref<512x2048xf32, #tpu.memory_space<hbm>> -> memref<1x2048xf32, #tpu.memory_space<hbm>>
          tpu.wait_dma2 semaphore(%arg15 : memref<!tpu.dma_semaphore, #tpu.memory_space<semaphore_mem>>) src(%dma_wait3A_788 : memref<1x2048xf32, #tpu.memory_space<hbm>>) dst(%dma_wait3A_785 : memref<1x2048xf32, #tpu.memory_space<vmem>>)
        } else {
        }
        %eq3A_492 = arith.constant 1 : i32
        %eq3A_493 = vector.broadcast %eq3A_492 : i32 to vector<16xi32>
        %eq3A_494 = arith.cmpi eq, %iota3A, %eq3A_493 : vector<16xi32>
        %jit3A_495 = arith.constant -1 : i32
        %broadcast_in_dim3A_496 = vector.broadcast %jit3A_495 : i32 to vector<16xi32>
        %select_n3A_497 = arith.select %eq3A_494, %select_n3A_145, %broadcast_in_dim3A_496 : vector<16xi1>, vector<16xi32>
        %reduce_max3A_498 = arith.constant true
        %reduce_max3A_499 = vector.broadcast %reduce_max3A_498 : i1 to vector<16xi1>
        %reduce_max3A_500 = arith.constant -2147483648 : i32
        %reduce_max3A_501 = vector.broadcast %reduce_max3A_500 : i32 to vector<16xi32>
        %reduce_max3A_502 = arith.xori %select_n3A_497, %reduce_max3A_501 : vector<16xi32>
        %reduce_max3A_503 = tpu.scan <max>, %reduce_max3A_502 masked %reduce_max3A_499 : vector<16xi32>, vector<16xi1> -> vector<16xi32>
        %reduce_max3A_504 = arith.xori %reduce_max3A_503, %reduce_max3A_501 : vector<16xi32>
        %reduce_max3A_505 = vector.extract %reduce_max3A_504[15] : i32 from vector<16xi32>
        %ge3A_506 = arith.constant 0 : i32
        %ge3A_507 = arith.cmpi sge, %reduce_max3A_505, %ge3A_506 : i32
        %convert_element_type3A_508 = arith.extui %ge3A_507 : i1 to i32
        %cond3A_509 = arith.constant 0 : i32
        %cond3A_510 = arith.cmpi ne, %convert_element_type3A_508, %cond3A_509 : i32
        scf.if %cond3A_510 {
          %dma_wait3A_777 = arith.constant 1 : i32
          %dma_wait3A_778 = arith.constant 0 : i32
          %dma_wait3A_779 = tpu.memref_slice %arg10[%dma_wait3A_777, %dma_wait3A_778] : memref<16x2048xf32, #tpu.memory_space<vmem>> -> memref<1x2048xf32, #tpu.memory_space<vmem>>
          %dma_wait3A_780 = arith.constant 0 : i32
          %dma_wait3A_781 = arith.constant 0 : i32
          %dma_wait3A_782 = tpu.memref_slice %arg4[%dma_wait3A_780, %dma_wait3A_781] : memref<512x2048xf32, #tpu.memory_space<hbm>> -> memref<1x2048xf32, #tpu.memory_space<hbm>>
          %dma_wait3A_783 = arith.constant 1 : i32
          %dma_wait3A_784 = arith.constant 0 : i32
          %dma_wait3A_785 = tpu.memref_slice %arg10[%dma_wait3A_783, %dma_wait3A_784] : memref<16x2048xf32, #tpu.memory_space<vmem>> -> memref<1x2048xf32, #tpu.memory_space<vmem>>
          %dma_wait3A_786 = arith.constant 0 : i32
          %dma_wait3A_787 = arith.constant 0 : i32
          %dma_wait3A_788 = tpu.memref_slice %arg4[%dma_wait3A_786, %dma_wait3A_787] : memref<512x2048xf32, #tpu.memory_space<hbm>> -> memref<1x2048xf32, #tpu.memory_space<hbm>>
          tpu.wait_dma2 semaphore(%arg15 : memref<!tpu.dma_semaphore, #tpu.memory_space<semaphore_mem>>) src(%dma_wait3A_788 : memref<1x2048xf32, #tpu.memory_space<hbm>>) dst(%dma_wait3A_785 : memref<1x2048xf32, #tpu.memory_space<vmem>>)
        } else {
        }
        %eq3A_511 = arith.constant 2 : i32
        %eq3A_512 = vector.broadcast %eq3A_511 : i32 to vector<16xi32>
        %eq3A_513 = arith.cmpi eq, %iota3A, %eq3A_512 : vector<16xi32>
        %jit3A_514 = arith.constant -1 : i32
        %broadcast_in_dim3A_515 = vector.broadcast %jit3A_514 : i32 to vector<16xi32>
        %select_n3A_516 = arith.select %eq3A_513, %select_n3A_145, %broadcast_in_dim3A_515 : vector<16xi1>, vector<16xi32>
        %reduce_max3A_517 = arith.constant true
        %reduce_max3A_518 = vector.broadcast %reduce_max3A_517 : i1 to vector<16xi1>
        %reduce_max3A_519 = arith.constant -2147483648 : i32
        %reduce_max3A_520 = vector.broadcast %reduce_max3A_519 : i32 to vector<16xi32>
        %reduce_max3A_521 = arith.xori %select_n3A_516, %reduce_max3A_520 : vector<16xi32>
        %reduce_max3A_522 = tpu.scan <max>, %reduce_max3A_521 masked %reduce_max3A_518 : vector<16xi32>, vector<16xi1> -> vector<16xi32>
        %reduce_max3A_523 = arith.xori %reduce_max3A_522, %reduce_max3A_520 : vector<16xi32>
        %reduce_max3A_524 = vector.extract %reduce_max3A_523[15] : i32 from vector<16xi32>
        %ge3A_525 = arith.constant 0 : i32
        %ge3A_526 = arith.cmpi sge, %reduce_max3A_524, %ge3A_525 : i32
        %convert_element_type3A_527 = arith.extui %ge3A_526 : i1 to i32
        %cond3A_528 = arith.constant 0 : i32
        %cond3A_529 = arith.cmpi ne, %convert_element_type3A_527, %cond3A_528 : i32
        scf.if %cond3A_529 {
          %dma_wait3A_777 = arith.constant 2 : i32
          %dma_wait3A_778 = arith.constant 0 : i32
          %dma_wait3A_779 = tpu.memref_slice %arg10[%dma_wait3A_777, %dma_wait3A_778] : memref<16x2048xf32, #tpu.memory_space<vmem>> -> memref<1x2048xf32, #tpu.memory_space<vmem>>
          %dma_wait3A_780 = arith.constant 0 : i32
          %dma_wait3A_781 = arith.constant 0 : i32
          %dma_wait3A_782 = tpu.memref_slice %arg4[%dma_wait3A_780, %dma_wait3A_781] : memref<512x2048xf32, #tpu.memory_space<hbm>> -> memref<1x2048xf32, #tpu.memory_space<hbm>>
          %dma_wait3A_783 = arith.constant 2 : i32
          %dma_wait3A_784 = arith.constant 0 : i32
          %dma_wait3A_785 = tpu.memref_slice %arg10[%dma_wait3A_783, %dma_wait3A_784] : memref<16x2048xf32, #tpu.memory_space<vmem>> -> memref<1x2048xf32, #tpu.memory_space<vmem>>
          %dma_wait3A_786 = arith.constant 0 : i32
          %dma_wait3A_787 = arith.constant 0 : i32
          %dma_wait3A_788 = tpu.memref_slice %arg4[%dma_wait3A_786, %dma_wait3A_787] : memref<512x2048xf32, #tpu.memory_space<hbm>> -> memref<1x2048xf32, #tpu.memory_space<hbm>>
          tpu.wait_dma2 semaphore(%arg15 : memref<!tpu.dma_semaphore, #tpu.memory_space<semaphore_mem>>) src(%dma_wait3A_788 : memref<1x2048xf32, #tpu.memory_space<hbm>>) dst(%dma_wait3A_785 : memref<1x2048xf32, #tpu.memory_space<vmem>>)
        } else {
        }
        %eq3A_530 = arith.constant 3 : i32
        %eq3A_531 = vector.broadcast %eq3A_530 : i32 to vector<16xi32>
        %eq3A_532 = arith.cmpi eq, %iota3A, %eq3A_531 : vector<16xi32>
        %jit3A_533 = arith.constant -1 : i32
        %broadcast_in_dim3A_534 = vector.broadcast %jit3A_533 : i32 to vector<16xi32>
        %select_n3A_535 = arith.select %eq3A_532, %select_n3A_145, %broadcast_in_dim3A_534 : vector<16xi1>, vector<16xi32>
        %reduce_max3A_536 = arith.constant true
        %reduce_max3A_537 = vector.broadcast %reduce_max3A_536 : i1 to vector<16xi1>
        %reduce_max3A_538 = arith.constant -2147483648 : i32
        %reduce_max3A_539 = vector.broadcast %reduce_max3A_538 : i32 to vector<16xi32>
        %reduce_max3A_540 = arith.xori %select_n3A_535, %reduce_max3A_539 : vector<16xi32>
        %reduce_max3A_541 = tpu.scan <max>, %reduce_max3A_540 masked %reduce_max3A_537 : vector<16xi32>, vector<16xi1> -> vector<16xi32>
        %reduce_max3A_542 = arith.xori %reduce_max3A_541, %reduce_max3A_539 : vector<16xi32>
        %reduce_max3A_543 = vector.extract %reduce_max3A_542[15] : i32 from vector<16xi32>
        %ge3A_544 = arith.constant 0 : i32
        %ge3A_545 = arith.cmpi sge, %reduce_max3A_543, %ge3A_544 : i32
        %convert_element_type3A_546 = arith.extui %ge3A_545 : i1 to i32
        %cond3A_547 = arith.constant 0 : i32
        %cond3A_548 = arith.cmpi ne, %convert_element_type3A_546, %cond3A_547 : i32
        scf.if %cond3A_548 {
          %dma_wait3A_777 = arith.constant 3 : i32
          %dma_wait3A_778 = arith.constant 0 : i32
          %dma_wait3A_779 = tpu.memref_slice %arg10[%dma_wait3A_777, %dma_wait3A_778] : memref<16x2048xf32, #tpu.memory_space<vmem>> -> memref<1x2048xf32, #tpu.memory_space<vmem>>
          %dma_wait3A_780 = arith.constant 0 : i32
          %dma_wait3A_781 = arith.constant 0 : i32
          %dma_wait3A_782 = tpu.memref_slice %arg4[%dma_wait3A_780, %dma_wait3A_781] : memref<512x2048xf32, #tpu.memory_space<hbm>> -> memref<1x2048xf32, #tpu.memory_space<hbm>>
          %dma_wait3A_783 = arith.constant 3 : i32
          %dma_wait3A_784 = arith.constant 0 : i32
          %dma_wait3A_785 = tpu.memref_slice %arg10[%dma_wait3A_783, %dma_wait3A_784] : memref<16x2048xf32, #tpu.memory_space<vmem>> -> memref<1x2048xf32, #tpu.memory_space<vmem>>
          %dma_wait3A_786 = arith.constant 0 : i32
          %dma_wait3A_787 = arith.constant 0 : i32
          %dma_wait3A_788 = tpu.memref_slice %arg4[%dma_wait3A_786, %dma_wait3A_787] : memref<512x2048xf32, #tpu.memory_space<hbm>> -> memref<1x2048xf32, #tpu.memory_space<hbm>>
          tpu.wait_dma2 semaphore(%arg15 : memref<!tpu.dma_semaphore, #tpu.memory_space<semaphore_mem>>) src(%dma_wait3A_788 : memref<1x2048xf32, #tpu.memory_space<hbm>>) dst(%dma_wait3A_785 : memref<1x2048xf32, #tpu.memory_space<vmem>>)
        } else {
        }
        %eq3A_549 = arith.constant 4 : i32
        %eq3A_550 = vector.broadcast %eq3A_549 : i32 to vector<16xi32>
        %eq3A_551 = arith.cmpi eq, %iota3A, %eq3A_550 : vector<16xi32>
        %jit3A_552 = arith.constant -1 : i32
        %broadcast_in_dim3A_553 = vector.broadcast %jit3A_552 : i32 to vector<16xi32>
        %select_n3A_554 = arith.select %eq3A_551, %select_n3A_145, %broadcast_in_dim3A_553 : vector<16xi1>, vector<16xi32>
        %reduce_max3A_555 = arith.constant true
        %reduce_max3A_556 = vector.broadcast %reduce_max3A_555 : i1 to vector<16xi1>
        %reduce_max3A_557 = arith.constant -2147483648 : i32
        %reduce_max3A_558 = vector.broadcast %reduce_max3A_557 : i32 to vector<16xi32>
        %reduce_max3A_559 = arith.xori %select_n3A_554, %reduce_max3A_558 : vector<16xi32>
        %reduce_max3A_560 = tpu.scan <max>, %reduce_max3A_559 masked %reduce_max3A_556 : vector<16xi32>, vector<16xi1> -> vector<16xi32>
        %reduce_max3A_561 = arith.xori %reduce_max3A_560, %reduce_max3A_558 : vector<16xi32>
        %reduce_max3A_562 = vector.extract %reduce_max3A_561[15] : i32 from vector<16xi32>
        %ge3A_563 = arith.constant 0 : i32
        %ge3A_564 = arith.cmpi sge, %reduce_max3A_562, %ge3A_563 : i32
        %convert_element_type3A_565 = arith.extui %ge3A_564 : i1 to i32
        %cond3A_566 = arith.constant 0 : i32
        %cond3A_567 = arith.cmpi ne, %convert_element_type3A_565, %cond3A_566 : i32
        scf.if %cond3A_567 {
          %dma_wait3A_777 = arith.constant 4 : i32
          %dma_wait3A_778 = arith.constant 0 : i32
          %dma_wait3A_779 = tpu.memref_slice %arg10[%dma_wait3A_777, %dma_wait3A_778] : memref<16x2048xf32, #tpu.memory_space<vmem>> -> memref<1x2048xf32, #tpu.memory_space<vmem>>
          %dma_wait3A_780 = arith.constant 0 : i32
          %dma_wait3A_781 = arith.constant 0 : i32
          %dma_wait3A_782 = tpu.memref_slice %arg4[%dma_wait3A_780, %dma_wait3A_781] : memref<512x2048xf32, #tpu.memory_space<hbm>> -> memref<1x2048xf32, #tpu.memory_space<hbm>>
          %dma_wait3A_783 = arith.constant 4 : i32
          %dma_wait3A_784 = arith.constant 0 : i32
          %dma_wait3A_785 = tpu.memref_slice %arg10[%dma_wait3A_783, %dma_wait3A_784] : memref<16x2048xf32, #tpu.memory_space<vmem>> -> memref<1x2048xf32, #tpu.memory_space<vmem>>
          %dma_wait3A_786 = arith.constant 0 : i32
          %dma_wait3A_787 = arith.constant 0 : i32
          %dma_wait3A_788 = tpu.memref_slice %arg4[%dma_wait3A_786, %dma_wait3A_787] : memref<512x2048xf32, #tpu.memory_space<hbm>> -> memref<1x2048xf32, #tpu.memory_space<hbm>>
          tpu.wait_dma2 semaphore(%arg15 : memref<!tpu.dma_semaphore, #tpu.memory_space<semaphore_mem>>) src(%dma_wait3A_788 : memref<1x2048xf32, #tpu.memory_space<hbm>>) dst(%dma_wait3A_785 : memref<1x2048xf32, #tpu.memory_space<vmem>>)
        } else {
        }
        %eq3A_568 = arith.constant 5 : i32
        %eq3A_569 = vector.broadcast %eq3A_568 : i32 to vector<16xi32>
        %eq3A_570 = arith.cmpi eq, %iota3A, %eq3A_569 : vector<16xi32>
        %jit3A_571 = arith.constant -1 : i32
        %broadcast_in_dim3A_572 = vector.broadcast %jit3A_571 : i32 to vector<16xi32>
        %select_n3A_573 = arith.select %eq3A_570, %select_n3A_145, %broadcast_in_dim3A_572 : vector<16xi1>, vector<16xi32>
        %reduce_max3A_574 = arith.constant true
        %reduce_max3A_575 = vector.broadcast %reduce_max3A_574 : i1 to vector<16xi1>
        %reduce_max3A_576 = arith.constant -2147483648 : i32
        %reduce_max3A_577 = vector.broadcast %reduce_max3A_576 : i32 to vector<16xi32>
        %reduce_max3A_578 = arith.xori %select_n3A_573, %reduce_max3A_577 : vector<16xi32>
        %reduce_max3A_579 = tpu.scan <max>, %reduce_max3A_578 masked %reduce_max3A_575 : vector<16xi32>, vector<16xi1> -> vector<16xi32>
        %reduce_max3A_580 = arith.xori %reduce_max3A_579, %reduce_max3A_577 : vector<16xi32>
        %reduce_max3A_581 = vector.extract %reduce_max3A_580[15] : i32 from vector<16xi32>
        %ge3A_582 = arith.constant 0 : i32
        %ge3A_583 = arith.cmpi sge, %reduce_max3A_581, %ge3A_582 : i32
        %convert_element_type3A_584 = arith.extui %ge3A_583 : i1 to i32
        %cond3A_585 = arith.constant 0 : i32
        %cond3A_586 = arith.cmpi ne, %convert_element_type3A_584, %cond3A_585 : i32
        scf.if %cond3A_586 {
          %dma_wait3A_777 = arith.constant 5 : i32
          %dma_wait3A_778 = arith.constant 0 : i32
          %dma_wait3A_779 = tpu.memref_slice %arg10[%dma_wait3A_777, %dma_wait3A_778] : memref<16x2048xf32, #tpu.memory_space<vmem>> -> memref<1x2048xf32, #tpu.memory_space<vmem>>
          %dma_wait3A_780 = arith.constant 0 : i32
          %dma_wait3A_781 = arith.constant 0 : i32
          %dma_wait3A_782 = tpu.memref_slice %arg4[%dma_wait3A_780, %dma_wait3A_781] : memref<512x2048xf32, #tpu.memory_space<hbm>> -> memref<1x2048xf32, #tpu.memory_space<hbm>>
          %dma_wait3A_783 = arith.constant 5 : i32
          %dma_wait3A_784 = arith.constant 0 : i32
          %dma_wait3A_785 = tpu.memref_slice %arg10[%dma_wait3A_783, %dma_wait3A_784] : memref<16x2048xf32, #tpu.memory_space<vmem>> -> memref<1x2048xf32, #tpu.memory_space<vmem>>
          %dma_wait3A_786 = arith.constant 0 : i32
          %dma_wait3A_787 = arith.constant 0 : i32
          %dma_wait3A_788 = tpu.memref_slice %arg4[%dma_wait3A_786, %dma_wait3A_787] : memref<512x2048xf32, #tpu.memory_space<hbm>> -> memref<1x2048xf32, #tpu.memory_space<hbm>>
          tpu.wait_dma2 semaphore(%arg15 : memref<!tpu.dma_semaphore, #tpu.memory_space<semaphore_mem>>) src(%dma_wait3A_788 : memref<1x2048xf32, #tpu.memory_space<hbm>>) dst(%dma_wait3A_785 : memref<1x2048xf32, #tpu.memory_space<vmem>>)
        } else {
        }
        %eq3A_587 = arith.constant 6 : i32
        %eq3A_588 = vector.broadcast %eq3A_587 : i32 to vector<16xi32>
        %eq3A_589 = arith.cmpi eq, %iota3A, %eq3A_588 : vector<16xi32>
        %jit3A_590 = arith.constant -1 : i32
        %broadcast_in_dim3A_591 = vector.broadcast %jit3A_590 : i32 to vector<16xi32>
        %select_n3A_592 = arith.select %eq3A_589, %select_n3A_145, %broadcast_in_dim3A_591 : vector<16xi1>, vector<16xi32>
        %reduce_max3A_593 = arith.constant true
        %reduce_max3A_594 = vector.broadcast %reduce_max3A_593 : i1 to vector<16xi1>
        %reduce_max3A_595 = arith.constant -2147483648 : i32
        %reduce_max3A_596 = vector.broadcast %reduce_max3A_595 : i32 to vector<16xi32>
        %reduce_max3A_597 = arith.xori %select_n3A_592, %reduce_max3A_596 : vector<16xi32>
        %reduce_max3A_598 = tpu.scan <max>, %reduce_max3A_597 masked %reduce_max3A_594 : vector<16xi32>, vector<16xi1> -> vector<16xi32>
        %reduce_max3A_599 = arith.xori %reduce_max3A_598, %reduce_max3A_596 : vector<16xi32>
        %reduce_max3A_600 = vector.extract %reduce_max3A_599[15] : i32 from vector<16xi32>
        %ge3A_601 = arith.constant 0 : i32
        %ge3A_602 = arith.cmpi sge, %reduce_max3A_600, %ge3A_601 : i32
        %convert_element_type3A_603 = arith.extui %ge3A_602 : i1 to i32
        %cond3A_604 = arith.constant 0 : i32
        %cond3A_605 = arith.cmpi ne, %convert_element_type3A_603, %cond3A_604 : i32
        scf.if %cond3A_605 {
          %dma_wait3A_777 = arith.constant 6 : i32
          %dma_wait3A_778 = arith.constant 0 : i32
          %dma_wait3A_779 = tpu.memref_slice %arg10[%dma_wait3A_777, %dma_wait3A_778] : memref<16x2048xf32, #tpu.memory_space<vmem>> -> memref<1x2048xf32, #tpu.memory_space<vmem>>
          %dma_wait3A_780 = arith.constant 0 : i32
          %dma_wait3A_781 = arith.constant 0 : i32
          %dma_wait3A_782 = tpu.memref_slice %arg4[%dma_wait3A_780, %dma_wait3A_781] : memref<512x2048xf32, #tpu.memory_space<hbm>> -> memref<1x2048xf32, #tpu.memory_space<hbm>>
          %dma_wait3A_783 = arith.constant 6 : i32
          %dma_wait3A_784 = arith.constant 0 : i32
          %dma_wait3A_785 = tpu.memref_slice %arg10[%dma_wait3A_783, %dma_wait3A_784] : memref<16x2048xf32, #tpu.memory_space<vmem>> -> memref<1x2048xf32, #tpu.memory_space<vmem>>
          %dma_wait3A_786 = arith.constant 0 : i32
          %dma_wait3A_787 = arith.constant 0 : i32
          %dma_wait3A_788 = tpu.memref_slice %arg4[%dma_wait3A_786, %dma_wait3A_787] : memref<512x2048xf32, #tpu.memory_space<hbm>> -> memref<1x2048xf32, #tpu.memory_space<hbm>>
          tpu.wait_dma2 semaphore(%arg15 : memref<!tpu.dma_semaphore, #tpu.memory_space<semaphore_mem>>) src(%dma_wait3A_788 : memref<1x2048xf32, #tpu.memory_space<hbm>>) dst(%dma_wait3A_785 : memref<1x2048xf32, #tpu.memory_space<vmem>>)
        } else {
        }
        %eq3A_606 = arith.constant 7 : i32
        %eq3A_607 = vector.broadcast %eq3A_606 : i32 to vector<16xi32>
        %eq3A_608 = arith.cmpi eq, %iota3A, %eq3A_607 : vector<16xi32>
        %jit3A_609 = arith.constant -1 : i32
        %broadcast_in_dim3A_610 = vector.broadcast %jit3A_609 : i32 to vector<16xi32>
        %select_n3A_611 = arith.select %eq3A_608, %select_n3A_145, %broadcast_in_dim3A_610 : vector<16xi1>, vector<16xi32>
        %reduce_max3A_612 = arith.constant true
        %reduce_max3A_613 = vector.broadcast %reduce_max3A_612 : i1 to vector<16xi1>
        %reduce_max3A_614 = arith.constant -2147483648 : i32
        %reduce_max3A_615 = vector.broadcast %reduce_max3A_614 : i32 to vector<16xi32>
        %reduce_max3A_616 = arith.xori %select_n3A_611, %reduce_max3A_615 : vector<16xi32>
        %reduce_max3A_617 = tpu.scan <max>, %reduce_max3A_616 masked %reduce_max3A_613 : vector<16xi32>, vector<16xi1> -> vector<16xi32>
        %reduce_max3A_618 = arith.xori %reduce_max3A_617, %reduce_max3A_615 : vector<16xi32>
        %reduce_max3A_619 = vector.extract %reduce_max3A_618[15] : i32 from vector<16xi32>
        %ge3A_620 = arith.constant 0 : i32
        %ge3A_621 = arith.cmpi sge, %reduce_max3A_619, %ge3A_620 : i32
        %convert_element_type3A_622 = arith.extui %ge3A_621 : i1 to i32
        %cond3A_623 = arith.constant 0 : i32
        %cond3A_624 = arith.cmpi ne, %convert_element_type3A_622, %cond3A_623 : i32
        scf.if %cond3A_624 {
          %dma_wait3A_777 = arith.constant 7 : i32
          %dma_wait3A_778 = arith.constant 0 : i32
          %dma_wait3A_779 = tpu.memref_slice %arg10[%dma_wait3A_777, %dma_wait3A_778] : memref<16x2048xf32, #tpu.memory_space<vmem>> -> memref<1x2048xf32, #tpu.memory_space<vmem>>
          %dma_wait3A_780 = arith.constant 0 : i32
          %dma_wait3A_781 = arith.constant 0 : i32
          %dma_wait3A_782 = tpu.memref_slice %arg4[%dma_wait3A_780, %dma_wait3A_781] : memref<512x2048xf32, #tpu.memory_space<hbm>> -> memref<1x2048xf32, #tpu.memory_space<hbm>>
          %dma_wait3A_783 = arith.constant 7 : i32
          %dma_wait3A_784 = arith.constant 0 : i32
          %dma_wait3A_785 = tpu.memref_slice %arg10[%dma_wait3A_783, %dma_wait3A_784] : memref<16x2048xf32, #tpu.memory_space<vmem>> -> memref<1x2048xf32, #tpu.memory_space<vmem>>
          %dma_wait3A_786 = arith.constant 0 : i32
          %dma_wait3A_787 = arith.constant 0 : i32
          %dma_wait3A_788 = tpu.memref_slice %arg4[%dma_wait3A_786, %dma_wait3A_787] : memref<512x2048xf32, #tpu.memory_space<hbm>> -> memref<1x2048xf32, #tpu.memory_space<hbm>>
          tpu.wait_dma2 semaphore(%arg15 : memref<!tpu.dma_semaphore, #tpu.memory_space<semaphore_mem>>) src(%dma_wait3A_788 : memref<1x2048xf32, #tpu.memory_space<hbm>>) dst(%dma_wait3A_785 : memref<1x2048xf32, #tpu.memory_space<vmem>>)
        } else {
        }
        %eq3A_625 = arith.constant 8 : i32
        %eq3A_626 = vector.broadcast %eq3A_625 : i32 to vector<16xi32>
        %eq3A_627 = arith.cmpi eq, %iota3A, %eq3A_626 : vector<16xi32>
        %jit3A_628 = arith.constant -1 : i32
        %broadcast_in_dim3A_629 = vector.broadcast %jit3A_628 : i32 to vector<16xi32>
        %select_n3A_630 = arith.select %eq3A_627, %select_n3A_145, %broadcast_in_dim3A_629 : vector<16xi1>, vector<16xi32>
        %reduce_max3A_631 = arith.constant true
        %reduce_max3A_632 = vector.broadcast %reduce_max3A_631 : i1 to vector<16xi1>
        %reduce_max3A_633 = arith.constant -2147483648 : i32
        %reduce_max3A_634 = vector.broadcast %reduce_max3A_633 : i32 to vector<16xi32>
        %reduce_max3A_635 = arith.xori %select_n3A_630, %reduce_max3A_634 : vector<16xi32>
        %reduce_max3A_636 = tpu.scan <max>, %reduce_max3A_635 masked %reduce_max3A_632 : vector<16xi32>, vector<16xi1> -> vector<16xi32>
        %reduce_max3A_637 = arith.xori %reduce_max3A_636, %reduce_max3A_634 : vector<16xi32>
        %reduce_max3A_638 = vector.extract %reduce_max3A_637[15] : i32 from vector<16xi32>
        %ge3A_639 = arith.constant 0 : i32
        %ge3A_640 = arith.cmpi sge, %reduce_max3A_638, %ge3A_639 : i32
        %convert_element_type3A_641 = arith.extui %ge3A_640 : i1 to i32
        %cond3A_642 = arith.constant 0 : i32
        %cond3A_643 = arith.cmpi ne, %convert_element_type3A_641, %cond3A_642 : i32
        scf.if %cond3A_643 {
          %dma_wait3A_777 = arith.constant 8 : i32
          %dma_wait3A_778 = arith.constant 0 : i32
          %dma_wait3A_779 = tpu.memref_slice %arg10[%dma_wait3A_777, %dma_wait3A_778] : memref<16x2048xf32, #tpu.memory_space<vmem>> -> memref<1x2048xf32, #tpu.memory_space<vmem>>
          %dma_wait3A_780 = arith.constant 0 : i32
          %dma_wait3A_781 = arith.constant 0 : i32
          %dma_wait3A_782 = tpu.memref_slice %arg4[%dma_wait3A_780, %dma_wait3A_781] : memref<512x2048xf32, #tpu.memory_space<hbm>> -> memref<1x2048xf32, #tpu.memory_space<hbm>>
          %dma_wait3A_783 = arith.constant 8 : i32
          %dma_wait3A_784 = arith.constant 0 : i32
          %dma_wait3A_785 = tpu.memref_slice %arg10[%dma_wait3A_783, %dma_wait3A_784] : memref<16x2048xf32, #tpu.memory_space<vmem>> -> memref<1x2048xf32, #tpu.memory_space<vmem>>
          %dma_wait3A_786 = arith.constant 0 : i32
          %dma_wait3A_787 = arith.constant 0 : i32
          %dma_wait3A_788 = tpu.memref_slice %arg4[%dma_wait3A_786, %dma_wait3A_787] : memref<512x2048xf32, #tpu.memory_space<hbm>> -> memref<1x2048xf32, #tpu.memory_space<hbm>>
          tpu.wait_dma2 semaphore(%arg15 : memref<!tpu.dma_semaphore, #tpu.memory_space<semaphore_mem>>) src(%dma_wait3A_788 : memref<1x2048xf32, #tpu.memory_space<hbm>>) dst(%dma_wait3A_785 : memref<1x2048xf32, #tpu.memory_space<vmem>>)
        } else {
        }
        %eq3A_644 = arith.constant 9 : i32
        %eq3A_645 = vector.broadcast %eq3A_644 : i32 to vector<16xi32>
        %eq3A_646 = arith.cmpi eq, %iota3A, %eq3A_645 : vector<16xi32>
        %jit3A_647 = arith.constant -1 : i32
        %broadcast_in_dim3A_648 = vector.broadcast %jit3A_647 : i32 to vector<16xi32>
        %select_n3A_649 = arith.select %eq3A_646, %select_n3A_145, %broadcast_in_dim3A_648 : vector<16xi1>, vector<16xi32>
        %reduce_max3A_650 = arith.constant true
        %reduce_max3A_651 = vector.broadcast %reduce_max3A_650 : i1 to vector<16xi1>
        %reduce_max3A_652 = arith.constant -2147483648 : i32
        %reduce_max3A_653 = vector.broadcast %reduce_max3A_652 : i32 to vector<16xi32>
        %reduce_max3A_654 = arith.xori %select_n3A_649, %reduce_max3A_653 : vector<16xi32>
        %reduce_max3A_655 = tpu.scan <max>, %reduce_max3A_654 masked %reduce_max3A_651 : vector<16xi32>, vector<16xi1> -> vector<16xi32>
        %reduce_max3A_656 = arith.xori %reduce_max3A_655, %reduce_max3A_653 : vector<16xi32>
        %reduce_max3A_657 = vector.extract %reduce_max3A_656[15] : i32 from vector<16xi32>
        %ge3A_658 = arith.constant 0 : i32
        %ge3A_659 = arith.cmpi sge, %reduce_max3A_657, %ge3A_658 : i32
        %convert_element_type3A_660 = arith.extui %ge3A_659 : i1 to i32
        %cond3A_661 = arith.constant 0 : i32
        %cond3A_662 = arith.cmpi ne, %convert_element_type3A_660, %cond3A_661 : i32
        scf.if %cond3A_662 {
          %dma_wait3A_777 = arith.constant 9 : i32
          %dma_wait3A_778 = arith.constant 0 : i32
          %dma_wait3A_779 = tpu.memref_slice %arg10[%dma_wait3A_777, %dma_wait3A_778] : memref<16x2048xf32, #tpu.memory_space<vmem>> -> memref<1x2048xf32, #tpu.memory_space<vmem>>
          %dma_wait3A_780 = arith.constant 0 : i32
          %dma_wait3A_781 = arith.constant 0 : i32
          %dma_wait3A_782 = tpu.memref_slice %arg4[%dma_wait3A_780, %dma_wait3A_781] : memref<512x2048xf32, #tpu.memory_space<hbm>> -> memref<1x2048xf32, #tpu.memory_space<hbm>>
          %dma_wait3A_783 = arith.constant 9 : i32
          %dma_wait3A_784 = arith.constant 0 : i32
          %dma_wait3A_785 = tpu.memref_slice %arg10[%dma_wait3A_783, %dma_wait3A_784] : memref<16x2048xf32, #tpu.memory_space<vmem>> -> memref<1x2048xf32, #tpu.memory_space<vmem>>
          %dma_wait3A_786 = arith.constant 0 : i32
          %dma_wait3A_787 = arith.constant 0 : i32
          %dma_wait3A_788 = tpu.memref_slice %arg4[%dma_wait3A_786, %dma_wait3A_787] : memref<512x2048xf32, #tpu.memory_space<hbm>> -> memref<1x2048xf32, #tpu.memory_space<hbm>>
          tpu.wait_dma2 semaphore(%arg15 : memref<!tpu.dma_semaphore, #tpu.memory_space<semaphore_mem>>) src(%dma_wait3A_788 : memref<1x2048xf32, #tpu.memory_space<hbm>>) dst(%dma_wait3A_785 : memref<1x2048xf32, #tpu.memory_space<vmem>>)
        } else {
        }
        %eq3A_663 = arith.constant 10 : i32
        %eq3A_664 = vector.broadcast %eq3A_663 : i32 to vector<16xi32>
        %eq3A_665 = arith.cmpi eq, %iota3A, %eq3A_664 : vector<16xi32>
        %jit3A_666 = arith.constant -1 : i32
        %broadcast_in_dim3A_667 = vector.broadcast %jit3A_666 : i32 to vector<16xi32>
        %select_n3A_668 = arith.select %eq3A_665, %select_n3A_145, %broadcast_in_dim3A_667 : vector<16xi1>, vector<16xi32>
        %reduce_max3A_669 = arith.constant true
        %reduce_max3A_670 = vector.broadcast %reduce_max3A_669 : i1 to vector<16xi1>
        %reduce_max3A_671 = arith.constant -2147483648 : i32
        %reduce_max3A_672 = vector.broadcast %reduce_max3A_671 : i32 to vector<16xi32>
        %reduce_max3A_673 = arith.xori %select_n3A_668, %reduce_max3A_672 : vector<16xi32>
        %reduce_max3A_674 = tpu.scan <max>, %reduce_max3A_673 masked %reduce_max3A_670 : vector<16xi32>, vector<16xi1> -> vector<16xi32>
        %reduce_max3A_675 = arith.xori %reduce_max3A_674, %reduce_max3A_672 : vector<16xi32>
        %reduce_max3A_676 = vector.extract %reduce_max3A_675[15] : i32 from vector<16xi32>
        %ge3A_677 = arith.constant 0 : i32
        %ge3A_678 = arith.cmpi sge, %reduce_max3A_676, %ge3A_677 : i32
        %convert_element_type3A_679 = arith.extui %ge3A_678 : i1 to i32
        %cond3A_680 = arith.constant 0 : i32
        %cond3A_681 = arith.cmpi ne, %convert_element_type3A_679, %cond3A_680 : i32
        scf.if %cond3A_681 {
          %dma_wait3A_777 = arith.constant 10 : i32
          %dma_wait3A_778 = arith.constant 0 : i32
          %dma_wait3A_779 = tpu.memref_slice %arg10[%dma_wait3A_777, %dma_wait3A_778] : memref<16x2048xf32, #tpu.memory_space<vmem>> -> memref<1x2048xf32, #tpu.memory_space<vmem>>
          %dma_wait3A_780 = arith.constant 0 : i32
          %dma_wait3A_781 = arith.constant 0 : i32
          %dma_wait3A_782 = tpu.memref_slice %arg4[%dma_wait3A_780, %dma_wait3A_781] : memref<512x2048xf32, #tpu.memory_space<hbm>> -> memref<1x2048xf32, #tpu.memory_space<hbm>>
          %dma_wait3A_783 = arith.constant 10 : i32
          %dma_wait3A_784 = arith.constant 0 : i32
          %dma_wait3A_785 = tpu.memref_slice %arg10[%dma_wait3A_783, %dma_wait3A_784] : memref<16x2048xf32, #tpu.memory_space<vmem>> -> memref<1x2048xf32, #tpu.memory_space<vmem>>
          %dma_wait3A_786 = arith.constant 0 : i32
          %dma_wait3A_787 = arith.constant 0 : i32
          %dma_wait3A_788 = tpu.memref_slice %arg4[%dma_wait3A_786, %dma_wait3A_787] : memref<512x2048xf32, #tpu.memory_space<hbm>> -> memref<1x2048xf32, #tpu.memory_space<hbm>>
          tpu.wait_dma2 semaphore(%arg15 : memref<!tpu.dma_semaphore, #tpu.memory_space<semaphore_mem>>) src(%dma_wait3A_788 : memref<1x2048xf32, #tpu.memory_space<hbm>>) dst(%dma_wait3A_785 : memref<1x2048xf32, #tpu.memory_space<vmem>>)
        } else {
        }
        %eq3A_682 = arith.constant 11 : i32
        %eq3A_683 = vector.broadcast %eq3A_682 : i32 to vector<16xi32>
        %eq3A_684 = arith.cmpi eq, %iota3A, %eq3A_683 : vector<16xi32>
        %jit3A_685 = arith.constant -1 : i32
        %broadcast_in_dim3A_686 = vector.broadcast %jit3A_685 : i32 to vector<16xi32>
        %select_n3A_687 = arith.select %eq3A_684, %select_n3A_145, %broadcast_in_dim3A_686 : vector<16xi1>, vector<16xi32>
        %reduce_max3A_688 = arith.constant true
        %reduce_max3A_689 = vector.broadcast %reduce_max3A_688 : i1 to vector<16xi1>
        %reduce_max3A_690 = arith.constant -2147483648 : i32
        %reduce_max3A_691 = vector.broadcast %reduce_max3A_690 : i32 to vector<16xi32>
        %reduce_max3A_692 = arith.xori %select_n3A_687, %reduce_max3A_691 : vector<16xi32>
        %reduce_max3A_693 = tpu.scan <max>, %reduce_max3A_692 masked %reduce_max3A_689 : vector<16xi32>, vector<16xi1> -> vector<16xi32>
        %reduce_max3A_694 = arith.xori %reduce_max3A_693, %reduce_max3A_691 : vector<16xi32>
        %reduce_max3A_695 = vector.extract %reduce_max3A_694[15] : i32 from vector<16xi32>
        %ge3A_696 = arith.constant 0 : i32
        %ge3A_697 = arith.cmpi sge, %reduce_max3A_695, %ge3A_696 : i32
        %convert_element_type3A_698 = arith.extui %ge3A_697 : i1 to i32
        %cond3A_699 = arith.constant 0 : i32
        %cond3A_700 = arith.cmpi ne, %convert_element_type3A_698, %cond3A_699 : i32
        scf.if %cond3A_700 {
          %dma_wait3A_777 = arith.constant 11 : i32
          %dma_wait3A_778 = arith.constant 0 : i32
          %dma_wait3A_779 = tpu.memref_slice %arg10[%dma_wait3A_777, %dma_wait3A_778] : memref<16x2048xf32, #tpu.memory_space<vmem>> -> memref<1x2048xf32, #tpu.memory_space<vmem>>
          %dma_wait3A_780 = arith.constant 0 : i32
          %dma_wait3A_781 = arith.constant 0 : i32
          %dma_wait3A_782 = tpu.memref_slice %arg4[%dma_wait3A_780, %dma_wait3A_781] : memref<512x2048xf32, #tpu.memory_space<hbm>> -> memref<1x2048xf32, #tpu.memory_space<hbm>>
          %dma_wait3A_783 = arith.constant 11 : i32
          %dma_wait3A_784 = arith.constant 0 : i32
          %dma_wait3A_785 = tpu.memref_slice %arg10[%dma_wait3A_783, %dma_wait3A_784] : memref<16x2048xf32, #tpu.memory_space<vmem>> -> memref<1x2048xf32, #tpu.memory_space<vmem>>
          %dma_wait3A_786 = arith.constant 0 : i32
          %dma_wait3A_787 = arith.constant 0 : i32
          %dma_wait3A_788 = tpu.memref_slice %arg4[%dma_wait3A_786, %dma_wait3A_787] : memref<512x2048xf32, #tpu.memory_space<hbm>> -> memref<1x2048xf32, #tpu.memory_space<hbm>>
          tpu.wait_dma2 semaphore(%arg15 : memref<!tpu.dma_semaphore, #tpu.memory_space<semaphore_mem>>) src(%dma_wait3A_788 : memref<1x2048xf32, #tpu.memory_space<hbm>>) dst(%dma_wait3A_785 : memref<1x2048xf32, #tpu.memory_space<vmem>>)
        } else {
        }
        %eq3A_701 = arith.constant 12 : i32
        %eq3A_702 = vector.broadcast %eq3A_701 : i32 to vector<16xi32>
        %eq3A_703 = arith.cmpi eq, %iota3A, %eq3A_702 : vector<16xi32>
        %jit3A_704 = arith.constant -1 : i32
        %broadcast_in_dim3A_705 = vector.broadcast %jit3A_704 : i32 to vector<16xi32>
        %select_n3A_706 = arith.select %eq3A_703, %select_n3A_145, %broadcast_in_dim3A_705 : vector<16xi1>, vector<16xi32>
        %reduce_max3A_707 = arith.constant true
        %reduce_max3A_708 = vector.broadcast %reduce_max3A_707 : i1 to vector<16xi1>
        %reduce_max3A_709 = arith.constant -2147483648 : i32
        %reduce_max3A_710 = vector.broadcast %reduce_max3A_709 : i32 to vector<16xi32>
        %reduce_max3A_711 = arith.xori %select_n3A_706, %reduce_max3A_710 : vector<16xi32>
        %reduce_max3A_712 = tpu.scan <max>, %reduce_max3A_711 masked %reduce_max3A_708 : vector<16xi32>, vector<16xi1> -> vector<16xi32>
        %reduce_max3A_713 = arith.xori %reduce_max3A_712, %reduce_max3A_710 : vector<16xi32>
        %reduce_max3A_714 = vector.extract %reduce_max3A_713[15] : i32 from vector<16xi32>
        %ge3A_715 = arith.constant 0 : i32
        %ge3A_716 = arith.cmpi sge, %reduce_max3A_714, %ge3A_715 : i32
        %convert_element_type3A_717 = arith.extui %ge3A_716 : i1 to i32
        %cond3A_718 = arith.constant 0 : i32
        %cond3A_719 = arith.cmpi ne, %convert_element_type3A_717, %cond3A_718 : i32
        scf.if %cond3A_719 {
          %dma_wait3A_777 = arith.constant 12 : i32
          %dma_wait3A_778 = arith.constant 0 : i32
          %dma_wait3A_779 = tpu.memref_slice %arg10[%dma_wait3A_777, %dma_wait3A_778] : memref<16x2048xf32, #tpu.memory_space<vmem>> -> memref<1x2048xf32, #tpu.memory_space<vmem>>
          %dma_wait3A_780 = arith.constant 0 : i32
          %dma_wait3A_781 = arith.constant 0 : i32
          %dma_wait3A_782 = tpu.memref_slice %arg4[%dma_wait3A_780, %dma_wait3A_781] : memref<512x2048xf32, #tpu.memory_space<hbm>> -> memref<1x2048xf32, #tpu.memory_space<hbm>>
          %dma_wait3A_783 = arith.constant 12 : i32
          %dma_wait3A_784 = arith.constant 0 : i32
          %dma_wait3A_785 = tpu.memref_slice %arg10[%dma_wait3A_783, %dma_wait3A_784] : memref<16x2048xf32, #tpu.memory_space<vmem>> -> memref<1x2048xf32, #tpu.memory_space<vmem>>
          %dma_wait3A_786 = arith.constant 0 : i32
          %dma_wait3A_787 = arith.constant 0 : i32
          %dma_wait3A_788 = tpu.memref_slice %arg4[%dma_wait3A_786, %dma_wait3A_787] : memref<512x2048xf32, #tpu.memory_space<hbm>> -> memref<1x2048xf32, #tpu.memory_space<hbm>>
          tpu.wait_dma2 semaphore(%arg15 : memref<!tpu.dma_semaphore, #tpu.memory_space<semaphore_mem>>) src(%dma_wait3A_788 : memref<1x2048xf32, #tpu.memory_space<hbm>>) dst(%dma_wait3A_785 : memref<1x2048xf32, #tpu.memory_space<vmem>>)
        } else {
        }
        %eq3A_720 = arith.constant 13 : i32
        %eq3A_721 = vector.broadcast %eq3A_720 : i32 to vector<16xi32>
        %eq3A_722 = arith.cmpi eq, %iota3A, %eq3A_721 : vector<16xi32>
        %jit3A_723 = arith.constant -1 : i32
        %broadcast_in_dim3A_724 = vector.broadcast %jit3A_723 : i32 to vector<16xi32>
        %select_n3A_725 = arith.select %eq3A_722, %select_n3A_145, %broadcast_in_dim3A_724 : vector<16xi1>, vector<16xi32>
        %reduce_max3A_726 = arith.constant true
        %reduce_max3A_727 = vector.broadcast %reduce_max3A_726 : i1 to vector<16xi1>
        %reduce_max3A_728 = arith.constant -2147483648 : i32
        %reduce_max3A_729 = vector.broadcast %reduce_max3A_728 : i32 to vector<16xi32>
        %reduce_max3A_730 = arith.xori %select_n3A_725, %reduce_max3A_729 : vector<16xi32>
        %reduce_max3A_731 = tpu.scan <max>, %reduce_max3A_730 masked %reduce_max3A_727 : vector<16xi32>, vector<16xi1> -> vector<16xi32>
        %reduce_max3A_732 = arith.xori %reduce_max3A_731, %reduce_max3A_729 : vector<16xi32>
        %reduce_max3A_733 = vector.extract %reduce_max3A_732[15] : i32 from vector<16xi32>
        %ge3A_734 = arith.constant 0 : i32
        %ge3A_735 = arith.cmpi sge, %reduce_max3A_733, %ge3A_734 : i32
        %convert_element_type3A_736 = arith.extui %ge3A_735 : i1 to i32
        %cond3A_737 = arith.constant 0 : i32
        %cond3A_738 = arith.cmpi ne, %convert_element_type3A_736, %cond3A_737 : i32
        scf.if %cond3A_738 {
          %dma_wait3A_777 = arith.constant 13 : i32
          %dma_wait3A_778 = arith.constant 0 : i32
          %dma_wait3A_779 = tpu.memref_slice %arg10[%dma_wait3A_777, %dma_wait3A_778] : memref<16x2048xf32, #tpu.memory_space<vmem>> -> memref<1x2048xf32, #tpu.memory_space<vmem>>
          %dma_wait3A_780 = arith.constant 0 : i32
          %dma_wait3A_781 = arith.constant 0 : i32
          %dma_wait3A_782 = tpu.memref_slice %arg4[%dma_wait3A_780, %dma_wait3A_781] : memref<512x2048xf32, #tpu.memory_space<hbm>> -> memref<1x2048xf32, #tpu.memory_space<hbm>>
          %dma_wait3A_783 = arith.constant 13 : i32
          %dma_wait3A_784 = arith.constant 0 : i32
          %dma_wait3A_785 = tpu.memref_slice %arg10[%dma_wait3A_783, %dma_wait3A_784] : memref<16x2048xf32, #tpu.memory_space<vmem>> -> memref<1x2048xf32, #tpu.memory_space<vmem>>
          %dma_wait3A_786 = arith.constant 0 : i32
          %dma_wait3A_787 = arith.constant 0 : i32
          %dma_wait3A_788 = tpu.memref_slice %arg4[%dma_wait3A_786, %dma_wait3A_787] : memref<512x2048xf32, #tpu.memory_space<hbm>> -> memref<1x2048xf32, #tpu.memory_space<hbm>>
          tpu.wait_dma2 semaphore(%arg15 : memref<!tpu.dma_semaphore, #tpu.memory_space<semaphore_mem>>) src(%dma_wait3A_788 : memref<1x2048xf32, #tpu.memory_space<hbm>>) dst(%dma_wait3A_785 : memref<1x2048xf32, #tpu.memory_space<vmem>>)
        } else {
        }
        %eq3A_739 = arith.constant 14 : i32
        %eq3A_740 = vector.broadcast %eq3A_739 : i32 to vector<16xi32>
        %eq3A_741 = arith.cmpi eq, %iota3A, %eq3A_740 : vector<16xi32>
        %jit3A_742 = arith.constant -1 : i32
        %broadcast_in_dim3A_743 = vector.broadcast %jit3A_742 : i32 to vector<16xi32>
        %select_n3A_744 = arith.select %eq3A_741, %select_n3A_145, %broadcast_in_dim3A_743 : vector<16xi1>, vector<16xi32>
        %reduce_max3A_745 = arith.constant true
        %reduce_max3A_746 = vector.broadcast %reduce_max3A_745 : i1 to vector<16xi1>
        %reduce_max3A_747 = arith.constant -2147483648 : i32
        %reduce_max3A_748 = vector.broadcast %reduce_max3A_747 : i32 to vector<16xi32>
        %reduce_max3A_749 = arith.xori %select_n3A_744, %reduce_max3A_748 : vector<16xi32>
        %reduce_max3A_750 = tpu.scan <max>, %reduce_max3A_749 masked %reduce_max3A_746 : vector<16xi32>, vector<16xi1> -> vector<16xi32>
        %reduce_max3A_751 = arith.xori %reduce_max3A_750, %reduce_max3A_748 : vector<16xi32>
        %reduce_max3A_752 = vector.extract %reduce_max3A_751[15] : i32 from vector<16xi32>
        %ge3A_753 = arith.constant 0 : i32
        %ge3A_754 = arith.cmpi sge, %reduce_max3A_752, %ge3A_753 : i32
        %convert_element_type3A_755 = arith.extui %ge3A_754 : i1 to i32
        %cond3A_756 = arith.constant 0 : i32
        %cond3A_757 = arith.cmpi ne, %convert_element_type3A_755, %cond3A_756 : i32
        scf.if %cond3A_757 {
          %dma_wait3A_777 = arith.constant 14 : i32
          %dma_wait3A_778 = arith.constant 0 : i32
          %dma_wait3A_779 = tpu.memref_slice %arg10[%dma_wait3A_777, %dma_wait3A_778] : memref<16x2048xf32, #tpu.memory_space<vmem>> -> memref<1x2048xf32, #tpu.memory_space<vmem>>
          %dma_wait3A_780 = arith.constant 0 : i32
          %dma_wait3A_781 = arith.constant 0 : i32
          %dma_wait3A_782 = tpu.memref_slice %arg4[%dma_wait3A_780, %dma_wait3A_781] : memref<512x2048xf32, #tpu.memory_space<hbm>> -> memref<1x2048xf32, #tpu.memory_space<hbm>>
          %dma_wait3A_783 = arith.constant 14 : i32
          %dma_wait3A_784 = arith.constant 0 : i32
          %dma_wait3A_785 = tpu.memref_slice %arg10[%dma_wait3A_783, %dma_wait3A_784] : memref<16x2048xf32, #tpu.memory_space<vmem>> -> memref<1x2048xf32, #tpu.memory_space<vmem>>
          %dma_wait3A_786 = arith.constant 0 : i32
          %dma_wait3A_787 = arith.constant 0 : i32
          %dma_wait3A_788 = tpu.memref_slice %arg4[%dma_wait3A_786, %dma_wait3A_787] : memref<512x2048xf32, #tpu.memory_space<hbm>> -> memref<1x2048xf32, #tpu.memory_space<hbm>>
          tpu.wait_dma2 semaphore(%arg15 : memref<!tpu.dma_semaphore, #tpu.memory_space<semaphore_mem>>) src(%dma_wait3A_788 : memref<1x2048xf32, #tpu.memory_space<hbm>>) dst(%dma_wait3A_785 : memref<1x2048xf32, #tpu.memory_space<vmem>>)
        } else {
        }
        %eq3A_758 = arith.constant 15 : i32
        %eq3A_759 = vector.broadcast %eq3A_758 : i32 to vector<16xi32>
        %eq3A_760 = arith.cmpi eq, %iota3A, %eq3A_759 : vector<16xi32>
        %jit3A_761 = arith.constant -1 : i32
        %broadcast_in_dim3A_762 = vector.broadcast %jit3A_761 : i32 to vector<16xi32>
        %select_n3A_763 = arith.select %eq3A_760, %select_n3A_145, %broadcast_in_dim3A_762 : vector<16xi1>, vector<16xi32>
        %reduce_max3A_764 = arith.constant true
        %reduce_max3A_765 = vector.broadcast %reduce_max3A_764 : i1 to vector<16xi1>
        %reduce_max3A_766 = arith.constant -2147483648 : i32
        %reduce_max3A_767 = vector.broadcast %reduce_max3A_766 : i32 to vector<16xi32>
        %reduce_max3A_768 = arith.xori %select_n3A_763, %reduce_max3A_767 : vector<16xi32>
        %reduce_max3A_769 = tpu.scan <max>, %reduce_max3A_768 masked %reduce_max3A_765 : vector<16xi32>, vector<16xi1> -> vector<16xi32>
        %reduce_max3A_770 = arith.xori %reduce_max3A_769, %reduce_max3A_767 : vector<16xi32>
        %reduce_max3A_771 = vector.extract %reduce_max3A_770[15] : i32 from vector<16xi32>
        %ge3A_772 = arith.constant 0 : i32
        %ge3A_773 = arith.cmpi sge, %reduce_max3A_771, %ge3A_772 : i32
        %convert_element_type3A_774 = arith.extui %ge3A_773 : i1 to i32
        %cond3A_775 = arith.constant 0 : i32
        %cond3A_776 = arith.cmpi ne, %convert_element_type3A_774, %cond3A_775 : i32
        scf.if %cond3A_776 {
          %dma_wait3A_777 = arith.constant 15 : i32
          %dma_wait3A_778 = arith.constant 0 : i32
          %dma_wait3A_779 = tpu.memref_slice %arg10[%dma_wait3A_777, %dma_wait3A_778] : memref<16x2048xf32, #tpu.memory_space<vmem>> -> memref<1x2048xf32, #tpu.memory_space<vmem>>
          %dma_wait3A_780 = arith.constant 0 : i32
          %dma_wait3A_781 = arith.constant 0 : i32
          %dma_wait3A_782 = tpu.memref_slice %arg4[%dma_wait3A_780, %dma_wait3A_781] : memref<512x2048xf32, #tpu.memory_space<hbm>> -> memref<1x2048xf32, #tpu.memory_space<hbm>>
          %dma_wait3A_783 = arith.constant 15 : i32
          %dma_wait3A_784 = arith.constant 0 : i32
          %dma_wait3A_785 = tpu.memref_slice %arg10[%dma_wait3A_783, %dma_wait3A_784] : memref<16x2048xf32, #tpu.memory_space<vmem>> -> memref<1x2048xf32, #tpu.memory_space<vmem>>
          %dma_wait3A_786 = arith.constant 0 : i32
          %dma_wait3A_787 = arith.constant 0 : i32
          %dma_wait3A_788 = tpu.memref_slice %arg4[%dma_wait3A_786, %dma_wait3A_787] : memref<512x2048xf32, #tpu.memory_space<hbm>> -> memref<1x2048xf32, #tpu.memory_space<hbm>>
          tpu.wait_dma2 semaphore(%arg15 : memref<!tpu.dma_semaphore, #tpu.memory_space<semaphore_mem>>) src(%dma_wait3A_788 : memref<1x2048xf32, #tpu.memory_space<hbm>>) dst(%dma_wait3A_785 : memref<1x2048xf32, #tpu.memory_space<vmem>>)
        } else {
        }
      } else {
      }
      %dma_start3A_155 = arith.constant 0 : i32
      %dma_start3A_156 = arith.constant 0 : i32
      %dma_start3A_157 = tpu.memref_slice %arg6[%arg1, %dma_start3A_155, %dma_start3A_156] : memref<16x16x2048xf32, #tpu.memory_space<vmem_shared>> -> memref<1x16x2048xf32, #tpu.memory_space<vmem_shared>>
      %dma_start3A_158 = tpu.memref_squeeze %dma_start3A_157 : memref<1x16x2048xf32, #tpu.memory_space<vmem_shared>> -> memref<16x2048xf32, #tpu.memory_space<vmem_shared>>
      %dma_start3A_159 = arith.constant 0 : i32
      %dma_start3A_160 = arith.constant 0 : i32
      %dma_start3A_161 = tpu.memref_slice %arg6[%arg1, %dma_start3A_159, %dma_start3A_160] : memref<16x16x2048xf32, #tpu.memory_space<vmem_shared>> -> memref<1x16x2048xf32, #tpu.memory_space<vmem_shared>>
      %dma_start3A_162 = tpu.memref_squeeze %dma_start3A_161 : memref<1x16x2048xf32, #tpu.memory_space<vmem_shared>> -> memref<16x2048xf32, #tpu.memory_space<vmem_shared>>
      tpu.enqueue_dma source(%arg10 : memref<16x2048xf32, #tpu.memory_space<vmem>>) target(%dma_start3A_162 : memref<16x2048xf32, #tpu.memory_space<vmem_shared>>) target_semaphore(%arg14 : memref<!tpu.dma_semaphore, #tpu.memory_space<semaphore_mem>>)
      %add3A_163 = arith.constant 32 : i32
      %add3A_164 = arith.addi %add3A_107, %add3A_163 : i32
      %lt3A_165 = arith.constant 256 : i32
      %lt3A_166 = arith.cmpi slt, %add3A_164, %lt3A_165 : i32
      %convert_element_type3A_167 = arith.extui %lt3A_166 : i1 to i32
      %cond3A_168 = arith.constant 0 : i32
      %cond3A_169 = arith.cmpi ne, %convert_element_type3A_167, %cond3A_168 : i32
      scf.if %cond3A_169 {
        %dma_wait3A_170 = arith.constant 0 : i32
        %dma_wait3A_171 = arith.constant 0 : i32
        %dma_wait3A_172 = tpu.memref_slice %arg5[%dma_wait3A_170, %dma_wait3A_171] : memref<8192x2048xf32, #tpu.memory_space<hbm>> -> memref<16x2048xf32, #tpu.memory_space<hbm>>
        %dma_wait3A_173 = arith.constant 0 : i32
        %dma_wait3A_174 = arith.constant 0 : i32
        %dma_wait3A_175 = tpu.memref_slice %arg5[%dma_wait3A_173, %dma_wait3A_174] : memref<8192x2048xf32, #tpu.memory_space<hbm>> -> memref<16x2048xf32, #tpu.memory_space<hbm>>
        tpu.wait_dma2 semaphore(%arg14 : memref<!tpu.dma_semaphore, #tpu.memory_space<semaphore_mem>>) src(%arg10 : memref<16x2048xf32, #tpu.memory_space<vmem>>) dst(%dma_wait3A_175 : memref<16x2048xf32, #tpu.memory_space<hbm>>)
        %add3A_176 = arith.addi %mul3A_2, %add3A_164 : i32
        %get3A_177 = arith.index_cast %add3A_176 : i32 to index
        %get3A_178 = tpu.vector_load %arg7[%get3A_177] {strides = array<i32>} : memref<8192xi32, #tpu.memory_space<vmem>>, vector<16xi32>,
        %dma_start3A_179 = arith.constant 0 : i32
        %dma_start3A_180 = arith.constant 0 : i32
        %dma_start3A_181 = tpu.memref_slice %arg3[%dma_start3A_179, %dma_start3A_180] : memref<151936x2048xf32, #tpu.memory_space<hbm>> -> memref<151936x2048xf32, #tpu.memory_space<hbm>>
        tpu.enqueue_indirect_dma source(%dma_start3A_181 : memref<151936x2048xf32, #tpu.memory_space<hbm>>) target(%arg10 : memref<16x2048xf32, #tpu.memory_space<vmem>>) offsets(%get3A_178 : vector<16xi32>) semaphore(%arg12 : memref<!tpu.dma_semaphore, #tpu.memory_space<semaphore_mem>>)
      } else {
      }
    }
    %scan3A_36 = arith.constant 8 : i32
    %dma_wait3A = arith.constant 0 : i32
    %dma_wait3A_37 = arith.constant 0 : i32
    %dma_wait3A_38 = tpu.memref_slice %arg5[%dma_wait3A, %dma_wait3A_37] : memref<8192x2048xf32, #tpu.memory_space<hbm>> -> memref<16x2048xf32, #tpu.memory_space<hbm>>
    %dma_wait3A_39 = arith.constant 0 : i32
    %dma_wait3A_40 = arith.constant 0 : i32
    %dma_wait3A_41 = tpu.memref_slice %arg5[%dma_wait3A_39, %dma_wait3A_40] : memref<8192x2048xf32, #tpu.memory_space<hbm>> -> memref<16x2048xf32, #tpu.memory_space<hbm>>
    tpu.wait_dma2 semaphore(%arg13 : memref<!tpu.dma_semaphore, #tpu.memory_space<semaphore_mem>>) src(%arg9 : memref<16x2048xf32, #tpu.memory_space<vmem>>) dst(%dma_wait3A_41 : memref<16x2048xf32, #tpu.memory_space<hbm>>)
    %dma_wait3A_42 = arith.constant 0 : i32
    %dma_wait3A_43 = arith.constant 0 : i32
    %dma_wait3A_44 = tpu.memref_slice %arg5[%dma_wait3A_42, %dma_wait3A_43] : memref<8192x2048xf32, #tpu.memory_space<hbm>> -> memref<16x2048xf32, #tpu.memory_space<hbm>>
    %dma_wait3A_45 = arith.constant 0 : i32
    %dma_wait3A_46 = arith.constant 0 : i32
    %dma_wait3A_47 = tpu.memref_slice %arg5[%dma_wait3A_45, %dma_wait3A_46] : memref<8192x2048xf32, #tpu.memory_space<hbm>> -> memref<16x2048xf32, #tpu.memory_space<hbm>>
    tpu.wait_dma2 semaphore(%arg14 : memref<!tpu.dma_semaphore, #tpu.memory_space<semaphore_mem>>) src(%arg10 : memref<16x2048xf32, #tpu.memory_space<vmem>>) dst(%dma_wait3A_47 : memref<16x2048xf32, #tpu.memory_space<hbm>>)
    return
  }
}

</mosaic_0001>

<sc_bundles>
// kernel: kernel.3.cloned.1.call-start
scs
__scs_entry_jumppad:
0x0: {  	(pc) =	sbr.rel $0x88, $3  }
0x1: {  	(tag) =	ssettag $0x0;
	lr =	simm.s32 $0x1  }
0x2: {  	[smem:$0x3F9E] =	sst lr;
	_ =	strace $0xD0000000  }
0x3: {  	_ = 	snop  }
0x4: {  	_ = 	snop  }
0x5: {  	_ = 	snop  }
0x6: {  	_ = 	snop  }
0x7: {  	_ = 	snop  }
__scs_overlays_trampoline_lowered:
0x8: {  	[smem:$0x3FAD] =	sst s0  }
0x9: {  	[smem:$0x3FAE] =	sst s1  }
0xa: {  	[smem:$0x3FAF] =	sst s2  }
0xb: {  	[smem:$0x3FB0] =	sst s3  }
0xc: {  	[smem:$0x3FB1] =	sst s4  }
0xd: {  	[smem:$0x3FB2] =	sst s5  }
0xe: {  	[smem:$0x3FB3] =	sst s6  }
0xf: {  	[smem:$0x3FB4] =	sst s7  }
0x10: {  	[smem:$0x3FB5] =	sst s8  }
0x11: {  	[smem:$0x3FB6] =	sst s9;
	s0 =	simm.s32 @!p0 $0x0  }
0x12: {  	s1 =	sld [smem:$0x3F9C];
	s0 =	simm.s32 @p0 $0x1  }
0x13: {  	[smem:$0x3FB7] =	sst s0;
	s0 =	simm.s32 @!p1 $0x0  }
0x14: {  	s2 =	sld [smem:$0x3F9B];
	s0 =	simm.s32 @p1 $0x1  }
0x15: {  	[smem:$0x3FB8] =	sst s0;
	s0 =	simm.s32 @!p2 $0x0  }
0x16: {  	s3 =	sld [smem:$0x3FDB];
	s0 =	simm.s32 @p2 $0x1  }
0x17: {  	s4 =	simm.s32 $0x1BF5;
	[smem:$0x3FBA] =	sst s0  }
0x18: {  	s0 =	sld [smem:$0x3F9D];
	_ =	swait.ge [sflag:s4], $0x0  }
0x19: {  	s7 =	sld [smem:$0x3F9E]  }
0x1a: {  	s8 =	sadd.s32 $0xFFFFE003, lr  }
0x1b: {  	s9 =	sadd.s32 $0xFFFFFEF7, lr;
	s5 =	simm.s32 $0xFFFFFFFF;
	p2 =	slt.u32 s8, $0xFFFFF086  }
0x1c: {  	p1 =	slt.u32 s9, $0xF7A;
	s5 =	simm.s32 @!p2 $0x0  }
0x1d: {  	s5 =	simm.s32 @p1 $0x1;
	p0 =	seq.s32 s7, s2  }
0x1e: {  	s7 =	smul.u32 @!p0 $0xF7A, s2;
	p2 =	seq.s32 @!p0 s5, $0x0  }
0x1f: {  	s9 =	smul.u32 $0xF7A, s1;
	s8 =	simm.s32 @!p0 $0x1BF5;
	p2 =	por !p2, p0  }
0x20: {  	[sflag:s8] =	ssyncset.s32 @!p0 $0xFFFFF086;
	s6 =	sadd.s32 @!p0 s3, s7;
	s7 =	simm.s32 @!p0 $0x108  }
0x21: {  	s3 =	sadd.s32 s3, s9;
	s6 =	sadd.s32 @!p0 $0x88, s6;
	s7 =	simm.s32 @p2 $0x1082  }
0x22: {  	[simem:s7], [sflag:s8] =	dma.local @!p0 [hbm:s6], $0xF7A  }
0x23: {  	s9 =	sor.u32 $0xD0000000, s2;
	s6 =	simm.s32 $0x108;
	_ =	swait.ge @!p0 [sflag:s8], $0x0  }
0x24: {  	s3 =	sadd.s32 $0x88, s3;
	s6 =	simm.s32 @!p1 $0x1082;
	[sflag:s4] =	ssyncset.s32 $0xFFFFF086  }
0x25: {  	[simem:s6], [sflag:s4] =	dma.local [hbm:s3], $0xF7A  }
0x26: {  	[smem:$0x3F9E] =	sst s1;
	(tag) =	ssettag s2;
	_ =	strace s9  }
0x27: {  	s1 =	sld [smem:$0x3FAE]  }
0x28: {  	s2 =	sld [smem:$0x3FAF]  }
0x29: {  	s4 =	sld [smem:$0x3FB1]  }
0x2a: {  	p0 =	seq.s32 s5, $0x0;
	s5 =	sld [smem:$0x3FB2]  }
0x2b: {  	s6 =	sld [smem:$0x3FB3]  }
0x2c: {  	s7 =	sld [smem:$0x3FB4]  }
0x2d: {  	s3 =	simm.s32 $0x108;
	s8 =	sld [smem:$0x3FB5]  }
0x2e: {  	s3 =	simm.s32 @!p0 $0x1082;
	s9 =	sld [smem:$0x3FB6]  }
0x2f: {  	lr =	sadd.s32 s0, s3;
	s0 =	sld [smem:$0x3FAD]  }
0x30: {  	s3 =	sld [smem:$0x3FB0]  }
0x31: {  	[smem:$0x3FB9] =	sst s10  }
0x32: {  	s10 =	sld [smem:$0x3FB7];
	_ =	sdelay $0x3  }
0x33: {  	p0 =	seq.s32 s10, $0x1;
	s10 =	sld [smem:$0x3FB9];
	_ =	sdelay $0x3  }
0x34: {  	[smem:$0x3FB9] =	sst s10  }
0x35: {  	s10 =	sld [smem:$0x3FB8];
	_ =	sdelay $0x3  }
0x36: {  	p1 =	seq.s32 s10, $0x1;
	s10 =	sld [smem:$0x3FB9];
	_ =	sdelay $0x3  }
0x37: {  	[smem:$0x3FB9] =	sst s10  }
0x38: {  	s10 =	sld [smem:$0x3FBA]  }
0x39: {  	_ = 	snop;
	(pc) =	sbr.ind lr, $3  }
0x3a: {  	_ = 	snop  }
0x3b: {  	_ = 	snop  }
0x3c: {  	p2 =	seq.s32 s10, $0x1;
	s10 =	sld [smem:$0x3FB9]  }
0x3d: {  	_ =	shalt  }
0x3e: {  	_ =	shalt  }
0x3f: {  	_ =	shalt  }
0x40: {  	_ =	shalt  }
0x41: {  	_ =	shalt  }
0x42: {  	_ =	shalt  }
0x43: {  	_ =	shalt  }
0x44: {  	_ =	shalt  }
0x45: {  	_ =	shalt  }
0x46: {  	_ =	shalt  }
0x47: {  	_ =	shalt  }
0x48: {  	_ =	shalt  }
0x49: {  	_ =	shalt  }
0x4a: {  	_ =	shalt  }
0x4b: {  	_ =	shalt  }
0x4c: {  	_ =	shalt  }
0x4d: {  	_ =	shalt  }
0x4e: {  	_ =	shalt  }
0x4f: {  	_ =	shalt  }
0x50: {  	_ =	shalt  }
0x51: {  	_ =	shalt  }
0x52: {  	_ =	shalt  }
0x53: {  	_ =	shalt  }
0x54: {  	_ =	shalt  }
0x55: {  	_ =	shalt  }
0x56: {  	_ =	shalt  }
0x57: {  	_ =	shalt  }
0x58: {  	_ =	shalt  }
0x59: {  	_ =	shalt  }
0x5a: {  	_ =	shalt  }
0x5b: {  	_ =	shalt  }
0x5c: {  	_ =	shalt  }
0x5d: {  	_ =	shalt  }
0x5e: {  	_ =	shalt  }
0x5f: {  	_ =	shalt  }
0x60: {  	_ =	shalt  }
0x61: {  	_ =	shalt  }
0x62: {  	_ =	shalt  }
0x63: {  	_ =	shalt  }
0x64: {  	_ =	shalt  }
0x65: {  	_ =	shalt  }
0x66: {  	_ =	shalt  }
0x67: {  	_ =	shalt  }
0x68: {  	_ =	shalt  }
0x69: {  	_ =	shalt  }
0x6a: {  	_ =	shalt  }
0x6b: {  	_ =	shalt  }
0x6c: {  	_ =	shalt  }
0x6d: {  	_ =	shalt  }
0x6e: {  	_ =	shalt  }
0x6f: {  	_ =	shalt  }
0x70: {  	_ =	shalt  }
0x71: {  	_ =	shalt  }
0x72: {  	_ =	shalt  }
0x73: {  	_ =	shalt  }
0x74: {  	_ =	shalt  }
0x75: {  	_ =	shalt  }
0x76: {  	_ =	shalt  }
0x77: {  	_ =	shalt  }
0x78: {  	_ =	shalt  }
0x79: {  	_ =	shalt  }
0x7a: {  	_ =	shalt  }
0x7b: {  	_ =	shalt  }
0x7c: {  	_ =	shalt  }
0x7d: {  	_ =	shalt  }
0x7e: {  	_ =	shalt  }
0x7f: {  	_ =	shalt  }
0x80: {  	_ =	shalt  }
0x81: {  	_ =	shalt  }
0x82: {  	_ =	shalt  }
0x83: {  	_ =	shalt  }
0x84: {  	_ =	shalt  }
0x85: {  	_ =	shalt  }
0x86: {  	_ =	shalt  }
0x87: {  	_ =	shalt  }
.Lfunc_end0:
.L_simem_size_0:
called_computation_lowered:
.L_overlay_start_0:
0x88: {  	s2 =	sld [smem:$0x3FD9]  }
0x89: {  	s3 =	sld [smem:$0x3FFE];
	_ =	sdelay $0x1  }
0x8a: {  	s1 =	srdreg.scid  }
0x8b: {  	s0 =	sand.u32 $0x1, s1  }
0x8c: {  	s17 =	sshll.u32 s0, $0xA;
	s2 =	sadd.s32 s3, s2  }
0x8d: {  	s2 =	sadd.s32 s2, s17  }
0x8e: {  	[smem:$0x3FC5] =	sst s2  }
0x8f: {  	_ = 	snop  }
0x90: {  	s2 =	sld [smem:$0x3FC8]  }
0x91: {  	s18 =	sld [smem:$0x3FC7];
	(tm) =	ssettm $0x1  }
0x92: {  	s4 =	sld [smem:$0x3FFB];
	_ =	sdelay $0x3  }
0x93: {  	_ =	strace s4  }
0x94: {  	s4 =	sld [smem:$0x3FFC];
	_ =	sdelay $0x3  }
0x95: {  	_ =	strace s4  }
0x96: {  	s4 =	sld [smem:$0x3FFD];
	_ =	sdelay $0x3  }
0x97: {  	_ =	strace s4  }
0x98: {  	_ =	strace $0x8FFFFFFF  }
0x99: {  	s19 =	sld [smem:$0x3FDB];
	_ =	sdelay $0x1  }
0x9a: {  	s5 =	simm.s32 $_scs_section_size  }
0x9b: {  	s6 =	simm.s32 $_size__tile_overlayer_lowered;
	s7 =	simm.s32 $_tile_overlayer_lowered  }
0x9c: {  	s22 =	simm.s32 $0x1BFF;
	s21 =	sshll.u32 s7, $0x1;
	s4 =	sadd.s32 s5, s19  }
0x9d: {  	s8 =	simm.s32 $0x0;
	s20 =	sshll.u32 s6, $0x1;
	s6 =	sadd.s32 s21, s4  }
0x9e: {  	[timem:s8], [sflag:s22] =	dma.local [hbm:s6], s20  }
0x9f: {  	_ =	swait.ge [sflag:s22], s20  }
0xa0: {  	s5 =	ssub.s32 $0x0, s20;
	[sflag:s22] =	ssyncset.done $0x0  }
0xa1: {  	[sflag:s22] =	ssyncadd.s32 s5;
	_ =	sdelay $0x1  }
0xa2: {  	s23 =	simm.s32 $0x1B8B  }
0xa3: {  	_ =	swait.ge [sflag:s23], $0x1  }
0xa4: {  	[sflag:s23] =	ssyncset.done $0x0  }
0xa5: {  	s25 =	simm.s32 $0x1B8E;
	s24 =	sld [smem:$0x3FFE];
	[sflag:s23] =	ssyncadd.s32 $0xFFFFFFFF  }
0xa6: {  	s26 =	simm.s32 $execute0_lowered;
	[smem:$0x3FD2] =	sst s25  }
0xa7: {  	s6 =	sshll.u32 s26, $0x1;
	_ =	strace $0x80000046;
	[dreg:$0x1] =	wrdreg $0xFFFFFFFF  }
0xa8: {  	s28 =	simm.s32 $_size_execute0_lowered;
	s4 =	sadd.s32 s4, s6;
	[dreg:$0x0] =	wrdreg $0x0  }
0xa9: {  	s6 =	sshll.u32 s28, $0x1;
	[dreg:$0x2] =	wrdreg s4  }
0xaa: {  	[dreg:$0x3] =	wrdreg s6  }
0xab: {  	[dreg:$0x4] =	wrdreg $0xC0  }
0xac: {  	_ =	task [dreg:s8], $0x5FFFF  }
0xad: {  	[dreg:$0x1] =	wrdreg $0xFFFFFFFF  }
0xae: {  	[dreg:$0x0] =	wrdreg $0x60  }
0xaf: {  	[dreg:$0x2] =	wrdreg s24  }
0xb0: {  	[dreg:$0x3] =	wrdreg s18  }
0xb1: {  	[dreg:$0x4] =	wrdreg s2  }
0xb2: {  	[dreg:$0x5] =	wrdreg $0x0  }
0xb3: {  	[dreg:$0x6] =	wrdreg $0x9  }
0xb4: {  	_ =	task.clear_ibuf [dreg:s8], $0x7FFFF;
	_ =	strace $0x90000046  }
0xb5: {  	s29 =	simm.s32 $0x9;
	_ =	strace $0x80000048  }
0xb6: {  	_ =	swait.ge [sflag:s29], $0x1  }
0xb7: {  	[sflag:s29] =	ssyncadd.s32 $0xFFFFFFFF  }
0xb8: {  	_ =	strace $0x90000048  }
0xb9: {  	_ =	sfence  }
0xba: {  	s30 =	sld [smem:$0x0];
	_ =	sdelay $0x2  }
0xbb: {  	s31 =	sshll.u32 s1, $0xD;
	s1 =	sshrl.u32 s1, $0x2  }
0xbc: {  	s3 =	sand.u32 $0x4000, s31;
	s1 =	sadd.s32 s1, s30  }
0xbd: {  	s0 =	sor.u32 s3, s0;
	s1 =	sshll.u32 s1, $0x11  }
0xbe: {  	s0 =	sor.u32 s1, s0  }
0xbf: {  	s0 =	sadd.s32 $0x8F2B, s0  }
0xc0: {  	[sflag:s0] =	ssyncadd.remote.s32 $0x1  }
0xc1: {  	_ =	sfence.sel $0xFFFF  }
0xc2: {  	[dreg:$0x0] =	wrdreg $0xFFFFFFFF;
	(pc) =	sbr.abs _section_cstart, $3  }
0xc3: {  	[dreg:$0x1] =	wrdreg $0xFFFFFFFF  }
0xc4: {  	_ =	task.clear_ibuf [dreg:s8], $0x2FFFF;
	_ =	strace $0x9FFFFFFF  }
0xc5: {  	(tm) =	ssettm $0x7FFFFFFF  }
tec
execute0_lowered:
.L_overlay_start_1:
0x0: {  	(tag) =	ssettag $0x1  }
0x1: {  	s0 =	rddreg [dreg:$0x0]  }
0x2: {  	s1 =	rddreg [dreg:$0x1]  }
0x3: {  	s2 =	rddreg [dreg:$0x2]  }
0x4: {  	s3 =	rddreg [dreg:$0x3]  }
0x5: {  	s4 =	simm.s32 $0x0;
	s5 =	srdreg.scid;
	s15 =	stileid.u32  }
0x6: {  	s19 =	simm.s32 $0xA080;
	s22 =	simm.s32 $0x12080;
	s20 =	simm.s32 $0x17880  }
0x7: {  	s21 =	simm.s32 $0x18080;
	s16 =	simm.s32 $0x19080;
	s17 =	simm.s32 $0x19880  }
0x8: {  	s18 =	simm.s32 $0x1;
	s23 =	simm.s32 $0x2;
	s24 =	simm.s32 $0x4  }
0x9: {  	s26 =	simm.s32 $0x0;
	[smem:$0x7FF] =	sst s4;
	s5 =	sand.u32 $0x1, s5  }
0xa: {  	s6 =	sshll.u32 s15, $0x9;
	s0 =	sadd.s32 $0x400, s0;
	s8 =	sadd.s32 $0x100, s1  }
0xb: {  	s9 =	sadd.s32 $0x200, s1;
	s10 =	sadd.s32 $0x300, s1;
	s11 =	sadd.s32 $0x400, s1  }
0xc: {  	s12 =	sadd.s32 $0x500, s1;
	s13 =	sadd.s32 $0x600, s1;
	s14 =	sadd.s32 $0x700, s1  }
0xd: {  	s15 =	sshll.u32 s15, $0xF;
	_ =	strace $0x80000047;
	s7 =	ssub.s32 $0x2, s5  }
0xe: {  	v2 =	vlaneseq.u32;
	vm0 =	vmmov $0xffff;
	s5 =	sshll.u32 s5, $0x8;
	[dreg:$0x5] =	wrdreg s0;
	s15 =	sadd.s32 s15, s3  }
0xf: {  	v3 =	vimm.s32 $0x0;
	vm1 =	vmmov $0x1;
	vm5 =	vcmask $0xF14;
	s3 =	simm.s32 $0x17080;
	s30 =	sshrl.u32 s7, $0x1;
	s6 =	sor.u32 s5, s6  }
.Ltmp0:
0x10: {  	vm6 =	vcmask $0x1318;
	vm7 =	vcmask $0x171C;
	vm8 =	vcmask $0x1B20;
	s0 =	ssub.s32 s7, s30;
	s5 =	sshrl.u32 s6, $0x4;
	(pc) =	sbr.rel .LBB2_1-.Ltmp0, $4  }
0x11: {  	vm9 =	vcmask $0x1F24;
	vm10 =	vcmask $0x2328;
	vm11 =	vcmask $0x272C;
	p0 =	seq.s32 s6, $0x0;
	s5 =	smax.u32 s5, $0x1;
	s0 =	smax.u32 s0, $0x1  }
0x12: {  	vm12 =	vcmask $0x2B30;
	vm13 =	vcmask $0x2F34;
	vm14 =	vcmask $0x3338;
	[dreg:$0x6] =	wrdreg s0;
	s31 =	sshll.u32 s5, $0x6;
	s0 =	simm.s32 @!p0 $0x0  }
0x13: {  	vm15 =	vcmask $0x373C;
	vm2 =	vmmov $0x7fff;
	v1 =	vshrl.u32 v2, $0x3;
	s7 =	sor.u32 $0x8000, s6;
	[dreg:$0x7] =	wrdreg s31;
	s0 =	simm.s32 @p0 $0x1  }
0x14: {  	v0 =	vand.u32 $0x7, v2;
	v2 =	vor.u32 $0x8, v2;
	v1 =	vmul.u32 $0x8, v1;
	s5 =	simm.s32 $0x18880;
	[smem:$0x7FD] =	sst s0;
	s0 =	simm.s32 $0x16880  }
.LBB2_12:
0x15: {  	s25 =	simm.s32 $0x3  }
0x16: {  	_ =	swait.ge [sflag:s25], $0x8000  }
0x17: {  	[sflag:s25] =	ssyncset.done $0x0  }
0x18: {  	[sflag:s25] =	ssyncadd.s32 $0xFFFF8000  }
0x19: {  	_ =	swait.ge [sflag:s24], $0x8000  }
0x1a: {  	s26 =	rddreg [dreg:$0x8]  }
0x1b: {  	s31 =	rddreg [dreg:$0x6];
	s26 =	sadd.s32 $0x1, s26  }
0x1c: {  	p0 =	sne.s32 s26, s31  }
.Ltmp1:
0x1d: {  	_ = 	snop;
	(pc) =	sbr.rel @!p0 .LBB2_13-.Ltmp1, $3  }
0x1e: {  	_ =	sdelay $0x1  }
0x1f: {  	[sflag:s24] =	ssyncset.done $0x0  }
0x20: {  	[sflag:s24] =	ssyncadd.s32 $0xFFFF8000  }
.LBB2_1:
0x21: {  	[dreg:$0x8] =	wrdreg s26  }
0x22: {  	s25 =	simm.s32 $0x8000;
	s30 =	rddreg [dreg:$0x5];
	s31 =	simm.s32 $0x6  }
0x23: {  	[tilespmem:s25], [sflag:$0x6] =	stream.linear.gather [hbm4b:s30+s4], $0x2000, $0x38;
	[tilespmem:$0x1A080] =	vst v63  }
0x24: {  	_ =	swait.ge [sflag:s31], $0x2000  }
0x25: {  	[sflag:s31] =	ssyncset.done $0x0  }
0x26: {  	[sflag:s31] =	ssyncadd.s32 $0xFFFFE000  }
0x27: {  	v4 =	vld [tilespmem:s6+$0x8000];
	_ =	sdelay $0x4  }
0x28: {  	v5 =	vshll.u32 v4, $0x4  }
0x29: {  	v4 =	vand.u32 $0x7, v4;
	v5 =	vand.u32 $0xFFFFFF80, v5  }
0x2a: {  	v4 =	vor.u32 v4, v5  }
0x2b: {  	v5 =	vperm.xlane v4, v0;
	_ =	sdelay $0x1  }
0x2c: {  	v5 =	vadd.s32 v1, v5;
	_ =	sdelay $0x4  }
0x2d: {  	[tilespmem:s19], [sflag:$0x1] =	stream.indirect_vreg.gather [hbm4b:s1+s4], $0x80, v5, vm0, $0xb8;
	[tilespmem:$0x1A080] =	vst v63  }
0x2e: {  	s28 =	simm.s32 $0xA880  }
0x2f: {  	[tilespmem:s28], [sflag:$0x1] =	stream.indirect_vreg.gather [hbm4b:s8+s4], $0x80, v5, vm0, $0xb8;
	[tilespmem:$0x1A080] =	vst v63  }
0x30: {  	s29 =	simm.s32 $0xB080  }
0x31: {  	[tilespmem:s29], [sflag:$0x1] =	stream.indirect_vreg.gather [hbm4b:s9+s4], $0x80, v5, vm0, $0xb8;
	[tilespmem:$0x1A080] =	vst v63  }
0x32: {  	s30 =	simm.s32 $0xB880  }
0x33: {  	[tilespmem:s30], [sflag:$0x1] =	stream.indirect_vreg.gather [hbm4b:s10+s4], $0x80, v5, vm0, $0xb8;
	[tilespmem:$0x1A080] =	vst v63  }
0x34: {  	s31 =	simm.s32 $0xC080  }
0x35: {  	[tilespmem:s31], [sflag:$0x1] =	stream.indirect_vreg.gather [hbm4b:s11+s4], $0x80, v5, vm0, $0xb8;
	[tilespmem:$0x1A080] =	vst v63  }
0x36: {  	v4 =	vperm.xlane v4, v2;
	s28 =	simm.s32 $0xC880  }
0x37: {  	[tilespmem:s28], [sflag:$0x1] =	stream.indirect_vreg.gather [hbm4b:s12+s4], $0x80, v5, vm0, $0xb8;
	[tilespmem:$0x1A080] =	vst v63  }
0x38: {  	v4 =	vadd.s32 v1, v4;
	s29 =	simm.s32 $0xD080  }
0x39: {  	[tilespmem:s29], [sflag:$0x1] =	stream.indirect_vreg.gather [hbm4b:s13+s4], $0x80, v5, vm0, $0xb8;
	[tilespmem:$0x1A080] =	vst v63  }
0x3a: {  	s30 =	simm.s32 $0xD880  }
0x3b: {  	[tilespmem:s30], [sflag:$0x1] =	stream.indirect_vreg.gather [hbm4b:s14+s4], $0x80, v5, vm0, $0xb8;
	[tilespmem:$0x1A080] =	vst v63  }
0x3c: {  	s31 =	simm.s32 $0xE080  }
0x3d: {  	[tilespmem:s31], [sflag:$0x1] =	stream.indirect_vreg.gather [hbm4b:s1+s4], $0x80, v4, vm0, $0xb8;
	[tilespmem:$0x1A080] =	vst v63  }
0x3e: {  	s28 =	simm.s32 $0xE880  }
0x3f: {  	[tilespmem:s28], [sflag:$0x1] =	stream.indirect_vreg.gather [hbm4b:s8+s4], $0x80, v4, vm0, $0xb8;
	[tilespmem:$0x1A080] =	vst v63  }
0x40: {  	s29 =	simm.s32 $0xF080  }
0x41: {  	[tilespmem:s29], [sflag:$0x1] =	stream.indirect_vreg.gather [hbm4b:s9+s4], $0x80, v4, vm0, $0xb8;
	[tilespmem:$0x1A080] =	vst v63  }
0x42: {  	s30 =	simm.s32 $0xF880  }
0x43: {  	[tilespmem:s30], [sflag:$0x1] =	stream.indirect_vreg.gather [hbm4b:s10+s4], $0x80, v4, vm0, $0xb8;
	[tilespmem:$0x1A080] =	vst v63  }
0x44: {  	s31 =	simm.s32 $0x10080  }
0x45: {  	[tilespmem:s31], [sflag:$0x1] =	stream.indirect_vreg.gather [hbm4b:s11+s4], $0x80, v4, vm0, $0xb8;
	[tilespmem:$0x1A080] =	vst v63  }
0x46: {  	s28 =	simm.s32 $0x10880  }
0x47: {  	[tilespmem:s28], [sflag:$0x1] =	stream.indirect_vreg.gather [hbm4b:s12+s4], $0x80, v4, vm0, $0xb8;
	[tilespmem:$0x1A080] =	vst v63  }
0x48: {  	s29 =	simm.s32 $0x11080  }
0x49: {  	[tilespmem:s29], [sflag:$0x1] =	stream.indirect_vreg.gather [hbm4b:s13+s4], $0x80, v4, vm0, $0xb8;
	[tilespmem:$0x1A080] =	vst v63  }
0x4a: {  	s30 =	simm.s32 $0x11880  }
0x4b: {  	[tilespmem:s30], [sflag:$0x1] =	stream.indirect_vreg.gather [hbm4b:s14+s4], $0x80, v4, vm0, $0xb8;
	[tilespmem:$0x1A080] =	vst v63  }
0x4c: {  	v4 =	vld [tilespmem:s6+$0x8010];
	_ =	sdelay $0x4  }
0x4d: {  	v5 =	vshll.u32 v4, $0x4  }
0x4e: {  	v4 =	vand.u32 $0x7, v4;
	v5 =	vand.u32 $0xFFFFFF80, v5  }
0x4f: {  	v4 =	vor.u32 v4, v5  }
0x50: {  	v5 =	vperm.xlane v4, v0;
	_ =	sdelay $0x1  }
0x51: {  	v5 =	vadd.s32 v1, v5;
	_ =	sdelay $0x4  }
0x52: {  	[tilespmem:s22], [sflag:$0x2] =	stream.indirect_vreg.gather [hbm4b:s1+s4], $0x80, v5, vm0, $0xb8;
	[tilespmem:$0x1A080] =	vst v63  }
0x53: {  	s31 =	simm.s32 $0x12880  }
0x54: {  	[tilespmem:s31], [sflag:$0x2] =	stream.indirect_vreg.gather [hbm4b:s8+s4], $0x80, v5, vm0, $0xb8;
	[tilespmem:$0x1A080] =	vst v63  }
0x55: {  	s28 =	simm.s32 $0x13080  }
0x56: {  	[tilespmem:s28], [sflag:$0x2] =	stream.indirect_vreg.gather [hbm4b:s9+s4], $0x80, v5, vm0, $0xb8;
	[tilespmem:$0x1A080] =	vst v63  }
0x57: {  	s29 =	simm.s32 $0x13880  }
0x58: {  	[tilespmem:s29], [sflag:$0x2] =	stream.indirect_vreg.gather [hbm4b:s10+s4], $0x80, v5, vm0, $0xb8;
	[tilespmem:$0x1A080] =	vst v63  }
0x59: {  	s30 =	simm.s32 $0x14080  }
0x5a: {  	[tilespmem:s30], [sflag:$0x2] =	stream.indirect_vreg.gather [hbm4b:s11+s4], $0x80, v5, vm0, $0xb8;
	[tilespmem:$0x1A080] =	vst v63  }
0x5b: {  	v4 =	vperm.xlane v4, v2;
	s31 =	simm.s32 $0x14880  }
0x5c: {  	[tilespmem:s31], [sflag:$0x2] =	stream.indirect_vreg.gather [hbm4b:s12+s4], $0x80, v5, vm0, $0xb8;
	[tilespmem:$0x1A080] =	vst v63  }
0x5d: {  	v4 =	vadd.s32 v1, v4;
	s28 =	simm.s32 $0x15080  }
0x5e: {  	[tilespmem:s28], [sflag:$0x2] =	stream.indirect_vreg.gather [hbm4b:s13+s4], $0x80, v5, vm0, $0xb8;
	[tilespmem:$0x1A080] =	vst v63  }
0x5f: {  	s29 =	simm.s32 $0x15880  }
0x60: {  	[tilespmem:s29], [sflag:$0x2] =	stream.indirect_vreg.gather [hbm4b:s14+s4], $0x80, v5, vm0, $0xb8;
	[tilespmem:$0x1A080] =	vst v63  }
0x61: {  	s30 =	simm.s32 $0x16080  }
0x62: {  	[tilespmem:s30], [sflag:$0x2] =	stream.indirect_vreg.gather [hbm4b:s1+s4], $0x80, v4, vm0, $0xb8;
	[tilespmem:$0x1A080] =	vst v63  }
0x63: {  	_ = 	snop  }
0x64: {  	[tilespmem:s0], [sflag:$0x2] =	stream.indirect_vreg.gather [hbm4b:s8+s4], $0x80, v4, vm0, $0xb8;
	[tilespmem:$0x1A080] =	vst v63  }
0x65: {  	_ = 	snop  }
0x66: {  	[tilespmem:s3], [sflag:$0x2] =	stream.indirect_vreg.gather [hbm4b:s9+s4], $0x80, v4, vm0, $0xb8;
	[tilespmem:$0x1A080] =	vst v63  }
0x67: {  	s31 =	sld [smem:$0x7FD]  }
0x68: {  	[tilespmem:s20], [sflag:$0x2] =	stream.indirect_vreg.gather [hbm4b:s10+s4], $0x80, v4, vm0, $0xb8;
	[tilespmem:$0x1A080] =	vst v63  }
0x69: {  	_ = 	snop  }
0x6a: {  	[tilespmem:s21], [sflag:$0x2] =	stream.indirect_vreg.gather [hbm4b:s11+s4], $0x80, v4, vm0, $0xb8;
	[tilespmem:$0x1A080] =	vst v63  }
0x6b: {  	p0 =	seq.s32 s31, $0x1  }
0x6c: {  	[tilespmem:s5], [sflag:$0x2] =	stream.indirect_vreg.gather [hbm4b:s12+s4], $0x80, v4, vm0, $0xb8;
	[tilespmem:$0x1A080] =	vst v63  }
.Ltmp2:
0x6d: {  	_ = 	snop;
	(pc) =	sbr.rel @p0 .LBB2_5-.Ltmp2, $4  }
0x6e: {  	[tilespmem:s16], [sflag:$0x2] =	stream.indirect_vreg.gather [hbm4b:s13+s4], $0x80, v4, vm0, $0xb8;
	[tilespmem:$0x1A080] =	vst v63  }
0x6f: {  	_ = 	snop  }
0x70: {  	[tilespmem:s17], [sflag:$0x2] =	stream.indirect_vreg.gather [hbm4b:s14+s4], $0x80, v4, vm0, $0xb8;
	[tilespmem:$0x1A080] =	vst v63  }
0x71: {  	[tilespmem:$0xA000] =	vst v3  }
0x72: {  	s26 =	rddreg [dreg:$0x7]  }
0x73: {  	p0 =	sne.s32 s26, $0x40  }
.Ltmp3:
0x74: {  	_ = 	snop;
	(pc) =	sbr.rel @!p0 .LBB2_4-.Ltmp3, $2  }
0x75: {  	_ =	sdelay $0x2  }
0x76: {  	v5 =	vld [tilespmem:s25+$0x0];
	v4 =	vimm.s32 $0x0;
	s26 =	sadd.s32 $0xFFFFFFC0, s26  }
.LBB2_3:
0x77: {  	p0 =	sne.s32 s26, $0x40;
	_ =	sdelay $0x3  }
0x78: {  	vm3 =	veq.s32 v5, $0x25067  }
.Ltmp4:
0x79: {  	v5 =	vmpcnt.ones.xlane vm3;
	(pc) =	sbr.rel @p0 .LBB2_3-.Ltmp4, $4  }
0x7a: {  	_ = 	snop  }
0x7b: {  	v4 =	vadd.s32 v4, v5  }
0x7c: {  	s25 =	sadd.s32 $0x10, s25;
	[tilespmem:$0xA000] =	vst v4  }
0x7d: {  	s26 =	sadd.s32 $0xFFFFFFC0, s26;
	v5 =	vld [tilespmem:s25+$0x0]  }
.LBB2_4:
0x7e: {  	_ =	sdelay $0x3  }
0x7f: {  	vm3 =	veq.s32 v5, $0x25067  }
0x80: {  	v5 =	vmpcnt.ones.xlane vm3;
	_ =	sdelay $0x1  }
0x81: {  	v4 =	vadd.s32 v4, v5  }
0x82: {  	[tilespmem:$0xA000] =	vst v4  }
.LBB2_5:
0x83: {  	s25 =	simm.s32 $0x30  }
.LBB2_6:
0x84: {  	s26 =	sadd.s32 $0xFFFFFFD0, s25  }
0x85: {  	_ =	swait.ge [sflag:s18], $0x8000;
	s28 =	sand.u32 $0x80, s26  }
0x86: {  	[sflag:s18] =	ssyncset.done $0x0;
	s26 =	sand.u32 $0x60, s26;
	s28 =	sadd.s32 s28, s7  }
0x87: {  	[sflag:s18] =	ssyncadd.s32 $0xFFFF8000;
	s26 =	sadd.s32 s26, s28  }
0x88: {  	v4 =	vld [tilespmem:s26+$0x0];
	_ =	sdelay $0x4  }
0x89: {  	vm3 =	veq.s32 v4, $0x25067  }
0x8a: {  	v4 =	vsel vm3, $0x1, v3  }
0x8b: {  	(xrf0) =	vadd.scan.msk.s32 $0xffff, v4;
	_ =	sdelay $0x5  }
0x8c: {  	v4, _, _ =	vpop (xrf0)  }
0x8d: {  	v5 =	vxor.u32 $0x80000000, v4  }
0x8e: {  	(xrf0) =	vmax.scan.msk.u32 $0xffff, v5;
	_ =	sdelay $0x5  }
0x8f: {  	v5, _, _ =	vpop (xrf0)  }
0x90: {  	(v2sf) =	vpush v5, $0xF;
	_ =	sdelay $0xe  }
0x91: {  	s31 =	spop (v2sf)  }
0x92: {  	v5 =	vld [tilespmem:$0xA000];
	s28 =	sxor.u32 $0x80000000, s31  }
0x93: {  	p0 =	slt.s32 s28, $0x1  }
.Ltmp5:
0x94: {  	_ = 	snop;
	(pc) =	sbr.rel @p0 .LBB2_8-.Ltmp5, $3  }
0x95: {  	_ =	sdelay $0x1  }
0x96: {  	v6 =	vadd.s32 s28, v5  }
0x97: {  	[tilespmem:$0xA000] =	vst v6  }
0x98: {  	v4 =	vadd.s32 v4, v5  }
0x99: {  	v4 =	vadd.s32 $0xFFFFFFFF, v4  }
0x9a: {  	vm4 =	vgt.s32 v4, $0x0  }
0x9b: {  	v4 =	vnsel vm4, $0x0, v4  }
0x9c: {  	v4 =	vmin.u32 v4, $0x1FF  }
0x9d: {  	v4 =	vnsel vm3, $0xFFFFFFFF, v4  }
0x9e: {  	v5 =	vnsel vm1, $0xFFFFFFFF, v4  }
0x9f: {  	v5 =	vxor.u32 $0x80000000, v5  }
0xa0: {  	(xrf0) =	vmax.scan.msk.u32 $0xffff, v5;
	_ =	sdelay $0x5  }
0xa1: {  	v5, _, _ =	vpop (xrf0)  }
0xa2: {  	(v2sf) =	vpush v5, $0xF;
	_ =	sdelay $0xe  }
0xa3: {  	s28 =	spop (v2sf)  }
0xa4: {  	p4 =	sgt.s32 s28, $0xFFFFFFFF  }
0xa5: {  	s29 =	sshll.u32 @!p4 s28, $0xB;
	s28 =	sshll.u32 @!p4 s28, $0x7  }
0xa6: {  	s29 =	sand.u32 @!p4 $0xFFFFC000, s29;
	s28 =	sand.u32 @!p4 $0x380, s28  }
0xa7: {  	s28 =	sor.u32 @!p4 s28, s29  }
0xa8: {  	s28 =	sshrl.u32 @!p4 s28, $0x3  }
0xa9: {  	s30 =	simm.s32 @!p4 $0xA080;
	s29 =	simm.s32 @!p4 $0x0;
	s28 =	sadd.s32 @!p4 s2, s28  }
0xaa: {  	[tilespmem:s30], [sflag:$0x5] =	stream.linear.gather @!p4 [hbm4b:s28+s29], $0x80, $0x38;
	[tilespmem:$0x1A080] =	vst v63  }
0xab: {  	s31 =	simm.s32 @!p4 $0xA480;
	s30 =	sadd.s32 @!p4 $0x80, s28  }
0xac: {  	[tilespmem:s31], [sflag:$0x5] =	stream.linear.gather @!p4 [hbm4b:s30+s29], $0x80, $0x38;
	[tilespmem:$0x1A080] =	vst v63  }
0xad: {  	s30 =	sadd.s32 @!p4 $0x100, s28;
	s31 =	simm.s32 @!p4 $0xA880  }
0xae: {  	[tilespmem:s31], [sflag:$0x5] =	stream.linear.gather @!p4 [hbm4b:s30+s29], $0x80, $0x38;
	[tilespmem:$0x1A080] =	vst v63  }
0xaf: {  	s30 =	sadd.s32 @!p4 $0x180, s28;
	s31 =	simm.s32 @!p4 $0xAC80  }
0xb0: {  	vm3 =	vcmask $0x308;
	[tilespmem:s31], [sflag:$0x5] =	stream.linear.gather @!p4 [hbm4b:s30+s29], $0x80, $0x38;
	[tilespmem:$0x1A080] =	vst v63  }
0xb1: {  	v5 =	vsel vm3, $0xFFFFFFFF, v4;
	s30 =	sadd.s32 @!p4 $0x200, s28;
	s31 =	simm.s32 @!p4 $0xB080  }
0xb2: {  	v5 =	vxor.u32 $0x80000000, v5;
	[tilespmem:s31], [sflag:$0x5] =	stream.linear.gather @!p4 [hbm4b:s30+s29], $0x80, $0x38;
	[tilespmem:$0x1A080] =	vst v63  }
0xb3: {  	(xrf0) =	vmax.scan.msk.u32 $0xffff, v5;
	s30 =	sadd.s32 @!p4 $0x280, s28;
	s31 =	simm.s32 @!p4 $0xB480  }
0xb4: {  	[tilespmem:s31], [sflag:$0x5] =	stream.linear.gather @!p4 [hbm4b:s30+s29], $0x80, $0x38;
	[tilespmem:$0x1A080] =	vst v63  }
0xb5: {  	s30 =	sadd.s32 @!p4 $0x300, s28;
	s31 =	simm.s32 @!p4 $0xB880  }
0xb6: {  	[tilespmem:s31], [sflag:$0x5] =	stream.linear.gather @!p4 [hbm4b:s30+s29], $0x80, $0x38;
	[tilespmem:$0x1A080] =	vst v63  }
0xb7: {  	s30 =	sadd.s32 @!p4 $0x380, s28;
	s31 =	simm.s32 @!p4 $0xBC80  }
0xb8: {  	[tilespmem:s31], [sflag:$0x5] =	stream.linear.gather @!p4 [hbm4b:s30+s29], $0x80, $0x38;
	[tilespmem:$0x1A080] =	vst v63  }
0xb9: {  	v5, _, _ =	vpop (xrf0);
	s30 =	sadd.s32 @!p4 $0x400, s28;
	s31 =	simm.s32 @!p4 $0xC080  }
0xba: {  	(v2sf) =	vpush v5, $0xF;
	[tilespmem:s31], [sflag:$0x5] =	stream.linear.gather @!p4 [hbm4b:s30+s29], $0x80, $0x38;
	[tilespmem:$0x1A080] =	vst v63  }
0xbb: {  	s30 =	sadd.s32 @!p4 $0x480, s28;
	s31 =	simm.s32 @!p4 $0xC480  }
0xbc: {  	[tilespmem:s31], [sflag:$0x5] =	stream.linear.gather @!p4 [hbm4b:s30+s29], $0x80, $0x38;
	[tilespmem:$0x1A080] =	vst v63  }
0xbd: {  	s30 =	sadd.s32 @!p4 $0x500, s28;
	s31 =	simm.s32 @!p4 $0xC880  }
0xbe: {  	[tilespmem:s31], [sflag:$0x5] =	stream.linear.gather @!p4 [hbm4b:s30+s29], $0x80, $0x38;
	[tilespmem:$0x1A080] =	vst v63  }
0xbf: {  	s30 =	sadd.s32 @!p4 $0x580, s28;
	s31 =	simm.s32 @!p4 $0xCC80  }
0xc0: {  	[tilespmem:s31], [sflag:$0x5] =	stream.linear.gather @!p4 [hbm4b:s30+s29], $0x80, $0x38;
	[tilespmem:$0x1A080] =	vst v63  }
0xc1: {  	s30 =	sadd.s32 @!p4 $0x600, s28;
	s31 =	simm.s32 @!p4 $0xD080  }
0xc2: {  	[tilespmem:s31], [sflag:$0x5] =	stream.linear.gather @!p4 [hbm4b:s30+s29], $0x80, $0x38;
	[tilespmem:$0x1A080] =	vst v63  }
0xc3: {  	s30 =	sadd.s32 @!p4 $0x680, s28;
	s31 =	simm.s32 @!p4 $0xD480  }
0xc4: {  	[tilespmem:s31], [sflag:$0x5] =	stream.linear.gather @!p4 [hbm4b:s30+s29], $0x80, $0x38;
	[tilespmem:$0x1A080] =	vst v63  }
0xc5: {  	s30 =	sadd.s32 @!p4 $0x700, s28;
	s31 =	simm.s32 @!p4 $0xD880  }
0xc6: {  	[tilespmem:s31], [sflag:$0x5] =	stream.linear.gather @!p4 [hbm4b:s30+s29], $0x80, $0x38;
	[tilespmem:$0x1A080] =	vst v63  }
0xc7: {  	s28 =	sadd.s32 @!p4 $0x780, s28;
	s30 =	simm.s32 @!p4 $0xDC80  }
0xc8: {  	[tilespmem:s30], [sflag:$0x5] =	stream.linear.gather @!p4 [hbm4b:s28+s29], $0x80, $0x38;
	[tilespmem:$0x1A080] =	vst v63  }
0xc9: {  	s28 =	spop (v2sf)  }
0xca: {  	p0 =	sgt.s32 s28, $0xFFFFFFFF  }
0xcb: {  	s29 =	simm.s32 @!p0 $0x0  }
0xcc: {  	s29 =	simm.s32 @p0 $0x1  }
0xcd: {  	[smem:$0x7F4] =	sst s29;
	s29 =	sshll.u32 @!p0 s28, $0xB;
	s28 =	sshll.u32 @!p0 s28, $0x7  }
0xce: {  	s29 =	sand.u32 @!p0 $0xFFFFC000, s29;
	s28 =	sand.u32 @!p0 $0x380, s28  }
0xcf: {  	s28 =	sor.u32 @!p0 s28, s29  }
0xd0: {  	s28 =	sshrl.u32 @!p0 s28, $0x3  }
0xd1: {  	s30 =	simm.s32 @!p0 $0xA100;
	s29 =	simm.s32 @!p0 $0x0;
	s28 =	sadd.s32 @!p0 s2, s28  }
0xd2: {  	[tilespmem:s30], [sflag:$0x5] =	stream.linear.gather @!p0 [hbm4b:s28+s29], $0x80, $0x38;
	[tilespmem:$0x1A080] =	vst v63  }
0xd3: {  	s31 =	simm.s32 @!p0 $0xA500;
	s30 =	sadd.s32 @!p0 $0x80, s28  }
0xd4: {  	[tilespmem:s31], [sflag:$0x5] =	stream.linear.gather @!p0 [hbm4b:s30+s29], $0x80, $0x38;
	[tilespmem:$0x1A080] =	vst v63  }
0xd5: {  	s30 =	sadd.s32 @!p0 $0x100, s28;
	s31 =	simm.s32 @!p0 $0xA900  }
0xd6: {  	[tilespmem:s31], [sflag:$0x5] =	stream.linear.gather @!p0 [hbm4b:s30+s29], $0x80, $0x38;
	[tilespmem:$0x1A080] =	vst v63  }
0xd7: {  	s30 =	sadd.s32 @!p0 $0x180, s28;
	s31 =	simm.s32 @!p0 $0xAD00  }
0xd8: {  	vm3 =	vcmask $0x70C;
	[tilespmem:s31], [sflag:$0x5] =	stream.linear.gather @!p0 [hbm4b:s30+s29], $0x80, $0x38;
	[tilespmem:$0x1A080] =	vst v63  }
0xd9: {  	v5 =	vsel vm3, $0xFFFFFFFF, v4;
	s30 =	sadd.s32 @!p0 $0x200, s28;
	s31 =	simm.s32 @!p0 $0xB100  }
0xda: {  	v5 =	vxor.u32 $0x80000000, v5;
	[tilespmem:s31], [sflag:$0x5] =	stream.linear.gather @!p0 [hbm4b:s30+s29], $0x80, $0x38;
	[tilespmem:$0x1A080] =	vst v63  }
0xdb: {  	(xrf0) =	vmax.scan.msk.u32 $0xffff, v5;
	s30 =	sadd.s32 @!p0 $0x280, s28;
	s31 =	simm.s32 @!p0 $0xB500  }
0xdc: {  	[tilespmem:s31], [sflag:$0x5] =	stream.linear.gather @!p0 [hbm4b:s30+s29], $0x80, $0x38;
	[tilespmem:$0x1A080] =	vst v63  }
0xdd: {  	s30 =	sadd.s32 @!p0 $0x300, s28;
	s31 =	simm.s32 @!p0 $0xB900  }
0xde: {  	[tilespmem:s31], [sflag:$0x5] =	stream.linear.gather @!p0 [hbm4b:s30+s29], $0x80, $0x38;
	[tilespmem:$0x1A080] =	vst v63  }
0xdf: {  	s30 =	sadd.s32 @!p0 $0x380, s28;
	s31 =	simm.s32 @!p0 $0xBD00  }
0xe0: {  	[tilespmem:s31], [sflag:$0x5] =	stream.linear.gather @!p0 [hbm4b:s30+s29], $0x80, $0x38;
	[tilespmem:$0x1A080] =	vst v63  }
0xe1: {  	v5, _, _ =	vpop (xrf0);
	s30 =	sadd.s32 @!p0 $0x400, s28;
	s31 =	simm.s32 @!p0 $0xC100  }
0xe2: {  	(v2sf) =	vpush v5, $0xF;
	[tilespmem:s31], [sflag:$0x5] =	stream.linear.gather @!p0 [hbm4b:s30+s29], $0x80, $0x38;
	[tilespmem:$0x1A080] =	vst v63  }
0xe3: {  	s30 =	sadd.s32 @!p0 $0x480, s28;
	s31 =	simm.s32 @!p0 $0xC500  }
0xe4: {  	[tilespmem:s31], [sflag:$0x5] =	stream.linear.gather @!p0 [hbm4b:s30+s29], $0x80, $0x38;
	[tilespmem:$0x1A080] =	vst v63  }
0xe5: {  	s30 =	sadd.s32 @!p0 $0x500, s28;
	s31 =	simm.s32 @!p0 $0xC900  }
0xe6: {  	[tilespmem:s31], [sflag:$0x5] =	stream.linear.gather @!p0 [hbm4b:s30+s29], $0x80, $0x38;
	[tilespmem:$0x1A080] =	vst v63  }
0xe7: {  	s30 =	sadd.s32 @!p0 $0x580, s28;
	s31 =	simm.s32 @!p0 $0xCD00  }
0xe8: {  	[tilespmem:s31], [sflag:$0x5] =	stream.linear.gather @!p0 [hbm4b:s30+s29], $0x80, $0x38;
	[tilespmem:$0x1A080] =	vst v63  }
0xe9: {  	s30 =	sadd.s32 @!p0 $0x600, s28;
	s31 =	simm.s32 @!p0 $0xD100  }
0xea: {  	[tilespmem:s31], [sflag:$0x5] =	stream.linear.gather @!p0 [hbm4b:s30+s29], $0x80, $0x38;
	[tilespmem:$0x1A080] =	vst v63  }
0xeb: {  	s30 =	sadd.s32 @!p0 $0x680, s28;
	s31 =	simm.s32 @!p0 $0xD500  }
0xec: {  	[tilespmem:s31], [sflag:$0x5] =	stream.linear.gather @!p0 [hbm4b:s30+s29], $0x80, $0x38;
	[tilespmem:$0x1A080] =	vst v63  }
0xed: {  	s30 =	sadd.s32 @!p0 $0x700, s28;
	s31 =	simm.s32 @!p0 $0xD900  }
0xee: {  	[tilespmem:s31], [sflag:$0x5] =	stream.linear.gather @!p0 [hbm4b:s30+s29], $0x80, $0x38;
	[tilespmem:$0x1A080] =	vst v63  }
0xef: {  	s28 =	sadd.s32 @!p0 $0x780, s28;
	s30 =	simm.s32 @!p0 $0xDD00  }
0xf0: {  	[tilespmem:s30], [sflag:$0x5] =	stream.linear.gather @!p0 [hbm4b:s28+s29], $0x80, $0x38;
	[tilespmem:$0x1A080] =	vst v63  }
0xf1: {  	s28 =	spop (v2sf)  }
0xf2: {  	p0 =	sgt.s32 s28, $0xFFFFFFFF  }
0xf3: {  	s29 =	simm.s32 @!p0 $0x0  }
0xf4: {  	s29 =	simm.s32 @p0 $0x1  }
0xf5: {  	[smem:$0x7F5] =	sst s29;
	s29 =	sshll.u32 @!p0 s28, $0xB;
	s28 =	sshll.u32 @!p0 s28, $0x7  }
0xf6: {  	s29 =	sand.u32 @!p0 $0xFFFFC000, s29;
	s28 =	sand.u32 @!p0 $0x380, s28  }
0xf7: {  	s28 =	sor.u32 @!p0 s28, s29  }
0xf8: {  	s28 =	sshrl.u32 @!p0 s28, $0x3  }
0xf9: {  	s30 =	simm.s32 @!p0 $0xA180;
	s29 =	simm.s32 @!p0 $0x0;
	s28 =	sadd.s32 @!p0 s2, s28  }
0xfa: {  	[tilespmem:s30], [sflag:$0x5] =	stream.linear.gather @!p0 [hbm4b:s28+s29], $0x80, $0x38;
	[tilespmem:$0x1A080] =	vst v63  }
0xfb: {  	s31 =	simm.s32 @!p0 $0xA580;
	s30 =	sadd.s32 @!p0 $0x80, s28  }
0xfc: {  	[tilespmem:s31], [sflag:$0x5] =	stream.linear.gather @!p0 [hbm4b:s30+s29], $0x80, $0x38;
	[tilespmem:$0x1A080] =	vst v63  }
0xfd: {  	s30 =	sadd.s32 @!p0 $0x100, s28;
	s31 =	simm.s32 @!p0 $0xA980  }
0xfe: {  	[tilespmem:s31], [sflag:$0x5] =	stream.linear.gather @!p0 [hbm4b:s30+s29], $0x80, $0x38;
	[tilespmem:$0x1A080] =	vst v63  }
0xff: {  	s30 =	sadd.s32 @!p0 $0x180, s28;
	s31 =	simm.s32 @!p0 $0xAD80  }
0x100: {  	vm3 =	vcmask $0xB10;
	[tilespmem:s31], [sflag:$0x5] =	stream.linear.gather @!p0 [hbm4b:s30+s29], $0x80, $0x38;
	[tilespmem:$0x1A080] =	vst v63  }
0x101: {  	v5 =	vsel vm3, $0xFFFFFFFF, v4;
	s30 =	sadd.s32 @!p0 $0x200, s28;
	s31 =	simm.s32 @!p0 $0xB180  }
0x102: {  	v5 =	vxor.u32 $0x80000000, v5;
	[tilespmem:s31], [sflag:$0x5] =	stream.linear.gather @!p0 [hbm4b:s30+s29], $0x80, $0x38;
	[tilespmem:$0x1A080] =	vst v63  }
0x103: {  	(xrf0) =	vmax.scan.msk.u32 $0xffff, v5;
	s30 =	sadd.s32 @!p0 $0x280, s28;
	s31 =	simm.s32 @!p0 $0xB580  }
0x104: {  	[tilespmem:s31], [sflag:$0x5] =	stream.linear.gather @!p0 [hbm4b:s30+s29], $0x80, $0x38;
	[tilespmem:$0x1A080] =	vst v63  }
0x105: {  	s30 =	sadd.s32 @!p0 $0x300, s28;
	s31 =	simm.s32 @!p0 $0xB980  }
0x106: {  	[tilespmem:s31], [sflag:$0x5] =	stream.linear.gather @!p0 [hbm4b:s30+s29], $0x80, $0x38;
	[tilespmem:$0x1A080] =	vst v63  }
0x107: {  	s30 =	sadd.s32 @!p0 $0x380, s28;
	s31 =	simm.s32 @!p0 $0xBD80  }
0x108: {  	[tilespmem:s31], [sflag:$0x5] =	stream.linear.gather @!p0 [hbm4b:s30+s29], $0x80, $0x38;
	[tilespmem:$0x1A080] =	vst v63  }
0x109: {  	v5, _, _ =	vpop (xrf0);
	s30 =	sadd.s32 @!p0 $0x400, s28;
	s31 =	simm.s32 @!p0 $0xC180  }
0x10a: {  	(v2sf) =	vpush v5, $0xF;
	[tilespmem:s31], [sflag:$0x5] =	stream.linear.gather @!p0 [hbm4b:s30+s29], $0x80, $0x38;
	[tilespmem:$0x1A080] =	vst v63  }
0x10b: {  	s30 =	sadd.s32 @!p0 $0x480, s28;
	s31 =	simm.s32 @!p0 $0xC580  }
0x10c: {  	[tilespmem:s31], [sflag:$0x5] =	stream.linear.gather @!p0 [hbm4b:s30+s29], $0x80, $0x38;
	[tilespmem:$0x1A080] =	vst v63  }
0x10d: {  	s30 =	sadd.s32 @!p0 $0x500, s28;
	s31 =	simm.s32 @!p0 $0xC980  }
0x10e: {  	[tilespmem:s31], [sflag:$0x5] =	stream.linear.gather @!p0 [hbm4b:s30+s29], $0x80, $0x38;
	[tilespmem:$0x1A080] =	vst v63  }
0x10f: {  	s30 =	sadd.s32 @!p0 $0x580, s28;
	s31 =	simm.s32 @!p0 $0xCD80  }
0x110: {  	[tilespmem:s31], [sflag:$0x5] =	stream.linear.gather @!p0 [hbm4b:s30+s29], $0x80, $0x38;
	[tilespmem:$0x1A080] =	vst v63  }
0x111: {  	s30 =	sadd.s32 @!p0 $0x600, s28;
	s31 =	simm.s32 @!p0 $0xD180  }
0x112: {  	[tilespmem:s31], [sflag:$0x5] =	stream.linear.gather @!p0 [hbm4b:s30+s29], $0x80, $0x38;
	[tilespmem:$0x1A080] =	vst v63  }
0x113: {  	s30 =	sadd.s32 @!p0 $0x680, s28;
	s31 =	simm.s32 @!p0 $0xD580  }
0x114: {  	[tilespmem:s31], [sflag:$0x5] =	stream.linear.gather @!p0 [hbm4b:s30+s29], $0x80, $0x38;
	[tilespmem:$0x1A080] =	vst v63  }
0x115: {  	s30 =	sadd.s32 @!p0 $0x700, s28;
	s31 =	simm.s32 @!p0 $0xD980  }
0x116: {  	[tilespmem:s31], [sflag:$0x5] =	stream.linear.gather @!p0 [hbm4b:s30+s29], $0x80, $0x38;
	[tilespmem:$0x1A080] =	vst v63  }
0x117: {  	s28 =	sadd.s32 @!p0 $0x780, s28;
	s30 =	simm.s32 @!p0 $0xDD80  }
0x118: {  	[tilespmem:s30], [sflag:$0x5] =	stream.linear.gather @!p0 [hbm4b:s28+s29], $0x80, $0x38;
	[tilespmem:$0x1A080] =	vst v63  }
0x119: {  	s28 =	spop (v2sf)  }
0x11a: {  	p0 =	sgt.s32 s28, $0xFFFFFFFF  }
0x11b: {  	s29 =	simm.s32 @!p0 $0x0  }
0x11c: {  	s29 =	simm.s32 @p0 $0x1  }
0x11d: {  	[smem:$0x7F6] =	sst s29;
	s29 =	sshll.u32 @!p0 s28, $0xB;
	s28 =	sshll.u32 @!p0 s28, $0x7  }
0x11e: {  	s29 =	sand.u32 @!p0 $0xFFFFC000, s29;
	s28 =	sand.u32 @!p0 $0x380, s28  }
0x11f: {  	s28 =	sor.u32 @!p0 s28, s29  }
0x120: {  	s28 =	sshrl.u32 @!p0 s28, $0x3  }
0x121: {  	s30 =	simm.s32 @!p0 $0xA200;
	s29 =	simm.s32 @!p0 $0x0;
	s28 =	sadd.s32 @!p0 s2, s28  }
0x122: {  	[tilespmem:s30], [sflag:$0x5] =	stream.linear.gather @!p0 [hbm4b:s28+s29], $0x80, $0x38;
	[tilespmem:$0x1A080] =	vst v63  }
0x123: {  	s31 =	simm.s32 @!p0 $0xA600;
	s30 =	sadd.s32 @!p0 $0x80, s28  }
0x124: {  	[tilespmem:s31], [sflag:$0x5] =	stream.linear.gather @!p0 [hbm4b:s30+s29], $0x80, $0x38;
	[tilespmem:$0x1A080] =	vst v63  }
0x125: {  	s30 =	sadd.s32 @!p0 $0x100, s28;
	s31 =	simm.s32 @!p0 $0xAA00  }
0x126: {  	[tilespmem:s31], [sflag:$0x5] =	stream.linear.gather @!p0 [hbm4b:s30+s29], $0x80, $0x38;
	[tilespmem:$0x1A080] =	vst v63  }
0x127: {  	s30 =	sadd.s32 @!p0 $0x180, s28;
	s31 =	simm.s32 @!p0 $0xAE00  }
0x128: {  	[tilespmem:s31], [sflag:$0x5] =	stream.linear.gather @!p0 [hbm4b:s30+s29], $0x80, $0x38;
	[tilespmem:$0x1A080] =	vst v63  }
0x129: {  	v5 =	vsel vm5, $0xFFFFFFFF, v4;
	s30 =	sadd.s32 @!p0 $0x200, s28;
	s31 =	simm.s32 @!p0 $0xB200  }
0x12a: {  	v5 =	vxor.u32 $0x80000000, v5;
	[tilespmem:s31], [sflag:$0x5] =	stream.linear.gather @!p0 [hbm4b:s30+s29], $0x80, $0x38;
	[tilespmem:$0x1A080] =	vst v63  }
0x12b: {  	(xrf0) =	vmax.scan.msk.u32 $0xffff, v5;
	s30 =	sadd.s32 @!p0 $0x280, s28;
	s31 =	simm.s32 @!p0 $0xB600  }
0x12c: {  	[tilespmem:s31], [sflag:$0x5] =	stream.linear.gather @!p0 [hbm4b:s30+s29], $0x80, $0x38;
	[tilespmem:$0x1A080] =	vst v63  }
0x12d: {  	s30 =	sadd.s32 @!p0 $0x300, s28;
	s31 =	simm.s32 @!p0 $0xBA00  }
0x12e: {  	[tilespmem:s31], [sflag:$0x5] =	stream.linear.gather @!p0 [hbm4b:s30+s29], $0x80, $0x38;
	[tilespmem:$0x1A080] =	vst v63  }
0x12f: {  	s30 =	sadd.s32 @!p0 $0x380, s28;
	s31 =	simm.s32 @!p0 $0xBE00  }
0x130: {  	[tilespmem:s31], [sflag:$0x5] =	stream.linear.gather @!p0 [hbm4b:s30+s29], $0x80, $0x38;
	[tilespmem:$0x1A080] =	vst v63  }
0x131: {  	v5, _, _ =	vpop (xrf0);
	s30 =	sadd.s32 @!p0 $0x400, s28;
	s31 =	simm.s32 @!p0 $0xC200  }
0x132: {  	(v2sf) =	vpush v5, $0xF;
	[tilespmem:s31], [sflag:$0x5] =	stream.linear.gather @!p0 [hbm4b:s30+s29], $0x80, $0x38;
	[tilespmem:$0x1A080] =	vst v63  }
0x133: {  	s30 =	sadd.s32 @!p0 $0x480, s28;
	s31 =	simm.s32 @!p0 $0xC600  }
0x134: {  	[tilespmem:s31], [sflag:$0x5] =	stream.linear.gather @!p0 [hbm4b:s30+s29], $0x80, $0x38;
	[tilespmem:$0x1A080] =	vst v63  }
0x135: {  	s30 =	sadd.s32 @!p0 $0x500, s28;
	s31 =	simm.s32 @!p0 $0xCA00  }
0x136: {  	[tilespmem:s31], [sflag:$0x5] =	stream.linear.gather @!p0 [hbm4b:s30+s29], $0x80, $0x38;
	[tilespmem:$0x1A080] =	vst v63  }
0x137: {  	s30 =	sadd.s32 @!p0 $0x580, s28;
	s31 =	simm.s32 @!p0 $0xCE00  }
0x138: {  	[tilespmem:s31], [sflag:$0x5] =	stream.linear.gather @!p0 [hbm4b:s30+s29], $0x80, $0x38;
	[tilespmem:$0x1A080] =	vst v63  }
0x139: {  	s30 =	sadd.s32 @!p0 $0x600, s28;
	s31 =	simm.s32 @!p0 $0xD200  }
0x13a: {  	[tilespmem:s31], [sflag:$0x5] =	stream.linear.gather @!p0 [hbm4b:s30+s29], $0x80, $0x38;
	[tilespmem:$0x1A080] =	vst v63  }
0x13b: {  	s30 =	sadd.s32 @!p0 $0x680, s28;
	s31 =	simm.s32 @!p0 $0xD600  }
0x13c: {  	[tilespmem:s31], [sflag:$0x5] =	stream.linear.gather @!p0 [hbm4b:s30+s29], $0x80, $0x38;
	[tilespmem:$0x1A080] =	vst v63  }
0x13d: {  	s30 =	sadd.s32 @!p0 $0x700, s28;
	s31 =	simm.s32 @!p0 $0xDA00  }
0x13e: {  	[tilespmem:s31], [sflag:$0x5] =	stream.linear.gather @!p0 [hbm4b:s30+s29], $0x80, $0x38;
	[tilespmem:$0x1A080] =	vst v63  }
0x13f: {  	s28 =	sadd.s32 @!p0 $0x780, s28;
	s30 =	simm.s32 @!p0 $0xDE00  }
0x140: {  	[tilespmem:s30], [sflag:$0x5] =	stream.linear.gather @!p0 [hbm4b:s28+s29], $0x80, $0x38;
	[tilespmem:$0x1A080] =	vst v63  }
0x141: {  	s28 =	spop (v2sf)  }
0x142: {  	p0 =	sgt.s32 s28, $0xFFFFFFFF  }
0x143: {  	s29 =	simm.s32 @!p0 $0x0  }
0x144: {  	s29 =	simm.s32 @p0 $0x1  }
0x145: {  	[smem:$0x7F7] =	sst s29;
	s29 =	sshll.u32 @!p0 s28, $0xB;
	s28 =	sshll.u32 @!p0 s28, $0x7  }
0x146: {  	s29 =	sand.u32 @!p0 $0xFFFFC000, s29;
	s28 =	sand.u32 @!p0 $0x380, s28  }
0x147: {  	s28 =	sor.u32 @!p0 s28, s29  }
0x148: {  	s28 =	sshrl.u32 @!p0 s28, $0x3  }
0x149: {  	s30 =	simm.s32 @!p0 $0xA280;
	s29 =	simm.s32 @!p0 $0x0;
	s28 =	sadd.s32 @!p0 s2, s28  }
0x14a: {  	[tilespmem:s30], [sflag:$0x5] =	stream.linear.gather @!p0 [hbm4b:s28+s29], $0x80, $0x38;
	[tilespmem:$0x1A080] =	vst v63  }
0x14b: {  	s31 =	simm.s32 @!p0 $0xA680;
	s30 =	sadd.s32 @!p0 $0x80, s28  }
0x14c: {  	[tilespmem:s31], [sflag:$0x5] =	stream.linear.gather @!p0 [hbm4b:s30+s29], $0x80, $0x38;
	[tilespmem:$0x1A080] =	vst v63  }
0x14d: {  	s30 =	sadd.s32 @!p0 $0x100, s28;
	s31 =	simm.s32 @!p0 $0xAA80  }
0x14e: {  	[tilespmem:s31], [sflag:$0x5] =	stream.linear.gather @!p0 [hbm4b:s30+s29], $0x80, $0x38;
	[tilespmem:$0x1A080] =	vst v63  }
0x14f: {  	s30 =	sadd.s32 @!p0 $0x180, s28;
	s31 =	simm.s32 @!p0 $0xAE80  }
0x150: {  	[tilespmem:s31], [sflag:$0x5] =	stream.linear.gather @!p0 [hbm4b:s30+s29], $0x80, $0x38;
	[tilespmem:$0x1A080] =	vst v63  }
0x151: {  	v5 =	vsel vm6, $0xFFFFFFFF, v4;
	s30 =	sadd.s32 @!p0 $0x200, s28;
	s31 =	simm.s32 @!p0 $0xB280  }
0x152: {  	v5 =	vxor.u32 $0x80000000, v5;
	[tilespmem:s31], [sflag:$0x5] =	stream.linear.gather @!p0 [hbm4b:s30+s29], $0x80, $0x38;
	[tilespmem:$0x1A080] =	vst v63  }
0x153: {  	(xrf0) =	vmax.scan.msk.u32 $0xffff, v5;
	s30 =	sadd.s32 @!p0 $0x280, s28;
	s31 =	simm.s32 @!p0 $0xB680  }
0x154: {  	[tilespmem:s31], [sflag:$0x5] =	stream.linear.gather @!p0 [hbm4b:s30+s29], $0x80, $0x38;
	[tilespmem:$0x1A080] =	vst v63  }
0x155: {  	s30 =	sadd.s32 @!p0 $0x300, s28;
	s31 =	simm.s32 @!p0 $0xBA80  }
0x156: {  	[tilespmem:s31], [sflag:$0x5] =	stream.linear.gather @!p0 [hbm4b:s30+s29], $0x80, $0x38;
	[tilespmem:$0x1A080] =	vst v63  }
0x157: {  	s30 =	sadd.s32 @!p0 $0x380, s28;
	s31 =	simm.s32 @!p0 $0xBE80  }
0x158: {  	[tilespmem:s31], [sflag:$0x5] =	stream.linear.gather @!p0 [hbm4b:s30+s29], $0x80, $0x38;
	[tilespmem:$0x1A080] =	vst v63  }
0x159: {  	v5, _, _ =	vpop (xrf0);
	s30 =	sadd.s32 @!p0 $0x400, s28;
	s31 =	simm.s32 @!p0 $0xC280  }
0x15a: {  	(v2sf) =	vpush v5, $0xF;
	[tilespmem:s31], [sflag:$0x5] =	stream.linear.gather @!p0 [hbm4b:s30+s29], $0x80, $0x38;
	[tilespmem:$0x1A080] =	vst v63  }
0x15b: {  	s30 =	sadd.s32 @!p0 $0x480, s28;
	s31 =	simm.s32 @!p0 $0xC680  }
0x15c: {  	[tilespmem:s31], [sflag:$0x5] =	stream.linear.gather @!p0 [hbm4b:s30+s29], $0x80, $0x38;
	[tilespmem:$0x1A080] =	vst v63  }
0x15d: {  	s30 =	sadd.s32 @!p0 $0x500, s28;
	s31 =	simm.s32 @!p0 $0xCA80  }
0x15e: {  	[tilespmem:s31], [sflag:$0x5] =	stream.linear.gather @!p0 [hbm4b:s30+s29], $0x80, $0x38;
	[tilespmem:$0x1A080] =	vst v63  }
0x15f: {  	s30 =	sadd.s32 @!p0 $0x580, s28;
	s31 =	simm.s32 @!p0 $0xCE80  }
0x160: {  	[tilespmem:s31], [sflag:$0x5] =	stream.linear.gather @!p0 [hbm4b:s30+s29], $0x80, $0x38;
	[tilespmem:$0x1A080] =	vst v63  }
0x161: {  	s30 =	sadd.s32 @!p0 $0x600, s28;
	s31 =	simm.s32 @!p0 $0xD280  }
0x162: {  	[tilespmem:s31], [sflag:$0x5] =	stream.linear.gather @!p0 [hbm4b:s30+s29], $0x80, $0x38;
	[tilespmem:$0x1A080] =	vst v63  }
0x163: {  	s30 =	sadd.s32 @!p0 $0x680, s28;
	s31 =	simm.s32 @!p0 $0xD680  }
0x164: {  	[tilespmem:s31], [sflag:$0x5] =	stream.linear.gather @!p0 [hbm4b:s30+s29], $0x80, $0x38;
	[tilespmem:$0x1A080] =	vst v63  }
0x165: {  	s30 =	sadd.s32 @!p0 $0x700, s28;
	s31 =	simm.s32 @!p0 $0xDA80  }
0x166: {  	[tilespmem:s31], [sflag:$0x5] =	stream.linear.gather @!p0 [hbm4b:s30+s29], $0x80, $0x38;
	[tilespmem:$0x1A080] =	vst v63  }
0x167: {  	s28 =	sadd.s32 @!p0 $0x780, s28;
	s30 =	simm.s32 @!p0 $0xDE80  }
0x168: {  	[tilespmem:s30], [sflag:$0x5] =	stream.linear.gather @!p0 [hbm4b:s28+s29], $0x80, $0x38;
	[tilespmem:$0x1A080] =	vst v63  }
0x169: {  	s28 =	spop (v2sf)  }
0x16a: {  	p0 =	sgt.s32 s28, $0xFFFFFFFF  }
0x16b: {  	s29 =	simm.s32 @!p0 $0x0  }
0x16c: {  	s29 =	simm.s32 @p0 $0x1  }
0x16d: {  	[smem:$0x7F8] =	sst s29;
	s29 =	sshll.u32 @!p0 s28, $0xB;
	s28 =	sshll.u32 @!p0 s28, $0x7  }
0x16e: {  	s29 =	sand.u32 @!p0 $0xFFFFC000, s29;
	s28 =	sand.u32 @!p0 $0x380, s28  }
0x16f: {  	s28 =	sor.u32 @!p0 s28, s29  }
0x170: {  	s28 =	sshrl.u32 @!p0 s28, $0x3  }
0x171: {  	s30 =	simm.s32 @!p0 $0xA300;
	s29 =	simm.s32 @!p0 $0x0;
	s28 =	sadd.s32 @!p0 s2, s28  }
0x172: {  	[tilespmem:s30], [sflag:$0x5] =	stream.linear.gather @!p0 [hbm4b:s28+s29], $0x80, $0x38;
	[tilespmem:$0x1A080] =	vst v63  }
0x173: {  	s31 =	simm.s32 @!p0 $0xA700;
	s30 =	sadd.s32 @!p0 $0x80, s28  }
0x174: {  	[tilespmem:s31], [sflag:$0x5] =	stream.linear.gather @!p0 [hbm4b:s30+s29], $0x80, $0x38;
	[tilespmem:$0x1A080] =	vst v63  }
0x175: {  	s30 =	sadd.s32 @!p0 $0x100, s28;
	s31 =	simm.s32 @!p0 $0xAB00  }
0x176: {  	[tilespmem:s31], [sflag:$0x5] =	stream.linear.gather @!p0 [hbm4b:s30+s29], $0x80, $0x38;
	[tilespmem:$0x1A080] =	vst v63  }
0x177: {  	s30 =	sadd.s32 @!p0 $0x180, s28;
	s31 =	simm.s32 @!p0 $0xAF00  }
0x178: {  	[tilespmem:s31], [sflag:$0x5] =	stream.linear.gather @!p0 [hbm4b:s30+s29], $0x80, $0x38;
	[tilespmem:$0x1A080] =	vst v63  }
0x179: {  	v5 =	vsel vm7, $0xFFFFFFFF, v4;
	s30 =	sadd.s32 @!p0 $0x200, s28;
	s31 =	simm.s32 @!p0 $0xB300  }
0x17a: {  	v5 =	vxor.u32 $0x80000000, v5;
	[tilespmem:s31], [sflag:$0x5] =	stream.linear.gather @!p0 [hbm4b:s30+s29], $0x80, $0x38;
	[tilespmem:$0x1A080] =	vst v63  }
0x17b: {  	(xrf0) =	vmax.scan.msk.u32 $0xffff, v5;
	s30 =	sadd.s32 @!p0 $0x280, s28;
	s31 =	simm.s32 @!p0 $0xB700  }
0x17c: {  	[tilespmem:s31], [sflag:$0x5] =	stream.linear.gather @!p0 [hbm4b:s30+s29], $0x80, $0x38;
	[tilespmem:$0x1A080] =	vst v63  }
0x17d: {  	s30 =	sadd.s32 @!p0 $0x300, s28;
	s31 =	simm.s32 @!p0 $0xBB00  }
0x17e: {  	[tilespmem:s31], [sflag:$0x5] =	stream.linear.gather @!p0 [hbm4b:s30+s29], $0x80, $0x38;
	[tilespmem:$0x1A080] =	vst v63  }
0x17f: {  	s30 =	sadd.s32 @!p0 $0x380, s28;
	s31 =	simm.s32 @!p0 $0xBF00  }
0x180: {  	[tilespmem:s31], [sflag:$0x5] =	stream.linear.gather @!p0 [hbm4b:s30+s29], $0x80, $0x38;
	[tilespmem:$0x1A080] =	vst v63  }
0x181: {  	v5, _, _ =	vpop (xrf0);
	s30 =	sadd.s32 @!p0 $0x400, s28;
	s31 =	simm.s32 @!p0 $0xC300  }
0x182: {  	(v2sf) =	vpush v5, $0xF;
	[tilespmem:s31], [sflag:$0x5] =	stream.linear.gather @!p0 [hbm4b:s30+s29], $0x80, $0x38;
	[tilespmem:$0x1A080] =	vst v63  }
0x183: {  	s30 =	sadd.s32 @!p0 $0x480, s28;
	s31 =	simm.s32 @!p0 $0xC700  }
0x184: {  	[tilespmem:s31], [sflag:$0x5] =	stream.linear.gather @!p0 [hbm4b:s30+s29], $0x80, $0x38;
	[tilespmem:$0x1A080] =	vst v63  }
0x185: {  	s30 =	sadd.s32 @!p0 $0x500, s28;
	s31 =	simm.s32 @!p0 $0xCB00  }
0x186: {  	[tilespmem:s31], [sflag:$0x5] =	stream.linear.gather @!p0 [hbm4b:s30+s29], $0x80, $0x38;
	[tilespmem:$0x1A080] =	vst v63  }
0x187: {  	s30 =	sadd.s32 @!p0 $0x580, s28;
	s31 =	simm.s32 @!p0 $0xCF00  }
0x188: {  	[tilespmem:s31], [sflag:$0x5] =	stream.linear.gather @!p0 [hbm4b:s30+s29], $0x80, $0x38;
	[tilespmem:$0x1A080] =	vst v63  }
0x189: {  	s30 =	sadd.s32 @!p0 $0x600, s28;
	s31 =	simm.s32 @!p0 $0xD300  }
0x18a: {  	[tilespmem:s31], [sflag:$0x5] =	stream.linear.gather @!p0 [hbm4b:s30+s29], $0x80, $0x38;
	[tilespmem:$0x1A080] =	vst v63  }
0x18b: {  	s30 =	sadd.s32 @!p0 $0x680, s28;
	s31 =	simm.s32 @!p0 $0xD700  }
0x18c: {  	[tilespmem:s31], [sflag:$0x5] =	stream.linear.gather @!p0 [hbm4b:s30+s29], $0x80, $0x38;
	[tilespmem:$0x1A080] =	vst v63  }
0x18d: {  	s30 =	sadd.s32 @!p0 $0x700, s28;
	s31 =	simm.s32 @!p0 $0xDB00  }
0x18e: {  	[tilespmem:s31], [sflag:$0x5] =	stream.linear.gather @!p0 [hbm4b:s30+s29], $0x80, $0x38;
	[tilespmem:$0x1A080] =	vst v63  }
0x18f: {  	s28 =	sadd.s32 @!p0 $0x780, s28;
	s30 =	simm.s32 @!p0 $0xDF00  }
0x190: {  	[tilespmem:s30], [sflag:$0x5] =	stream.linear.gather @!p0 [hbm4b:s28+s29], $0x80, $0x38;
	[tilespmem:$0x1A080] =	vst v63  }
0x191: {  	s28 =	spop (v2sf)  }
0x192: {  	p0 =	sgt.s32 s28, $0xFFFFFFFF  }
0x193: {  	s29 =	simm.s32 @!p0 $0x0  }
0x194: {  	s29 =	simm.s32 @p0 $0x1  }
0x195: {  	[smem:$0x7F9] =	sst s29;
	s29 =	sshll.u32 @!p0 s28, $0xB;
	s28 =	sshll.u32 @!p0 s28, $0x7  }
0x196: {  	s29 =	sand.u32 @!p0 $0xFFFFC000, s29;
	s28 =	sand.u32 @!p0 $0x380, s28  }
0x197: {  	s28 =	sor.u32 @!p0 s28, s29  }
0x198: {  	s28 =	sshrl.u32 @!p0 s28, $0x3  }
0x199: {  	s30 =	simm.s32 @!p0 $0xA380;
	s29 =	simm.s32 @!p0 $0x0;
	s28 =	sadd.s32 @!p0 s2, s28  }
0x19a: {  	[tilespmem:s30], [sflag:$0x5] =	stream.linear.gather @!p0 [hbm4b:s28+s29], $0x80, $0x38;
	[tilespmem:$0x1A080] =	vst v63  }
0x19b: {  	s31 =	simm.s32 @!p0 $0xA780;
	s30 =	sadd.s32 @!p0 $0x80, s28  }
0x19c: {  	[tilespmem:s31], [sflag:$0x5] =	stream.linear.gather @!p0 [hbm4b:s30+s29], $0x80, $0x38;
	[tilespmem:$0x1A080] =	vst v63  }
0x19d: {  	s30 =	sadd.s32 @!p0 $0x100, s28;
	s31 =	simm.s32 @!p0 $0xAB80  }
0x19e: {  	[tilespmem:s31], [sflag:$0x5] =	stream.linear.gather @!p0 [hbm4b:s30+s29], $0x80, $0x38;
	[tilespmem:$0x1A080] =	vst v63  }
0x19f: {  	s30 =	sadd.s32 @!p0 $0x180, s28;
	s31 =	simm.s32 @!p0 $0xAF80  }
0x1a0: {  	[tilespmem:s31], [sflag:$0x5] =	stream.linear.gather @!p0 [hbm4b:s30+s29], $0x80, $0x38;
	[tilespmem:$0x1A080] =	vst v63  }
0x1a1: {  	v5 =	vsel vm8, $0xFFFFFFFF, v4;
	s30 =	sadd.s32 @!p0 $0x200, s28;
	s31 =	simm.s32 @!p0 $0xB380  }
0x1a2: {  	v5 =	vxor.u32 $0x80000000, v5;
	[tilespmem:s31], [sflag:$0x5] =	stream.linear.gather @!p0 [hbm4b:s30+s29], $0x80, $0x38;
	[tilespmem:$0x1A080] =	vst v63  }
0x1a3: {  	(xrf0) =	vmax.scan.msk.u32 $0xffff, v5;
	s30 =	sadd.s32 @!p0 $0x280, s28;
	s31 =	simm.s32 @!p0 $0xB780  }
0x1a4: {  	[tilespmem:s31], [sflag:$0x5] =	stream.linear.gather @!p0 [hbm4b:s30+s29], $0x80, $0x38;
	[tilespmem:$0x1A080] =	vst v63  }
0x1a5: {  	s30 =	sadd.s32 @!p0 $0x300, s28;
	s31 =	simm.s32 @!p0 $0xBB80  }
0x1a6: {  	[tilespmem:s31], [sflag:$0x5] =	stream.linear.gather @!p0 [hbm4b:s30+s29], $0x80, $0x38;
	[tilespmem:$0x1A080] =	vst v63  }
0x1a7: {  	s30 =	sadd.s32 @!p0 $0x380, s28;
	s31 =	simm.s32 @!p0 $0xBF80  }
0x1a8: {  	[tilespmem:s31], [sflag:$0x5] =	stream.linear.gather @!p0 [hbm4b:s30+s29], $0x80, $0x38;
	[tilespmem:$0x1A080] =	vst v63  }
0x1a9: {  	v5, _, _ =	vpop (xrf0);
	s30 =	sadd.s32 @!p0 $0x400, s28;
	s31 =	simm.s32 @!p0 $0xC380  }
0x1aa: {  	(v2sf) =	vpush v5, $0xF;
	[tilespmem:s31], [sflag:$0x5] =	stream.linear.gather @!p0 [hbm4b:s30+s29], $0x80, $0x38;
	[tilespmem:$0x1A080] =	vst v63  }
0x1ab: {  	s30 =	sadd.s32 @!p0 $0x480, s28;
	s31 =	simm.s32 @!p0 $0xC780  }
0x1ac: {  	[tilespmem:s31], [sflag:$0x5] =	stream.linear.gather @!p0 [hbm4b:s30+s29], $0x80, $0x38;
	[tilespmem:$0x1A080] =	vst v63  }
0x1ad: {  	s30 =	sadd.s32 @!p0 $0x500, s28;
	s31 =	simm.s32 @!p0 $0xCB80  }
0x1ae: {  	[tilespmem:s31], [sflag:$0x5] =	stream.linear.gather @!p0 [hbm4b:s30+s29], $0x80, $0x38;
	[tilespmem:$0x1A080] =	vst v63  }
0x1af: {  	s30 =	sadd.s32 @!p0 $0x580, s28;
	s31 =	simm.s32 @!p0 $0xCF80  }
0x1b0: {  	[tilespmem:s31], [sflag:$0x5] =	stream.linear.gather @!p0 [hbm4b:s30+s29], $0x80, $0x38;
	[tilespmem:$0x1A080] =	vst v63  }
0x1b1: {  	s30 =	sadd.s32 @!p0 $0x600, s28;
	s31 =	simm.s32 @!p0 $0xD380  }
0x1b2: {  	[tilespmem:s31], [sflag:$0x5] =	stream.linear.gather @!p0 [hbm4b:s30+s29], $0x80, $0x38;
	[tilespmem:$0x1A080] =	vst v63  }
0x1b3: {  	s30 =	sadd.s32 @!p0 $0x680, s28;
	s31 =	simm.s32 @!p0 $0xD780  }
0x1b4: {  	[tilespmem:s31], [sflag:$0x5] =	stream.linear.gather @!p0 [hbm4b:s30+s29], $0x80, $0x38;
	[tilespmem:$0x1A080] =	vst v63  }
0x1b5: {  	s30 =	sadd.s32 @!p0 $0x700, s28;
	s31 =	simm.s32 @!p0 $0xDB80  }
0x1b6: {  	[tilespmem:s31], [sflag:$0x5] =	stream.linear.gather @!p0 [hbm4b:s30+s29], $0x80, $0x38;
	[tilespmem:$0x1A080] =	vst v63  }
0x1b7: {  	s28 =	sadd.s32 @!p0 $0x780, s28;
	s30 =	simm.s32 @!p0 $0xDF80  }
0x1b8: {  	[tilespmem:s30], [sflag:$0x5] =	stream.linear.gather @!p0 [hbm4b:s28+s29], $0x80, $0x38;
	[tilespmem:$0x1A080] =	vst v63  }
0x1b9: {  	s28 =	spop (v2sf)  }
0x1ba: {  	p0 =	sgt.s32 s28, $0xFFFFFFFF  }
0x1bb: {  	s29 =	simm.s32 @!p0 $0x0  }
0x1bc: {  	s29 =	simm.s32 @p0 $0x1  }
0x1bd: {  	[smem:$0x7FA] =	sst s29;
	s29 =	sshll.u32 @!p0 s28, $0xB;
	s28 =	sshll.u32 @!p0 s28, $0x7  }
0x1be: {  	s29 =	sand.u32 @!p0 $0xFFFFC000, s29;
	s28 =	sand.u32 @!p0 $0x380, s28  }
0x1bf: {  	s28 =	sor.u32 @!p0 s28, s29  }
0x1c0: {  	s28 =	sshrl.u32 @!p0 s28, $0x3  }
0x1c1: {  	s30 =	simm.s32 @!p0 $0xA400;
	s29 =	simm.s32 @!p0 $0x0;
	s28 =	sadd.s32 @!p0 s2, s28  }
0x1c2: {  	[tilespmem:s30], [sflag:$0x5] =	stream.linear.gather @!p0 [hbm4b:s28+s29], $0x80, $0x38;
	[tilespmem:$0x1A080] =	vst v63  }
0x1c3: {  	s31 =	simm.s32 @!p0 $0xA800;
	s30 =	sadd.s32 @!p0 $0x80, s28  }
0x1c4: {  	[tilespmem:s31], [sflag:$0x5] =	stream.linear.gather @!p0 [hbm4b:s30+s29], $0x80, $0x38;
	[tilespmem:$0x1A080] =	vst v63  }
0x1c5: {  	s30 =	sadd.s32 @!p0 $0x100, s28;
	s31 =	simm.s32 @!p0 $0xAC00  }
0x1c6: {  	[tilespmem:s31], [sflag:$0x5] =	stream.linear.gather @!p0 [hbm4b:s30+s29], $0x80, $0x38;
	[tilespmem:$0x1A080] =	vst v63  }
0x1c7: {  	s30 =	sadd.s32 @!p0 $0x180, s28;
	s31 =	simm.s32 @!p0 $0xB000  }
0x1c8: {  	[tilespmem:s31], [sflag:$0x5] =	stream.linear.gather @!p0 [hbm4b:s30+s29], $0x80, $0x38;
	[tilespmem:$0x1A080] =	vst v63  }
0x1c9: {  	v5 =	vsel vm9, $0xFFFFFFFF, v4;
	s30 =	sadd.s32 @!p0 $0x200, s28;
	s31 =	simm.s32 @!p0 $0xB400  }
0x1ca: {  	v5 =	vxor.u32 $0x80000000, v5;
	[tilespmem:s31], [sflag:$0x5] =	stream.linear.gather @!p0 [hbm4b:s30+s29], $0x80, $0x38;
	[tilespmem:$0x1A080] =	vst v63  }
0x1cb: {  	(xrf0) =	vmax.scan.msk.u32 $0xffff, v5;
	s30 =	sadd.s32 @!p0 $0x280, s28;
	s31 =	simm.s32 @!p0 $0xB800  }
0x1cc: {  	[tilespmem:s31], [sflag:$0x5] =	stream.linear.gather @!p0 [hbm4b:s30+s29], $0x80, $0x38;
	[tilespmem:$0x1A080] =	vst v63  }
0x1cd: {  	s30 =	sadd.s32 @!p0 $0x300, s28;
	s31 =	simm.s32 @!p0 $0xBC00  }
0x1ce: {  	[tilespmem:s31], [sflag:$0x5] =	stream.linear.gather @!p0 [hbm4b:s30+s29], $0x80, $0x38;
	[tilespmem:$0x1A080] =	vst v63  }
0x1cf: {  	s30 =	sadd.s32 @!p0 $0x380, s28;
	s31 =	simm.s32 @!p0 $0xC000  }
0x1d0: {  	[tilespmem:s31], [sflag:$0x5] =	stream.linear.gather @!p0 [hbm4b:s30+s29], $0x80, $0x38;
	[tilespmem:$0x1A080] =	vst v63  }
0x1d1: {  	v5, _, _ =	vpop (xrf0);
	s30 =	sadd.s32 @!p0 $0x400, s28;
	s31 =	simm.s32 @!p0 $0xC400  }
0x1d2: {  	(v2sf) =	vpush v5, $0xF;
	[tilespmem:s31], [sflag:$0x5] =	stream.linear.gather @!p0 [hbm4b:s30+s29], $0x80, $0x38;
	[tilespmem:$0x1A080] =	vst v63  }
0x1d3: {  	s30 =	sadd.s32 @!p0 $0x480, s28;
	s31 =	simm.s32 @!p0 $0xC800  }
0x1d4: {  	[tilespmem:s31], [sflag:$0x5] =	stream.linear.gather @!p0 [hbm4b:s30+s29], $0x80, $0x38;
	[tilespmem:$0x1A080] =	vst v63  }
0x1d5: {  	s30 =	sadd.s32 @!p0 $0x500, s28;
	s31 =	simm.s32 @!p0 $0xCC00  }
0x1d6: {  	[tilespmem:s31], [sflag:$0x5] =	stream.linear.gather @!p0 [hbm4b:s30+s29], $0x80, $0x38;
	[tilespmem:$0x1A080] =	vst v63  }
0x1d7: {  	s30 =	sadd.s32 @!p0 $0x580, s28;
	s31 =	simm.s32 @!p0 $0xD000  }
0x1d8: {  	[tilespmem:s31], [sflag:$0x5] =	stream.linear.gather @!p0 [hbm4b:s30+s29], $0x80, $0x38;
	[tilespmem:$0x1A080] =	vst v63  }
0x1d9: {  	s30 =	sadd.s32 @!p0 $0x600, s28;
	s31 =	simm.s32 @!p0 $0xD400  }
0x1da: {  	[tilespmem:s31], [sflag:$0x5] =	stream.linear.gather @!p0 [hbm4b:s30+s29], $0x80, $0x38;
	[tilespmem:$0x1A080] =	vst v63  }
0x1db: {  	s30 =	sadd.s32 @!p0 $0x680, s28;
	s31 =	simm.s32 @!p0 $0xD800  }
0x1dc: {  	[tilespmem:s31], [sflag:$0x5] =	stream.linear.gather @!p0 [hbm4b:s30+s29], $0x80, $0x38;
	[tilespmem:$0x1A080] =	vst v63  }
0x1dd: {  	s30 =	sadd.s32 @!p0 $0x700, s28;
	s31 =	simm.s32 @!p0 $0xDC00  }
0x1de: {  	[tilespmem:s31], [sflag:$0x5] =	stream.linear.gather @!p0 [hbm4b:s30+s29], $0x80, $0x38;
	[tilespmem:$0x1A080] =	vst v63  }
0x1df: {  	s28 =	sadd.s32 @!p0 $0x780, s28;
	s30 =	simm.s32 @!p0 $0xE000  }
0x1e0: {  	[tilespmem:s30], [sflag:$0x5] =	stream.linear.gather @!p0 [hbm4b:s28+s29], $0x80, $0x38;
	[tilespmem:$0x1A080] =	vst v63  }
0x1e1: {  	s28 =	spop (v2sf)  }
0x1e2: {  	p0 =	sgt.s32 s28, $0xFFFFFFFF  }
0x1e3: {  	s29 =	simm.s32 @!p0 $0x0  }
0x1e4: {  	s29 =	simm.s32 @p0 $0x1  }
0x1e5: {  	[smem:$0x7FB] =	sst s29;
	s29 =	sshll.u32 @!p0 s28, $0xB;
	s28 =	sshll.u32 @!p0 s28, $0x7  }
0x1e6: {  	s29 =	sand.u32 @!p0 $0xFFFFC000, s29;
	s28 =	sand.u32 @!p0 $0x380, s28  }
0x1e7: {  	s28 =	sor.u32 @!p0 s28, s29  }
0x1e8: {  	s28 =	sshrl.u32 @!p0 s28, $0x3  }
0x1e9: {  	s30 =	simm.s32 @!p0 $0xE080;
	s29 =	simm.s32 @!p0 $0x0;
	s28 =	sadd.s32 @!p0 s2, s28  }
0x1ea: {  	[tilespmem:s30], [sflag:$0x5] =	stream.linear.gather @!p0 [hbm4b:s28+s29], $0x80, $0x38;
	[tilespmem:$0x1A080] =	vst v63  }
0x1eb: {  	s31 =	simm.s32 @!p0 $0xE480;
	s30 =	sadd.s32 @!p0 $0x80, s28  }
0x1ec: {  	[tilespmem:s31], [sflag:$0x5] =	stream.linear.gather @!p0 [hbm4b:s30+s29], $0x80, $0x38;
	[tilespmem:$0x1A080] =	vst v63  }
0x1ed: {  	s30 =	sadd.s32 @!p0 $0x100, s28;
	s31 =	simm.s32 @!p0 $0xE880  }
0x1ee: {  	[tilespmem:s31], [sflag:$0x5] =	stream.linear.gather @!p0 [hbm4b:s30+s29], $0x80, $0x38;
	[tilespmem:$0x1A080] =	vst v63  }
0x1ef: {  	s30 =	sadd.s32 @!p0 $0x180, s28;
	s31 =	simm.s32 @!p0 $0xEC80  }
0x1f0: {  	[tilespmem:s31], [sflag:$0x5] =	stream.linear.gather @!p0 [hbm4b:s30+s29], $0x80, $0x38;
	[tilespmem:$0x1A080] =	vst v63  }
0x1f1: {  	v5 =	vsel vm10, $0xFFFFFFFF, v4;
	s30 =	sadd.s32 @!p0 $0x200, s28;
	s31 =	simm.s32 @!p0 $0xF080  }
0x1f2: {  	v5 =	vxor.u32 $0x80000000, v5;
	[tilespmem:s31], [sflag:$0x5] =	stream.linear.gather @!p0 [hbm4b:s30+s29], $0x80, $0x38;
	[tilespmem:$0x1A080] =	vst v63  }
0x1f3: {  	(xrf0) =	vmax.scan.msk.u32 $0xffff, v5;
	s30 =	sadd.s32 @!p0 $0x280, s28;
	s31 =	simm.s32 @!p0 $0xF480  }
0x1f4: {  	[tilespmem:s31], [sflag:$0x5] =	stream.linear.gather @!p0 [hbm4b:s30+s29], $0x80, $0x38;
	[tilespmem:$0x1A080] =	vst v63  }
0x1f5: {  	s30 =	sadd.s32 @!p0 $0x300, s28;
	s31 =	simm.s32 @!p0 $0xF880  }
0x1f6: {  	[tilespmem:s31], [sflag:$0x5] =	stream.linear.gather @!p0 [hbm4b:s30+s29], $0x80, $0x38;
	[tilespmem:$0x1A080] =	vst v63  }
0x1f7: {  	s30 =	sadd.s32 @!p0 $0x380, s28;
	s31 =	simm.s32 @!p0 $0xFC80  }
0x1f8: {  	[tilespmem:s31], [sflag:$0x5] =	stream.linear.gather @!p0 [hbm4b:s30+s29], $0x80, $0x38;
	[tilespmem:$0x1A080] =	vst v63  }
0x1f9: {  	v5, _, _ =	vpop (xrf0);
	s30 =	sadd.s32 @!p0 $0x400, s28;
	s31 =	simm.s32 @!p0 $0x10080  }
0x1fa: {  	(v2sf) =	vpush v5, $0xF;
	[tilespmem:s31], [sflag:$0x5] =	stream.linear.gather @!p0 [hbm4b:s30+s29], $0x80, $0x38;
	[tilespmem:$0x1A080] =	vst v63  }
0x1fb: {  	s30 =	sadd.s32 @!p0 $0x480, s28;
	s31 =	simm.s32 @!p0 $0x10480  }
0x1fc: {  	[tilespmem:s31], [sflag:$0x5] =	stream.linear.gather @!p0 [hbm4b:s30+s29], $0x80, $0x38;
	[tilespmem:$0x1A080] =	vst v63  }
0x1fd: {  	s30 =	sadd.s32 @!p0 $0x500, s28;
	s31 =	simm.s32 @!p0 $0x10880  }
0x1fe: {  	[tilespmem:s31], [sflag:$0x5] =	stream.linear.gather @!p0 [hbm4b:s30+s29], $0x80, $0x38;
	[tilespmem:$0x1A080] =	vst v63  }
0x1ff: {  	s30 =	sadd.s32 @!p0 $0x580, s28;
	s31 =	simm.s32 @!p0 $0x10C80  }
0x200: {  	[tilespmem:s31], [sflag:$0x5] =	stream.linear.gather @!p0 [hbm4b:s30+s29], $0x80, $0x38;
	[tilespmem:$0x1A080] =	vst v63  }
0x201: {  	s30 =	sadd.s32 @!p0 $0x600, s28;
	s31 =	simm.s32 @!p0 $0x11080  }
0x202: {  	[tilespmem:s31], [sflag:$0x5] =	stream.linear.gather @!p0 [hbm4b:s30+s29], $0x80, $0x38;
	[tilespmem:$0x1A080] =	vst v63  }
0x203: {  	s30 =	sadd.s32 @!p0 $0x680, s28;
	s31 =	simm.s32 @!p0 $0x11480  }
0x204: {  	[tilespmem:s31], [sflag:$0x5] =	stream.linear.gather @!p0 [hbm4b:s30+s29], $0x80, $0x38;
	[tilespmem:$0x1A080] =	vst v63  }
0x205: {  	s30 =	sadd.s32 @!p0 $0x700, s28;
	s31 =	simm.s32 @!p0 $0x11880  }
0x206: {  	[tilespmem:s31], [sflag:$0x5] =	stream.linear.gather @!p0 [hbm4b:s30+s29], $0x80, $0x38;
	[tilespmem:$0x1A080] =	vst v63  }
0x207: {  	s28 =	sadd.s32 @!p0 $0x780, s28;
	s30 =	simm.s32 @!p0 $0x11C80  }
0x208: {  	[tilespmem:s30], [sflag:$0x5] =	stream.linear.gather @!p0 [hbm4b:s28+s29], $0x80, $0x38;
	[tilespmem:$0x1A080] =	vst v63  }
0x209: {  	s28 =	spop (v2sf)  }
0x20a: {  	p0 =	sgt.s32 s28, $0xFFFFFFFF  }
0x20b: {  	s29 =	simm.s32 @!p0 $0x0  }
0x20c: {  	s29 =	simm.s32 @p0 $0x1  }
0x20d: {  	[smem:$0x7FC] =	sst s29;
	s29 =	sshll.u32 @!p0 s28, $0xB;
	s28 =	sshll.u32 @!p0 s28, $0x7  }
0x20e: {  	s29 =	sand.u32 @!p0 $0xFFFFC000, s29;
	s28 =	sand.u32 @!p0 $0x380, s28  }
0x20f: {  	s28 =	sor.u32 @!p0 s28, s29  }
0x210: {  	s28 =	sshrl.u32 @!p0 s28, $0x3  }
0x211: {  	s30 =	simm.s32 @!p0 $0xE100;
	s29 =	simm.s32 @!p0 $0x0;
	s28 =	sadd.s32 @!p0 s2, s28  }
0x212: {  	[tilespmem:s30], [sflag:$0x5] =	stream.linear.gather @!p0 [hbm4b:s28+s29], $0x80, $0x38;
	[tilespmem:$0x1A080] =	vst v63  }
0x213: {  	s31 =	simm.s32 @!p0 $0xE500;
	s30 =	sadd.s32 @!p0 $0x80, s28  }
0x214: {  	[tilespmem:s31], [sflag:$0x5] =	stream.linear.gather @!p0 [hbm4b:s30+s29], $0x80, $0x38;
	[tilespmem:$0x1A080] =	vst v63  }
0x215: {  	s30 =	sadd.s32 @!p0 $0x100, s28;
	s31 =	simm.s32 @!p0 $0xE900  }
0x216: {  	[tilespmem:s31], [sflag:$0x5] =	stream.linear.gather @!p0 [hbm4b:s30+s29], $0x80, $0x38;
	[tilespmem:$0x1A080] =	vst v63  }
0x217: {  	s30 =	sadd.s32 @!p0 $0x180, s28;
	s31 =	simm.s32 @!p0 $0xED00  }
0x218: {  	[tilespmem:s31], [sflag:$0x5] =	stream.linear.gather @!p0 [hbm4b:s30+s29], $0x80, $0x38;
	[tilespmem:$0x1A080] =	vst v63  }
0x219: {  	v5 =	vsel vm11, $0xFFFFFFFF, v4;
	s30 =	sadd.s32 @!p0 $0x200, s28;
	s31 =	simm.s32 @!p0 $0xF100  }
0x21a: {  	v5 =	vxor.u32 $0x80000000, v5;
	[tilespmem:s31], [sflag:$0x5] =	stream.linear.gather @!p0 [hbm4b:s30+s29], $0x80, $0x38;
	[tilespmem:$0x1A080] =	vst v63  }
0x21b: {  	(xrf0) =	vmax.scan.msk.u32 $0xffff, v5;
	s30 =	sadd.s32 @!p0 $0x280, s28;
	s31 =	simm.s32 @!p0 $0xF500  }
0x21c: {  	[tilespmem:s31], [sflag:$0x5] =	stream.linear.gather @!p0 [hbm4b:s30+s29], $0x80, $0x38;
	[tilespmem:$0x1A080] =	vst v63  }
0x21d: {  	s30 =	sadd.s32 @!p0 $0x300, s28;
	s31 =	simm.s32 @!p0 $0xF900  }
0x21e: {  	[tilespmem:s31], [sflag:$0x5] =	stream.linear.gather @!p0 [hbm4b:s30+s29], $0x80, $0x38;
	[tilespmem:$0x1A080] =	vst v63  }
0x21f: {  	s30 =	sadd.s32 @!p0 $0x380, s28;
	s31 =	simm.s32 @!p0 $0xFD00  }
0x220: {  	[tilespmem:s31], [sflag:$0x5] =	stream.linear.gather @!p0 [hbm4b:s30+s29], $0x80, $0x38;
	[tilespmem:$0x1A080] =	vst v63  }
0x221: {  	v5, _, _ =	vpop (xrf0);
	s30 =	sadd.s32 @!p0 $0x400, s28;
	s31 =	simm.s32 @!p0 $0x10100  }
0x222: {  	(v2sf) =	vpush v5, $0xF;
	[tilespmem:s31], [sflag:$0x5] =	stream.linear.gather @!p0 [hbm4b:s30+s29], $0x80, $0x38;
	[tilespmem:$0x1A080] =	vst v63  }
0x223: {  	s30 =	sadd.s32 @!p0 $0x480, s28;
	s31 =	simm.s32 @!p0 $0x10500  }
0x224: {  	[tilespmem:s31], [sflag:$0x5] =	stream.linear.gather @!p0 [hbm4b:s30+s29], $0x80, $0x38;
	[tilespmem:$0x1A080] =	vst v63  }
0x225: {  	s30 =	sadd.s32 @!p0 $0x500, s28;
	s31 =	simm.s32 @!p0 $0x10900  }
0x226: {  	[tilespmem:s31], [sflag:$0x5] =	stream.linear.gather @!p0 [hbm4b:s30+s29], $0x80, $0x38;
	[tilespmem:$0x1A080] =	vst v63  }
0x227: {  	s30 =	sadd.s32 @!p0 $0x580, s28;
	s31 =	simm.s32 @!p0 $0x10D00  }
0x228: {  	[tilespmem:s31], [sflag:$0x5] =	stream.linear.gather @!p0 [hbm4b:s30+s29], $0x80, $0x38;
	[tilespmem:$0x1A080] =	vst v63  }
0x229: {  	s30 =	sadd.s32 @!p0 $0x600, s28;
	s31 =	simm.s32 @!p0 $0x11100  }
0x22a: {  	[tilespmem:s31], [sflag:$0x5] =	stream.linear.gather @!p0 [hbm4b:s30+s29], $0x80, $0x38;
	[tilespmem:$0x1A080] =	vst v63  }
0x22b: {  	s30 =	sadd.s32 @!p0 $0x680, s28;
	s31 =	simm.s32 @!p0 $0x11500  }
0x22c: {  	[tilespmem:s31], [sflag:$0x5] =	stream.linear.gather @!p0 [hbm4b:s30+s29], $0x80, $0x38;
	[tilespmem:$0x1A080] =	vst v63  }
0x22d: {  	s30 =	sadd.s32 @!p0 $0x700, s28;
	s31 =	simm.s32 @!p0 $0x11900  }
0x22e: {  	[tilespmem:s31], [sflag:$0x5] =	stream.linear.gather @!p0 [hbm4b:s30+s29], $0x80, $0x38;
	[tilespmem:$0x1A080] =	vst v63  }
0x22f: {  	s28 =	sadd.s32 @!p0 $0x780, s28;
	s30 =	simm.s32 @!p0 $0x11D00  }
0x230: {  	[tilespmem:s30], [sflag:$0x5] =	stream.linear.gather @!p0 [hbm4b:s28+s29], $0x80, $0x38;
	[tilespmem:$0x1A080] =	vst v63  }
0x231: {  	s28 =	spop (v2sf)  }
0x232: {  	p6 =	sgt.s32 s28, $0xFFFFFFFF  }
0x233: {  	s29 =	sshll.u32 @!p6 s28, $0xB;
	s28 =	sshll.u32 @!p6 s28, $0x7  }
0x234: {  	s29 =	sand.u32 @!p6 $0xFFFFC000, s29;
	s28 =	sand.u32 @!p6 $0x380, s28  }
0x235: {  	s28 =	sor.u32 @!p6 s28, s29  }
0x236: {  	s28 =	sshrl.u32 @!p6 s28, $0x3  }
0x237: {  	s30 =	simm.s32 @!p6 $0xE180;
	s29 =	simm.s32 @!p6 $0x0;
	s28 =	sadd.s32 @!p6 s2, s28  }
0x238: {  	[tilespmem:s30], [sflag:$0x5] =	stream.linear.gather @!p6 [hbm4b:s28+s29], $0x80, $0x38;
	[tilespmem:$0x1A080] =	vst v63  }
0x239: {  	s31 =	simm.s32 @!p6 $0xE580;
	s30 =	sadd.s32 @!p6 $0x80, s28  }
0x23a: {  	[tilespmem:s31], [sflag:$0x5] =	stream.linear.gather @!p6 [hbm4b:s30+s29], $0x80, $0x38;
	[tilespmem:$0x1A080] =	vst v63  }
0x23b: {  	s30 =	sadd.s32 @!p6 $0x100, s28;
	s31 =	simm.s32 @!p6 $0xE980  }
0x23c: {  	[tilespmem:s31], [sflag:$0x5] =	stream.linear.gather @!p6 [hbm4b:s30+s29], $0x80, $0x38;
	[tilespmem:$0x1A080] =	vst v63  }
0x23d: {  	s30 =	sadd.s32 @!p6 $0x180, s28;
	s31 =	simm.s32 @!p6 $0xED80  }
0x23e: {  	[tilespmem:s31], [sflag:$0x5] =	stream.linear.gather @!p6 [hbm4b:s30+s29], $0x80, $0x38;
	[tilespmem:$0x1A080] =	vst v63  }
0x23f: {  	v5 =	vsel vm12, $0xFFFFFFFF, v4;
	s30 =	sadd.s32 @!p6 $0x200, s28;
	s31 =	simm.s32 @!p6 $0xF180  }
0x240: {  	v5 =	vxor.u32 $0x80000000, v5;
	[tilespmem:s31], [sflag:$0x5] =	stream.linear.gather @!p6 [hbm4b:s30+s29], $0x80, $0x38;
	[tilespmem:$0x1A080] =	vst v63  }
0x241: {  	(xrf0) =	vmax.scan.msk.u32 $0xffff, v5;
	s30 =	sadd.s32 @!p6 $0x280, s28;
	s31 =	simm.s32 @!p6 $0xF580  }
0x242: {  	[tilespmem:s31], [sflag:$0x5] =	stream.linear.gather @!p6 [hbm4b:s30+s29], $0x80, $0x38;
	[tilespmem:$0x1A080] =	vst v63  }
0x243: {  	s30 =	sadd.s32 @!p6 $0x300, s28;
	s31 =	simm.s32 @!p6 $0xF980  }
0x244: {  	[tilespmem:s31], [sflag:$0x5] =	stream.linear.gather @!p6 [hbm4b:s30+s29], $0x80, $0x38;
	[tilespmem:$0x1A080] =	vst v63  }
0x245: {  	s30 =	sadd.s32 @!p6 $0x380, s28;
	s31 =	simm.s32 @!p6 $0xFD80  }
0x246: {  	[tilespmem:s31], [sflag:$0x5] =	stream.linear.gather @!p6 [hbm4b:s30+s29], $0x80, $0x38;
	[tilespmem:$0x1A080] =	vst v63  }
0x247: {  	v5, _, _ =	vpop (xrf0);
	s30 =	sadd.s32 @!p6 $0x400, s28;
	s31 =	simm.s32 @!p6 $0x10180  }
0x248: {  	(v2sf) =	vpush v5, $0xF;
	[tilespmem:s31], [sflag:$0x5] =	stream.linear.gather @!p6 [hbm4b:s30+s29], $0x80, $0x38;
	[tilespmem:$0x1A080] =	vst v63  }
0x249: {  	s30 =	sadd.s32 @!p6 $0x480, s28;
	s31 =	simm.s32 @!p6 $0x10580  }
0x24a: {  	[tilespmem:s31], [sflag:$0x5] =	stream.linear.gather @!p6 [hbm4b:s30+s29], $0x80, $0x38;
	[tilespmem:$0x1A080] =	vst v63  }
0x24b: {  	s30 =	sadd.s32 @!p6 $0x500, s28;
	s31 =	simm.s32 @!p6 $0x10980  }
0x24c: {  	[tilespmem:s31], [sflag:$0x5] =	stream.linear.gather @!p6 [hbm4b:s30+s29], $0x80, $0x38;
	[tilespmem:$0x1A080] =	vst v63  }
0x24d: {  	s30 =	sadd.s32 @!p6 $0x580, s28;
	s31 =	simm.s32 @!p6 $0x10D80  }
0x24e: {  	[tilespmem:s31], [sflag:$0x5] =	stream.linear.gather @!p6 [hbm4b:s30+s29], $0x80, $0x38;
	[tilespmem:$0x1A080] =	vst v63  }
0x24f: {  	s30 =	sadd.s32 @!p6 $0x600, s28;
	s31 =	simm.s32 @!p6 $0x11180  }
0x250: {  	[tilespmem:s31], [sflag:$0x5] =	stream.linear.gather @!p6 [hbm4b:s30+s29], $0x80, $0x38;
	[tilespmem:$0x1A080] =	vst v63  }
0x251: {  	s30 =	sadd.s32 @!p6 $0x680, s28;
	s31 =	simm.s32 @!p6 $0x11580  }
0x252: {  	[tilespmem:s31], [sflag:$0x5] =	stream.linear.gather @!p6 [hbm4b:s30+s29], $0x80, $0x38;
	[tilespmem:$0x1A080] =	vst v63  }
0x253: {  	s30 =	sadd.s32 @!p6 $0x700, s28;
	s31 =	simm.s32 @!p6 $0x11980  }
0x254: {  	[tilespmem:s31], [sflag:$0x5] =	stream.linear.gather @!p6 [hbm4b:s30+s29], $0x80, $0x38;
	[tilespmem:$0x1A080] =	vst v63  }
0x255: {  	s28 =	sadd.s32 @!p6 $0x780, s28;
	s30 =	simm.s32 @!p6 $0x11D80  }
0x256: {  	[tilespmem:s30], [sflag:$0x5] =	stream.linear.gather @!p6 [hbm4b:s28+s29], $0x80, $0x38;
	[tilespmem:$0x1A080] =	vst v63  }
0x257: {  	s28 =	spop (v2sf)  }
0x258: {  	p5 =	sgt.s32 s28, $0xFFFFFFFF  }
0x259: {  	s29 =	sshll.u32 @!p5 s28, $0xB;
	s28 =	sshll.u32 @!p5 s28, $0x7  }
0x25a: {  	s29 =	sand.u32 @!p5 $0xFFFFC000, s29;
	s28 =	sand.u32 @!p5 $0x380, s28  }
0x25b: {  	s28 =	sor.u32 @!p5 s28, s29  }
0x25c: {  	s28 =	sshrl.u32 @!p5 s28, $0x3  }
0x25d: {  	s30 =	simm.s32 @!p5 $0xE200;
	s29 =	simm.s32 @!p5 $0x0;
	s28 =	sadd.s32 @!p5 s2, s28  }
0x25e: {  	[tilespmem:s30], [sflag:$0x5] =	stream.linear.gather @!p5 [hbm4b:s28+s29], $0x80, $0x38;
	[tilespmem:$0x1A080] =	vst v63  }
0x25f: {  	s31 =	simm.s32 @!p5 $0xE600;
	s30 =	sadd.s32 @!p5 $0x80, s28  }
0x260: {  	[tilespmem:s31], [sflag:$0x5] =	stream.linear.gather @!p5 [hbm4b:s30+s29], $0x80, $0x38;
	[tilespmem:$0x1A080] =	vst v63  }
0x261: {  	s30 =	sadd.s32 @!p5 $0x100, s28;
	s31 =	simm.s32 @!p5 $0xEA00  }
0x262: {  	[tilespmem:s31], [sflag:$0x5] =	stream.linear.gather @!p5 [hbm4b:s30+s29], $0x80, $0x38;
	[tilespmem:$0x1A080] =	vst v63  }
0x263: {  	s30 =	sadd.s32 @!p5 $0x180, s28;
	s31 =	simm.s32 @!p5 $0xEE00  }
0x264: {  	[tilespmem:s31], [sflag:$0x5] =	stream.linear.gather @!p5 [hbm4b:s30+s29], $0x80, $0x38;
	[tilespmem:$0x1A080] =	vst v63  }
0x265: {  	v5 =	vsel vm13, $0xFFFFFFFF, v4;
	s30 =	sadd.s32 @!p5 $0x200, s28;
	s31 =	simm.s32 @!p5 $0xF200  }
0x266: {  	v5 =	vxor.u32 $0x80000000, v5;
	[tilespmem:s31], [sflag:$0x5] =	stream.linear.gather @!p5 [hbm4b:s30+s29], $0x80, $0x38;
	[tilespmem:$0x1A080] =	vst v63  }
0x267: {  	(xrf0) =	vmax.scan.msk.u32 $0xffff, v5;
	s30 =	sadd.s32 @!p5 $0x280, s28;
	s31 =	simm.s32 @!p5 $0xF600  }
0x268: {  	[tilespmem:s31], [sflag:$0x5] =	stream.linear.gather @!p5 [hbm4b:s30+s29], $0x80, $0x38;
	[tilespmem:$0x1A080] =	vst v63  }
0x269: {  	s30 =	sadd.s32 @!p5 $0x300, s28;
	s31 =	simm.s32 @!p5 $0xFA00  }
0x26a: {  	[tilespmem:s31], [sflag:$0x5] =	stream.linear.gather @!p5 [hbm4b:s30+s29], $0x80, $0x38;
	[tilespmem:$0x1A080] =	vst v63  }
0x26b: {  	s30 =	sadd.s32 @!p5 $0x380, s28;
	s31 =	simm.s32 @!p5 $0xFE00  }
0x26c: {  	[tilespmem:s31], [sflag:$0x5] =	stream.linear.gather @!p5 [hbm4b:s30+s29], $0x80, $0x38;
	[tilespmem:$0x1A080] =	vst v63  }
0x26d: {  	v5, _, _ =	vpop (xrf0);
	s30 =	sadd.s32 @!p5 $0x400, s28;
	s31 =	simm.s32 @!p5 $0x10200  }
0x26e: {  	(v2sf) =	vpush v5, $0xF;
	[tilespmem:s31], [sflag:$0x5] =	stream.linear.gather @!p5 [hbm4b:s30+s29], $0x80, $0x38;
	[tilespmem:$0x1A080] =	vst v63  }
0x26f: {  	s30 =	sadd.s32 @!p5 $0x480, s28;
	s31 =	simm.s32 @!p5 $0x10600  }
0x270: {  	[tilespmem:s31], [sflag:$0x5] =	stream.linear.gather @!p5 [hbm4b:s30+s29], $0x80, $0x38;
	[tilespmem:$0x1A080] =	vst v63  }
0x271: {  	s30 =	sadd.s32 @!p5 $0x500, s28;
	s31 =	simm.s32 @!p5 $0x10A00  }
0x272: {  	[tilespmem:s31], [sflag:$0x5] =	stream.linear.gather @!p5 [hbm4b:s30+s29], $0x80, $0x38;
	[tilespmem:$0x1A080] =	vst v63  }
0x273: {  	s30 =	sadd.s32 @!p5 $0x580, s28;
	s31 =	simm.s32 @!p5 $0x10E00  }
0x274: {  	[tilespmem:s31], [sflag:$0x5] =	stream.linear.gather @!p5 [hbm4b:s30+s29], $0x80, $0x38;
	[tilespmem:$0x1A080] =	vst v63  }
0x275: {  	s30 =	sadd.s32 @!p5 $0x600, s28;
	s31 =	simm.s32 @!p5 $0x11200  }
0x276: {  	[tilespmem:s31], [sflag:$0x5] =	stream.linear.gather @!p5 [hbm4b:s30+s29], $0x80, $0x38;
	[tilespmem:$0x1A080] =	vst v63  }
0x277: {  	s30 =	sadd.s32 @!p5 $0x680, s28;
	s31 =	simm.s32 @!p5 $0x11600  }
0x278: {  	[tilespmem:s31], [sflag:$0x5] =	stream.linear.gather @!p5 [hbm4b:s30+s29], $0x80, $0x38;
	[tilespmem:$0x1A080] =	vst v63  }
0x279: {  	s30 =	sadd.s32 @!p5 $0x700, s28;
	s31 =	simm.s32 @!p5 $0x11A00  }
0x27a: {  	[tilespmem:s31], [sflag:$0x5] =	stream.linear.gather @!p5 [hbm4b:s30+s29], $0x80, $0x38;
	[tilespmem:$0x1A080] =	vst v63  }
0x27b: {  	s28 =	sadd.s32 @!p5 $0x780, s28;
	s30 =	simm.s32 @!p5 $0x11E00  }
0x27c: {  	[tilespmem:s30], [sflag:$0x5] =	stream.linear.gather @!p5 [hbm4b:s28+s29], $0x80, $0x38;
	[tilespmem:$0x1A080] =	vst v63  }
0x27d: {  	s28 =	spop (v2sf)  }
0x27e: {  	p3 =	sgt.s32 s28, $0xFFFFFFFF  }
0x27f: {  	s29 =	sshll.u32 @!p3 s28, $0xB;
	s28 =	sshll.u32 @!p3 s28, $0x7  }
0x280: {  	s29 =	sand.u32 @!p3 $0xFFFFC000, s29;
	s28 =	sand.u32 @!p3 $0x380, s28  }
0x281: {  	s28 =	sor.u32 @!p3 s28, s29  }
0x282: {  	s28 =	sshrl.u32 @!p3 s28, $0x3  }
0x283: {  	s30 =	simm.s32 @!p3 $0xE280;
	s29 =	simm.s32 @!p3 $0x0;
	s28 =	sadd.s32 @!p3 s2, s28  }
0x284: {  	[tilespmem:s30], [sflag:$0x5] =	stream.linear.gather @!p3 [hbm4b:s28+s29], $0x80, $0x38;
	[tilespmem:$0x1A080] =	vst v63  }
0x285: {  	s31 =	simm.s32 @!p3 $0xE680;
	s30 =	sadd.s32 @!p3 $0x80, s28  }
0x286: {  	[tilespmem:s31], [sflag:$0x5] =	stream.linear.gather @!p3 [hbm4b:s30+s29], $0x80, $0x38;
	[tilespmem:$0x1A080] =	vst v63  }
0x287: {  	s30 =	sadd.s32 @!p3 $0x100, s28;
	s31 =	simm.s32 @!p3 $0xEA80  }
0x288: {  	[tilespmem:s31], [sflag:$0x5] =	stream.linear.gather @!p3 [hbm4b:s30+s29], $0x80, $0x38;
	[tilespmem:$0x1A080] =	vst v63  }
0x289: {  	s30 =	sadd.s32 @!p3 $0x180, s28;
	s31 =	simm.s32 @!p3 $0xEE80  }
0x28a: {  	[tilespmem:s31], [sflag:$0x5] =	stream.linear.gather @!p3 [hbm4b:s30+s29], $0x80, $0x38;
	[tilespmem:$0x1A080] =	vst v63  }
0x28b: {  	v5 =	vsel vm14, $0xFFFFFFFF, v4;
	s30 =	sadd.s32 @!p3 $0x200, s28;
	s31 =	simm.s32 @!p3 $0xF280  }
0x28c: {  	v5 =	vxor.u32 $0x80000000, v5;
	[tilespmem:s31], [sflag:$0x5] =	stream.linear.gather @!p3 [hbm4b:s30+s29], $0x80, $0x38;
	[tilespmem:$0x1A080] =	vst v63  }
0x28d: {  	(xrf0) =	vmax.scan.msk.u32 $0xffff, v5;
	s30 =	sadd.s32 @!p3 $0x280, s28;
	s31 =	simm.s32 @!p3 $0xF680  }
0x28e: {  	[tilespmem:s31], [sflag:$0x5] =	stream.linear.gather @!p3 [hbm4b:s30+s29], $0x80, $0x38;
	[tilespmem:$0x1A080] =	vst v63  }
0x28f: {  	s30 =	sadd.s32 @!p3 $0x300, s28;
	s31 =	simm.s32 @!p3 $0xFA80  }
0x290: {  	[tilespmem:s31], [sflag:$0x5] =	stream.linear.gather @!p3 [hbm4b:s30+s29], $0x80, $0x38;
	[tilespmem:$0x1A080] =	vst v63  }
0x291: {  	s30 =	sadd.s32 @!p3 $0x380, s28;
	s31 =	simm.s32 @!p3 $0xFE80  }
0x292: {  	[tilespmem:s31], [sflag:$0x5] =	stream.linear.gather @!p3 [hbm4b:s30+s29], $0x80, $0x38;
	[tilespmem:$0x1A080] =	vst v63  }
0x293: {  	v5, _, _ =	vpop (xrf0);
	s30 =	sadd.s32 @!p3 $0x400, s28;
	s31 =	simm.s32 @!p3 $0x10280  }
0x294: {  	(v2sf) =	vpush v5, $0xF;
	[tilespmem:s31], [sflag:$0x5] =	stream.linear.gather @!p3 [hbm4b:s30+s29], $0x80, $0x38;
	[tilespmem:$0x1A080] =	vst v63  }
0x295: {  	s30 =	sadd.s32 @!p3 $0x480, s28;
	s31 =	simm.s32 @!p3 $0x10680  }
0x296: {  	[tilespmem:s31], [sflag:$0x5] =	stream.linear.gather @!p3 [hbm4b:s30+s29], $0x80, $0x38;
	[tilespmem:$0x1A080] =	vst v63  }
0x297: {  	s30 =	sadd.s32 @!p3 $0x500, s28;
	s31 =	simm.s32 @!p3 $0x10A80  }
0x298: {  	[tilespmem:s31], [sflag:$0x5] =	stream.linear.gather @!p3 [hbm4b:s30+s29], $0x80, $0x38;
	[tilespmem:$0x1A080] =	vst v63  }
0x299: {  	s30 =	sadd.s32 @!p3 $0x580, s28;
	s31 =	simm.s32 @!p3 $0x10E80  }
0x29a: {  	[tilespmem:s31], [sflag:$0x5] =	stream.linear.gather @!p3 [hbm4b:s30+s29], $0x80, $0x38;
	[tilespmem:$0x1A080] =	vst v63  }
0x29b: {  	s30 =	sadd.s32 @!p3 $0x600, s28;
	s31 =	simm.s32 @!p3 $0x11280  }
0x29c: {  	[tilespmem:s31], [sflag:$0x5] =	stream.linear.gather @!p3 [hbm4b:s30+s29], $0x80, $0x38;
	[tilespmem:$0x1A080] =	vst v63  }
0x29d: {  	s30 =	sadd.s32 @!p3 $0x680, s28;
	s31 =	simm.s32 @!p3 $0x11680  }
0x29e: {  	[tilespmem:s31], [sflag:$0x5] =	stream.linear.gather @!p3 [hbm4b:s30+s29], $0x80, $0x38;
	[tilespmem:$0x1A080] =	vst v63  }
0x29f: {  	s30 =	sadd.s32 @!p3 $0x700, s28;
	s31 =	simm.s32 @!p3 $0x11A80  }
0x2a0: {  	[tilespmem:s31], [sflag:$0x5] =	stream.linear.gather @!p3 [hbm4b:s30+s29], $0x80, $0x38;
	[tilespmem:$0x1A080] =	vst v63  }
0x2a1: {  	s28 =	sadd.s32 @!p3 $0x780, s28;
	s30 =	simm.s32 @!p3 $0x11E80  }
0x2a2: {  	[tilespmem:s30], [sflag:$0x5] =	stream.linear.gather @!p3 [hbm4b:s28+s29], $0x80, $0x38;
	[tilespmem:$0x1A080] =	vst v63  }
0x2a3: {  	s28 =	spop (v2sf)  }
0x2a4: {  	p2 =	sgt.s32 s28, $0xFFFFFFFF  }
0x2a5: {  	s29 =	sshll.u32 @!p2 s28, $0xB;
	s28 =	sshll.u32 @!p2 s28, $0x7  }
0x2a6: {  	s29 =	sand.u32 @!p2 $0xFFFFC000, s29;
	s28 =	sand.u32 @!p2 $0x380, s28  }
0x2a7: {  	s28 =	sor.u32 @!p2 s28, s29  }
0x2a8: {  	s28 =	sshrl.u32 @!p2 s28, $0x3  }
0x2a9: {  	s30 =	simm.s32 @!p2 $0xE300;
	s29 =	simm.s32 @!p2 $0x0;
	s28 =	sadd.s32 @!p2 s2, s28  }
0x2aa: {  	[tilespmem:s30], [sflag:$0x5] =	stream.linear.gather @!p2 [hbm4b:s28+s29], $0x80, $0x38;
	[tilespmem:$0x1A080] =	vst v63  }
0x2ab: {  	s31 =	simm.s32 @!p2 $0xE700;
	s30 =	sadd.s32 @!p2 $0x80, s28  }
0x2ac: {  	[tilespmem:s31], [sflag:$0x5] =	stream.linear.gather @!p2 [hbm4b:s30+s29], $0x80, $0x38;
	[tilespmem:$0x1A080] =	vst v63  }
0x2ad: {  	s30 =	sadd.s32 @!p2 $0x100, s28;
	s31 =	simm.s32 @!p2 $0xEB00  }
0x2ae: {  	[tilespmem:s31], [sflag:$0x5] =	stream.linear.gather @!p2 [hbm4b:s30+s29], $0x80, $0x38;
	[tilespmem:$0x1A080] =	vst v63  }
0x2af: {  	s30 =	sadd.s32 @!p2 $0x180, s28;
	s31 =	simm.s32 @!p2 $0xEF00  }
0x2b0: {  	[tilespmem:s31], [sflag:$0x5] =	stream.linear.gather @!p2 [hbm4b:s30+s29], $0x80, $0x38;
	[tilespmem:$0x1A080] =	vst v63  }
0x2b1: {  	v5 =	vsel vm15, $0xFFFFFFFF, v4;
	s30 =	sadd.s32 @!p2 $0x200, s28;
	s31 =	simm.s32 @!p2 $0xF300  }
0x2b2: {  	v5 =	vxor.u32 $0x80000000, v5;
	[tilespmem:s31], [sflag:$0x5] =	stream.linear.gather @!p2 [hbm4b:s30+s29], $0x80, $0x38;
	[tilespmem:$0x1A080] =	vst v63  }
0x2b3: {  	(xrf0) =	vmax.scan.msk.u32 $0xffff, v5;
	s30 =	sadd.s32 @!p2 $0x280, s28;
	s31 =	simm.s32 @!p2 $0xF700  }
0x2b4: {  	[tilespmem:s31], [sflag:$0x5] =	stream.linear.gather @!p2 [hbm4b:s30+s29], $0x80, $0x38;
	[tilespmem:$0x1A080] =	vst v63  }
0x2b5: {  	s30 =	sadd.s32 @!p2 $0x300, s28;
	s31 =	simm.s32 @!p2 $0xFB00  }
0x2b6: {  	[tilespmem:s31], [sflag:$0x5] =	stream.linear.gather @!p2 [hbm4b:s30+s29], $0x80, $0x38;
	[tilespmem:$0x1A080] =	vst v63  }
0x2b7: {  	s30 =	sadd.s32 @!p2 $0x380, s28;
	s31 =	simm.s32 @!p2 $0xFF00  }
0x2b8: {  	[tilespmem:s31], [sflag:$0x5] =	stream.linear.gather @!p2 [hbm4b:s30+s29], $0x80, $0x38;
	[tilespmem:$0x1A080] =	vst v63  }
0x2b9: {  	v5, _, _ =	vpop (xrf0);
	s30 =	sadd.s32 @!p2 $0x400, s28;
	s31 =	simm.s32 @!p2 $0x10300  }
0x2ba: {  	(v2sf) =	vpush v5, $0xF;
	[tilespmem:s31], [sflag:$0x5] =	stream.linear.gather @!p2 [hbm4b:s30+s29], $0x80, $0x38;
	[tilespmem:$0x1A080] =	vst v63  }
0x2bb: {  	s30 =	sadd.s32 @!p2 $0x480, s28;
	s31 =	simm.s32 @!p2 $0x10700  }
0x2bc: {  	[tilespmem:s31], [sflag:$0x5] =	stream.linear.gather @!p2 [hbm4b:s30+s29], $0x80, $0x38;
	[tilespmem:$0x1A080] =	vst v63  }
0x2bd: {  	s30 =	sadd.s32 @!p2 $0x500, s28;
	s31 =	simm.s32 @!p2 $0x10B00  }
0x2be: {  	[tilespmem:s31], [sflag:$0x5] =	stream.linear.gather @!p2 [hbm4b:s30+s29], $0x80, $0x38;
	[tilespmem:$0x1A080] =	vst v63  }
0x2bf: {  	s30 =	sadd.s32 @!p2 $0x580, s28;
	s31 =	simm.s32 @!p2 $0x10F00  }
0x2c0: {  	[tilespmem:s31], [sflag:$0x5] =	stream.linear.gather @!p2 [hbm4b:s30+s29], $0x80, $0x38;
	[tilespmem:$0x1A080] =	vst v63  }
0x2c1: {  	s30 =	sadd.s32 @!p2 $0x600, s28;
	s31 =	simm.s32 @!p2 $0x11300  }
0x2c2: {  	[tilespmem:s31], [sflag:$0x5] =	stream.linear.gather @!p2 [hbm4b:s30+s29], $0x80, $0x38;
	[tilespmem:$0x1A080] =	vst v63  }
0x2c3: {  	s30 =	sadd.s32 @!p2 $0x680, s28;
	s31 =	simm.s32 @!p2 $0x11700  }
0x2c4: {  	[tilespmem:s31], [sflag:$0x5] =	stream.linear.gather @!p2 [hbm4b:s30+s29], $0x80, $0x38;
	[tilespmem:$0x1A080] =	vst v63  }
0x2c5: {  	s30 =	sadd.s32 @!p2 $0x700, s28;
	s31 =	simm.s32 @!p2 $0x11B00  }
0x2c6: {  	[tilespmem:s31], [sflag:$0x5] =	stream.linear.gather @!p2 [hbm4b:s30+s29], $0x80, $0x38;
	[tilespmem:$0x1A080] =	vst v63  }
0x2c7: {  	s28 =	sadd.s32 @!p2 $0x780, s28;
	s30 =	simm.s32 @!p2 $0x11F00  }
0x2c8: {  	[tilespmem:s30], [sflag:$0x5] =	stream.linear.gather @!p2 [hbm4b:s28+s29], $0x80, $0x38;
	[tilespmem:$0x1A080] =	vst v63  }
0x2c9: {  	s28 =	spop (v2sf)  }
0x2ca: {  	p1 =	sgt.s32 s28, $0xFFFFFFFF  }
0x2cb: {  	s29 =	sshll.u32 @!p1 s28, $0xB;
	s28 =	sshll.u32 @!p1 s28, $0x7  }
0x2cc: {  	s29 =	sand.u32 @!p1 $0xFFFFC000, s29;
	s28 =	sand.u32 @!p1 $0x380, s28  }
0x2cd: {  	s28 =	sor.u32 @!p1 s28, s29  }
0x2ce: {  	s28 =	sshrl.u32 @!p1 s28, $0x3  }
0x2cf: {  	s30 =	simm.s32 @!p1 $0xE380;
	s29 =	simm.s32 @!p1 $0x0;
	s28 =	sadd.s32 @!p1 s2, s28  }
0x2d0: {  	[tilespmem:s30], [sflag:$0x5] =	stream.linear.gather @!p1 [hbm4b:s28+s29], $0x80, $0x38;
	[tilespmem:$0x1A080] =	vst v63  }
0x2d1: {  	s31 =	simm.s32 @!p1 $0xE780;
	s30 =	sadd.s32 @!p1 $0x80, s28  }
0x2d2: {  	[tilespmem:s31], [sflag:$0x5] =	stream.linear.gather @!p1 [hbm4b:s30+s29], $0x80, $0x38;
	[tilespmem:$0x1A080] =	vst v63  }
0x2d3: {  	s30 =	sadd.s32 @!p1 $0x100, s28;
	s31 =	simm.s32 @!p1 $0xEB80  }
0x2d4: {  	[tilespmem:s31], [sflag:$0x5] =	stream.linear.gather @!p1 [hbm4b:s30+s29], $0x80, $0x38;
	[tilespmem:$0x1A080] =	vst v63  }
0x2d5: {  	s30 =	sadd.s32 @!p1 $0x180, s28;
	s31 =	simm.s32 @!p1 $0xEF80  }
0x2d6: {  	[tilespmem:s31], [sflag:$0x5] =	stream.linear.gather @!p1 [hbm4b:s30+s29], $0x80, $0x38;
	[tilespmem:$0x1A080] =	vst v63  }
0x2d7: {  	v4 =	vsel vm2, $0xFFFFFFFF, v4;
	s30 =	sadd.s32 @!p1 $0x200, s28;
	s31 =	simm.s32 @!p1 $0xF380  }
0x2d8: {  	v4 =	vxor.u32 $0x80000000, v4;
	[tilespmem:s31], [sflag:$0x5] =	stream.linear.gather @!p1 [hbm4b:s30+s29], $0x80, $0x38;
	[tilespmem:$0x1A080] =	vst v63  }
0x2d9: {  	(xrf0) =	vmax.scan.msk.u32 $0xffff, v4;
	s30 =	sadd.s32 @!p1 $0x280, s28;
	s31 =	simm.s32 @!p1 $0xF780  }
0x2da: {  	[tilespmem:s31], [sflag:$0x5] =	stream.linear.gather @!p1 [hbm4b:s30+s29], $0x80, $0x38;
	[tilespmem:$0x1A080] =	vst v63  }
0x2db: {  	s30 =	sadd.s32 @!p1 $0x300, s28;
	s31 =	simm.s32 @!p1 $0xFB80  }
0x2dc: {  	[tilespmem:s31], [sflag:$0x5] =	stream.linear.gather @!p1 [hbm4b:s30+s29], $0x80, $0x38;
	[tilespmem:$0x1A080] =	vst v63  }
0x2dd: {  	s30 =	sadd.s32 @!p1 $0x380, s28;
	s31 =	simm.s32 @!p1 $0xFF80  }
0x2de: {  	[tilespmem:s31], [sflag:$0x5] =	stream.linear.gather @!p1 [hbm4b:s30+s29], $0x80, $0x38;
	[tilespmem:$0x1A080] =	vst v63  }
0x2df: {  	v4, _, _ =	vpop (xrf0);
	s30 =	sadd.s32 @!p1 $0x400, s28;
	s31 =	simm.s32 @!p1 $0x10380  }
0x2e0: {  	(v2sf) =	vpush v4, $0xF;
	[tilespmem:s31], [sflag:$0x5] =	stream.linear.gather @!p1 [hbm4b:s30+s29], $0x80, $0x38;
	[tilespmem:$0x1A080] =	vst v63  }
0x2e1: {  	s30 =	sadd.s32 @!p1 $0x480, s28;
	s31 =	simm.s32 @!p1 $0x10780  }
0x2e2: {  	[tilespmem:s31], [sflag:$0x5] =	stream.linear.gather @!p1 [hbm4b:s30+s29], $0x80, $0x38;
	[tilespmem:$0x1A080] =	vst v63  }
0x2e3: {  	s30 =	sadd.s32 @!p1 $0x500, s28;
	s31 =	simm.s32 @!p1 $0x10B80  }
0x2e4: {  	[tilespmem:s31], [sflag:$0x5] =	stream.linear.gather @!p1 [hbm4b:s30+s29], $0x80, $0x38;
	[tilespmem:$0x1A080] =	vst v63  }
0x2e5: {  	s30 =	sadd.s32 @!p1 $0x580, s28;
	s31 =	simm.s32 @!p1 $0x10F80  }
0x2e6: {  	[tilespmem:s31], [sflag:$0x5] =	stream.linear.gather @!p1 [hbm4b:s30+s29], $0x80, $0x38;
	[tilespmem:$0x1A080] =	vst v63  }
0x2e7: {  	s30 =	sadd.s32 @!p1 $0x600, s28;
	s31 =	simm.s32 @!p1 $0x11380  }
0x2e8: {  	[tilespmem:s31], [sflag:$0x5] =	stream.linear.gather @!p1 [hbm4b:s30+s29], $0x80, $0x38;
	[tilespmem:$0x1A080] =	vst v63  }
0x2e9: {  	s30 =	sadd.s32 @!p1 $0x680, s28;
	s31 =	simm.s32 @!p1 $0x11780  }
0x2ea: {  	[tilespmem:s31], [sflag:$0x5] =	stream.linear.gather @!p1 [hbm4b:s30+s29], $0x80, $0x38;
	[tilespmem:$0x1A080] =	vst v63  }
0x2eb: {  	s30 =	sadd.s32 @!p1 $0x700, s28;
	s31 =	simm.s32 @!p1 $0x11B80  }
0x2ec: {  	[tilespmem:s31], [sflag:$0x5] =	stream.linear.gather @!p1 [hbm4b:s30+s29], $0x80, $0x38;
	[tilespmem:$0x1A080] =	vst v63  }
0x2ed: {  	s28 =	sadd.s32 @!p1 $0x780, s28;
	s30 =	simm.s32 @!p1 $0x11F80  }
0x2ee: {  	[tilespmem:s30], [sflag:$0x5] =	stream.linear.gather @!p1 [hbm4b:s28+s29], $0x80, $0x38;
	[tilespmem:$0x1A080] =	vst v63  }
0x2ef: {  	s28 =	spop (v2sf)  }
0x2f0: {  	p0 =	sgt.s32 s28, $0xFFFFFFFF  }
0x2f1: {  	s29 =	sshll.u32 @!p0 s28, $0xB;
	s28 =	sshll.u32 @!p0 s28, $0x7  }
0x2f2: {  	s29 =	sand.u32 @!p0 $0xFFFFC000, s29;
	s28 =	sand.u32 @!p0 $0x380, s28  }
0x2f3: {  	s28 =	sor.u32 @!p0 s28, s29  }
0x2f4: {  	s28 =	sshrl.u32 @!p0 s28, $0x3  }
0x2f5: {  	s30 =	simm.s32 @!p0 $0xE400;
	s29 =	simm.s32 @!p0 $0x0;
	s28 =	sadd.s32 @!p0 s2, s28  }
0x2f6: {  	[tilespmem:s30], [sflag:$0x5] =	stream.linear.gather @!p0 [hbm4b:s28+s29], $0x80, $0x38;
	[tilespmem:$0x1A080] =	vst v63  }
0x2f7: {  	s31 =	simm.s32 @!p0 $0xE800;
	s30 =	sadd.s32 @!p0 $0x80, s28  }
0x2f8: {  	[tilespmem:s31], [sflag:$0x5] =	stream.linear.gather @!p0 [hbm4b:s30+s29], $0x80, $0x38;
	[tilespmem:$0x1A080] =	vst v63  }
0x2f9: {  	s30 =	sadd.s32 @!p0 $0x100, s28;
	s31 =	simm.s32 @!p0 $0xEC00  }
0x2fa: {  	[tilespmem:s31], [sflag:$0x5] =	stream.linear.gather @!p0 [hbm4b:s30+s29], $0x80, $0x38;
	[tilespmem:$0x1A080] =	vst v63  }
0x2fb: {  	s30 =	sadd.s32 @!p0 $0x180, s28;
	s31 =	simm.s32 @!p0 $0xF000  }
0x2fc: {  	[tilespmem:s31], [sflag:$0x5] =	stream.linear.gather @!p0 [hbm4b:s30+s29], $0x80, $0x38;
	[tilespmem:$0x1A080] =	vst v63  }
0x2fd: {  	s30 =	sadd.s32 @!p0 $0x200, s28;
	s31 =	simm.s32 @!p0 $0xF400  }
0x2fe: {  	[tilespmem:s31], [sflag:$0x5] =	stream.linear.gather @!p0 [hbm4b:s30+s29], $0x80, $0x38;
	[tilespmem:$0x1A080] =	vst v63  }
0x2ff: {  	s30 =	sadd.s32 @!p0 $0x280, s28;
	s31 =	simm.s32 @!p0 $0xF800  }
0x300: {  	[tilespmem:s31], [sflag:$0x5] =	stream.linear.gather @!p0 [hbm4b:s30+s29], $0x80, $0x38;
	[tilespmem:$0x1A080] =	vst v63  }
0x301: {  	s30 =	sadd.s32 @!p0 $0x300, s28;
	s31 =	simm.s32 @!p0 $0xFC00  }
0x302: {  	[tilespmem:s31], [sflag:$0x5] =	stream.linear.gather @!p0 [hbm4b:s30+s29], $0x80, $0x38;
	[tilespmem:$0x1A080] =	vst v63  }
0x303: {  	s30 =	sadd.s32 @!p0 $0x380, s28;
	s31 =	simm.s32 @!p0 $0x10000  }
0x304: {  	[tilespmem:s31], [sflag:$0x5] =	stream.linear.gather @!p0 [hbm4b:s30+s29], $0x80, $0x38;
	[tilespmem:$0x1A080] =	vst v63  }
0x305: {  	s30 =	sadd.s32 @!p0 $0x400, s28;
	s31 =	simm.s32 @!p0 $0x10400  }
0x306: {  	[tilespmem:s31], [sflag:$0x5] =	stream.linear.gather @!p0 [hbm4b:s30+s29], $0x80, $0x38;
	[tilespmem:$0x1A080] =	vst v63  }
0x307: {  	s30 =	sadd.s32 @!p0 $0x480, s28;
	s31 =	simm.s32 @!p0 $0x10800  }
0x308: {  	[tilespmem:s31], [sflag:$0x5] =	stream.linear.gather @!p0 [hbm4b:s30+s29], $0x80, $0x38;
	[tilespmem:$0x1A080] =	vst v63  }
0x309: {  	s30 =	sadd.s32 @!p0 $0x500, s28;
	s31 =	simm.s32 @!p0 $0x10C00  }
0x30a: {  	[tilespmem:s31], [sflag:$0x5] =	stream.linear.gather @!p0 [hbm4b:s30+s29], $0x80, $0x38;
	[tilespmem:$0x1A080] =	vst v63  }
0x30b: {  	s30 =	sadd.s32 @!p0 $0x580, s28;
	s31 =	simm.s32 @!p0 $0x11000  }
0x30c: {  	[tilespmem:s31], [sflag:$0x5] =	stream.linear.gather @!p0 [hbm4b:s30+s29], $0x80, $0x38;
	[tilespmem:$0x1A080] =	vst v63  }
0x30d: {  	s30 =	sadd.s32 @!p0 $0x600, s28;
	s31 =	simm.s32 @!p0 $0x11400  }
0x30e: {  	[tilespmem:s31], [sflag:$0x5] =	stream.linear.gather @!p0 [hbm4b:s30+s29], $0x80, $0x38;
	[tilespmem:$0x1A080] =	vst v63  }
0x30f: {  	s30 =	sadd.s32 @!p0 $0x680, s28;
	s31 =	simm.s32 @!p0 $0x11800  }
0x310: {  	[tilespmem:s31], [sflag:$0x5] =	stream.linear.gather @!p0 [hbm4b:s30+s29], $0x80, $0x38;
	[tilespmem:$0x1A080] =	vst v63  }
0x311: {  	s30 =	sadd.s32 @!p0 $0x700, s28;
	s31 =	simm.s32 @!p0 $0x11C00  }
0x312: {  	[tilespmem:s31], [sflag:$0x5] =	stream.linear.gather @!p0 [hbm4b:s30+s29], $0x80, $0x38;
	[tilespmem:$0x1A080] =	vst v63  }
0x313: {  	s28 =	sadd.s32 @!p0 $0x780, s28;
	s30 =	simm.s32 @!p0 $0x12000  }
0x314: {  	[tilespmem:s30], [sflag:$0x5] =	stream.linear.gather @!p0 [hbm4b:s28+s29], $0x80, $0x38;
	[tilespmem:$0x1A080] =	vst v63  }
0x315: {  	s28 =	simm.s32 @!p4 $0x5  }
0x316: {  	_ =	swait.ge @!p4 [sflag:s28], $0x800  }
0x317: {  	s29 =	sld [smem:$0x7F4];
	_ =	sdelay $0x1  }
0x318: {  	[sflag:s28] =	ssyncset.done @!p4 $0x0  }
0x319: {  	[sflag:s28] =	ssyncadd.s32 @!p4 $0xFFFFF800;
	p4 =	seq.s32 s29, $0x1  }
0x31a: {  	s28 =	simm.s32 @!p4 $0x5  }
0x31b: {  	_ =	swait.ge @!p4 [sflag:s28], $0x800  }
0x31c: {  	s30 =	sld [smem:$0x7F5];
	_ =	sdelay $0x1  }
0x31d: {  	[sflag:s28] =	ssyncset.done @!p4 $0x0  }
0x31e: {  	[sflag:s28] =	ssyncadd.s32 @!p4 $0xFFFFF800;
	p4 =	seq.s32 s30, $0x1  }
0x31f: {  	s28 =	simm.s32 @!p4 $0x5  }
0x320: {  	_ =	swait.ge @!p4 [sflag:s28], $0x800  }
0x321: {  	s31 =	sld [smem:$0x7F6];
	_ =	sdelay $0x1  }
0x322: {  	[sflag:s28] =	ssyncset.done @!p4 $0x0  }
0x323: {  	[sflag:s28] =	ssyncadd.s32 @!p4 $0xFFFFF800;
	p4 =	seq.s32 s31, $0x1  }
0x324: {  	s28 =	simm.s32 @!p4 $0x5  }
0x325: {  	_ =	swait.ge @!p4 [sflag:s28], $0x800  }
0x326: {  	s29 =	sld [smem:$0x7F7];
	_ =	sdelay $0x1  }
0x327: {  	[sflag:s28] =	ssyncset.done @!p4 $0x0  }
0x328: {  	[sflag:s28] =	ssyncadd.s32 @!p4 $0xFFFFF800;
	p4 =	seq.s32 s29, $0x1  }
0x329: {  	s28 =	simm.s32 @!p4 $0x5  }
0x32a: {  	_ =	swait.ge @!p4 [sflag:s28], $0x800  }
0x32b: {  	s30 =	sld [smem:$0x7F8];
	_ =	sdelay $0x1  }
0x32c: {  	[sflag:s28] =	ssyncset.done @!p4 $0x0  }
0x32d: {  	[sflag:s28] =	ssyncadd.s32 @!p4 $0xFFFFF800;
	p4 =	seq.s32 s30, $0x1  }
0x32e: {  	s28 =	simm.s32 @!p4 $0x5  }
0x32f: {  	_ =	swait.ge @!p4 [sflag:s28], $0x800  }
0x330: {  	s31 =	sld [smem:$0x7F9];
	_ =	sdelay $0x1  }
0x331: {  	[sflag:s28] =	ssyncset.done @!p4 $0x0  }
0x332: {  	[sflag:s28] =	ssyncadd.s32 @!p4 $0xFFFFF800;
	p4 =	seq.s32 s31, $0x1  }
0x333: {  	s28 =	simm.s32 @!p4 $0x5  }
0x334: {  	_ =	swait.ge @!p4 [sflag:s28], $0x800  }
0x335: {  	s29 =	sld [smem:$0x7FA];
	_ =	sdelay $0x1  }
0x336: {  	[sflag:s28] =	ssyncset.done @!p4 $0x0  }
0x337: {  	[sflag:s28] =	ssyncadd.s32 @!p4 $0xFFFFF800;
	p4 =	seq.s32 s29, $0x1  }
0x338: {  	s28 =	simm.s32 @!p4 $0x5  }
0x339: {  	_ =	swait.ge @!p4 [sflag:s28], $0x800  }
0x33a: {  	s30 =	sld [smem:$0x7FB];
	_ =	sdelay $0x1  }
0x33b: {  	[sflag:s28] =	ssyncset.done @!p4 $0x0  }
0x33c: {  	[sflag:s28] =	ssyncadd.s32 @!p4 $0xFFFFF800;
	p4 =	seq.s32 s30, $0x1  }
0x33d: {  	s28 =	simm.s32 @!p4 $0x5  }
0x33e: {  	_ =	swait.ge @!p4 [sflag:s28], $0x800  }
0x33f: {  	s31 =	sld [smem:$0x7FC];
	_ =	sdelay $0x1  }
0x340: {  	[sflag:s28] =	ssyncset.done @!p4 $0x0  }
0x341: {  	[sflag:s28] =	ssyncadd.s32 @!p4 $0xFFFFF800;
	p4 =	seq.s32 s31, $0x1  }
0x342: {  	s28 =	simm.s32 @!p4 $0x5  }
0x343: {  	_ =	swait.ge @!p4 [sflag:s28], $0x800  }
0x344: {  	[sflag:s28] =	ssyncset.done @!p4 $0x0  }
0x345: {  	[sflag:s28] =	ssyncadd.s32 @!p4 $0xFFFFF800;
	s28 =	simm.s32 @!p6 $0x5  }
0x346: {  	_ =	swait.ge @!p6 [sflag:s28], $0x800  }
0x347: {  	[sflag:s28] =	ssyncset.done @!p6 $0x0  }
0x348: {  	[sflag:s28] =	ssyncadd.s32 @!p6 $0xFFFFF800;
	s28 =	simm.s32 @!p5 $0x5  }
0x349: {  	_ =	swait.ge @!p5 [sflag:s28], $0x800  }
0x34a: {  	[sflag:s28] =	ssyncset.done @!p5 $0x0  }
0x34b: {  	[sflag:s28] =	ssyncadd.s32 @!p5 $0xFFFFF800;
	s28 =	simm.s32 @!p3 $0x5  }
0x34c: {  	_ =	swait.ge @!p3 [sflag:s28], $0x800  }
0x34d: {  	[sflag:s28] =	ssyncset.done @!p3 $0x0  }
0x34e: {  	[sflag:s28] =	ssyncadd.s32 @!p3 $0xFFFFF800;
	s28 =	simm.s32 @!p2 $0x5  }
0x34f: {  	_ =	swait.ge @!p2 [sflag:s28], $0x800  }
0x350: {  	[sflag:s28] =	ssyncset.done @!p2 $0x0  }
0x351: {  	[sflag:s28] =	ssyncadd.s32 @!p2 $0xFFFFF800;
	s28 =	simm.s32 @!p1 $0x5  }
0x352: {  	_ =	swait.ge @!p1 [sflag:s28], $0x800  }
0x353: {  	[sflag:s28] =	ssyncset.done @!p1 $0x0  }
0x354: {  	[sflag:s28] =	ssyncadd.s32 @!p1 $0xFFFFF800;
	s28 =	simm.s32 @!p0 $0x5  }
0x355: {  	_ =	swait.ge @!p0 [sflag:s28], $0x800  }
0x356: {  	[sflag:s28] =	ssyncset.done @!p0 $0x0  }
0x357: {  	[sflag:s28] =	ssyncadd.s32 @!p0 $0xFFFFF800  }
.LBB2_8:
0x358: {  	[spmem:s15] =	stream.linear.scatter [tilespmem:s19], [sflag:$0x3], $0x8000, $0x38;
	[tilespmem:$0x1A080] =	vst v63  }
0x359: {  	p1 =	seq.s32 s25, $0x110  }
0x35a: {  	s28 =	sadd.s32 @!p1 $0xFFFFFFF0, s25;
	s29 =	simm.s32 @!p1 $0x3  }
0x35b: {  	_ =	swait.ge @!p1 [sflag:s29], $0x8000;
	s30 =	sadd.s32 @!p1 s6, s28  }
0x35c: {  	s28 =	sand.u32 @!p1 $0x60, s28;
	[sflag:s29] =	ssyncset.done @!p1 $0x0;
	s30 =	sand.u32 @!p1 $0x3F80, s30  }
0x35d: {  	[sflag:s29] =	ssyncadd.s32 @!p1 $0xFFFF8000;
	s28 =	sor.u32 @!p1 s28, s30  }
0x35e: {  	v4 =	vld @!p1 [tilespmem:s28+$0x8000];
	_ =	sdelay $0x4  }
0x35f: {  	v5 =	vshll.u32 @!p1 v4, $0x4  }
0x360: {  	v6 =	vlaneseq.u32 @!p1;
	v4 =	vand.u32 @!p1 $0x7, v4;
	v5 =	vand.u32 @!p1 $0xFFFFFF80, v5  }
0x361: {  	v7 =	vshrl.u32 @!p1 v6, $0x3;
	v4 =	vor.u32 @!p1 v4, v5;
	v5 =	vand.u32 @!p1 $0x7, v6  }
0x362: {  	v7 =	vmul.u32 @!p1 $0x8, v7;
	v5 =	vperm.xlane @!p1 v4, v5;
	_ =	sdelay $0x1  }
0x363: {  	v5 =	vadd.s32 @!p1 v7, v5;
	_ =	sdelay $0x3  }
0x364: {  	vm3 =	vmmov @!p1 $0xffff;
	s29 =	simm.s32 @!p1 $0xA080;
	s28 =	simm.s32 @!p1 $0x0  }
0x365: {  	[tilespmem:s29], [sflag:$0x1] =	stream.indirect_vreg.gather @!p1 [hbm4b:s1+s28], $0x80, v5, vm3, $0xb8;
	[tilespmem:$0x1A080] =	vst v63  }
0x366: {  	s29 =	simm.s32 @!p1 $0xA880  }
0x367: {  	[tilespmem:s29], [sflag:$0x1] =	stream.indirect_vreg.gather @!p1 [hbm4b:s8+s28], $0x80, v5, vm3, $0xb8;
	[tilespmem:$0x1A080] =	vst v63  }
0x368: {  	s29 =	simm.s32 @!p1 $0xB080  }
0x369: {  	[tilespmem:s29], [sflag:$0x1] =	stream.indirect_vreg.gather @!p1 [hbm4b:s9+s28], $0x80, v5, vm3, $0xb8;
	[tilespmem:$0x1A080] =	vst v63  }
0x36a: {  	s29 =	simm.s32 @!p1 $0xB880  }
0x36b: {  	[tilespmem:s29], [sflag:$0x1] =	stream.indirect_vreg.gather @!p1 [hbm4b:s10+s28], $0x80, v5, vm3, $0xb8;
	[tilespmem:$0x1A080] =	vst v63  }
0x36c: {  	s29 =	simm.s32 @!p1 $0xC080  }
0x36d: {  	v6 =	vor.u32 @!p1 $0x8, v6;
	[tilespmem:s29], [sflag:$0x1] =	stream.indirect_vreg.gather @!p1 [hbm4b:s11+s28], $0x80, v5, vm3, $0xb8;
	[tilespmem:$0x1A080] =	vst v63  }
0x36e: {  	v4 =	vperm.xlane @!p1 v4, v6;
	s29 =	simm.s32 @!p1 $0xC880  }
0x36f: {  	[tilespmem:s29], [sflag:$0x1] =	stream.indirect_vreg.gather @!p1 [hbm4b:s12+s28], $0x80, v5, vm3, $0xb8;
	[tilespmem:$0x1A080] =	vst v63  }
0x370: {  	v4 =	vadd.s32 @!p1 v7, v4;
	s29 =	simm.s32 @!p1 $0xD080  }
0x371: {  	[tilespmem:s29], [sflag:$0x1] =	stream.indirect_vreg.gather @!p1 [hbm4b:s13+s28], $0x80, v5, vm3, $0xb8;
	[tilespmem:$0x1A080] =	vst v63  }
0x372: {  	s29 =	simm.s32 @!p1 $0xD880  }
0x373: {  	[tilespmem:s29], [sflag:$0x1] =	stream.indirect_vreg.gather @!p1 [hbm4b:s14+s28], $0x80, v5, vm3, $0xb8;
	[tilespmem:$0x1A080] =	vst v63  }
0x374: {  	s29 =	simm.s32 @!p1 $0xE080  }
0x375: {  	[tilespmem:s29], [sflag:$0x1] =	stream.indirect_vreg.gather @!p1 [hbm4b:s1+s28], $0x80, v4, vm3, $0xb8;
	[tilespmem:$0x1A080] =	vst v63  }
0x376: {  	s29 =	simm.s32 @!p1 $0xE880  }
0x377: {  	[tilespmem:s29], [sflag:$0x1] =	stream.indirect_vreg.gather @!p1 [hbm4b:s8+s28], $0x80, v4, vm3, $0xb8;
	[tilespmem:$0x1A080] =	vst v63  }
0x378: {  	s29 =	simm.s32 @!p1 $0xF080  }
0x379: {  	[tilespmem:s29], [sflag:$0x1] =	stream.indirect_vreg.gather @!p1 [hbm4b:s9+s28], $0x80, v4, vm3, $0xb8;
	[tilespmem:$0x1A080] =	vst v63  }
0x37a: {  	s29 =	simm.s32 @!p1 $0xF880  }
0x37b: {  	[tilespmem:s29], [sflag:$0x1] =	stream.indirect_vreg.gather @!p1 [hbm4b:s10+s28], $0x80, v4, vm3, $0xb8;
	[tilespmem:$0x1A080] =	vst v63  }
0x37c: {  	s29 =	simm.s32 @!p1 $0x10080  }
0x37d: {  	[tilespmem:s29], [sflag:$0x1] =	stream.indirect_vreg.gather @!p1 [hbm4b:s11+s28], $0x80, v4, vm3, $0xb8;
	[tilespmem:$0x1A080] =	vst v63  }
0x37e: {  	s29 =	simm.s32 @!p1 $0x10880  }
0x37f: {  	[tilespmem:s29], [sflag:$0x1] =	stream.indirect_vreg.gather @!p1 [hbm4b:s12+s28], $0x80, v4, vm3, $0xb8;
	[tilespmem:$0x1A080] =	vst v63  }
0x380: {  	s29 =	simm.s32 @!p1 $0x11080  }
0x381: {  	[tilespmem:s29], [sflag:$0x1] =	stream.indirect_vreg.gather @!p1 [hbm4b:s13+s28], $0x80, v4, vm3, $0xb8;
	[tilespmem:$0x1A080] =	vst v63  }
0x382: {  	s29 =	simm.s32 @!p1 $0x11880  }
0x383: {  	[tilespmem:s29], [sflag:$0x1] =	stream.indirect_vreg.gather @!p1 [hbm4b:s14+s28], $0x80, v4, vm3, $0xb8;
	[tilespmem:$0x1A080] =	vst v63  }
0x384: {  	_ =	swait.ge [sflag:s23], $0x8000  }
0x385: {  	[sflag:s23] =	ssyncset.done $0x0  }
0x386: {  	[sflag:s23] =	ssyncadd.s32 $0xFFFF8000  }
0x387: {  	v4 =	vld [tilespmem:s26+$0x10];
	_ =	sdelay $0x4  }
0x388: {  	vm3 =	veq.s32 v4, $0x25067  }
0x389: {  	v4 =	vsel vm3, $0x1, v3  }
0x38a: {  	(xrf0) =	vadd.scan.msk.s32 $0xffff, v4;
	_ =	sdelay $0x5  }
0x38b: {  	v4, _, _ =	vpop (xrf0)  }
0x38c: {  	v5 =	vxor.u32 $0x80000000, v4  }
0x38d: {  	(xrf0) =	vmax.scan.msk.u32 $0xffff, v5;
	_ =	sdelay $0x5  }
0x38e: {  	v5, _, _ =	vpop (xrf0)  }
0x38f: {  	(v2sf) =	vpush v5, $0xF;
	_ =	sdelay $0xe  }
0x390: {  	s31 =	spop (v2sf)  }
0x391: {  	v5 =	vld [tilespmem:$0xA000];
	s26 =	sxor.u32 $0x80000000, s31  }
0x392: {  	p0 =	slt.s32 s26, $0x1  }
.Ltmp6:
0x393: {  	_ = 	snop;
	(pc) =	sbr.rel @p0 .LBB2_10-.Ltmp6, $3  }
0x394: {  	_ =	sdelay $0x1  }
0x395: {  	v6 =	vadd.s32 s26, v5  }
0x396: {  	[tilespmem:$0xA000] =	vst v6  }
0x397: {  	v4 =	vadd.s32 v4, v5  }
0x398: {  	v4 =	vadd.s32 $0xFFFFFFFF, v4  }
0x399: {  	vm4 =	vgt.s32 v4, $0x0  }
0x39a: {  	v4 =	vnsel vm4, $0x0, v4  }
0x39b: {  	v4 =	vmin.u32 v4, $0x1FF  }
0x39c: {  	v4 =	vnsel vm3, $0xFFFFFFFF, v4  }
0x39d: {  	v5 =	vnsel vm1, $0xFFFFFFFF, v4  }
0x39e: {  	v5 =	vxor.u32 $0x80000000, v5  }
0x39f: {  	(xrf0) =	vmax.scan.msk.u32 $0xffff, v5;
	_ =	sdelay $0x5  }
0x3a0: {  	v5, _, _ =	vpop (xrf0)  }
0x3a1: {  	(v2sf) =	vpush v5, $0xF;
	_ =	sdelay $0xe  }
0x3a2: {  	s26 =	spop (v2sf)  }
0x3a3: {  	p4 =	sgt.s32 s26, $0xFFFFFFFF  }
0x3a4: {  	s28 =	sshll.u32 @!p4 s26, $0xB;
	s26 =	sshll.u32 @!p4 s26, $0x7  }
0x3a5: {  	s28 =	sand.u32 @!p4 $0xFFFFC000, s28;
	s26 =	sand.u32 @!p4 $0x380, s26  }
0x3a6: {  	s26 =	sor.u32 @!p4 s26, s28  }
0x3a7: {  	s26 =	sshrl.u32 @!p4 s26, $0x3  }
0x3a8: {  	s29 =	simm.s32 @!p4 $0x12080;
	s28 =	simm.s32 @!p4 $0x0;
	s26 =	sadd.s32 @!p4 s2, s26  }
0x3a9: {  	[tilespmem:s29], [sflag:$0x5] =	stream.linear.gather @!p4 [hbm4b:s26+s28], $0x80, $0x38;
	[tilespmem:$0x1A080] =	vst v63  }
0x3aa: {  	s30 =	simm.s32 @!p4 $0x12480;
	s29 =	sadd.s32 @!p4 $0x80, s26  }
0x3ab: {  	[tilespmem:s30], [sflag:$0x5] =	stream.linear.gather @!p4 [hbm4b:s29+s28], $0x80, $0x38;
	[tilespmem:$0x1A080] =	vst v63  }
0x3ac: {  	s29 =	sadd.s32 @!p4 $0x100, s26;
	s30 =	simm.s32 @!p4 $0x12880  }
0x3ad: {  	[tilespmem:s30], [sflag:$0x5] =	stream.linear.gather @!p4 [hbm4b:s29+s28], $0x80, $0x38;
	[tilespmem:$0x1A080] =	vst v63  }
0x3ae: {  	s29 =	sadd.s32 @!p4 $0x180, s26;
	s30 =	simm.s32 @!p4 $0x12C80  }
0x3af: {  	vm3 =	vcmask $0x308;
	[tilespmem:s30], [sflag:$0x5] =	stream.linear.gather @!p4 [hbm4b:s29+s28], $0x80, $0x38;
	[tilespmem:$0x1A080] =	vst v63  }
0x3b0: {  	v5 =	vsel vm3, $0xFFFFFFFF, v4;
	s29 =	sadd.s32 @!p4 $0x200, s26;
	s30 =	simm.s32 @!p4 $0x13080  }
0x3b1: {  	v5 =	vxor.u32 $0x80000000, v5;
	[tilespmem:s30], [sflag:$0x5] =	stream.linear.gather @!p4 [hbm4b:s29+s28], $0x80, $0x38;
	[tilespmem:$0x1A080] =	vst v63  }
0x3b2: {  	(xrf0) =	vmax.scan.msk.u32 $0xffff, v5;
	s29 =	sadd.s32 @!p4 $0x280, s26;
	s30 =	simm.s32 @!p4 $0x13480  }
0x3b3: {  	[tilespmem:s30], [sflag:$0x5] =	stream.linear.gather @!p4 [hbm4b:s29+s28], $0x80, $0x38;
	[tilespmem:$0x1A080] =	vst v63  }
0x3b4: {  	s29 =	sadd.s32 @!p4 $0x300, s26;
	s30 =	simm.s32 @!p4 $0x13880  }
0x3b5: {  	[tilespmem:s30], [sflag:$0x5] =	stream.linear.gather @!p4 [hbm4b:s29+s28], $0x80, $0x38;
	[tilespmem:$0x1A080] =	vst v63  }
0x3b6: {  	s29 =	sadd.s32 @!p4 $0x380, s26;
	s30 =	simm.s32 @!p4 $0x13C80  }
0x3b7: {  	[tilespmem:s30], [sflag:$0x5] =	stream.linear.gather @!p4 [hbm4b:s29+s28], $0x80, $0x38;
	[tilespmem:$0x1A080] =	vst v63  }
0x3b8: {  	v5, _, _ =	vpop (xrf0);
	s29 =	sadd.s32 @!p4 $0x400, s26;
	s30 =	simm.s32 @!p4 $0x14080  }
0x3b9: {  	(v2sf) =	vpush v5, $0xF;
	[tilespmem:s30], [sflag:$0x5] =	stream.linear.gather @!p4 [hbm4b:s29+s28], $0x80, $0x38;
	[tilespmem:$0x1A080] =	vst v63  }
0x3ba: {  	s29 =	sadd.s32 @!p4 $0x480, s26;
	s30 =	simm.s32 @!p4 $0x14480  }
0x3bb: {  	[tilespmem:s30], [sflag:$0x5] =	stream.linear.gather @!p4 [hbm4b:s29+s28], $0x80, $0x38;
	[tilespmem:$0x1A080] =	vst v63  }
0x3bc: {  	s29 =	sadd.s32 @!p4 $0x500, s26;
	s30 =	simm.s32 @!p4 $0x14880  }
0x3bd: {  	[tilespmem:s30], [sflag:$0x5] =	stream.linear.gather @!p4 [hbm4b:s29+s28], $0x80, $0x38;
	[tilespmem:$0x1A080] =	vst v63  }
0x3be: {  	s29 =	sadd.s32 @!p4 $0x580, s26;
	s30 =	simm.s32 @!p4 $0x14C80  }
0x3bf: {  	[tilespmem:s30], [sflag:$0x5] =	stream.linear.gather @!p4 [hbm4b:s29+s28], $0x80, $0x38;
	[tilespmem:$0x1A080] =	vst v63  }
0x3c0: {  	s29 =	sadd.s32 @!p4 $0x600, s26;
	s30 =	simm.s32 @!p4 $0x15080  }
0x3c1: {  	[tilespmem:s30], [sflag:$0x5] =	stream.linear.gather @!p4 [hbm4b:s29+s28], $0x80, $0x38;
	[tilespmem:$0x1A080] =	vst v63  }
0x3c2: {  	s29 =	sadd.s32 @!p4 $0x680, s26;
	s30 =	simm.s32 @!p4 $0x15480  }
0x3c3: {  	[tilespmem:s30], [sflag:$0x5] =	stream.linear.gather @!p4 [hbm4b:s29+s28], $0x80, $0x38;
	[tilespmem:$0x1A080] =	vst v63  }
0x3c4: {  	s29 =	sadd.s32 @!p4 $0x700, s26;
	s30 =	simm.s32 @!p4 $0x15880  }
0x3c5: {  	[tilespmem:s30], [sflag:$0x5] =	stream.linear.gather @!p4 [hbm4b:s29+s28], $0x80, $0x38;
	[tilespmem:$0x1A080] =	vst v63  }
0x3c6: {  	s26 =	sadd.s32 @!p4 $0x780, s26;
	s29 =	simm.s32 @!p4 $0x15C80  }
0x3c7: {  	[tilespmem:s29], [sflag:$0x5] =	stream.linear.gather @!p4 [hbm4b:s26+s28], $0x80, $0x38;
	[tilespmem:$0x1A080] =	vst v63  }
0x3c8: {  	s26 =	spop (v2sf)  }
0x3c9: {  	p0 =	sgt.s32 s26, $0xFFFFFFFF  }
0x3ca: {  	s28 =	simm.s32 @!p0 $0x0  }
0x3cb: {  	s28 =	simm.s32 @p0 $0x1  }
0x3cc: {  	[smem:$0x7EA] =	sst s28;
	s28 =	sshll.u32 @!p0 s26, $0xB;
	s26 =	sshll.u32 @!p0 s26, $0x7  }
0x3cd: {  	s28 =	sand.u32 @!p0 $0xFFFFC000, s28;
	s26 =	sand.u32 @!p0 $0x380, s26  }
0x3ce: {  	s26 =	sor.u32 @!p0 s26, s28  }
0x3cf: {  	s26 =	sshrl.u32 @!p0 s26, $0x3  }
0x3d0: {  	s29 =	simm.s32 @!p0 $0x12100;
	s28 =	simm.s32 @!p0 $0x0;
	s26 =	sadd.s32 @!p0 s2, s26  }
0x3d1: {  	[tilespmem:s29], [sflag:$0x5] =	stream.linear.gather @!p0 [hbm4b:s26+s28], $0x80, $0x38;
	[tilespmem:$0x1A080] =	vst v63  }
0x3d2: {  	s30 =	simm.s32 @!p0 $0x12500;
	s29 =	sadd.s32 @!p0 $0x80, s26  }
0x3d3: {  	[tilespmem:s30], [sflag:$0x5] =	stream.linear.gather @!p0 [hbm4b:s29+s28], $0x80, $0x38;
	[tilespmem:$0x1A080] =	vst v63  }
0x3d4: {  	s29 =	sadd.s32 @!p0 $0x100, s26;
	s30 =	simm.s32 @!p0 $0x12900  }
0x3d5: {  	[tilespmem:s30], [sflag:$0x5] =	stream.linear.gather @!p0 [hbm4b:s29+s28], $0x80, $0x38;
	[tilespmem:$0x1A080] =	vst v63  }
0x3d6: {  	s29 =	sadd.s32 @!p0 $0x180, s26;
	s30 =	simm.s32 @!p0 $0x12D00  }
0x3d7: {  	vm3 =	vcmask $0x70C;
	[tilespmem:s30], [sflag:$0x5] =	stream.linear.gather @!p0 [hbm4b:s29+s28], $0x80, $0x38;
	[tilespmem:$0x1A080] =	vst v63  }
0x3d8: {  	v5 =	vsel vm3, $0xFFFFFFFF, v4;
	s29 =	sadd.s32 @!p0 $0x200, s26;
	s30 =	simm.s32 @!p0 $0x13100  }
0x3d9: {  	v5 =	vxor.u32 $0x80000000, v5;
	[tilespmem:s30], [sflag:$0x5] =	stream.linear.gather @!p0 [hbm4b:s29+s28], $0x80, $0x38;
	[tilespmem:$0x1A080] =	vst v63  }
0x3da: {  	(xrf0) =	vmax.scan.msk.u32 $0xffff, v5;
	s29 =	sadd.s32 @!p0 $0x280, s26;
	s30 =	simm.s32 @!p0 $0x13500  }
0x3db: {  	[tilespmem:s30], [sflag:$0x5] =	stream.linear.gather @!p0 [hbm4b:s29+s28], $0x80, $0x38;
	[tilespmem:$0x1A080] =	vst v63  }
0x3dc: {  	s29 =	sadd.s32 @!p0 $0x300, s26;
	s30 =	simm.s32 @!p0 $0x13900  }
0x3dd: {  	[tilespmem:s30], [sflag:$0x5] =	stream.linear.gather @!p0 [hbm4b:s29+s28], $0x80, $0x38;
	[tilespmem:$0x1A080] =	vst v63  }
0x3de: {  	s29 =	sadd.s32 @!p0 $0x380, s26;
	s30 =	simm.s32 @!p0 $0x13D00  }
0x3df: {  	[tilespmem:s30], [sflag:$0x5] =	stream.linear.gather @!p0 [hbm4b:s29+s28], $0x80, $0x38;
	[tilespmem:$0x1A080] =	vst v63  }
0x3e0: {  	v5, _, _ =	vpop (xrf0);
	s29 =	sadd.s32 @!p0 $0x400, s26;
	s30 =	simm.s32 @!p0 $0x14100  }
0x3e1: {  	(v2sf) =	vpush v5, $0xF;
	[tilespmem:s30], [sflag:$0x5] =	stream.linear.gather @!p0 [hbm4b:s29+s28], $0x80, $0x38;
	[tilespmem:$0x1A080] =	vst v63  }
0x3e2: {  	s29 =	sadd.s32 @!p0 $0x480, s26;
	s30 =	simm.s32 @!p0 $0x14500  }
0x3e3: {  	[tilespmem:s30], [sflag:$0x5] =	stream.linear.gather @!p0 [hbm4b:s29+s28], $0x80, $0x38;
	[tilespmem:$0x1A080] =	vst v63  }
0x3e4: {  	s29 =	sadd.s32 @!p0 $0x500, s26;
	s30 =	simm.s32 @!p0 $0x14900  }
0x3e5: {  	[tilespmem:s30], [sflag:$0x5] =	stream.linear.gather @!p0 [hbm4b:s29+s28], $0x80, $0x38;
	[tilespmem:$0x1A080] =	vst v63  }
0x3e6: {  	s29 =	sadd.s32 @!p0 $0x580, s26;
	s30 =	simm.s32 @!p0 $0x14D00  }
0x3e7: {  	[tilespmem:s30], [sflag:$0x5] =	stream.linear.gather @!p0 [hbm4b:s29+s28], $0x80, $0x38;
	[tilespmem:$0x1A080] =	vst v63  }
0x3e8: {  	s29 =	sadd.s32 @!p0 $0x600, s26;
	s30 =	simm.s32 @!p0 $0x15100  }
0x3e9: {  	[tilespmem:s30], [sflag:$0x5] =	stream.linear.gather @!p0 [hbm4b:s29+s28], $0x80, $0x38;
	[tilespmem:$0x1A080] =	vst v63  }
0x3ea: {  	s29 =	sadd.s32 @!p0 $0x680, s26;
	s30 =	simm.s32 @!p0 $0x15500  }
0x3eb: {  	[tilespmem:s30], [sflag:$0x5] =	stream.linear.gather @!p0 [hbm4b:s29+s28], $0x80, $0x38;
	[tilespmem:$0x1A080] =	vst v63  }
0x3ec: {  	s29 =	sadd.s32 @!p0 $0x700, s26;
	s30 =	simm.s32 @!p0 $0x15900  }
0x3ed: {  	[tilespmem:s30], [sflag:$0x5] =	stream.linear.gather @!p0 [hbm4b:s29+s28], $0x80, $0x38;
	[tilespmem:$0x1A080] =	vst v63  }
0x3ee: {  	s26 =	sadd.s32 @!p0 $0x780, s26;
	s29 =	simm.s32 @!p0 $0x15D00  }
0x3ef: {  	[tilespmem:s29], [sflag:$0x5] =	stream.linear.gather @!p0 [hbm4b:s26+s28], $0x80, $0x38;
	[tilespmem:$0x1A080] =	vst v63  }
0x3f0: {  	s26 =	spop (v2sf)  }
0x3f1: {  	p0 =	sgt.s32 s26, $0xFFFFFFFF  }
0x3f2: {  	s28 =	simm.s32 @!p0 $0x0  }
0x3f3: {  	s28 =	simm.s32 @p0 $0x1  }
0x3f4: {  	[smem:$0x7EB] =	sst s28;
	s28 =	sshll.u32 @!p0 s26, $0xB;
	s26 =	sshll.u32 @!p0 s26, $0x7  }
0x3f5: {  	s28 =	sand.u32 @!p0 $0xFFFFC000, s28;
	s26 =	sand.u32 @!p0 $0x380, s26  }
0x3f6: {  	s26 =	sor.u32 @!p0 s26, s28  }
0x3f7: {  	s26 =	sshrl.u32 @!p0 s26, $0x3  }
0x3f8: {  	s29 =	simm.s32 @!p0 $0x12180;
	s28 =	simm.s32 @!p0 $0x0;
	s26 =	sadd.s32 @!p0 s2, s26  }
0x3f9: {  	[tilespmem:s29], [sflag:$0x5] =	stream.linear.gather @!p0 [hbm4b:s26+s28], $0x80, $0x38;
	[tilespmem:$0x1A080] =	vst v63  }
0x3fa: {  	s30 =	simm.s32 @!p0 $0x12580;
	s29 =	sadd.s32 @!p0 $0x80, s26  }
0x3fb: {  	[tilespmem:s30], [sflag:$0x5] =	stream.linear.gather @!p0 [hbm4b:s29+s28], $0x80, $0x38;
	[tilespmem:$0x1A080] =	vst v63  }
0x3fc: {  	s29 =	sadd.s32 @!p0 $0x100, s26;
	s30 =	simm.s32 @!p0 $0x12980  }
0x3fd: {  	[tilespmem:s30], [sflag:$0x5] =	stream.linear.gather @!p0 [hbm4b:s29+s28], $0x80, $0x38;
	[tilespmem:$0x1A080] =	vst v63  }
0x3fe: {  	s29 =	sadd.s32 @!p0 $0x180, s26;
	s30 =	simm.s32 @!p0 $0x12D80  }
0x3ff: {  	vm3 =	vcmask $0xB10;
	[tilespmem:s30], [sflag:$0x5] =	stream.linear.gather @!p0 [hbm4b:s29+s28], $0x80, $0x38;
	[tilespmem:$0x1A080] =	vst v63  }
0x400: {  	v5 =	vsel vm3, $0xFFFFFFFF, v4;
	s29 =	sadd.s32 @!p0 $0x200, s26;
	s30 =	simm.s32 @!p0 $0x13180  }
0x401: {  	v5 =	vxor.u32 $0x80000000, v5;
	[tilespmem:s30], [sflag:$0x5] =	stream.linear.gather @!p0 [hbm4b:s29+s28], $0x80, $0x38;
	[tilespmem:$0x1A080] =	vst v63  }
0x402: {  	(xrf0) =	vmax.scan.msk.u32 $0xffff, v5;
	s29 =	sadd.s32 @!p0 $0x280, s26;
	s30 =	simm.s32 @!p0 $0x13580  }
0x403: {  	[tilespmem:s30], [sflag:$0x5] =	stream.linear.gather @!p0 [hbm4b:s29+s28], $0x80, $0x38;
	[tilespmem:$0x1A080] =	vst v63  }
0x404: {  	s29 =	sadd.s32 @!p0 $0x300, s26;
	s30 =	simm.s32 @!p0 $0x13980  }
0x405: {  	[tilespmem:s30], [sflag:$0x5] =	stream.linear.gather @!p0 [hbm4b:s29+s28], $0x80, $0x38;
	[tilespmem:$0x1A080] =	vst v63  }
0x406: {  	s29 =	sadd.s32 @!p0 $0x380, s26;
	s30 =	simm.s32 @!p0 $0x13D80  }
0x407: {  	[tilespmem:s30], [sflag:$0x5] =	stream.linear.gather @!p0 [hbm4b:s29+s28], $0x80, $0x38;
	[tilespmem:$0x1A080] =	vst v63  }
0x408: {  	v5, _, _ =	vpop (xrf0);
	s29 =	sadd.s32 @!p0 $0x400, s26;
	s30 =	simm.s32 @!p0 $0x14180  }
0x409: {  	(v2sf) =	vpush v5, $0xF;
	[tilespmem:s30], [sflag:$0x5] =	stream.linear.gather @!p0 [hbm4b:s29+s28], $0x80, $0x38;
	[tilespmem:$0x1A080] =	vst v63  }
0x40a: {  	s29 =	sadd.s32 @!p0 $0x480, s26;
	s30 =	simm.s32 @!p0 $0x14580  }
0x40b: {  	[tilespmem:s30], [sflag:$0x5] =	stream.linear.gather @!p0 [hbm4b:s29+s28], $0x80, $0x38;
	[tilespmem:$0x1A080] =	vst v63  }
0x40c: {  	s29 =	sadd.s32 @!p0 $0x500, s26;
	s30 =	simm.s32 @!p0 $0x14980  }
0x40d: {  	[tilespmem:s30], [sflag:$0x5] =	stream.linear.gather @!p0 [hbm4b:s29+s28], $0x80, $0x38;
	[tilespmem:$0x1A080] =	vst v63  }
0x40e: {  	s29 =	sadd.s32 @!p0 $0x580, s26;
	s30 =	simm.s32 @!p0 $0x14D80  }
0x40f: {  	[tilespmem:s30], [sflag:$0x5] =	stream.linear.gather @!p0 [hbm4b:s29+s28], $0x80, $0x38;
	[tilespmem:$0x1A080] =	vst v63  }
0x410: {  	s29 =	sadd.s32 @!p0 $0x600, s26;
	s30 =	simm.s32 @!p0 $0x15180  }
0x411: {  	[tilespmem:s30], [sflag:$0x5] =	stream.linear.gather @!p0 [hbm4b:s29+s28], $0x80, $0x38;
	[tilespmem:$0x1A080] =	vst v63  }
0x412: {  	s29 =	sadd.s32 @!p0 $0x680, s26;
	s30 =	simm.s32 @!p0 $0x15580  }
0x413: {  	[tilespmem:s30], [sflag:$0x5] =	stream.linear.gather @!p0 [hbm4b:s29+s28], $0x80, $0x38;
	[tilespmem:$0x1A080] =	vst v63  }
0x414: {  	s29 =	sadd.s32 @!p0 $0x700, s26;
	s30 =	simm.s32 @!p0 $0x15980  }
0x415: {  	[tilespmem:s30], [sflag:$0x5] =	stream.linear.gather @!p0 [hbm4b:s29+s28], $0x80, $0x38;
	[tilespmem:$0x1A080] =	vst v63  }
0x416: {  	s26 =	sadd.s32 @!p0 $0x780, s26;
	s29 =	simm.s32 @!p0 $0x15D80  }
0x417: {  	[tilespmem:s29], [sflag:$0x5] =	stream.linear.gather @!p0 [hbm4b:s26+s28], $0x80, $0x38;
	[tilespmem:$0x1A080] =	vst v63  }
0x418: {  	s26 =	spop (v2sf)  }
0x419: {  	p0 =	sgt.s32 s26, $0xFFFFFFFF  }
0x41a: {  	s28 =	simm.s32 @!p0 $0x0  }
0x41b: {  	s28 =	simm.s32 @p0 $0x1  }
0x41c: {  	[smem:$0x7EC] =	sst s28;
	s28 =	sshll.u32 @!p0 s26, $0xB;
	s26 =	sshll.u32 @!p0 s26, $0x7  }
0x41d: {  	s28 =	sand.u32 @!p0 $0xFFFFC000, s28;
	s26 =	sand.u32 @!p0 $0x380, s26  }
0x41e: {  	s26 =	sor.u32 @!p0 s26, s28  }
0x41f: {  	s26 =	sshrl.u32 @!p0 s26, $0x3  }
0x420: {  	s29 =	simm.s32 @!p0 $0x12200;
	s28 =	simm.s32 @!p0 $0x0;
	s26 =	sadd.s32 @!p0 s2, s26  }
0x421: {  	[tilespmem:s29], [sflag:$0x5] =	stream.linear.gather @!p0 [hbm4b:s26+s28], $0x80, $0x38;
	[tilespmem:$0x1A080] =	vst v63  }
0x422: {  	s30 =	simm.s32 @!p0 $0x12600;
	s29 =	sadd.s32 @!p0 $0x80, s26  }
0x423: {  	[tilespmem:s30], [sflag:$0x5] =	stream.linear.gather @!p0 [hbm4b:s29+s28], $0x80, $0x38;
	[tilespmem:$0x1A080] =	vst v63  }
0x424: {  	s29 =	sadd.s32 @!p0 $0x100, s26;
	s30 =	simm.s32 @!p0 $0x12A00  }
0x425: {  	[tilespmem:s30], [sflag:$0x5] =	stream.linear.gather @!p0 [hbm4b:s29+s28], $0x80, $0x38;
	[tilespmem:$0x1A080] =	vst v63  }
0x426: {  	s29 =	sadd.s32 @!p0 $0x180, s26;
	s30 =	simm.s32 @!p0 $0x12E00  }
0x427: {  	[tilespmem:s30], [sflag:$0x5] =	stream.linear.gather @!p0 [hbm4b:s29+s28], $0x80, $0x38;
	[tilespmem:$0x1A080] =	vst v63  }
0x428: {  	v5 =	vsel vm5, $0xFFFFFFFF, v4;
	s29 =	sadd.s32 @!p0 $0x200, s26;
	s30 =	simm.s32 @!p0 $0x13200  }
0x429: {  	v5 =	vxor.u32 $0x80000000, v5;
	[tilespmem:s30], [sflag:$0x5] =	stream.linear.gather @!p0 [hbm4b:s29+s28], $0x80, $0x38;
	[tilespmem:$0x1A080] =	vst v63  }
0x42a: {  	(xrf0) =	vmax.scan.msk.u32 $0xffff, v5;
	s29 =	sadd.s32 @!p0 $0x280, s26;
	s30 =	simm.s32 @!p0 $0x13600  }
0x42b: {  	[tilespmem:s30], [sflag:$0x5] =	stream.linear.gather @!p0 [hbm4b:s29+s28], $0x80, $0x38;
	[tilespmem:$0x1A080] =	vst v63  }
0x42c: {  	s29 =	sadd.s32 @!p0 $0x300, s26;
	s30 =	simm.s32 @!p0 $0x13A00  }
0x42d: {  	[tilespmem:s30], [sflag:$0x5] =	stream.linear.gather @!p0 [hbm4b:s29+s28], $0x80, $0x38;
	[tilespmem:$0x1A080] =	vst v63  }
0x42e: {  	s29 =	sadd.s32 @!p0 $0x380, s26;
	s30 =	simm.s32 @!p0 $0x13E00  }
0x42f: {  	[tilespmem:s30], [sflag:$0x5] =	stream.linear.gather @!p0 [hbm4b:s29+s28], $0x80, $0x38;
	[tilespmem:$0x1A080] =	vst v63  }
0x430: {  	v5, _, _ =	vpop (xrf0);
	s29 =	sadd.s32 @!p0 $0x400, s26;
	s30 =	simm.s32 @!p0 $0x14200  }
0x431: {  	(v2sf) =	vpush v5, $0xF;
	[tilespmem:s30], [sflag:$0x5] =	stream.linear.gather @!p0 [hbm4b:s29+s28], $0x80, $0x38;
	[tilespmem:$0x1A080] =	vst v63  }
0x432: {  	s29 =	sadd.s32 @!p0 $0x480, s26;
	s30 =	simm.s32 @!p0 $0x14600  }
0x433: {  	[tilespmem:s30], [sflag:$0x5] =	stream.linear.gather @!p0 [hbm4b:s29+s28], $0x80, $0x38;
	[tilespmem:$0x1A080] =	vst v63  }
0x434: {  	s29 =	sadd.s32 @!p0 $0x500, s26;
	s30 =	simm.s32 @!p0 $0x14A00  }
0x435: {  	[tilespmem:s30], [sflag:$0x5] =	stream.linear.gather @!p0 [hbm4b:s29+s28], $0x80, $0x38;
	[tilespmem:$0x1A080] =	vst v63  }
0x436: {  	s29 =	sadd.s32 @!p0 $0x580, s26;
	s30 =	simm.s32 @!p0 $0x14E00  }
0x437: {  	[tilespmem:s30], [sflag:$0x5] =	stream.linear.gather @!p0 [hbm4b:s29+s28], $0x80, $0x38;
	[tilespmem:$0x1A080] =	vst v63  }
0x438: {  	s29 =	sadd.s32 @!p0 $0x600, s26;
	s30 =	simm.s32 @!p0 $0x15200  }
0x439: {  	[tilespmem:s30], [sflag:$0x5] =	stream.linear.gather @!p0 [hbm4b:s29+s28], $0x80, $0x38;
	[tilespmem:$0x1A080] =	vst v63  }
0x43a: {  	s29 =	sadd.s32 @!p0 $0x680, s26;
	s30 =	simm.s32 @!p0 $0x15600  }
0x43b: {  	[tilespmem:s30], [sflag:$0x5] =	stream.linear.gather @!p0 [hbm4b:s29+s28], $0x80, $0x38;
	[tilespmem:$0x1A080] =	vst v63  }
0x43c: {  	s29 =	sadd.s32 @!p0 $0x700, s26;
	s30 =	simm.s32 @!p0 $0x15A00  }
0x43d: {  	[tilespmem:s30], [sflag:$0x5] =	stream.linear.gather @!p0 [hbm4b:s29+s28], $0x80, $0x38;
	[tilespmem:$0x1A080] =	vst v63  }
0x43e: {  	s26 =	sadd.s32 @!p0 $0x780, s26;
	s29 =	simm.s32 @!p0 $0x15E00  }
0x43f: {  	[tilespmem:s29], [sflag:$0x5] =	stream.linear.gather @!p0 [hbm4b:s26+s28], $0x80, $0x38;
	[tilespmem:$0x1A080] =	vst v63  }
0x440: {  	s26 =	spop (v2sf)  }
0x441: {  	p0 =	sgt.s32 s26, $0xFFFFFFFF  }
0x442: {  	s28 =	simm.s32 @!p0 $0x0  }
0x443: {  	s28 =	simm.s32 @p0 $0x1  }
0x444: {  	[smem:$0x7ED] =	sst s28;
	s28 =	sshll.u32 @!p0 s26, $0xB;
	s26 =	sshll.u32 @!p0 s26, $0x7  }
0x445: {  	s28 =	sand.u32 @!p0 $0xFFFFC000, s28;
	s26 =	sand.u32 @!p0 $0x380, s26  }
0x446: {  	s26 =	sor.u32 @!p0 s26, s28  }
0x447: {  	s26 =	sshrl.u32 @!p0 s26, $0x3  }
0x448: {  	s29 =	simm.s32 @!p0 $0x12280;
	s28 =	simm.s32 @!p0 $0x0;
	s26 =	sadd.s32 @!p0 s2, s26  }
0x449: {  	[tilespmem:s29], [sflag:$0x5] =	stream.linear.gather @!p0 [hbm4b:s26+s28], $0x80, $0x38;
	[tilespmem:$0x1A080] =	vst v63  }
0x44a: {  	s30 =	simm.s32 @!p0 $0x12680;
	s29 =	sadd.s32 @!p0 $0x80, s26  }
0x44b: {  	[tilespmem:s30], [sflag:$0x5] =	stream.linear.gather @!p0 [hbm4b:s29+s28], $0x80, $0x38;
	[tilespmem:$0x1A080] =	vst v63  }
0x44c: {  	s29 =	sadd.s32 @!p0 $0x100, s26;
	s30 =	simm.s32 @!p0 $0x12A80  }
0x44d: {  	[tilespmem:s30], [sflag:$0x5] =	stream.linear.gather @!p0 [hbm4b:s29+s28], $0x80, $0x38;
	[tilespmem:$0x1A080] =	vst v63  }
0x44e: {  	s29 =	sadd.s32 @!p0 $0x180, s26;
	s30 =	simm.s32 @!p0 $0x12E80  }
0x44f: {  	[tilespmem:s30], [sflag:$0x5] =	stream.linear.gather @!p0 [hbm4b:s29+s28], $0x80, $0x38;
	[tilespmem:$0x1A080] =	vst v63  }
0x450: {  	v5 =	vsel vm6, $0xFFFFFFFF, v4;
	s29 =	sadd.s32 @!p0 $0x200, s26;
	s30 =	simm.s32 @!p0 $0x13280  }
0x451: {  	v5 =	vxor.u32 $0x80000000, v5;
	[tilespmem:s30], [sflag:$0x5] =	stream.linear.gather @!p0 [hbm4b:s29+s28], $0x80, $0x38;
	[tilespmem:$0x1A080] =	vst v63  }
0x452: {  	(xrf0) =	vmax.scan.msk.u32 $0xffff, v5;
	s29 =	sadd.s32 @!p0 $0x280, s26;
	s30 =	simm.s32 @!p0 $0x13680  }
0x453: {  	[tilespmem:s30], [sflag:$0x5] =	stream.linear.gather @!p0 [hbm4b:s29+s28], $0x80, $0x38;
	[tilespmem:$0x1A080] =	vst v63  }
0x454: {  	s29 =	sadd.s32 @!p0 $0x300, s26;
	s30 =	simm.s32 @!p0 $0x13A80  }
0x455: {  	[tilespmem:s30], [sflag:$0x5] =	stream.linear.gather @!p0 [hbm4b:s29+s28], $0x80, $0x38;
	[tilespmem:$0x1A080] =	vst v63  }
0x456: {  	s29 =	sadd.s32 @!p0 $0x380, s26;
	s30 =	simm.s32 @!p0 $0x13E80  }
0x457: {  	[tilespmem:s30], [sflag:$0x5] =	stream.linear.gather @!p0 [hbm4b:s29+s28], $0x80, $0x38;
	[tilespmem:$0x1A080] =	vst v63  }
0x458: {  	v5, _, _ =	vpop (xrf0);
	s29 =	sadd.s32 @!p0 $0x400, s26;
	s30 =	simm.s32 @!p0 $0x14280  }
0x459: {  	(v2sf) =	vpush v5, $0xF;
	[tilespmem:s30], [sflag:$0x5] =	stream.linear.gather @!p0 [hbm4b:s29+s28], $0x80, $0x38;
	[tilespmem:$0x1A080] =	vst v63  }
0x45a: {  	s29 =	sadd.s32 @!p0 $0x480, s26;
	s30 =	simm.s32 @!p0 $0x14680  }
0x45b: {  	[tilespmem:s30], [sflag:$0x5] =	stream.linear.gather @!p0 [hbm4b:s29+s28], $0x80, $0x38;
	[tilespmem:$0x1A080] =	vst v63  }
0x45c: {  	s29 =	sadd.s32 @!p0 $0x500, s26;
	s30 =	simm.s32 @!p0 $0x14A80  }
0x45d: {  	[tilespmem:s30], [sflag:$0x5] =	stream.linear.gather @!p0 [hbm4b:s29+s28], $0x80, $0x38;
	[tilespmem:$0x1A080] =	vst v63  }
0x45e: {  	s29 =	sadd.s32 @!p0 $0x580, s26;
	s30 =	simm.s32 @!p0 $0x14E80  }
0x45f: {  	[tilespmem:s30], [sflag:$0x5] =	stream.linear.gather @!p0 [hbm4b:s29+s28], $0x80, $0x38;
	[tilespmem:$0x1A080] =	vst v63  }
0x460: {  	s29 =	sadd.s32 @!p0 $0x600, s26;
	s30 =	simm.s32 @!p0 $0x15280  }
0x461: {  	[tilespmem:s30], [sflag:$0x5] =	stream.linear.gather @!p0 [hbm4b:s29+s28], $0x80, $0x38;
	[tilespmem:$0x1A080] =	vst v63  }
0x462: {  	s29 =	sadd.s32 @!p0 $0x680, s26;
	s30 =	simm.s32 @!p0 $0x15680  }
0x463: {  	[tilespmem:s30], [sflag:$0x5] =	stream.linear.gather @!p0 [hbm4b:s29+s28], $0x80, $0x38;
	[tilespmem:$0x1A080] =	vst v63  }
0x464: {  	s29 =	sadd.s32 @!p0 $0x700, s26;
	s30 =	simm.s32 @!p0 $0x15A80  }
0x465: {  	[tilespmem:s30], [sflag:$0x5] =	stream.linear.gather @!p0 [hbm4b:s29+s28], $0x80, $0x38;
	[tilespmem:$0x1A080] =	vst v63  }
0x466: {  	s26 =	sadd.s32 @!p0 $0x780, s26;
	s29 =	simm.s32 @!p0 $0x15E80  }
0x467: {  	[tilespmem:s29], [sflag:$0x5] =	stream.linear.gather @!p0 [hbm4b:s26+s28], $0x80, $0x38;
	[tilespmem:$0x1A080] =	vst v63  }
0x468: {  	s26 =	spop (v2sf)  }
0x469: {  	p0 =	sgt.s32 s26, $0xFFFFFFFF  }
0x46a: {  	s28 =	simm.s32 @!p0 $0x0  }
0x46b: {  	s28 =	simm.s32 @p0 $0x1  }
0x46c: {  	[smem:$0x7EE] =	sst s28;
	s28 =	sshll.u32 @!p0 s26, $0xB;
	s26 =	sshll.u32 @!p0 s26, $0x7  }
0x46d: {  	s28 =	sand.u32 @!p0 $0xFFFFC000, s28;
	s26 =	sand.u32 @!p0 $0x380, s26  }
0x46e: {  	s26 =	sor.u32 @!p0 s26, s28  }
0x46f: {  	s26 =	sshrl.u32 @!p0 s26, $0x3  }
0x470: {  	s29 =	simm.s32 @!p0 $0x12300;
	s28 =	simm.s32 @!p0 $0x0;
	s26 =	sadd.s32 @!p0 s2, s26  }
0x471: {  	[tilespmem:s29], [sflag:$0x5] =	stream.linear.gather @!p0 [hbm4b:s26+s28], $0x80, $0x38;
	[tilespmem:$0x1A080] =	vst v63  }
0x472: {  	s30 =	simm.s32 @!p0 $0x12700;
	s29 =	sadd.s32 @!p0 $0x80, s26  }
0x473: {  	[tilespmem:s30], [sflag:$0x5] =	stream.linear.gather @!p0 [hbm4b:s29+s28], $0x80, $0x38;
	[tilespmem:$0x1A080] =	vst v63  }
0x474: {  	s29 =	sadd.s32 @!p0 $0x100, s26;
	s30 =	simm.s32 @!p0 $0x12B00  }
0x475: {  	[tilespmem:s30], [sflag:$0x5] =	stream.linear.gather @!p0 [hbm4b:s29+s28], $0x80, $0x38;
	[tilespmem:$0x1A080] =	vst v63  }
0x476: {  	s29 =	sadd.s32 @!p0 $0x180, s26;
	s30 =	simm.s32 @!p0 $0x12F00  }
0x477: {  	[tilespmem:s30], [sflag:$0x5] =	stream.linear.gather @!p0 [hbm4b:s29+s28], $0x80, $0x38;
	[tilespmem:$0x1A080] =	vst v63  }
0x478: {  	v5 =	vsel vm7, $0xFFFFFFFF, v4;
	s29 =	sadd.s32 @!p0 $0x200, s26;
	s30 =	simm.s32 @!p0 $0x13300  }
0x479: {  	v5 =	vxor.u32 $0x80000000, v5;
	[tilespmem:s30], [sflag:$0x5] =	stream.linear.gather @!p0 [hbm4b:s29+s28], $0x80, $0x38;
	[tilespmem:$0x1A080] =	vst v63  }
0x47a: {  	(xrf0) =	vmax.scan.msk.u32 $0xffff, v5;
	s29 =	sadd.s32 @!p0 $0x280, s26;
	s30 =	simm.s32 @!p0 $0x13700  }
0x47b: {  	[tilespmem:s30], [sflag:$0x5] =	stream.linear.gather @!p0 [hbm4b:s29+s28], $0x80, $0x38;
	[tilespmem:$0x1A080] =	vst v63  }
0x47c: {  	s29 =	sadd.s32 @!p0 $0x300, s26;
	s30 =	simm.s32 @!p0 $0x13B00  }
0x47d: {  	[tilespmem:s30], [sflag:$0x5] =	stream.linear.gather @!p0 [hbm4b:s29+s28], $0x80, $0x38;
	[tilespmem:$0x1A080] =	vst v63  }
0x47e: {  	s29 =	sadd.s32 @!p0 $0x380, s26;
	s30 =	simm.s32 @!p0 $0x13F00  }
0x47f: {  	[tilespmem:s30], [sflag:$0x5] =	stream.linear.gather @!p0 [hbm4b:s29+s28], $0x80, $0x38;
	[tilespmem:$0x1A080] =	vst v63  }
0x480: {  	v5, _, _ =	vpop (xrf0);
	s29 =	sadd.s32 @!p0 $0x400, s26;
	s30 =	simm.s32 @!p0 $0x14300  }
0x481: {  	(v2sf) =	vpush v5, $0xF;
	[tilespmem:s30], [sflag:$0x5] =	stream.linear.gather @!p0 [hbm4b:s29+s28], $0x80, $0x38;
	[tilespmem:$0x1A080] =	vst v63  }
0x482: {  	s29 =	sadd.s32 @!p0 $0x480, s26;
	s30 =	simm.s32 @!p0 $0x14700  }
0x483: {  	[tilespmem:s30], [sflag:$0x5] =	stream.linear.gather @!p0 [hbm4b:s29+s28], $0x80, $0x38;
	[tilespmem:$0x1A080] =	vst v63  }
0x484: {  	s29 =	sadd.s32 @!p0 $0x500, s26;
	s30 =	simm.s32 @!p0 $0x14B00  }
0x485: {  	[tilespmem:s30], [sflag:$0x5] =	stream.linear.gather @!p0 [hbm4b:s29+s28], $0x80, $0x38;
	[tilespmem:$0x1A080] =	vst v63  }
0x486: {  	s29 =	sadd.s32 @!p0 $0x580, s26;
	s30 =	simm.s32 @!p0 $0x14F00  }
0x487: {  	[tilespmem:s30], [sflag:$0x5] =	stream.linear.gather @!p0 [hbm4b:s29+s28], $0x80, $0x38;
	[tilespmem:$0x1A080] =	vst v63  }
0x488: {  	s29 =	sadd.s32 @!p0 $0x600, s26;
	s30 =	simm.s32 @!p0 $0x15300  }
0x489: {  	[tilespmem:s30], [sflag:$0x5] =	stream.linear.gather @!p0 [hbm4b:s29+s28], $0x80, $0x38;
	[tilespmem:$0x1A080] =	vst v63  }
0x48a: {  	s29 =	sadd.s32 @!p0 $0x680, s26;
	s30 =	simm.s32 @!p0 $0x15700  }
0x48b: {  	[tilespmem:s30], [sflag:$0x5] =	stream.linear.gather @!p0 [hbm4b:s29+s28], $0x80, $0x38;
	[tilespmem:$0x1A080] =	vst v63  }
0x48c: {  	s29 =	sadd.s32 @!p0 $0x700, s26;
	s30 =	simm.s32 @!p0 $0x15B00  }
0x48d: {  	[tilespmem:s30], [sflag:$0x5] =	stream.linear.gather @!p0 [hbm4b:s29+s28], $0x80, $0x38;
	[tilespmem:$0x1A080] =	vst v63  }
0x48e: {  	s26 =	sadd.s32 @!p0 $0x780, s26;
	s29 =	simm.s32 @!p0 $0x15F00  }
0x48f: {  	[tilespmem:s29], [sflag:$0x5] =	stream.linear.gather @!p0 [hbm4b:s26+s28], $0x80, $0x38;
	[tilespmem:$0x1A080] =	vst v63  }
0x490: {  	s26 =	spop (v2sf)  }
0x491: {  	p0 =	sgt.s32 s26, $0xFFFFFFFF  }
0x492: {  	s28 =	simm.s32 @!p0 $0x0  }
0x493: {  	s28 =	simm.s32 @p0 $0x1  }
0x494: {  	[smem:$0x7EF] =	sst s28;
	s28 =	sshll.u32 @!p0 s26, $0xB;
	s26 =	sshll.u32 @!p0 s26, $0x7  }
0x495: {  	s28 =	sand.u32 @!p0 $0xFFFFC000, s28;
	s26 =	sand.u32 @!p0 $0x380, s26  }
0x496: {  	s26 =	sor.u32 @!p0 s26, s28  }
0x497: {  	s26 =	sshrl.u32 @!p0 s26, $0x3  }
0x498: {  	s29 =	simm.s32 @!p0 $0x12380;
	s28 =	simm.s32 @!p0 $0x0;
	s26 =	sadd.s32 @!p0 s2, s26  }
0x499: {  	[tilespmem:s29], [sflag:$0x5] =	stream.linear.gather @!p0 [hbm4b:s26+s28], $0x80, $0x38;
	[tilespmem:$0x1A080] =	vst v63  }
0x49a: {  	s30 =	simm.s32 @!p0 $0x12780;
	s29 =	sadd.s32 @!p0 $0x80, s26  }
0x49b: {  	[tilespmem:s30], [sflag:$0x5] =	stream.linear.gather @!p0 [hbm4b:s29+s28], $0x80, $0x38;
	[tilespmem:$0x1A080] =	vst v63  }
0x49c: {  	s29 =	sadd.s32 @!p0 $0x100, s26;
	s30 =	simm.s32 @!p0 $0x12B80  }
0x49d: {  	[tilespmem:s30], [sflag:$0x5] =	stream.linear.gather @!p0 [hbm4b:s29+s28], $0x80, $0x38;
	[tilespmem:$0x1A080] =	vst v63  }
0x49e: {  	s29 =	sadd.s32 @!p0 $0x180, s26;
	s30 =	simm.s32 @!p0 $0x12F80  }
0x49f: {  	[tilespmem:s30], [sflag:$0x5] =	stream.linear.gather @!p0 [hbm4b:s29+s28], $0x80, $0x38;
	[tilespmem:$0x1A080] =	vst v63  }
0x4a0: {  	v5 =	vsel vm8, $0xFFFFFFFF, v4;
	s29 =	sadd.s32 @!p0 $0x200, s26;
	s30 =	simm.s32 @!p0 $0x13380  }
0x4a1: {  	v5 =	vxor.u32 $0x80000000, v5;
	[tilespmem:s30], [sflag:$0x5] =	stream.linear.gather @!p0 [hbm4b:s29+s28], $0x80, $0x38;
	[tilespmem:$0x1A080] =	vst v63  }
0x4a2: {  	(xrf0) =	vmax.scan.msk.u32 $0xffff, v5;
	s29 =	sadd.s32 @!p0 $0x280, s26;
	s30 =	simm.s32 @!p0 $0x13780  }
0x4a3: {  	[tilespmem:s30], [sflag:$0x5] =	stream.linear.gather @!p0 [hbm4b:s29+s28], $0x80, $0x38;
	[tilespmem:$0x1A080] =	vst v63  }
0x4a4: {  	s29 =	sadd.s32 @!p0 $0x300, s26;
	s30 =	simm.s32 @!p0 $0x13B80  }
0x4a5: {  	[tilespmem:s30], [sflag:$0x5] =	stream.linear.gather @!p0 [hbm4b:s29+s28], $0x80, $0x38;
	[tilespmem:$0x1A080] =	vst v63  }
0x4a6: {  	s29 =	sadd.s32 @!p0 $0x380, s26;
	s30 =	simm.s32 @!p0 $0x13F80  }
0x4a7: {  	[tilespmem:s30], [sflag:$0x5] =	stream.linear.gather @!p0 [hbm4b:s29+s28], $0x80, $0x38;
	[tilespmem:$0x1A080] =	vst v63  }
0x4a8: {  	v5, _, _ =	vpop (xrf0);
	s29 =	sadd.s32 @!p0 $0x400, s26;
	s30 =	simm.s32 @!p0 $0x14380  }
0x4a9: {  	(v2sf) =	vpush v5, $0xF;
	[tilespmem:s30], [sflag:$0x5] =	stream.linear.gather @!p0 [hbm4b:s29+s28], $0x80, $0x38;
	[tilespmem:$0x1A080] =	vst v63  }
0x4aa: {  	s29 =	sadd.s32 @!p0 $0x480, s26;
	s30 =	simm.s32 @!p0 $0x14780  }
0x4ab: {  	[tilespmem:s30], [sflag:$0x5] =	stream.linear.gather @!p0 [hbm4b:s29+s28], $0x80, $0x38;
	[tilespmem:$0x1A080] =	vst v63  }
0x4ac: {  	s29 =	sadd.s32 @!p0 $0x500, s26;
	s30 =	simm.s32 @!p0 $0x14B80  }
0x4ad: {  	[tilespmem:s30], [sflag:$0x5] =	stream.linear.gather @!p0 [hbm4b:s29+s28], $0x80, $0x38;
	[tilespmem:$0x1A080] =	vst v63  }
0x4ae: {  	s29 =	sadd.s32 @!p0 $0x580, s26;
	s30 =	simm.s32 @!p0 $0x14F80  }
0x4af: {  	[tilespmem:s30], [sflag:$0x5] =	stream.linear.gather @!p0 [hbm4b:s29+s28], $0x80, $0x38;
	[tilespmem:$0x1A080] =	vst v63  }
0x4b0: {  	s29 =	sadd.s32 @!p0 $0x600, s26;
	s30 =	simm.s32 @!p0 $0x15380  }
0x4b1: {  	[tilespmem:s30], [sflag:$0x5] =	stream.linear.gather @!p0 [hbm4b:s29+s28], $0x80, $0x38;
	[tilespmem:$0x1A080] =	vst v63  }
0x4b2: {  	s29 =	sadd.s32 @!p0 $0x680, s26;
	s30 =	simm.s32 @!p0 $0x15780  }
0x4b3: {  	[tilespmem:s30], [sflag:$0x5] =	stream.linear.gather @!p0 [hbm4b:s29+s28], $0x80, $0x38;
	[tilespmem:$0x1A080] =	vst v63  }
0x4b4: {  	s29 =	sadd.s32 @!p0 $0x700, s26;
	s30 =	simm.s32 @!p0 $0x15B80  }
0x4b5: {  	[tilespmem:s30], [sflag:$0x5] =	stream.linear.gather @!p0 [hbm4b:s29+s28], $0x80, $0x38;
	[tilespmem:$0x1A080] =	vst v63  }
0x4b6: {  	s26 =	sadd.s32 @!p0 $0x780, s26;
	s29 =	simm.s32 @!p0 $0x15F80  }
0x4b7: {  	[tilespmem:s29], [sflag:$0x5] =	stream.linear.gather @!p0 [hbm4b:s26+s28], $0x80, $0x38;
	[tilespmem:$0x1A080] =	vst v63  }
0x4b8: {  	s26 =	spop (v2sf)  }
0x4b9: {  	p0 =	sgt.s32 s26, $0xFFFFFFFF  }
0x4ba: {  	s28 =	simm.s32 @!p0 $0x0  }
0x4bb: {  	s28 =	simm.s32 @p0 $0x1  }
0x4bc: {  	[smem:$0x7F0] =	sst s28;
	s28 =	sshll.u32 @!p0 s26, $0xB;
	s26 =	sshll.u32 @!p0 s26, $0x7  }
0x4bd: {  	s28 =	sand.u32 @!p0 $0xFFFFC000, s28;
	s26 =	sand.u32 @!p0 $0x380, s26  }
0x4be: {  	s26 =	sor.u32 @!p0 s26, s28  }
0x4bf: {  	s26 =	sshrl.u32 @!p0 s26, $0x3  }
0x4c0: {  	s29 =	simm.s32 @!p0 $0x12400;
	s28 =	simm.s32 @!p0 $0x0;
	s26 =	sadd.s32 @!p0 s2, s26  }
0x4c1: {  	[tilespmem:s29], [sflag:$0x5] =	stream.linear.gather @!p0 [hbm4b:s26+s28], $0x80, $0x38;
	[tilespmem:$0x1A080] =	vst v63  }
0x4c2: {  	s30 =	simm.s32 @!p0 $0x12800;
	s29 =	sadd.s32 @!p0 $0x80, s26  }
0x4c3: {  	[tilespmem:s30], [sflag:$0x5] =	stream.linear.gather @!p0 [hbm4b:s29+s28], $0x80, $0x38;
	[tilespmem:$0x1A080] =	vst v63  }
0x4c4: {  	s29 =	sadd.s32 @!p0 $0x100, s26;
	s30 =	simm.s32 @!p0 $0x12C00  }
0x4c5: {  	[tilespmem:s30], [sflag:$0x5] =	stream.linear.gather @!p0 [hbm4b:s29+s28], $0x80, $0x38;
	[tilespmem:$0x1A080] =	vst v63  }
0x4c6: {  	s29 =	sadd.s32 @!p0 $0x180, s26;
	s30 =	simm.s32 @!p0 $0x13000  }
0x4c7: {  	[tilespmem:s30], [sflag:$0x5] =	stream.linear.gather @!p0 [hbm4b:s29+s28], $0x80, $0x38;
	[tilespmem:$0x1A080] =	vst v63  }
0x4c8: {  	v5 =	vsel vm9, $0xFFFFFFFF, v4;
	s29 =	sadd.s32 @!p0 $0x200, s26;
	s30 =	simm.s32 @!p0 $0x13400  }
0x4c9: {  	v5 =	vxor.u32 $0x80000000, v5;
	[tilespmem:s30], [sflag:$0x5] =	stream.linear.gather @!p0 [hbm4b:s29+s28], $0x80, $0x38;
	[tilespmem:$0x1A080] =	vst v63  }
0x4ca: {  	(xrf0) =	vmax.scan.msk.u32 $0xffff, v5;
	s29 =	sadd.s32 @!p0 $0x280, s26;
	s30 =	simm.s32 @!p0 $0x13800  }
0x4cb: {  	[tilespmem:s30], [sflag:$0x5] =	stream.linear.gather @!p0 [hbm4b:s29+s28], $0x80, $0x38;
	[tilespmem:$0x1A080] =	vst v63  }
0x4cc: {  	s29 =	sadd.s32 @!p0 $0x300, s26;
	s30 =	simm.s32 @!p0 $0x13C00  }
0x4cd: {  	[tilespmem:s30], [sflag:$0x5] =	stream.linear.gather @!p0 [hbm4b:s29+s28], $0x80, $0x38;
	[tilespmem:$0x1A080] =	vst v63  }
0x4ce: {  	s29 =	sadd.s32 @!p0 $0x380, s26;
	s30 =	simm.s32 @!p0 $0x14000  }
0x4cf: {  	[tilespmem:s30], [sflag:$0x5] =	stream.linear.gather @!p0 [hbm4b:s29+s28], $0x80, $0x38;
	[tilespmem:$0x1A080] =	vst v63  }
0x4d0: {  	v5, _, _ =	vpop (xrf0);
	s29 =	sadd.s32 @!p0 $0x400, s26;
	s30 =	simm.s32 @!p0 $0x14400  }
0x4d1: {  	(v2sf) =	vpush v5, $0xF;
	[tilespmem:s30], [sflag:$0x5] =	stream.linear.gather @!p0 [hbm4b:s29+s28], $0x80, $0x38;
	[tilespmem:$0x1A080] =	vst v63  }
0x4d2: {  	s29 =	sadd.s32 @!p0 $0x480, s26;
	s30 =	simm.s32 @!p0 $0x14800  }
0x4d3: {  	[tilespmem:s30], [sflag:$0x5] =	stream.linear.gather @!p0 [hbm4b:s29+s28], $0x80, $0x38;
	[tilespmem:$0x1A080] =	vst v63  }
0x4d4: {  	s29 =	sadd.s32 @!p0 $0x500, s26;
	s30 =	simm.s32 @!p0 $0x14C00  }
0x4d5: {  	[tilespmem:s30], [sflag:$0x5] =	stream.linear.gather @!p0 [hbm4b:s29+s28], $0x80, $0x38;
	[tilespmem:$0x1A080] =	vst v63  }
0x4d6: {  	s29 =	sadd.s32 @!p0 $0x580, s26;
	s30 =	simm.s32 @!p0 $0x15000  }
0x4d7: {  	[tilespmem:s30], [sflag:$0x5] =	stream.linear.gather @!p0 [hbm4b:s29+s28], $0x80, $0x38;
	[tilespmem:$0x1A080] =	vst v63  }
0x4d8: {  	s29 =	sadd.s32 @!p0 $0x600, s26;
	s30 =	simm.s32 @!p0 $0x15400  }
0x4d9: {  	[tilespmem:s30], [sflag:$0x5] =	stream.linear.gather @!p0 [hbm4b:s29+s28], $0x80, $0x38;
	[tilespmem:$0x1A080] =	vst v63  }
0x4da: {  	s29 =	sadd.s32 @!p0 $0x680, s26;
	s30 =	simm.s32 @!p0 $0x15800  }
0x4db: {  	[tilespmem:s30], [sflag:$0x5] =	stream.linear.gather @!p0 [hbm4b:s29+s28], $0x80, $0x38;
	[tilespmem:$0x1A080] =	vst v63  }
0x4dc: {  	s29 =	sadd.s32 @!p0 $0x700, s26;
	s30 =	simm.s32 @!p0 $0x15C00  }
0x4dd: {  	[tilespmem:s30], [sflag:$0x5] =	stream.linear.gather @!p0 [hbm4b:s29+s28], $0x80, $0x38;
	[tilespmem:$0x1A080] =	vst v63  }
0x4de: {  	s26 =	sadd.s32 @!p0 $0x780, s26;
	s29 =	simm.s32 @!p0 $0x16000  }
0x4df: {  	[tilespmem:s29], [sflag:$0x5] =	stream.linear.gather @!p0 [hbm4b:s26+s28], $0x80, $0x38;
	[tilespmem:$0x1A080] =	vst v63  }
0x4e0: {  	s26 =	spop (v2sf)  }
0x4e1: {  	p0 =	sgt.s32 s26, $0xFFFFFFFF  }
0x4e2: {  	s28 =	simm.s32 @!p0 $0x0  }
0x4e3: {  	s28 =	simm.s32 @p0 $0x1  }
0x4e4: {  	[smem:$0x7F1] =	sst s28;
	s28 =	sshll.u32 @!p0 s26, $0xB;
	s26 =	sshll.u32 @!p0 s26, $0x7  }
0x4e5: {  	s28 =	sand.u32 @!p0 $0xFFFFC000, s28;
	s26 =	sand.u32 @!p0 $0x380, s26  }
0x4e6: {  	s26 =	sor.u32 @!p0 s26, s28  }
0x4e7: {  	s26 =	sshrl.u32 @!p0 s26, $0x3  }
0x4e8: {  	s29 =	simm.s32 @!p0 $0x16080;
	s28 =	simm.s32 @!p0 $0x0;
	s26 =	sadd.s32 @!p0 s2, s26  }
0x4e9: {  	[tilespmem:s29], [sflag:$0x5] =	stream.linear.gather @!p0 [hbm4b:s26+s28], $0x80, $0x38;
	[tilespmem:$0x1A080] =	vst v63  }
0x4ea: {  	s30 =	simm.s32 @!p0 $0x16480;
	s29 =	sadd.s32 @!p0 $0x80, s26  }
0x4eb: {  	[tilespmem:s30], [sflag:$0x5] =	stream.linear.gather @!p0 [hbm4b:s29+s28], $0x80, $0x38;
	[tilespmem:$0x1A080] =	vst v63  }
0x4ec: {  	s29 =	sadd.s32 @!p0 $0x100, s26;
	s30 =	simm.s32 @!p0 $0x16880  }
0x4ed: {  	[tilespmem:s30], [sflag:$0x5] =	stream.linear.gather @!p0 [hbm4b:s29+s28], $0x80, $0x38;
	[tilespmem:$0x1A080] =	vst v63  }
0x4ee: {  	s29 =	sadd.s32 @!p0 $0x180, s26;
	s30 =	simm.s32 @!p0 $0x16C80  }
0x4ef: {  	[tilespmem:s30], [sflag:$0x5] =	stream.linear.gather @!p0 [hbm4b:s29+s28], $0x80, $0x38;
	[tilespmem:$0x1A080] =	vst v63  }
0x4f0: {  	v5 =	vsel vm10, $0xFFFFFFFF, v4;
	s29 =	sadd.s32 @!p0 $0x200, s26;
	s30 =	simm.s32 @!p0 $0x17080  }
0x4f1: {  	v5 =	vxor.u32 $0x80000000, v5;
	[tilespmem:s30], [sflag:$0x5] =	stream.linear.gather @!p0 [hbm4b:s29+s28], $0x80, $0x38;
	[tilespmem:$0x1A080] =	vst v63  }
0x4f2: {  	(xrf0) =	vmax.scan.msk.u32 $0xffff, v5;
	s29 =	sadd.s32 @!p0 $0x280, s26;
	s30 =	simm.s32 @!p0 $0x17480  }
0x4f3: {  	[tilespmem:s30], [sflag:$0x5] =	stream.linear.gather @!p0 [hbm4b:s29+s28], $0x80, $0x38;
	[tilespmem:$0x1A080] =	vst v63  }
0x4f4: {  	s29 =	sadd.s32 @!p0 $0x300, s26;
	s30 =	simm.s32 @!p0 $0x17880  }
0x4f5: {  	[tilespmem:s30], [sflag:$0x5] =	stream.linear.gather @!p0 [hbm4b:s29+s28], $0x80, $0x38;
	[tilespmem:$0x1A080] =	vst v63  }
0x4f6: {  	s29 =	sadd.s32 @!p0 $0x380, s26;
	s30 =	simm.s32 @!p0 $0x17C80  }
0x4f7: {  	[tilespmem:s30], [sflag:$0x5] =	stream.linear.gather @!p0 [hbm4b:s29+s28], $0x80, $0x38;
	[tilespmem:$0x1A080] =	vst v63  }
0x4f8: {  	v5, _, _ =	vpop (xrf0);
	s29 =	sadd.s32 @!p0 $0x400, s26;
	s30 =	simm.s32 @!p0 $0x18080  }
0x4f9: {  	(v2sf) =	vpush v5, $0xF;
	[tilespmem:s30], [sflag:$0x5] =	stream.linear.gather @!p0 [hbm4b:s29+s28], $0x80, $0x38;
	[tilespmem:$0x1A080] =	vst v63  }
0x4fa: {  	s29 =	sadd.s32 @!p0 $0x480, s26;
	s30 =	simm.s32 @!p0 $0x18480  }
0x4fb: {  	[tilespmem:s30], [sflag:$0x5] =	stream.linear.gather @!p0 [hbm4b:s29+s28], $0x80, $0x38;
	[tilespmem:$0x1A080] =	vst v63  }
0x4fc: {  	s29 =	sadd.s32 @!p0 $0x500, s26;
	s30 =	simm.s32 @!p0 $0x18880  }
0x4fd: {  	[tilespmem:s30], [sflag:$0x5] =	stream.linear.gather @!p0 [hbm4b:s29+s28], $0x80, $0x38;
	[tilespmem:$0x1A080] =	vst v63  }
0x4fe: {  	s29 =	sadd.s32 @!p0 $0x580, s26;
	s30 =	simm.s32 @!p0 $0x18C80  }
0x4ff: {  	[tilespmem:s30], [sflag:$0x5] =	stream.linear.gather @!p0 [hbm4b:s29+s28], $0x80, $0x38;
	[tilespmem:$0x1A080] =	vst v63  }
0x500: {  	s29 =	sadd.s32 @!p0 $0x600, s26;
	s30 =	simm.s32 @!p0 $0x19080  }
0x501: {  	[tilespmem:s30], [sflag:$0x5] =	stream.linear.gather @!p0 [hbm4b:s29+s28], $0x80, $0x38;
	[tilespmem:$0x1A080] =	vst v63  }
0x502: {  	s29 =	sadd.s32 @!p0 $0x680, s26;
	s30 =	simm.s32 @!p0 $0x19480  }
0x503: {  	[tilespmem:s30], [sflag:$0x5] =	stream.linear.gather @!p0 [hbm4b:s29+s28], $0x80, $0x38;
	[tilespmem:$0x1A080] =	vst v63  }
0x504: {  	s29 =	sadd.s32 @!p0 $0x700, s26;
	s30 =	simm.s32 @!p0 $0x19880  }
0x505: {  	[tilespmem:s30], [sflag:$0x5] =	stream.linear.gather @!p0 [hbm4b:s29+s28], $0x80, $0x38;
	[tilespmem:$0x1A080] =	vst v63  }
0x506: {  	s26 =	sadd.s32 @!p0 $0x780, s26;
	s29 =	simm.s32 @!p0 $0x19C80  }
0x507: {  	[tilespmem:s29], [sflag:$0x5] =	stream.linear.gather @!p0 [hbm4b:s26+s28], $0x80, $0x38;
	[tilespmem:$0x1A080] =	vst v63  }
0x508: {  	s26 =	spop (v2sf)  }
0x509: {  	p0 =	sgt.s32 s26, $0xFFFFFFFF  }
0x50a: {  	s28 =	simm.s32 @!p0 $0x0  }
0x50b: {  	s28 =	simm.s32 @p0 $0x1  }
0x50c: {  	[smem:$0x7F2] =	sst s28;
	s28 =	sshll.u32 @!p0 s26, $0xB;
	s26 =	sshll.u32 @!p0 s26, $0x7  }
0x50d: {  	s28 =	sand.u32 @!p0 $0xFFFFC000, s28;
	s26 =	sand.u32 @!p0 $0x380, s26  }
0x50e: {  	s26 =	sor.u32 @!p0 s26, s28  }
0x50f: {  	s26 =	sshrl.u32 @!p0 s26, $0x3  }
0x510: {  	s29 =	simm.s32 @!p0 $0x16100;
	s28 =	simm.s32 @!p0 $0x0;
	s26 =	sadd.s32 @!p0 s2, s26  }
0x511: {  	[tilespmem:s29], [sflag:$0x5] =	stream.linear.gather @!p0 [hbm4b:s26+s28], $0x80, $0x38;
	[tilespmem:$0x1A080] =	vst v63  }
0x512: {  	s30 =	simm.s32 @!p0 $0x16500;
	s29 =	sadd.s32 @!p0 $0x80, s26  }
0x513: {  	[tilespmem:s30], [sflag:$0x5] =	stream.linear.gather @!p0 [hbm4b:s29+s28], $0x80, $0x38;
	[tilespmem:$0x1A080] =	vst v63  }
0x514: {  	s29 =	sadd.s32 @!p0 $0x100, s26;
	s30 =	simm.s32 @!p0 $0x16900  }
0x515: {  	[tilespmem:s30], [sflag:$0x5] =	stream.linear.gather @!p0 [hbm4b:s29+s28], $0x80, $0x38;
	[tilespmem:$0x1A080] =	vst v63  }
0x516: {  	s29 =	sadd.s32 @!p0 $0x180, s26;
	s30 =	simm.s32 @!p0 $0x16D00  }
0x517: {  	[tilespmem:s30], [sflag:$0x5] =	stream.linear.gather @!p0 [hbm4b:s29+s28], $0x80, $0x38;
	[tilespmem:$0x1A080] =	vst v63  }
0x518: {  	v5 =	vsel vm11, $0xFFFFFFFF, v4;
	s29 =	sadd.s32 @!p0 $0x200, s26;
	s30 =	simm.s32 @!p0 $0x17100  }
0x519: {  	v5 =	vxor.u32 $0x80000000, v5;
	[tilespmem:s30], [sflag:$0x5] =	stream.linear.gather @!p0 [hbm4b:s29+s28], $0x80, $0x38;
	[tilespmem:$0x1A080] =	vst v63  }
0x51a: {  	(xrf0) =	vmax.scan.msk.u32 $0xffff, v5;
	s29 =	sadd.s32 @!p0 $0x280, s26;
	s30 =	simm.s32 @!p0 $0x17500  }
0x51b: {  	[tilespmem:s30], [sflag:$0x5] =	stream.linear.gather @!p0 [hbm4b:s29+s28], $0x80, $0x38;
	[tilespmem:$0x1A080] =	vst v63  }
0x51c: {  	s29 =	sadd.s32 @!p0 $0x300, s26;
	s30 =	simm.s32 @!p0 $0x17900  }
0x51d: {  	[tilespmem:s30], [sflag:$0x5] =	stream.linear.gather @!p0 [hbm4b:s29+s28], $0x80, $0x38;
	[tilespmem:$0x1A080] =	vst v63  }
0x51e: {  	s29 =	sadd.s32 @!p0 $0x380, s26;
	s30 =	simm.s32 @!p0 $0x17D00  }
0x51f: {  	[tilespmem:s30], [sflag:$0x5] =	stream.linear.gather @!p0 [hbm4b:s29+s28], $0x80, $0x38;
	[tilespmem:$0x1A080] =	vst v63  }
0x520: {  	v5, _, _ =	vpop (xrf0);
	s29 =	sadd.s32 @!p0 $0x400, s26;
	s30 =	simm.s32 @!p0 $0x18100  }
0x521: {  	(v2sf) =	vpush v5, $0xF;
	[tilespmem:s30], [sflag:$0x5] =	stream.linear.gather @!p0 [hbm4b:s29+s28], $0x80, $0x38;
	[tilespmem:$0x1A080] =	vst v63  }
0x522: {  	s29 =	sadd.s32 @!p0 $0x480, s26;
	s30 =	simm.s32 @!p0 $0x18500  }
0x523: {  	[tilespmem:s30], [sflag:$0x5] =	stream.linear.gather @!p0 [hbm4b:s29+s28], $0x80, $0x38;
	[tilespmem:$0x1A080] =	vst v63  }
0x524: {  	s29 =	sadd.s32 @!p0 $0x500, s26;
	s30 =	simm.s32 @!p0 $0x18900  }
0x525: {  	[tilespmem:s30], [sflag:$0x5] =	stream.linear.gather @!p0 [hbm4b:s29+s28], $0x80, $0x38;
	[tilespmem:$0x1A080] =	vst v63  }
0x526: {  	s29 =	sadd.s32 @!p0 $0x580, s26;
	s30 =	simm.s32 @!p0 $0x18D00  }
0x527: {  	[tilespmem:s30], [sflag:$0x5] =	stream.linear.gather @!p0 [hbm4b:s29+s28], $0x80, $0x38;
	[tilespmem:$0x1A080] =	vst v63  }
0x528: {  	s29 =	sadd.s32 @!p0 $0x600, s26;
	s30 =	simm.s32 @!p0 $0x19100  }
0x529: {  	[tilespmem:s30], [sflag:$0x5] =	stream.linear.gather @!p0 [hbm4b:s29+s28], $0x80, $0x38;
	[tilespmem:$0x1A080] =	vst v63  }
0x52a: {  	s29 =	sadd.s32 @!p0 $0x680, s26;
	s30 =	simm.s32 @!p0 $0x19500  }
0x52b: {  	[tilespmem:s30], [sflag:$0x5] =	stream.linear.gather @!p0 [hbm4b:s29+s28], $0x80, $0x38;
	[tilespmem:$0x1A080] =	vst v63  }
0x52c: {  	s29 =	sadd.s32 @!p0 $0x700, s26;
	s30 =	simm.s32 @!p0 $0x19900  }
0x52d: {  	[tilespmem:s30], [sflag:$0x5] =	stream.linear.gather @!p0 [hbm4b:s29+s28], $0x80, $0x38;
	[tilespmem:$0x1A080] =	vst v63  }
0x52e: {  	s26 =	sadd.s32 @!p0 $0x780, s26;
	s29 =	simm.s32 @!p0 $0x19D00  }
0x52f: {  	[tilespmem:s29], [sflag:$0x5] =	stream.linear.gather @!p0 [hbm4b:s26+s28], $0x80, $0x38;
	[tilespmem:$0x1A080] =	vst v63  }
0x530: {  	s26 =	spop (v2sf)  }
0x531: {  	p5 =	sgt.s32 s26, $0xFFFFFFFF  }
0x532: {  	s28 =	sshll.u32 @!p5 s26, $0xB;
	s26 =	sshll.u32 @!p5 s26, $0x7  }
0x533: {  	s28 =	sand.u32 @!p5 $0xFFFFC000, s28;
	s26 =	sand.u32 @!p5 $0x380, s26  }
0x534: {  	s26 =	sor.u32 @!p5 s26, s28  }
0x535: {  	s26 =	sshrl.u32 @!p5 s26, $0x3  }
0x536: {  	s29 =	simm.s32 @!p5 $0x16180;
	s28 =	simm.s32 @!p5 $0x0;
	s26 =	sadd.s32 @!p5 s2, s26  }
0x537: {  	[tilespmem:s29], [sflag:$0x5] =	stream.linear.gather @!p5 [hbm4b:s26+s28], $0x80, $0x38;
	[tilespmem:$0x1A080] =	vst v63  }
0x538: {  	s30 =	simm.s32 @!p5 $0x16580;
	s29 =	sadd.s32 @!p5 $0x80, s26  }
0x539: {  	[tilespmem:s30], [sflag:$0x5] =	stream.linear.gather @!p5 [hbm4b:s29+s28], $0x80, $0x38;
	[tilespmem:$0x1A080] =	vst v63  }
0x53a: {  	s29 =	sadd.s32 @!p5 $0x100, s26;
	s30 =	simm.s32 @!p5 $0x16980  }
0x53b: {  	[tilespmem:s30], [sflag:$0x5] =	stream.linear.gather @!p5 [hbm4b:s29+s28], $0x80, $0x38;
	[tilespmem:$0x1A080] =	vst v63  }
0x53c: {  	s29 =	sadd.s32 @!p5 $0x180, s26;
	s30 =	simm.s32 @!p5 $0x16D80  }
0x53d: {  	[tilespmem:s30], [sflag:$0x5] =	stream.linear.gather @!p5 [hbm4b:s29+s28], $0x80, $0x38;
	[tilespmem:$0x1A080] =	vst v63  }
0x53e: {  	v5 =	vsel vm12, $0xFFFFFFFF, v4;
	s29 =	sadd.s32 @!p5 $0x200, s26;
	s30 =	simm.s32 @!p5 $0x17180  }
0x53f: {  	v5 =	vxor.u32 $0x80000000, v5;
	[tilespmem:s30], [sflag:$0x5] =	stream.linear.gather @!p5 [hbm4b:s29+s28], $0x80, $0x38;
	[tilespmem:$0x1A080] =	vst v63  }
0x540: {  	(xrf0) =	vmax.scan.msk.u32 $0xffff, v5;
	s29 =	sadd.s32 @!p5 $0x280, s26;
	s30 =	simm.s32 @!p5 $0x17580  }
0x541: {  	[tilespmem:s30], [sflag:$0x5] =	stream.linear.gather @!p5 [hbm4b:s29+s28], $0x80, $0x38;
	[tilespmem:$0x1A080] =	vst v63  }
0x542: {  	s29 =	sadd.s32 @!p5 $0x300, s26;
	s30 =	simm.s32 @!p5 $0x17980  }
0x543: {  	[tilespmem:s30], [sflag:$0x5] =	stream.linear.gather @!p5 [hbm4b:s29+s28], $0x80, $0x38;
	[tilespmem:$0x1A080] =	vst v63  }
0x544: {  	s29 =	sadd.s32 @!p5 $0x380, s26;
	s30 =	simm.s32 @!p5 $0x17D80  }
0x545: {  	[tilespmem:s30], [sflag:$0x5] =	stream.linear.gather @!p5 [hbm4b:s29+s28], $0x80, $0x38;
	[tilespmem:$0x1A080] =	vst v63  }
0x546: {  	v5, _, _ =	vpop (xrf0);
	s29 =	sadd.s32 @!p5 $0x400, s26;
	s30 =	simm.s32 @!p5 $0x18180  }
0x547: {  	(v2sf) =	vpush v5, $0xF;
	[tilespmem:s30], [sflag:$0x5] =	stream.linear.gather @!p5 [hbm4b:s29+s28], $0x80, $0x38;
	[tilespmem:$0x1A080] =	vst v63  }
0x548: {  	s29 =	sadd.s32 @!p5 $0x480, s26;
	s30 =	simm.s32 @!p5 $0x18580  }
0x549: {  	[tilespmem:s30], [sflag:$0x5] =	stream.linear.gather @!p5 [hbm4b:s29+s28], $0x80, $0x38;
	[tilespmem:$0x1A080] =	vst v63  }
0x54a: {  	s29 =	sadd.s32 @!p5 $0x500, s26;
	s30 =	simm.s32 @!p5 $0x18980  }
0x54b: {  	[tilespmem:s30], [sflag:$0x5] =	stream.linear.gather @!p5 [hbm4b:s29+s28], $0x80, $0x38;
	[tilespmem:$0x1A080] =	vst v63  }
0x54c: {  	s29 =	sadd.s32 @!p5 $0x580, s26;
	s30 =	simm.s32 @!p5 $0x18D80  }
0x54d: {  	[tilespmem:s30], [sflag:$0x5] =	stream.linear.gather @!p5 [hbm4b:s29+s28], $0x80, $0x38;
	[tilespmem:$0x1A080] =	vst v63  }
0x54e: {  	s29 =	sadd.s32 @!p5 $0x600, s26;
	s30 =	simm.s32 @!p5 $0x19180  }
0x54f: {  	[tilespmem:s30], [sflag:$0x5] =	stream.linear.gather @!p5 [hbm4b:s29+s28], $0x80, $0x38;
	[tilespmem:$0x1A080] =	vst v63  }
0x550: {  	s29 =	sadd.s32 @!p5 $0x680, s26;
	s30 =	simm.s32 @!p5 $0x19580  }
0x551: {  	[tilespmem:s30], [sflag:$0x5] =	stream.linear.gather @!p5 [hbm4b:s29+s28], $0x80, $0x38;
	[tilespmem:$0x1A080] =	vst v63  }
0x552: {  	s29 =	sadd.s32 @!p5 $0x700, s26;
	s30 =	simm.s32 @!p5 $0x19980  }
0x553: {  	[tilespmem:s30], [sflag:$0x5] =	stream.linear.gather @!p5 [hbm4b:s29+s28], $0x80, $0x38;
	[tilespmem:$0x1A080] =	vst v63  }
0x554: {  	s26 =	sadd.s32 @!p5 $0x780, s26;
	s29 =	simm.s32 @!p5 $0x19D80  }
0x555: {  	[tilespmem:s29], [sflag:$0x5] =	stream.linear.gather @!p5 [hbm4b:s26+s28], $0x80, $0x38;
	[tilespmem:$0x1A080] =	vst v63  }
0x556: {  	s26 =	spop (v2sf)  }
0x557: {  	p6 =	sgt.s32 s26, $0xFFFFFFFF  }
0x558: {  	s28 =	sshll.u32 @!p6 s26, $0xB;
	s26 =	sshll.u32 @!p6 s26, $0x7  }
0x559: {  	s28 =	sand.u32 @!p6 $0xFFFFC000, s28;
	s26 =	sand.u32 @!p6 $0x380, s26  }
0x55a: {  	s26 =	sor.u32 @!p6 s26, s28  }
0x55b: {  	s26 =	sshrl.u32 @!p6 s26, $0x3  }
0x55c: {  	s29 =	simm.s32 @!p6 $0x16200;
	s28 =	simm.s32 @!p6 $0x0;
	s26 =	sadd.s32 @!p6 s2, s26  }
0x55d: {  	[tilespmem:s29], [sflag:$0x5] =	stream.linear.gather @!p6 [hbm4b:s26+s28], $0x80, $0x38;
	[tilespmem:$0x1A080] =	vst v63  }
0x55e: {  	s30 =	simm.s32 @!p6 $0x16600;
	s29 =	sadd.s32 @!p6 $0x80, s26  }
0x55f: {  	[tilespmem:s30], [sflag:$0x5] =	stream.linear.gather @!p6 [hbm4b:s29+s28], $0x80, $0x38;
	[tilespmem:$0x1A080] =	vst v63  }
0x560: {  	s29 =	sadd.s32 @!p6 $0x100, s26;
	s30 =	simm.s32 @!p6 $0x16A00  }
0x561: {  	[tilespmem:s30], [sflag:$0x5] =	stream.linear.gather @!p6 [hbm4b:s29+s28], $0x80, $0x38;
	[tilespmem:$0x1A080] =	vst v63  }
0x562: {  	s29 =	sadd.s32 @!p6 $0x180, s26;
	s30 =	simm.s32 @!p6 $0x16E00  }
0x563: {  	[tilespmem:s30], [sflag:$0x5] =	stream.linear.gather @!p6 [hbm4b:s29+s28], $0x80, $0x38;
	[tilespmem:$0x1A080] =	vst v63  }
0x564: {  	v5 =	vsel vm13, $0xFFFFFFFF, v4;
	s29 =	sadd.s32 @!p6 $0x200, s26;
	s30 =	simm.s32 @!p6 $0x17200  }
0x565: {  	v5 =	vxor.u32 $0x80000000, v5;
	[tilespmem:s30], [sflag:$0x5] =	stream.linear.gather @!p6 [hbm4b:s29+s28], $0x80, $0x38;
	[tilespmem:$0x1A080] =	vst v63  }
0x566: {  	(xrf0) =	vmax.scan.msk.u32 $0xffff, v5;
	s29 =	sadd.s32 @!p6 $0x280, s26;
	s30 =	simm.s32 @!p6 $0x17600  }
0x567: {  	[tilespmem:s30], [sflag:$0x5] =	stream.linear.gather @!p6 [hbm4b:s29+s28], $0x80, $0x38;
	[tilespmem:$0x1A080] =	vst v63  }
0x568: {  	s29 =	sadd.s32 @!p6 $0x300, s26;
	s30 =	simm.s32 @!p6 $0x17A00  }
0x569: {  	[tilespmem:s30], [sflag:$0x5] =	stream.linear.gather @!p6 [hbm4b:s29+s28], $0x80, $0x38;
	[tilespmem:$0x1A080] =	vst v63  }
0x56a: {  	s29 =	sadd.s32 @!p6 $0x380, s26;
	s30 =	simm.s32 @!p6 $0x17E00  }
0x56b: {  	[tilespmem:s30], [sflag:$0x5] =	stream.linear.gather @!p6 [hbm4b:s29+s28], $0x80, $0x38;
	[tilespmem:$0x1A080] =	vst v63  }
0x56c: {  	v5, _, _ =	vpop (xrf0);
	s29 =	sadd.s32 @!p6 $0x400, s26;
	s30 =	simm.s32 @!p6 $0x18200  }
0x56d: {  	(v2sf) =	vpush v5, $0xF;
	[tilespmem:s30], [sflag:$0x5] =	stream.linear.gather @!p6 [hbm4b:s29+s28], $0x80, $0x38;
	[tilespmem:$0x1A080] =	vst v63  }
0x56e: {  	s29 =	sadd.s32 @!p6 $0x480, s26;
	s30 =	simm.s32 @!p6 $0x18600  }
0x56f: {  	[tilespmem:s30], [sflag:$0x5] =	stream.linear.gather @!p6 [hbm4b:s29+s28], $0x80, $0x38;
	[tilespmem:$0x1A080] =	vst v63  }
0x570: {  	s29 =	sadd.s32 @!p6 $0x500, s26;
	s30 =	simm.s32 @!p6 $0x18A00  }
0x571: {  	[tilespmem:s30], [sflag:$0x5] =	stream.linear.gather @!p6 [hbm4b:s29+s28], $0x80, $0x38;
	[tilespmem:$0x1A080] =	vst v63  }
0x572: {  	s29 =	sadd.s32 @!p6 $0x580, s26;
	s30 =	simm.s32 @!p6 $0x18E00  }
0x573: {  	[tilespmem:s30], [sflag:$0x5] =	stream.linear.gather @!p6 [hbm4b:s29+s28], $0x80, $0x38;
	[tilespmem:$0x1A080] =	vst v63  }
0x574: {  	s29 =	sadd.s32 @!p6 $0x600, s26;
	s30 =	simm.s32 @!p6 $0x19200  }
0x575: {  	[tilespmem:s30], [sflag:$0x5] =	stream.linear.gather @!p6 [hbm4b:s29+s28], $0x80, $0x38;
	[tilespmem:$0x1A080] =	vst v63  }
0x576: {  	s29 =	sadd.s32 @!p6 $0x680, s26;
	s30 =	simm.s32 @!p6 $0x19600  }
0x577: {  	[tilespmem:s30], [sflag:$0x5] =	stream.linear.gather @!p6 [hbm4b:s29+s28], $0x80, $0x38;
	[tilespmem:$0x1A080] =	vst v63  }
0x578: {  	s29 =	sadd.s32 @!p6 $0x700, s26;
	s30 =	simm.s32 @!p6 $0x19A00  }
0x579: {  	[tilespmem:s30], [sflag:$0x5] =	stream.linear.gather @!p6 [hbm4b:s29+s28], $0x80, $0x38;
	[tilespmem:$0x1A080] =	vst v63  }
0x57a: {  	s26 =	sadd.s32 @!p6 $0x780, s26;
	s29 =	simm.s32 @!p6 $0x19E00  }
0x57b: {  	[tilespmem:s29], [sflag:$0x5] =	stream.linear.gather @!p6 [hbm4b:s26+s28], $0x80, $0x38;
	[tilespmem:$0x1A080] =	vst v63  }
0x57c: {  	s26 =	spop (v2sf)  }
0x57d: {  	p3 =	sgt.s32 s26, $0xFFFFFFFF  }
0x57e: {  	s28 =	sshll.u32 @!p3 s26, $0xB;
	s26 =	sshll.u32 @!p3 s26, $0x7  }
0x57f: {  	s28 =	sand.u32 @!p3 $0xFFFFC000, s28;
	s26 =	sand.u32 @!p3 $0x380, s26  }
0x580: {  	s26 =	sor.u32 @!p3 s26, s28  }
0x581: {  	s26 =	sshrl.u32 @!p3 s26, $0x3  }
0x582: {  	s29 =	simm.s32 @!p3 $0x16280;
	s28 =	simm.s32 @!p3 $0x0;
	s26 =	sadd.s32 @!p3 s2, s26  }
0x583: {  	[tilespmem:s29], [sflag:$0x5] =	stream.linear.gather @!p3 [hbm4b:s26+s28], $0x80, $0x38;
	[tilespmem:$0x1A080] =	vst v63  }
0x584: {  	s30 =	simm.s32 @!p3 $0x16680;
	s29 =	sadd.s32 @!p3 $0x80, s26  }
0x585: {  	[tilespmem:s30], [sflag:$0x5] =	stream.linear.gather @!p3 [hbm4b:s29+s28], $0x80, $0x38;
	[tilespmem:$0x1A080] =	vst v63  }
0x586: {  	s29 =	sadd.s32 @!p3 $0x100, s26;
	s30 =	simm.s32 @!p3 $0x16A80  }
0x587: {  	[tilespmem:s30], [sflag:$0x5] =	stream.linear.gather @!p3 [hbm4b:s29+s28], $0x80, $0x38;
	[tilespmem:$0x1A080] =	vst v63  }
0x588: {  	s29 =	sadd.s32 @!p3 $0x180, s26;
	s30 =	simm.s32 @!p3 $0x16E80  }
0x589: {  	[tilespmem:s30], [sflag:$0x5] =	stream.linear.gather @!p3 [hbm4b:s29+s28], $0x80, $0x38;
	[tilespmem:$0x1A080] =	vst v63  }
0x58a: {  	v5 =	vsel vm14, $0xFFFFFFFF, v4;
	s29 =	sadd.s32 @!p3 $0x200, s26;
	s30 =	simm.s32 @!p3 $0x17280  }
0x58b: {  	v5 =	vxor.u32 $0x80000000, v5;
	[tilespmem:s30], [sflag:$0x5] =	stream.linear.gather @!p3 [hbm4b:s29+s28], $0x80, $0x38;
	[tilespmem:$0x1A080] =	vst v63  }
0x58c: {  	(xrf0) =	vmax.scan.msk.u32 $0xffff, v5;
	s29 =	sadd.s32 @!p3 $0x280, s26;
	s30 =	simm.s32 @!p3 $0x17680  }
0x58d: {  	[tilespmem:s30], [sflag:$0x5] =	stream.linear.gather @!p3 [hbm4b:s29+s28], $0x80, $0x38;
	[tilespmem:$0x1A080] =	vst v63  }
0x58e: {  	s29 =	sadd.s32 @!p3 $0x300, s26;
	s30 =	simm.s32 @!p3 $0x17A80  }
0x58f: {  	[tilespmem:s30], [sflag:$0x5] =	stream.linear.gather @!p3 [hbm4b:s29+s28], $0x80, $0x38;
	[tilespmem:$0x1A080] =	vst v63  }
0x590: {  	s29 =	sadd.s32 @!p3 $0x380, s26;
	s30 =	simm.s32 @!p3 $0x17E80  }
0x591: {  	[tilespmem:s30], [sflag:$0x5] =	stream.linear.gather @!p3 [hbm4b:s29+s28], $0x80, $0x38;
	[tilespmem:$0x1A080] =	vst v63  }
0x592: {  	v5, _, _ =	vpop (xrf0);
	s29 =	sadd.s32 @!p3 $0x400, s26;
	s30 =	simm.s32 @!p3 $0x18280  }
0x593: {  	(v2sf) =	vpush v5, $0xF;
	[tilespmem:s30], [sflag:$0x5] =	stream.linear.gather @!p3 [hbm4b:s29+s28], $0x80, $0x38;
	[tilespmem:$0x1A080] =	vst v63  }
0x594: {  	s29 =	sadd.s32 @!p3 $0x480, s26;
	s30 =	simm.s32 @!p3 $0x18680  }
0x595: {  	[tilespmem:s30], [sflag:$0x5] =	stream.linear.gather @!p3 [hbm4b:s29+s28], $0x80, $0x38;
	[tilespmem:$0x1A080] =	vst v63  }
0x596: {  	s29 =	sadd.s32 @!p3 $0x500, s26;
	s30 =	simm.s32 @!p3 $0x18A80  }
0x597: {  	[tilespmem:s30], [sflag:$0x5] =	stream.linear.gather @!p3 [hbm4b:s29+s28], $0x80, $0x38;
	[tilespmem:$0x1A080] =	vst v63  }
0x598: {  	s29 =	sadd.s32 @!p3 $0x580, s26;
	s30 =	simm.s32 @!p3 $0x18E80  }
0x599: {  	[tilespmem:s30], [sflag:$0x5] =	stream.linear.gather @!p3 [hbm4b:s29+s28], $0x80, $0x38;
	[tilespmem:$0x1A080] =	vst v63  }
0x59a: {  	s29 =	sadd.s32 @!p3 $0x600, s26;
	s30 =	simm.s32 @!p3 $0x19280  }
0x59b: {  	[tilespmem:s30], [sflag:$0x5] =	stream.linear.gather @!p3 [hbm4b:s29+s28], $0x80, $0x38;
	[tilespmem:$0x1A080] =	vst v63  }
0x59c: {  	s29 =	sadd.s32 @!p3 $0x680, s26;
	s30 =	simm.s32 @!p3 $0x19680  }
0x59d: {  	[tilespmem:s30], [sflag:$0x5] =	stream.linear.gather @!p3 [hbm4b:s29+s28], $0x80, $0x38;
	[tilespmem:$0x1A080] =	vst v63  }
0x59e: {  	s29 =	sadd.s32 @!p3 $0x700, s26;
	s30 =	simm.s32 @!p3 $0x19A80  }
0x59f: {  	[tilespmem:s30], [sflag:$0x5] =	stream.linear.gather @!p3 [hbm4b:s29+s28], $0x80, $0x38;
	[tilespmem:$0x1A080] =	vst v63  }
0x5a0: {  	s26 =	sadd.s32 @!p3 $0x780, s26;
	s29 =	simm.s32 @!p3 $0x19E80  }
0x5a1: {  	[tilespmem:s29], [sflag:$0x5] =	stream.linear.gather @!p3 [hbm4b:s26+s28], $0x80, $0x38;
	[tilespmem:$0x1A080] =	vst v63  }
0x5a2: {  	s26 =	spop (v2sf)  }
0x5a3: {  	p2 =	sgt.s32 s26, $0xFFFFFFFF  }
0x5a4: {  	s28 =	sshll.u32 @!p2 s26, $0xB;
	s26 =	sshll.u32 @!p2 s26, $0x7  }
0x5a5: {  	s28 =	sand.u32 @!p2 $0xFFFFC000, s28;
	s26 =	sand.u32 @!p2 $0x380, s26  }
0x5a6: {  	s26 =	sor.u32 @!p2 s26, s28  }
0x5a7: {  	s26 =	sshrl.u32 @!p2 s26, $0x3  }
0x5a8: {  	s29 =	simm.s32 @!p2 $0x16300;
	s28 =	simm.s32 @!p2 $0x0;
	s26 =	sadd.s32 @!p2 s2, s26  }
0x5a9: {  	[tilespmem:s29], [sflag:$0x5] =	stream.linear.gather @!p2 [hbm4b:s26+s28], $0x80, $0x38;
	[tilespmem:$0x1A080] =	vst v63  }
0x5aa: {  	s30 =	simm.s32 @!p2 $0x16700;
	s29 =	sadd.s32 @!p2 $0x80, s26  }
0x5ab: {  	[tilespmem:s30], [sflag:$0x5] =	stream.linear.gather @!p2 [hbm4b:s29+s28], $0x80, $0x38;
	[tilespmem:$0x1A080] =	vst v63  }
0x5ac: {  	s29 =	sadd.s32 @!p2 $0x100, s26;
	s30 =	simm.s32 @!p2 $0x16B00  }
0x5ad: {  	[tilespmem:s30], [sflag:$0x5] =	stream.linear.gather @!p2 [hbm4b:s29+s28], $0x80, $0x38;
	[tilespmem:$0x1A080] =	vst v63  }
0x5ae: {  	s29 =	sadd.s32 @!p2 $0x180, s26;
	s30 =	simm.s32 @!p2 $0x16F00  }
0x5af: {  	[tilespmem:s30], [sflag:$0x5] =	stream.linear.gather @!p2 [hbm4b:s29+s28], $0x80, $0x38;
	[tilespmem:$0x1A080] =	vst v63  }
0x5b0: {  	v5 =	vsel vm15, $0xFFFFFFFF, v4;
	s29 =	sadd.s32 @!p2 $0x200, s26;
	s30 =	simm.s32 @!p2 $0x17300  }
0x5b1: {  	v5 =	vxor.u32 $0x80000000, v5;
	[tilespmem:s30], [sflag:$0x5] =	stream.linear.gather @!p2 [hbm4b:s29+s28], $0x80, $0x38;
	[tilespmem:$0x1A080] =	vst v63  }
0x5b2: {  	(xrf0) =	vmax.scan.msk.u32 $0xffff, v5;
	s29 =	sadd.s32 @!p2 $0x280, s26;
	s30 =	simm.s32 @!p2 $0x17700  }
0x5b3: {  	[tilespmem:s30], [sflag:$0x5] =	stream.linear.gather @!p2 [hbm4b:s29+s28], $0x80, $0x38;
	[tilespmem:$0x1A080] =	vst v63  }
0x5b4: {  	s29 =	sadd.s32 @!p2 $0x300, s26;
	s30 =	simm.s32 @!p2 $0x17B00  }
0x5b5: {  	[tilespmem:s30], [sflag:$0x5] =	stream.linear.gather @!p2 [hbm4b:s29+s28], $0x80, $0x38;
	[tilespmem:$0x1A080] =	vst v63  }
0x5b6: {  	s29 =	sadd.s32 @!p2 $0x380, s26;
	s30 =	simm.s32 @!p2 $0x17F00  }
0x5b7: {  	[tilespmem:s30], [sflag:$0x5] =	stream.linear.gather @!p2 [hbm4b:s29+s28], $0x80, $0x38;
	[tilespmem:$0x1A080] =	vst v63  }
0x5b8: {  	v5, _, _ =	vpop (xrf0);
	s29 =	sadd.s32 @!p2 $0x400, s26;
	s30 =	simm.s32 @!p2 $0x18300  }
0x5b9: {  	(v2sf) =	vpush v5, $0xF;
	[tilespmem:s30], [sflag:$0x5] =	stream.linear.gather @!p2 [hbm4b:s29+s28], $0x80, $0x38;
	[tilespmem:$0x1A080] =	vst v63  }
0x5ba: {  	s29 =	sadd.s32 @!p2 $0x480, s26;
	s30 =	simm.s32 @!p2 $0x18700  }
0x5bb: {  	[tilespmem:s30], [sflag:$0x5] =	stream.linear.gather @!p2 [hbm4b:s29+s28], $0x80, $0x38;
	[tilespmem:$0x1A080] =	vst v63  }
0x5bc: {  	s29 =	sadd.s32 @!p2 $0x500, s26;
	s30 =	simm.s32 @!p2 $0x18B00  }
0x5bd: {  	[tilespmem:s30], [sflag:$0x5] =	stream.linear.gather @!p2 [hbm4b:s29+s28], $0x80, $0x38;
	[tilespmem:$0x1A080] =	vst v63  }
0x5be: {  	s29 =	sadd.s32 @!p2 $0x580, s26;
	s30 =	simm.s32 @!p2 $0x18F00  }
0x5bf: {  	[tilespmem:s30], [sflag:$0x5] =	stream.linear.gather @!p2 [hbm4b:s29+s28], $0x80, $0x38;
	[tilespmem:$0x1A080] =	vst v63  }
0x5c0: {  	s29 =	sadd.s32 @!p2 $0x600, s26;
	s30 =	simm.s32 @!p2 $0x19300  }
0x5c1: {  	[tilespmem:s30], [sflag:$0x5] =	stream.linear.gather @!p2 [hbm4b:s29+s28], $0x80, $0x38;
	[tilespmem:$0x1A080] =	vst v63  }
0x5c2: {  	s29 =	sadd.s32 @!p2 $0x680, s26;
	s30 =	simm.s32 @!p2 $0x19700  }
0x5c3: {  	[tilespmem:s30], [sflag:$0x5] =	stream.linear.gather @!p2 [hbm4b:s29+s28], $0x80, $0x38;
	[tilespmem:$0x1A080] =	vst v63  }
0x5c4: {  	s29 =	sadd.s32 @!p2 $0x700, s26;
	s30 =	simm.s32 @!p2 $0x19B00  }
0x5c5: {  	[tilespmem:s30], [sflag:$0x5] =	stream.linear.gather @!p2 [hbm4b:s29+s28], $0x80, $0x38;
	[tilespmem:$0x1A080] =	vst v63  }
0x5c6: {  	s26 =	sadd.s32 @!p2 $0x780, s26;
	s29 =	simm.s32 @!p2 $0x19F00  }
0x5c7: {  	[tilespmem:s29], [sflag:$0x5] =	stream.linear.gather @!p2 [hbm4b:s26+s28], $0x80, $0x38;
	[tilespmem:$0x1A080] =	vst v63  }
0x5c8: {  	s26 =	spop (v2sf);
	s28 =	simm.s32 @!p1 $0x0  }
0x5c9: {  	s28 =	simm.s32 @p1 $0x1;
	p1 =	sgt.s32 s26, $0xFFFFFFFF  }
0x5ca: {  	[smem:$0x7F3] =	sst s28;
	s28 =	sshll.u32 @!p1 s26, $0xB;
	s26 =	sshll.u32 @!p1 s26, $0x7  }
0x5cb: {  	s28 =	sand.u32 @!p1 $0xFFFFC000, s28;
	s26 =	sand.u32 @!p1 $0x380, s26  }
0x5cc: {  	s26 =	sor.u32 @!p1 s26, s28  }
0x5cd: {  	s26 =	sshrl.u32 @!p1 s26, $0x3  }
0x5ce: {  	s29 =	simm.s32 @!p1 $0x16380;
	s28 =	simm.s32 @!p1 $0x0;
	s26 =	sadd.s32 @!p1 s2, s26  }
0x5cf: {  	[tilespmem:s29], [sflag:$0x5] =	stream.linear.gather @!p1 [hbm4b:s26+s28], $0x80, $0x38;
	[tilespmem:$0x1A080] =	vst v63  }
0x5d0: {  	s30 =	simm.s32 @!p1 $0x16780;
	s29 =	sadd.s32 @!p1 $0x80, s26  }
0x5d1: {  	[tilespmem:s30], [sflag:$0x5] =	stream.linear.gather @!p1 [hbm4b:s29+s28], $0x80, $0x38;
	[tilespmem:$0x1A080] =	vst v63  }
0x5d2: {  	s29 =	sadd.s32 @!p1 $0x100, s26;
	s30 =	simm.s32 @!p1 $0x16B80  }
0x5d3: {  	[tilespmem:s30], [sflag:$0x5] =	stream.linear.gather @!p1 [hbm4b:s29+s28], $0x80, $0x38;
	[tilespmem:$0x1A080] =	vst v63  }
0x5d4: {  	s29 =	sadd.s32 @!p1 $0x180, s26;
	s30 =	simm.s32 @!p1 $0x16F80  }
0x5d5: {  	[tilespmem:s30], [sflag:$0x5] =	stream.linear.gather @!p1 [hbm4b:s29+s28], $0x80, $0x38;
	[tilespmem:$0x1A080] =	vst v63  }
0x5d6: {  	v4 =	vsel vm2, $0xFFFFFFFF, v4;
	s29 =	sadd.s32 @!p1 $0x200, s26;
	s30 =	simm.s32 @!p1 $0x17380  }
0x5d7: {  	v4 =	vxor.u32 $0x80000000, v4;
	[tilespmem:s30], [sflag:$0x5] =	stream.linear.gather @!p1 [hbm4b:s29+s28], $0x80, $0x38;
	[tilespmem:$0x1A080] =	vst v63  }
0x5d8: {  	(xrf0) =	vmax.scan.msk.u32 $0xffff, v4;
	s29 =	sadd.s32 @!p1 $0x280, s26;
	s30 =	simm.s32 @!p1 $0x17780  }
0x5d9: {  	[tilespmem:s30], [sflag:$0x5] =	stream.linear.gather @!p1 [hbm4b:s29+s28], $0x80, $0x38;
	[tilespmem:$0x1A080] =	vst v63  }
0x5da: {  	s29 =	sadd.s32 @!p1 $0x300, s26;
	s30 =	simm.s32 @!p1 $0x17B80  }
0x5db: {  	[tilespmem:s30], [sflag:$0x5] =	stream.linear.gather @!p1 [hbm4b:s29+s28], $0x80, $0x38;
	[tilespmem:$0x1A080] =	vst v63  }
0x5dc: {  	s29 =	sadd.s32 @!p1 $0x380, s26;
	s30 =	simm.s32 @!p1 $0x17F80  }
0x5dd: {  	[tilespmem:s30], [sflag:$0x5] =	stream.linear.gather @!p1 [hbm4b:s29+s28], $0x80, $0x38;
	[tilespmem:$0x1A080] =	vst v63  }
0x5de: {  	v4, _, _ =	vpop (xrf0);
	s29 =	sadd.s32 @!p1 $0x400, s26;
	s30 =	simm.s32 @!p1 $0x18380  }
0x5df: {  	(v2sf) =	vpush v4, $0xF;
	[tilespmem:s30], [sflag:$0x5] =	stream.linear.gather @!p1 [hbm4b:s29+s28], $0x80, $0x38;
	[tilespmem:$0x1A080] =	vst v63  }
0x5e0: {  	s29 =	sadd.s32 @!p1 $0x480, s26;
	s30 =	simm.s32 @!p1 $0x18780  }
0x5e1: {  	[tilespmem:s30], [sflag:$0x5] =	stream.linear.gather @!p1 [hbm4b:s29+s28], $0x80, $0x38;
	[tilespmem:$0x1A080] =	vst v63  }
0x5e2: {  	s29 =	sadd.s32 @!p1 $0x500, s26;
	s30 =	simm.s32 @!p1 $0x18B80  }
0x5e3: {  	[tilespmem:s30], [sflag:$0x5] =	stream.linear.gather @!p1 [hbm4b:s29+s28], $0x80, $0x38;
	[tilespmem:$0x1A080] =	vst v63  }
0x5e4: {  	s29 =	sadd.s32 @!p1 $0x580, s26;
	s30 =	simm.s32 @!p1 $0x18F80  }
0x5e5: {  	[tilespmem:s30], [sflag:$0x5] =	stream.linear.gather @!p1 [hbm4b:s29+s28], $0x80, $0x38;
	[tilespmem:$0x1A080] =	vst v63  }
0x5e6: {  	s29 =	sadd.s32 @!p1 $0x600, s26;
	s30 =	simm.s32 @!p1 $0x19380  }
0x5e7: {  	[tilespmem:s30], [sflag:$0x5] =	stream.linear.gather @!p1 [hbm4b:s29+s28], $0x80, $0x38;
	[tilespmem:$0x1A080] =	vst v63  }
0x5e8: {  	s29 =	sadd.s32 @!p1 $0x680, s26;
	s30 =	simm.s32 @!p1 $0x19780  }
0x5e9: {  	[tilespmem:s30], [sflag:$0x5] =	stream.linear.gather @!p1 [hbm4b:s29+s28], $0x80, $0x38;
	[tilespmem:$0x1A080] =	vst v63  }
0x5ea: {  	s29 =	sadd.s32 @!p1 $0x700, s26;
	s30 =	simm.s32 @!p1 $0x19B80  }
0x5eb: {  	[tilespmem:s30], [sflag:$0x5] =	stream.linear.gather @!p1 [hbm4b:s29+s28], $0x80, $0x38;
	[tilespmem:$0x1A080] =	vst v63  }
0x5ec: {  	s26 =	sadd.s32 @!p1 $0x780, s26;
	s29 =	simm.s32 @!p1 $0x19F80  }
0x5ed: {  	[tilespmem:s29], [sflag:$0x5] =	stream.linear.gather @!p1 [hbm4b:s26+s28], $0x80, $0x38;
	[tilespmem:$0x1A080] =	vst v63  }
0x5ee: {  	s26 =	spop (v2sf)  }
0x5ef: {  	p0 =	sgt.s32 s26, $0xFFFFFFFF  }
0x5f0: {  	s28 =	sshll.u32 @!p0 s26, $0xB;
	s26 =	sshll.u32 @!p0 s26, $0x7  }
0x5f1: {  	s28 =	sand.u32 @!p0 $0xFFFFC000, s28;
	s26 =	sand.u32 @!p0 $0x380, s26  }
0x5f2: {  	s26 =	sor.u32 @!p0 s26, s28  }
0x5f3: {  	s26 =	sshrl.u32 @!p0 s26, $0x3  }
0x5f4: {  	s29 =	simm.s32 @!p0 $0x16400;
	s28 =	simm.s32 @!p0 $0x0;
	s26 =	sadd.s32 @!p0 s2, s26  }
0x5f5: {  	[tilespmem:s29], [sflag:$0x5] =	stream.linear.gather @!p0 [hbm4b:s26+s28], $0x80, $0x38;
	[tilespmem:$0x1A080] =	vst v63  }
0x5f6: {  	s30 =	simm.s32 @!p0 $0x16800;
	s29 =	sadd.s32 @!p0 $0x80, s26  }
0x5f7: {  	[tilespmem:s30], [sflag:$0x5] =	stream.linear.gather @!p0 [hbm4b:s29+s28], $0x80, $0x38;
	[tilespmem:$0x1A080] =	vst v63  }
0x5f8: {  	s29 =	sadd.s32 @!p0 $0x100, s26;
	s30 =	simm.s32 @!p0 $0x16C00  }
0x5f9: {  	[tilespmem:s30], [sflag:$0x5] =	stream.linear.gather @!p0 [hbm4b:s29+s28], $0x80, $0x38;
	[tilespmem:$0x1A080] =	vst v63  }
0x5fa: {  	s29 =	sadd.s32 @!p0 $0x180, s26;
	s30 =	simm.s32 @!p0 $0x17000  }
0x5fb: {  	[tilespmem:s30], [sflag:$0x5] =	stream.linear.gather @!p0 [hbm4b:s29+s28], $0x80, $0x38;
	[tilespmem:$0x1A080] =	vst v63  }
0x5fc: {  	s29 =	sadd.s32 @!p0 $0x200, s26;
	s30 =	simm.s32 @!p0 $0x17400  }
0x5fd: {  	[tilespmem:s30], [sflag:$0x5] =	stream.linear.gather @!p0 [hbm4b:s29+s28], $0x80, $0x38;
	[tilespmem:$0x1A080] =	vst v63  }
0x5fe: {  	s29 =	sadd.s32 @!p0 $0x280, s26;
	s30 =	simm.s32 @!p0 $0x17800  }
0x5ff: {  	[tilespmem:s30], [sflag:$0x5] =	stream.linear.gather @!p0 [hbm4b:s29+s28], $0x80, $0x38;
	[tilespmem:$0x1A080] =	vst v63  }
0x600: {  	s29 =	sadd.s32 @!p0 $0x300, s26;
	s30 =	simm.s32 @!p0 $0x17C00  }
0x601: {  	[tilespmem:s30], [sflag:$0x5] =	stream.linear.gather @!p0 [hbm4b:s29+s28], $0x80, $0x38;
	[tilespmem:$0x1A080] =	vst v63  }
0x602: {  	s29 =	sadd.s32 @!p0 $0x380, s26;
	s30 =	simm.s32 @!p0 $0x18000  }
0x603: {  	[tilespmem:s30], [sflag:$0x5] =	stream.linear.gather @!p0 [hbm4b:s29+s28], $0x80, $0x38;
	[tilespmem:$0x1A080] =	vst v63  }
0x604: {  	s29 =	sadd.s32 @!p0 $0x400, s26;
	s30 =	simm.s32 @!p0 $0x18400  }
0x605: {  	[tilespmem:s30], [sflag:$0x5] =	stream.linear.gather @!p0 [hbm4b:s29+s28], $0x80, $0x38;
	[tilespmem:$0x1A080] =	vst v63  }
0x606: {  	s29 =	sadd.s32 @!p0 $0x480, s26;
	s30 =	simm.s32 @!p0 $0x18800  }
0x607: {  	[tilespmem:s30], [sflag:$0x5] =	stream.linear.gather @!p0 [hbm4b:s29+s28], $0x80, $0x38;
	[tilespmem:$0x1A080] =	vst v63  }
0x608: {  	s29 =	sadd.s32 @!p0 $0x500, s26;
	s30 =	simm.s32 @!p0 $0x18C00  }
0x609: {  	[tilespmem:s30], [sflag:$0x5] =	stream.linear.gather @!p0 [hbm4b:s29+s28], $0x80, $0x38;
	[tilespmem:$0x1A080] =	vst v63  }
0x60a: {  	s29 =	sadd.s32 @!p0 $0x580, s26;
	s30 =	simm.s32 @!p0 $0x19000  }
0x60b: {  	[tilespmem:s30], [sflag:$0x5] =	stream.linear.gather @!p0 [hbm4b:s29+s28], $0x80, $0x38;
	[tilespmem:$0x1A080] =	vst v63  }
0x60c: {  	s29 =	sadd.s32 @!p0 $0x600, s26;
	s30 =	simm.s32 @!p0 $0x19400  }
0x60d: {  	[tilespmem:s30], [sflag:$0x5] =	stream.linear.gather @!p0 [hbm4b:s29+s28], $0x80, $0x38;
	[tilespmem:$0x1A080] =	vst v63  }
0x60e: {  	s29 =	sadd.s32 @!p0 $0x680, s26;
	s30 =	simm.s32 @!p0 $0x19800  }
0x60f: {  	[tilespmem:s30], [sflag:$0x5] =	stream.linear.gather @!p0 [hbm4b:s29+s28], $0x80, $0x38;
	[tilespmem:$0x1A080] =	vst v63  }
0x610: {  	s29 =	sadd.s32 @!p0 $0x700, s26;
	s30 =	simm.s32 @!p0 $0x19C00  }
0x611: {  	[tilespmem:s30], [sflag:$0x5] =	stream.linear.gather @!p0 [hbm4b:s29+s28], $0x80, $0x38;
	[tilespmem:$0x1A080] =	vst v63  }
0x612: {  	s26 =	sadd.s32 @!p0 $0x780, s26;
	s29 =	simm.s32 @!p0 $0x1A000  }
0x613: {  	[tilespmem:s29], [sflag:$0x5] =	stream.linear.gather @!p0 [hbm4b:s26+s28], $0x80, $0x38;
	[tilespmem:$0x1A080] =	vst v63  }
0x614: {  	s26 =	simm.s32 @!p4 $0x5  }
0x615: {  	_ =	swait.ge @!p4 [sflag:s26], $0x800  }
0x616: {  	s30 =	sld [smem:$0x7EA];
	_ =	sdelay $0x1  }
0x617: {  	[sflag:s26] =	ssyncset.done @!p4 $0x0  }
0x618: {  	[sflag:s26] =	ssyncadd.s32 @!p4 $0xFFFFF800;
	p4 =	seq.s32 s30, $0x1  }
0x619: {  	s26 =	simm.s32 @!p4 $0x5  }
0x61a: {  	_ =	swait.ge @!p4 [sflag:s26], $0x800  }
0x61b: {  	s31 =	sld [smem:$0x7EB];
	_ =	sdelay $0x1  }
0x61c: {  	[sflag:s26] =	ssyncset.done @!p4 $0x0  }
0x61d: {  	[sflag:s26] =	ssyncadd.s32 @!p4 $0xFFFFF800;
	p4 =	seq.s32 s31, $0x1  }
0x61e: {  	s26 =	simm.s32 @!p4 $0x5  }
0x61f: {  	_ =	swait.ge @!p4 [sflag:s26], $0x800  }
0x620: {  	s28 =	sld [smem:$0x7EC];
	_ =	sdelay $0x1  }
0x621: {  	[sflag:s26] =	ssyncset.done @!p4 $0x0  }
0x622: {  	[sflag:s26] =	ssyncadd.s32 @!p4 $0xFFFFF800;
	p4 =	seq.s32 s28, $0x1  }
0x623: {  	s26 =	simm.s32 @!p4 $0x5  }
0x624: {  	_ =	swait.ge @!p4 [sflag:s26], $0x800  }
0x625: {  	s29 =	sld [smem:$0x7ED];
	_ =	sdelay $0x1  }
0x626: {  	[sflag:s26] =	ssyncset.done @!p4 $0x0  }
0x627: {  	[sflag:s26] =	ssyncadd.s32 @!p4 $0xFFFFF800;
	p4 =	seq.s32 s29, $0x1  }
0x628: {  	s26 =	simm.s32 @!p4 $0x5  }
0x629: {  	_ =	swait.ge @!p4 [sflag:s26], $0x800  }
0x62a: {  	s30 =	sld [smem:$0x7EE];
	_ =	sdelay $0x1  }
0x62b: {  	[sflag:s26] =	ssyncset.done @!p4 $0x0  }
0x62c: {  	[sflag:s26] =	ssyncadd.s32 @!p4 $0xFFFFF800;
	p4 =	seq.s32 s30, $0x1  }
0x62d: {  	s26 =	simm.s32 @!p4 $0x5  }
0x62e: {  	_ =	swait.ge @!p4 [sflag:s26], $0x800  }
0x62f: {  	s31 =	sld [smem:$0x7EF];
	_ =	sdelay $0x1  }
0x630: {  	[sflag:s26] =	ssyncset.done @!p4 $0x0  }
0x631: {  	[sflag:s26] =	ssyncadd.s32 @!p4 $0xFFFFF800;
	p4 =	seq.s32 s31, $0x1  }
0x632: {  	s26 =	simm.s32 @!p4 $0x5  }
0x633: {  	_ =	swait.ge @!p4 [sflag:s26], $0x800  }
0x634: {  	s28 =	sld [smem:$0x7F0];
	_ =	sdelay $0x1  }
0x635: {  	[sflag:s26] =	ssyncset.done @!p4 $0x0  }
0x636: {  	[sflag:s26] =	ssyncadd.s32 @!p4 $0xFFFFF800;
	p4 =	seq.s32 s28, $0x1  }
0x637: {  	s26 =	simm.s32 @!p4 $0x5  }
0x638: {  	_ =	swait.ge @!p4 [sflag:s26], $0x800  }
0x639: {  	s29 =	sld [smem:$0x7F1];
	_ =	sdelay $0x1  }
0x63a: {  	[sflag:s26] =	ssyncset.done @!p4 $0x0  }
0x63b: {  	[sflag:s26] =	ssyncadd.s32 @!p4 $0xFFFFF800;
	p4 =	seq.s32 s29, $0x1  }
0x63c: {  	s26 =	simm.s32 @!p4 $0x5  }
0x63d: {  	_ =	swait.ge @!p4 [sflag:s26], $0x800  }
0x63e: {  	s30 =	sld [smem:$0x7F2];
	_ =	sdelay $0x1  }
0x63f: {  	[sflag:s26] =	ssyncset.done @!p4 $0x0  }
0x640: {  	[sflag:s26] =	ssyncadd.s32 @!p4 $0xFFFFF800;
	p4 =	seq.s32 s30, $0x1  }
0x641: {  	s26 =	simm.s32 @!p4 $0x5  }
0x642: {  	_ =	swait.ge @!p4 [sflag:s26], $0x800  }
0x643: {  	[sflag:s26] =	ssyncset.done @!p4 $0x0  }
0x644: {  	[sflag:s26] =	ssyncadd.s32 @!p4 $0xFFFFF800;
	s26 =	simm.s32 @!p5 $0x5  }
0x645: {  	_ =	swait.ge @!p5 [sflag:s26], $0x800  }
0x646: {  	[sflag:s26] =	ssyncset.done @!p5 $0x0  }
0x647: {  	[sflag:s26] =	ssyncadd.s32 @!p5 $0xFFFFF800;
	s26 =	simm.s32 @!p6 $0x5  }
0x648: {  	_ =	swait.ge @!p6 [sflag:s26], $0x800  }
0x649: {  	[sflag:s26] =	ssyncset.done @!p6 $0x0  }
0x64a: {  	[sflag:s26] =	ssyncadd.s32 @!p6 $0xFFFFF800;
	s26 =	simm.s32 @!p3 $0x5  }
0x64b: {  	_ =	swait.ge @!p3 [sflag:s26], $0x800  }
0x64c: {  	[sflag:s26] =	ssyncset.done @!p3 $0x0  }
0x64d: {  	[sflag:s26] =	ssyncadd.s32 @!p3 $0xFFFFF800;
	s26 =	simm.s32 @!p2 $0x5  }
0x64e: {  	_ =	swait.ge @!p2 [sflag:s26], $0x800  }
0x64f: {  	[sflag:s26] =	ssyncset.done @!p2 $0x0  }
0x650: {  	[sflag:s26] =	ssyncadd.s32 @!p2 $0xFFFFF800;
	s26 =	simm.s32 @!p1 $0x5  }
0x651: {  	_ =	swait.ge @!p1 [sflag:s26], $0x800  }
0x652: {  	[sflag:s26] =	ssyncset.done @!p1 $0x0  }
0x653: {  	s31 =	sld [smem:$0x7F3];
	[sflag:s26] =	ssyncadd.s32 @!p1 $0xFFFFF800;
	s26 =	simm.s32 @!p0 $0x5  }
0x654: {  	_ =	swait.ge @!p0 [sflag:s26], $0x800  }
0x655: {  	[sflag:s26] =	ssyncset.done @!p0 $0x0  }
0x656: {  	p1 =	seq.s32 s31, $0x1;
	[sflag:s26] =	ssyncadd.s32 @!p0 $0xFFFFF800  }
.LBB2_10:
.Ltmp7:
0x657: {  	(pc) =	sbr.rel @p1 .LBB2_12-.Ltmp7, $2  }
0x658: {  	_ =	sdelay $0x2  }
0x659: {  	[spmem:s15] =	stream.linear.scatter [tilespmem:s22], [sflag:$0x4], $0x8000, $0x38;
	[tilespmem:$0x1A080] =	vst v63  }
0x65a: {  	_ =	swait.ge [sflag:s24], $0x8000;
	s26 =	sadd.s32 s25, s6  }
0x65b: {  	s28 =	sand.u32 $0x70, s25;
	[sflag:s24] =	ssyncset.done $0x0;
	s26 =	sand.u32 $0x3F80, s26  }
0x65c: {  	s26 =	sor.u32 s28, s26;
	[sflag:s24] =	ssyncadd.s32 $0xFFFF8000  }
0x65d: {  	v4 =	vld [tilespmem:s26+$0x8000];
	_ =	sdelay $0x4  }
0x65e: {  	v5 =	vshll.u32 v4, $0x4  }
0x65f: {  	v4 =	vand.u32 $0x7, v4;
	v5 =	vand.u32 $0xFFFFFF80, v5  }
0x660: {  	v4 =	vor.u32 v4, v5  }
0x661: {  	v5 =	vperm.xlane v4, v0;
	_ =	sdelay $0x1  }
0x662: {  	v5 =	vadd.s32 v1, v5;
	_ =	sdelay $0x4  }
0x663: {  	[tilespmem:s22], [sflag:$0x2] =	stream.indirect_vreg.gather [hbm4b:s1+s4], $0x80, v5, vm0, $0xb8;
	[tilespmem:$0x1A080] =	vst v63  }
0x664: {  	s28 =	simm.s32 $0x12880  }
0x665: {  	[tilespmem:s28], [sflag:$0x2] =	stream.indirect_vreg.gather [hbm4b:s8+s4], $0x80, v5, vm0, $0xb8;
	[tilespmem:$0x1A080] =	vst v63  }
0x666: {  	s29 =	simm.s32 $0x13080  }
0x667: {  	[tilespmem:s29], [sflag:$0x2] =	stream.indirect_vreg.gather [hbm4b:s9+s4], $0x80, v5, vm0, $0xb8;
	[tilespmem:$0x1A080] =	vst v63  }
0x668: {  	s30 =	simm.s32 $0x13880  }
0x669: {  	[tilespmem:s30], [sflag:$0x2] =	stream.indirect_vreg.gather [hbm4b:s10+s4], $0x80, v5, vm0, $0xb8;
	[tilespmem:$0x1A080] =	vst v63  }
0x66a: {  	s31 =	simm.s32 $0x14080  }
0x66b: {  	[tilespmem:s31], [sflag:$0x2] =	stream.indirect_vreg.gather [hbm4b:s11+s4], $0x80, v5, vm0, $0xb8;
	[tilespmem:$0x1A080] =	vst v63  }
0x66c: {  	v4 =	vperm.xlane v4, v2;
	s28 =	simm.s32 $0x14880  }
0x66d: {  	[tilespmem:s28], [sflag:$0x2] =	stream.indirect_vreg.gather [hbm4b:s12+s4], $0x80, v5, vm0, $0xb8;
	[tilespmem:$0x1A080] =	vst v63  }
0x66e: {  	v4 =	vadd.s32 v1, v4;
	s29 =	simm.s32 $0x15080  }
0x66f: {  	[tilespmem:s29], [sflag:$0x2] =	stream.indirect_vreg.gather [hbm4b:s13+s4], $0x80, v5, vm0, $0xb8;
	[tilespmem:$0x1A080] =	vst v63  }
0x670: {  	s30 =	simm.s32 $0x15880  }
0x671: {  	[tilespmem:s30], [sflag:$0x2] =	stream.indirect_vreg.gather [hbm4b:s14+s4], $0x80, v5, vm0, $0xb8;
	[tilespmem:$0x1A080] =	vst v63  }
0x672: {  	s31 =	simm.s32 $0x16080  }
0x673: {  	[tilespmem:s31], [sflag:$0x2] =	stream.indirect_vreg.gather [hbm4b:s1+s4], $0x80, v4, vm0, $0xb8;
	[tilespmem:$0x1A080] =	vst v63  }
0x674: {  	_ = 	snop  }
0x675: {  	[tilespmem:s0], [sflag:$0x2] =	stream.indirect_vreg.gather [hbm4b:s8+s4], $0x80, v4, vm0, $0xb8;
	[tilespmem:$0x1A080] =	vst v63  }
0x676: {  	_ = 	snop  }
0x677: {  	[tilespmem:s3], [sflag:$0x2] =	stream.indirect_vreg.gather [hbm4b:s9+s4], $0x80, v4, vm0, $0xb8;
	[tilespmem:$0x1A080] =	vst v63  }
0x678: {  	_ = 	snop  }
0x679: {  	[tilespmem:s20], [sflag:$0x2] =	stream.indirect_vreg.gather [hbm4b:s10+s4], $0x80, v4, vm0, $0xb8;
	[tilespmem:$0x1A080] =	vst v63  }
0x67a: {  	_ = 	snop  }
0x67b: {  	[tilespmem:s21], [sflag:$0x2] =	stream.indirect_vreg.gather [hbm4b:s11+s4], $0x80, v4, vm0, $0xb8;
	[tilespmem:$0x1A080] =	vst v63  }
0x67c: {  	_ = 	snop  }
0x67d: {  	[tilespmem:s5], [sflag:$0x2] =	stream.indirect_vreg.gather [hbm4b:s12+s4], $0x80, v4, vm0, $0xb8;
	[tilespmem:$0x1A080] =	vst v63  }
.Ltmp8:
0x67e: {  	_ = 	snop;
	(pc) =	sbr.rel .LBB2_6-.Ltmp8, $4  }
0x67f: {  	_ = 	snop  }
0x680: {  	[tilespmem:s16], [sflag:$0x2] =	stream.indirect_vreg.gather [hbm4b:s13+s4], $0x80, v4, vm0, $0xb8;
	[tilespmem:$0x1A080] =	vst v63  }
0x681: {  	s25 =	sadd.s32 $0x20, s25  }
0x682: {  	[tilespmem:s17], [sflag:$0x2] =	stream.indirect_vreg.gather [hbm4b:s14+s4], $0x80, v4, vm0, $0xb8;
	[tilespmem:$0x1A080] =	vst v63  }
.LBB2_13:
0x683: {  	_ =	sfence.sel $0x180000  }
0x684: {  	[bflag:$0x0] =	sbarrier.arrive $0xFFFF  }
0x685: {  	_ =	strace $0x90000047  }
0x686: {  	s0 =	stileid.u32;
	[bflag:$0x2] =	sbarrier.arrive $0xFFFF  }
0x687: {  	p0 =	sne.s32 s0, $0x0;
	s0 =	rddreg [dreg:$0x4]  }
0x688: {  	s0 =	sadd.s32 @!p0 $0x100000, s0  }
0x689: {  	[sflag:s0] =	ssyncadd.tile.s32 @!p0 $0x1;
	_ =	shalt  }
.Lfunc_end2:
_tile_overlayer_lowered:
.L_overlay_start_2:
0x68a: {  	(tag) =	ssettag $0x2  }
0x68b: {  	s0 =	rddreg [dreg:$0x0];
	s2 =	stileid.u32  }
0x68c: {  	s1 =	rddreg [dreg:$0x1];
	p0 =	sne.s32 s2, $0x0  }
0x68d: {  	s3 =	rddreg [dreg:$0x2];
	[bflag:$0x3] =	sbarrier.arrive $0xFFFF;
	s2 =	simm.s32 @!p0 $0x1C06  }
0x68e: {  	[timem:s3], [sflag:s2] =	dma.local @!p0 [hbm:s0], s1  }
0x68f: {  	s0 =	simm.s32 @!p0 $0x6  }
0x690: {  	_ =	swait.ge @!p0 [sflag:s0], s1  }
0x691: {  	s1 =	ssub.s32 @!p0 $0x0, s1;
	[sflag:s0] =	ssyncset.done @!p0 $0x0  }
0x692: {  	[sflag:s0] =	ssyncadd.s32 @!p0 s1  }
0x693: {  	[bflag:$0x3] =	sbarrier.arrive $0xFFFF  }
0x694: {  	_ =	shalt  }

</sc_bundles>
